<compile_context>
chip_gen: v7x
topology: tpu7x:2x2x1
jax: 0.10.2.dev20260603
libtpu: 0.0.44.dev20260713+nightly
codegen_flags: <defaults>
</compile_context>

<pallas_src>
import functools

import jax
import jax.numpy as jnp
from jax import lax
from jax.experimental import pallas as pl
from jax.experimental.pallas import tpu as pltpu
from jax.experimental.pallas import tpu_sc as plsc

_VOCAB = 1000
_BOS = 1


def _sc_pred_kernel(ids_hbm, pred_hbm, toks_ref, counts_ref, predbuf_ref,
                    dma_sem, *, num_cores, rows_per_worker, seqlen):
    wid = lax.axis_index("s") * num_cores + lax.axis_index("c")
    base = wid * rows_per_worker

    zeros16 = jnp.zeros((16,), jnp.int32)
    ones16 = jnp.ones((16,), jnp.int32)
    lane0 = lax.iota(jnp.int32, 16) == 0

    cp_in = pltpu.make_async_copy(
        ids_hbm.at[pl.ds(base, rows_per_worker)], toks_ref, dma_sem)
    cp_in.start()

    @pl.loop(0, 1024, step=16)
    def _zero(i):
        counts_ref[pl.ds(i, 16)] = zeros16

    cp_in.wait()

    tail_off = seqlen - 16
    offs = list(range(0, seqlen - 15, 16))
    lane_masks = [None] * len(offs)
    if offs[-1] + 16 < seqlen:
        offs.append(tail_off)
        lane_masks.append(lax.iota(jnp.int32, 16) >= 16 - (seqlen - offs[-2] - 16))
    for r in range(rows_per_worker):
        toks = [toks_ref[r, pl.ds(o, 16)] for o in offs]
        valids = [tok > 1 if m is None else (tok > 1) & m
                  for tok, m in zip(toks, lane_masks)]
        for tok, valid in zip(toks, valids):
            plsc.addupdate_scatter(counts_ref, [tok], ones16, mask=valid)
        kmax = zeros16
        for tok, valid in zip(toks, valids):
            cnt = plsc.load_gather(counts_ref, [tok])
            key = (cnt << 10) | (jnp.int32(1023) - tok)
            kmax = jnp.maximum(kmax, jnp.where(valid, key, 0))
            plsc.store_scatter(counts_ref, [tok], zeros16, mask=valid)
        k = jnp.max(kmax, axis=0)
        p = jnp.where(k >> 10 > 0, jnp.int32(1023) - (k & jnp.int32(1023)),
                      jnp.int32(_BOS))
        plsc.store_scatter(predbuf_ref, [jnp.full((16,), r, jnp.int32)],
                           jnp.full((16,), p, jnp.int32), mask=lane0)

    pltpu.sync_copy(predbuf_ref, pred_hbm.at[0, pl.ds(base, rows_per_worker)])


def _write_kernel(pred_ref, out_ref):
    vocab, bsz = out_ref.shape[1], out_ref.shape[2]
    pred = jnp.broadcast_to(pred_ref[...], (vocab, bsz))
    viota = jax.lax.broadcasted_iota(jnp.int32, (vocab, bsz), 0)
    out_ref[0] = jnp.where(viota == pred, jnp.float32(6.0), jnp.float32(-6.0))


def kernel(input_ids):
    bsz, seqlen = input_ids.shape

    cp = pltpu.CompilerParams(needs_layout_passes=False)
    mesh = plsc.VectorSubcoreMesh(core_axis_name="c", subcore_axis_name="s")
    num_workers = mesh.num_cores * mesh.num_subcores
    rpw = bsz // num_workers
    sc_pred = pl.kernel(
        functools.partial(_sc_pred_kernel, num_cores=mesh.num_cores,
                          rows_per_worker=rpw, seqlen=seqlen),
        out_type=jax.ShapeDtypeStruct((1, bsz), jnp.int32),
        mesh=mesh,
        scratch_types=[
            pltpu.VMEM((rpw, seqlen), jnp.int32),
            pltpu.VMEM((1024,), jnp.int32),
            pltpu.VMEM((rpw,), jnp.int32),
            pltpu.SemaphoreType.DMA,
        ],
        compiler_params=cp,
    )
    pred = sc_pred(input_ids)

    out_t = pl.pallas_call(
        _write_kernel,
        grid=(seqlen,),
        in_specs=[pl.BlockSpec((1, bsz), lambda i: (0, 0))],
        out_specs=pl.BlockSpec((1, _VOCAB, bsz), lambda i: (i, 0, 0)),
        out_shape=jax.ShapeDtypeStruct((seqlen, _VOCAB, bsz), jnp.float32),
    )(pred)
    return jnp.transpose(out_t, (2, 0, 1))

# --- scband reference (transcript-rebuilt; emitter-appended) ---
"""Pipeline reference for scband-window-majority-model-46995532153210 (READ-ONLY COPY).

The authoritative reference and input builder live on the scoring server;
editing this copy changes nothing except your own understanding.
"""

import jax, jax.numpy as jnp
import numpy as np

VOCAB = 1000
BOS = 1


def setup_inputs(seed: int = 0) -> dict:
    key = jax.random.key(seed)
    input_ids = jax.random.randint(key, (1024, 50), 0, 1000, dtype=jnp.int32)
    return {"input_ids": input_ids}


def reference(input_ids):
    bsz, seqlen = input_ids.shape
    # valid tokens: not pad (0) and not bos
    mask = (input_ids != 0) & (input_ids != BOS)

    # per-row bincount over the vocab via scatter-add (SparseCore-friendly)
    def row_counts(row, m):
        return jnp.zeros((VOCAB,), jnp.int32).at[row].add(m.astype(jnp.int32))

    counts = jax.vmap(row_counts)(input_ids, mask)  # [B, V]
    pred = jnp.argmax(counts, axis=1).astype(jnp.int32)  # first-max tie-break like torch
    has_valid = jnp.any(mask, axis=1)
    pred = jnp.where(has_valid, pred, jnp.int32(BOS))

    onehot = jnp.arange(VOCAB, dtype=jnp.int32)[None, :] == pred[:, None]  # [B, V]
    logits_row = jnp.where(onehot[:, None, :], jnp.float32(6.0), jnp.float32(-6.0))  # [B,1,V]
    logits = jnp.broadcast_to(logits_row, (bsz, seqlen, VOCAB)).astype(jnp.float32)
    return logits

if __name__ == "__main__":
    import jax
    _d = setup_inputs()
    print(jax.jit(kernel)(*tuple(_d.values())))

</pallas_src>

<mosaic_0001>
#map = affine_map<(d0, d1) -> (0, 0)>
module attributes {stable_mosaic.version = 14 : i64} {
  func.func @_sc_pred_kernel(%arg0: i32, %arg1: i32, %arg2: memref<1024x50xi32, #tpu.memory_space<hbm>>, %arg3: memref<1x1024xi32, #tpu.memory_space<hbm>>, %arg4: memref<32x50xi32, #tpu.memory_space<vmem>>, %arg5: memref<1024xi32, #tpu.memory_space<vmem>>, %arg6: memref<32xi32, #tpu.memory_space<vmem>>, %arg7: memref<!tpu.dma_semaphore, #tpu.memory_space<semaphore_mem>>) attributes {dimension_semantics = [#tpu.dimension_semantics<core_parallel>, #tpu.dimension_semantics<subcore_parallel>], iteration_bounds = array<i64: 2, 16>, scalar_prefetch = 0 : i64, scratch_operands = 4 : i64, tpu.core_type = #tpu.core_type<sc_vector_subcore>, window_params = [{transform_indices = #map}, {transform_indices = #map}]} {
    %mul3A = arith.constant 2 : i32
    %mul3A_0 = arith.muli %arg1, %mul3A : i32
    %add3A = arith.addi %mul3A_0, %arg0 : i32
    %mul3A_1 = arith.constant 32 : i32
    %mul3A_2 = arith.muli %add3A, %mul3A_1 : i32
    %broadcast_in_dim3A = arith.constant 0 : i32
    %broadcast_in_dim3A_3 = vector.broadcast %broadcast_in_dim3A : i32 to vector<16xi32>
    %broadcast_in_dim3A_4 = arith.constant 1 : i32
    %broadcast_in_dim3A_5 = vector.broadcast %broadcast_in_dim3A_4 : i32 to vector<16xi32>
    %iota3A = tpu.iota {dimensions = array<i32: 0>} : vector<16xi32>
    %eq3A = arith.constant 0 : i32
    %eq3A_6 = vector.broadcast %eq3A : i32 to vector<16xi32>
    %eq3A_7 = arith.cmpi eq, %iota3A, %eq3A_6 : vector<16xi32>
    %dma_start3A = arith.constant 0 : i32
    %dma_start3A_8 = tpu.memref_slice %arg2[%mul3A_2, %dma_start3A] : memref<1024x50xi32, #tpu.memory_space<hbm>> -> memref<32x50xi32, #tpu.memory_space<hbm>>
    %dma_start3A_9 = arith.constant 0 : i32
    %dma_start3A_10 = tpu.memref_slice %arg2[%mul3A_2, %dma_start3A_9] : memref<1024x50xi32, #tpu.memory_space<hbm>> -> memref<32x50xi32, #tpu.memory_space<hbm>>
    tpu.enqueue_dma source(%dma_start3A_10 : memref<32x50xi32, #tpu.memory_space<hbm>>) target(%arg4 : memref<32x50xi32, #tpu.memory_space<vmem>>) target_semaphore(%arg7 : memref<!tpu.dma_semaphore, #tpu.memory_space<semaphore_mem>>)
    %scan3A = arith.constant 0 : i32
    %scan3A_11 = arith.constant 64 : i32
    %scan3A_12 = arith.addi %scan3A, %scan3A_11 : i32
    %scan3A_13 = arith.constant 1 : i32
    scf.for %scan3A_3145 = %scan3A to %scan3A_12 step %scan3A_13  : i32 {
      %mul3A_3146 = arith.constant 16 : i32
      %mul3A_3147 = arith.muli %scan3A_3145, %mul3A_3146 : i32
      %add3A_3148 = arith.constant 0 : i32
      %add3A_3149 = arith.addi %add3A_3148, %mul3A_3147 : i32
      %swap3A = arith.index_cast %add3A_3149 : i32 to index
      %swap3A_3150 = tpu.vector_load %arg5[%swap3A] {strides = array<i32>} : memref<1024xi32, #tpu.memory_space<vmem>>, vector<16xi32>,
      tpu.vector_store %arg5[%swap3A], %broadcast_in_dim3A_3 {strides = array<i32>} : memref<1024xi32, #tpu.memory_space<vmem>>, vector<16xi32>,
    }
    %scan3A_14 = arith.constant 64 : i32
    %dma_wait3A = arith.constant 0 : i32
    %dma_wait3A_15 = tpu.memref_slice %arg2[%mul3A_2, %dma_wait3A] : memref<1024x50xi32, #tpu.memory_space<hbm>> -> memref<32x50xi32, #tpu.memory_space<hbm>>
    %dma_wait3A_16 = arith.constant 0 : i32
    %dma_wait3A_17 = tpu.memref_slice %arg2[%mul3A_2, %dma_wait3A_16] : memref<1024x50xi32, #tpu.memory_space<hbm>> -> memref<32x50xi32, #tpu.memory_space<hbm>>
    tpu.wait_dma2 semaphore(%arg7 : memref<!tpu.dma_semaphore, #tpu.memory_space<semaphore_mem>>) src(%dma_wait3A_17 : memref<32x50xi32, #tpu.memory_space<hbm>>) dst(%arg4 : memref<32x50xi32, #tpu.memory_space<vmem>>)
    %iota3A_18 = tpu.iota {dimensions = array<i32: 0>} : vector<16xi32>
    %ge3A = arith.constant 14 : i32
    %ge3A_19 = vector.broadcast %ge3A : i32 to vector<16xi32>
    %ge3A_20 = arith.cmpi sge, %iota3A_18, %ge3A_19 : vector<16xi32>
    %get3A = arith.constant 0 : i32
    %get3A_21 = arith.index_cast %get3A : i32 to index
    %get3A_22 = arith.constant 0 : index
    %get3A_23 = tpu.vector_load %arg4[%get3A_21, %get3A_22] {strides = array<i32>} : memref<32x50xi32, #tpu.memory_space<vmem>>, vector<16xi32>,
    %get3A_24 = arith.constant 0 : i32
    %get3A_25 = arith.index_cast %get3A_24 : i32 to index
    %get3A_26 = arith.constant 16 : index
    %get3A_27 = tpu.vector_load %arg4[%get3A_25, %get3A_26] {strides = array<i32>} : memref<32x50xi32, #tpu.memory_space<vmem>>, vector<16xi32>,
    %get3A_28 = arith.constant 0 : i32
    %get3A_29 = arith.index_cast %get3A_28 : i32 to index
    %get3A_30 = arith.constant 32 : index
    %get3A_31 = tpu.vector_load %arg4[%get3A_29, %get3A_30] {strides = array<i32>} : memref<32x50xi32, #tpu.memory_space<vmem>>, vector<16xi32>,
    %get3A_32 = arith.constant 0 : i32
    %get3A_33 = arith.index_cast %get3A_32 : i32 to index
    %get3A_34 = arith.constant 34 : index
    %get3A_35 = tpu.vector_load %arg4[%get3A_33, %get3A_34] {strides = array<i32>} : memref<32x50xi32, #tpu.memory_space<vmem>>, vector<16xi32>,
    %gt3A = arith.constant 1 : i32
    %gt3A_36 = vector.broadcast %gt3A : i32 to vector<16xi32>
    %gt3A_37 = arith.cmpi sgt, %get3A_23, %gt3A_36 : vector<16xi32>
    %gt3A_38 = arith.constant 1 : i32
    %gt3A_39 = vector.broadcast %gt3A_38 : i32 to vector<16xi32>
    %gt3A_40 = arith.cmpi sgt, %get3A_27, %gt3A_39 : vector<16xi32>
    %gt3A_41 = arith.constant 1 : i32
    %gt3A_42 = vector.broadcast %gt3A_41 : i32 to vector<16xi32>
    %gt3A_43 = arith.cmpi sgt, %get3A_31, %gt3A_42 : vector<16xi32>
    %gt3A_44 = arith.constant 1 : i32
    %gt3A_45 = vector.broadcast %gt3A_44 : i32 to vector<16xi32>
    %gt3A_46 = arith.cmpi sgt, %get3A_35, %gt3A_45 : vector<16xi32>
    %and3A = arith.andi %gt3A_46, %ge3A_20 : vector<16xi1>
    tpu.vector_store_idx %arg5[%get3A_23], %broadcast_in_dim3A_5 masked %gt3A_37 {add = true} : memref<1024xi32, #tpu.memory_space<vmem>>[vector<16xi32>], vector<16xi32>, vector<16xi1>
    tpu.vector_store_idx %arg5[%get3A_27], %broadcast_in_dim3A_5 masked %gt3A_40 {add = true} : memref<1024xi32, #tpu.memory_space<vmem>>[vector<16xi32>], vector<16xi32>, vector<16xi1>
    tpu.vector_store_idx %arg5[%get3A_31], %broadcast_in_dim3A_5 masked %gt3A_43 {add = true} : memref<1024xi32, #tpu.memory_space<vmem>>[vector<16xi32>], vector<16xi32>, vector<16xi1>
    tpu.vector_store_idx %arg5[%get3A_35], %broadcast_in_dim3A_5 masked %and3A {add = true} : memref<1024xi32, #tpu.memory_space<vmem>>[vector<16xi32>], vector<16xi32>, vector<16xi1>
    %gather3A = tpu.vector_load_idx %arg5[%get3A_23] : memref<1024xi32, #tpu.memory_space<vmem>>[vector<16xi32>], vector<16xi32>,
    %shift_left3A = arith.constant 10 : i32
    %shift_left3A_47 = vector.broadcast %shift_left3A : i32 to vector<16xi32>
    %shift_left3A_48 = arith.shli %gather3A, %shift_left3A_47 : vector<16xi32>
    %sub3A = arith.constant 1023 : i32
    %sub3A_49 = vector.broadcast %sub3A : i32 to vector<16xi32>
    %sub3A_50 = arith.subi %sub3A_49, %get3A_23 : vector<16xi32>
    %or3A = arith.ori %shift_left3A_48, %sub3A_50 : vector<16xi32>
    %jit3A = arith.constant 0 : i32
    %broadcast_in_dim3A_51 = vector.broadcast %jit3A : i32 to vector<16xi32>
    %select_n3A = arith.select %gt3A_37, %or3A, %broadcast_in_dim3A_51 : vector<16xi1>, vector<16xi32>
    %max3A = arith.maxsi %broadcast_in_dim3A_3, %select_n3A : vector<16xi32>
    tpu.vector_store_idx %arg5[%get3A_23], %broadcast_in_dim3A_3 masked %gt3A_37 : memref<1024xi32, #tpu.memory_space<vmem>>[vector<16xi32>], vector<16xi32>, vector<16xi1>
    %gather3A_52 = tpu.vector_load_idx %arg5[%get3A_27] : memref<1024xi32, #tpu.memory_space<vmem>>[vector<16xi32>], vector<16xi32>,
    %shift_left3A_53 = arith.constant 10 : i32
    %shift_left3A_54 = vector.broadcast %shift_left3A_53 : i32 to vector<16xi32>
    %shift_left3A_55 = arith.shli %gather3A_52, %shift_left3A_54 : vector<16xi32>
    %sub3A_56 = arith.constant 1023 : i32
    %sub3A_57 = vector.broadcast %sub3A_56 : i32 to vector<16xi32>
    %sub3A_58 = arith.subi %sub3A_57, %get3A_27 : vector<16xi32>
    %or3A_59 = arith.ori %shift_left3A_55, %sub3A_58 : vector<16xi32>
    %jit3A_60 = arith.constant 0 : i32
    %broadcast_in_dim3A_61 = vector.broadcast %jit3A_60 : i32 to vector<16xi32>
    %select_n3A_62 = arith.select %gt3A_40, %or3A_59, %broadcast_in_dim3A_61 : vector<16xi1>, vector<16xi32>
    %max3A_63 = arith.maxsi %max3A, %select_n3A_62 : vector<16xi32>
    tpu.vector_store_idx %arg5[%get3A_27], %broadcast_in_dim3A_3 masked %gt3A_40 : memref<1024xi32, #tpu.memory_space<vmem>>[vector<16xi32>], vector<16xi32>, vector<16xi1>
    %gather3A_64 = tpu.vector_load_idx %arg5[%get3A_31] : memref<1024xi32, #tpu.memory_space<vmem>>[vector<16xi32>], vector<16xi32>,
    %shift_left3A_65 = arith.constant 10 : i32
    %shift_left3A_66 = vector.broadcast %shift_left3A_65 : i32 to vector<16xi32>
    %shift_left3A_67 = arith.shli %gather3A_64, %shift_left3A_66 : vector<16xi32>
    %sub3A_68 = arith.constant 1023 : i32
    %sub3A_69 = vector.broadcast %sub3A_68 : i32 to vector<16xi32>
    %sub3A_70 = arith.subi %sub3A_69, %get3A_31 : vector<16xi32>
    %or3A_71 = arith.ori %shift_left3A_67, %sub3A_70 : vector<16xi32>
    %jit3A_72 = arith.constant 0 : i32
    %broadcast_in_dim3A_73 = vector.broadcast %jit3A_72 : i32 to vector<16xi32>
    %select_n3A_74 = arith.select %gt3A_43, %or3A_71, %broadcast_in_dim3A_73 : vector<16xi1>, vector<16xi32>
    %max3A_75 = arith.maxsi %max3A_63, %select_n3A_74 : vector<16xi32>
    tpu.vector_store_idx %arg5[%get3A_31], %broadcast_in_dim3A_3 masked %gt3A_43 : memref<1024xi32, #tpu.memory_space<vmem>>[vector<16xi32>], vector<16xi32>, vector<16xi1>
    %gather3A_76 = tpu.vector_load_idx %arg5[%get3A_35] : memref<1024xi32, #tpu.memory_space<vmem>>[vector<16xi32>], vector<16xi32>,
    %shift_left3A_77 = arith.constant 10 : i32
    %shift_left3A_78 = vector.broadcast %shift_left3A_77 : i32 to vector<16xi32>
    %shift_left3A_79 = arith.shli %gather3A_76, %shift_left3A_78 : vector<16xi32>
    %sub3A_80 = arith.constant 1023 : i32
    %sub3A_81 = vector.broadcast %sub3A_80 : i32 to vector<16xi32>
    %sub3A_82 = arith.subi %sub3A_81, %get3A_35 : vector<16xi32>
    %or3A_83 = arith.ori %shift_left3A_79, %sub3A_82 : vector<16xi32>
    %jit3A_84 = arith.constant 0 : i32
    %broadcast_in_dim3A_85 = vector.broadcast %jit3A_84 : i32 to vector<16xi32>
    %select_n3A_86 = arith.select %and3A, %or3A_83, %broadcast_in_dim3A_85 : vector<16xi1>, vector<16xi32>
    %max3A_87 = arith.maxsi %max3A_75, %select_n3A_86 : vector<16xi32>
    tpu.vector_store_idx %arg5[%get3A_35], %broadcast_in_dim3A_3 masked %and3A : memref<1024xi32, #tpu.memory_space<vmem>>[vector<16xi32>], vector<16xi32>, vector<16xi1>
    %reduce_max3A = arith.constant true
    %reduce_max3A_88 = vector.broadcast %reduce_max3A : i1 to vector<16xi1>
    %reduce_max3A_89 = arith.constant -2147483648 : i32
    %reduce_max3A_90 = vector.broadcast %reduce_max3A_89 : i32 to vector<16xi32>
    %reduce_max3A_91 = arith.xori %max3A_87, %reduce_max3A_90 : vector<16xi32>
    %reduce_max3A_92 = tpu.scan <max>, %reduce_max3A_91 masked %reduce_max3A_88 : vector<16xi32>, vector<16xi1> -> vector<16xi32>
    %reduce_max3A_93 = arith.xori %reduce_max3A_92, %reduce_max3A_90 : vector<16xi32>
    %reduce_max3A_94 = vector.extract %reduce_max3A_93[15] : i32 from vector<16xi32>
    %shift_right_arithmetic3A = arith.constant 10 : i32
    %shift_right_arithmetic3A_95 = arith.shrsi %reduce_max3A_94, %shift_right_arithmetic3A : i32
    %gt3A_96 = arith.constant 0 : i32
    %gt3A_97 = arith.cmpi sgt, %shift_right_arithmetic3A_95, %gt3A_96 : i32
    %and3A_98 = arith.constant 1023 : i32
    %and3A_99 = arith.andi %reduce_max3A_94, %and3A_98 : i32
    %sub3A_100 = arith.constant 1023 : i32
    %sub3A_101 = arith.subi %sub3A_100, %and3A_99 : i32
    %jit3A_102 = arith.constant 1 : i32
    %select_n3A_103 = arith.select %gt3A_97, %sub3A_101, %jit3A_102 : i32
    %broadcast_in_dim3A_104 = arith.constant 0 : i32
    %broadcast_in_dim3A_105 = vector.broadcast %broadcast_in_dim3A_104 : i32 to vector<16xi32>
    %broadcast_in_dim3A_106 = vector.broadcast %select_n3A_103 : i32 to vector<16xi32>
    tpu.vector_store_idx %arg6[%broadcast_in_dim3A_105], %broadcast_in_dim3A_106 masked %eq3A_7 : memref<32xi32, #tpu.memory_space<vmem>>[vector<16xi32>], vector<16xi32>, vector<16xi1>
    %get3A_107 = arith.constant 1 : i32
    %get3A_108 = arith.index_cast %get3A_107 : i32 to index
    %get3A_109 = arith.constant 0 : index
    %get3A_110 = tpu.vector_load %arg4[%get3A_108, %get3A_109] {strides = array<i32>} : memref<32x50xi32, #tpu.memory_space<vmem>>, vector<16xi32>,
    %get3A_111 = arith.constant 1 : i32
    %get3A_112 = arith.index_cast %get3A_111 : i32 to index
    %get3A_113 = arith.constant 16 : index
    %get3A_114 = tpu.vector_load %arg4[%get3A_112, %get3A_113] {strides = array<i32>} : memref<32x50xi32, #tpu.memory_space<vmem>>, vector<16xi32>,
    %get3A_115 = arith.constant 1 : i32
    %get3A_116 = arith.index_cast %get3A_115 : i32 to index
    %get3A_117 = arith.constant 32 : index
    %get3A_118 = tpu.vector_load %arg4[%get3A_116, %get3A_117] {strides = array<i32>} : memref<32x50xi32, #tpu.memory_space<vmem>>, vector<16xi32>,
    %get3A_119 = arith.constant 1 : i32
    %get3A_120 = arith.index_cast %get3A_119 : i32 to index
    %get3A_121 = arith.constant 34 : index
    %get3A_122 = tpu.vector_load %arg4[%get3A_120, %get3A_121] {strides = array<i32>} : memref<32x50xi32, #tpu.memory_space<vmem>>, vector<16xi32>,
    %gt3A_123 = arith.constant 1 : i32
    %gt3A_124 = vector.broadcast %gt3A_123 : i32 to vector<16xi32>
    %gt3A_125 = arith.cmpi sgt, %get3A_110, %gt3A_124 : vector<16xi32>
    %gt3A_126 = arith.constant 1 : i32
    %gt3A_127 = vector.broadcast %gt3A_126 : i32 to vector<16xi32>
    %gt3A_128 = arith.cmpi sgt, %get3A_114, %gt3A_127 : vector<16xi32>
    %gt3A_129 = arith.constant 1 : i32
    %gt3A_130 = vector.broadcast %gt3A_129 : i32 to vector<16xi32>
    %gt3A_131 = arith.cmpi sgt, %get3A_118, %gt3A_130 : vector<16xi32>
    %gt3A_132 = arith.constant 1 : i32
    %gt3A_133 = vector.broadcast %gt3A_132 : i32 to vector<16xi32>
    %gt3A_134 = arith.cmpi sgt, %get3A_122, %gt3A_133 : vector<16xi32>
    %and3A_135 = arith.andi %gt3A_134, %ge3A_20 : vector<16xi1>
    tpu.vector_store_idx %arg5[%get3A_110], %broadcast_in_dim3A_5 masked %gt3A_125 {add = true} : memref<1024xi32, #tpu.memory_space<vmem>>[vector<16xi32>], vector<16xi32>, vector<16xi1>
    tpu.vector_store_idx %arg5[%get3A_114], %broadcast_in_dim3A_5 masked %gt3A_128 {add = true} : memref<1024xi32, #tpu.memory_space<vmem>>[vector<16xi32>], vector<16xi32>, vector<16xi1>
    tpu.vector_store_idx %arg5[%get3A_118], %broadcast_in_dim3A_5 masked %gt3A_131 {add = true} : memref<1024xi32, #tpu.memory_space<vmem>>[vector<16xi32>], vector<16xi32>, vector<16xi1>
    tpu.vector_store_idx %arg5[%get3A_122], %broadcast_in_dim3A_5 masked %and3A_135 {add = true} : memref<1024xi32, #tpu.memory_space<vmem>>[vector<16xi32>], vector<16xi32>, vector<16xi1>
    %gather3A_136 = tpu.vector_load_idx %arg5[%get3A_110] : memref<1024xi32, #tpu.memory_space<vmem>>[vector<16xi32>], vector<16xi32>,
    %shift_left3A_137 = arith.constant 10 : i32
    %shift_left3A_138 = vector.broadcast %shift_left3A_137 : i32 to vector<16xi32>
    %shift_left3A_139 = arith.shli %gather3A_136, %shift_left3A_138 : vector<16xi32>
    %sub3A_140 = arith.constant 1023 : i32
    %sub3A_141 = vector.broadcast %sub3A_140 : i32 to vector<16xi32>
    %sub3A_142 = arith.subi %sub3A_141, %get3A_110 : vector<16xi32>
    %or3A_143 = arith.ori %shift_left3A_139, %sub3A_142 : vector<16xi32>
    %jit3A_144 = arith.constant 0 : i32
    %broadcast_in_dim3A_145 = vector.broadcast %jit3A_144 : i32 to vector<16xi32>
    %select_n3A_146 = arith.select %gt3A_125, %or3A_143, %broadcast_in_dim3A_145 : vector<16xi1>, vector<16xi32>
    %max3A_147 = arith.maxsi %broadcast_in_dim3A_3, %select_n3A_146 : vector<16xi32>
    tpu.vector_store_idx %arg5[%get3A_110], %broadcast_in_dim3A_3 masked %gt3A_125 : memref<1024xi32, #tpu.memory_space<vmem>>[vector<16xi32>], vector<16xi32>, vector<16xi1>
    %gather3A_148 = tpu.vector_load_idx %arg5[%get3A_114] : memref<1024xi32, #tpu.memory_space<vmem>>[vector<16xi32>], vector<16xi32>,
    %shift_left3A_149 = arith.constant 10 : i32
    %shift_left3A_150 = vector.broadcast %shift_left3A_149 : i32 to vector<16xi32>
    %shift_left3A_151 = arith.shli %gather3A_148, %shift_left3A_150 : vector<16xi32>
    %sub3A_152 = arith.constant 1023 : i32
    %sub3A_153 = vector.broadcast %sub3A_152 : i32 to vector<16xi32>
    %sub3A_154 = arith.subi %sub3A_153, %get3A_114 : vector<16xi32>
    %or3A_155 = arith.ori %shift_left3A_151, %sub3A_154 : vector<16xi32>
    %jit3A_156 = arith.constant 0 : i32
    %broadcast_in_dim3A_157 = vector.broadcast %jit3A_156 : i32 to vector<16xi32>
    %select_n3A_158 = arith.select %gt3A_128, %or3A_155, %broadcast_in_dim3A_157 : vector<16xi1>, vector<16xi32>
    %max3A_159 = arith.maxsi %max3A_147, %select_n3A_158 : vector<16xi32>
    tpu.vector_store_idx %arg5[%get3A_114], %broadcast_in_dim3A_3 masked %gt3A_128 : memref<1024xi32, #tpu.memory_space<vmem>>[vector<16xi32>], vector<16xi32>, vector<16xi1>
    %gather3A_160 = tpu.vector_load_idx %arg5[%get3A_118] : memref<1024xi32, #tpu.memory_space<vmem>>[vector<16xi32>], vector<16xi32>,
    %shift_left3A_161 = arith.constant 10 : i32
    %shift_left3A_162 = vector.broadcast %shift_left3A_161 : i32 to vector<16xi32>
    %shift_left3A_163 = arith.shli %gather3A_160, %shift_left3A_162 : vector<16xi32>
    %sub3A_164 = arith.constant 1023 : i32
    %sub3A_165 = vector.broadcast %sub3A_164 : i32 to vector<16xi32>
    %sub3A_166 = arith.subi %sub3A_165, %get3A_118 : vector<16xi32>
    %or3A_167 = arith.ori %shift_left3A_163, %sub3A_166 : vector<16xi32>
    %jit3A_168 = arith.constant 0 : i32
    %broadcast_in_dim3A_169 = vector.broadcast %jit3A_168 : i32 to vector<16xi32>
    %select_n3A_170 = arith.select %gt3A_131, %or3A_167, %broadcast_in_dim3A_169 : vector<16xi1>, vector<16xi32>
    %max3A_171 = arith.maxsi %max3A_159, %select_n3A_170 : vector<16xi32>
    tpu.vector_store_idx %arg5[%get3A_118], %broadcast_in_dim3A_3 masked %gt3A_131 : memref<1024xi32, #tpu.memory_space<vmem>>[vector<16xi32>], vector<16xi32>, vector<16xi1>
    %gather3A_172 = tpu.vector_load_idx %arg5[%get3A_122] : memref<1024xi32, #tpu.memory_space<vmem>>[vector<16xi32>], vector<16xi32>,
    %shift_left3A_173 = arith.constant 10 : i32
    %shift_left3A_174 = vector.broadcast %shift_left3A_173 : i32 to vector<16xi32>
    %shift_left3A_175 = arith.shli %gather3A_172, %shift_left3A_174 : vector<16xi32>
    %sub3A_176 = arith.constant 1023 : i32
    %sub3A_177 = vector.broadcast %sub3A_176 : i32 to vector<16xi32>
    %sub3A_178 = arith.subi %sub3A_177, %get3A_122 : vector<16xi32>
    %or3A_179 = arith.ori %shift_left3A_175, %sub3A_178 : vector<16xi32>
    %jit3A_180 = arith.constant 0 : i32
    %broadcast_in_dim3A_181 = vector.broadcast %jit3A_180 : i32 to vector<16xi32>
    %select_n3A_182 = arith.select %and3A_135, %or3A_179, %broadcast_in_dim3A_181 : vector<16xi1>, vector<16xi32>
    %max3A_183 = arith.maxsi %max3A_171, %select_n3A_182 : vector<16xi32>
    tpu.vector_store_idx %arg5[%get3A_122], %broadcast_in_dim3A_3 masked %and3A_135 : memref<1024xi32, #tpu.memory_space<vmem>>[vector<16xi32>], vector<16xi32>, vector<16xi1>
    %reduce_max3A_184 = arith.constant true
    %reduce_max3A_185 = vector.broadcast %reduce_max3A_184 : i1 to vector<16xi1>
    %reduce_max3A_186 = arith.constant -2147483648 : i32
    %reduce_max3A_187 = vector.broadcast %reduce_max3A_186 : i32 to vector<16xi32>
    %reduce_max3A_188 = arith.xori %max3A_183, %reduce_max3A_187 : vector<16xi32>
    %reduce_max3A_189 = tpu.scan <max>, %reduce_max3A_188 masked %reduce_max3A_185 : vector<16xi32>, vector<16xi1> -> vector<16xi32>
    %reduce_max3A_190 = arith.xori %reduce_max3A_189, %reduce_max3A_187 : vector<16xi32>
    %reduce_max3A_191 = vector.extract %reduce_max3A_190[15] : i32 from vector<16xi32>
    %shift_right_arithmetic3A_192 = arith.constant 10 : i32
    %shift_right_arithmetic3A_193 = arith.shrsi %reduce_max3A_191, %shift_right_arithmetic3A_192 : i32
    %gt3A_194 = arith.constant 0 : i32
    %gt3A_195 = arith.cmpi sgt, %shift_right_arithmetic3A_193, %gt3A_194 : i32
    %and3A_196 = arith.constant 1023 : i32
    %and3A_197 = arith.andi %reduce_max3A_191, %and3A_196 : i32
    %sub3A_198 = arith.constant 1023 : i32
    %sub3A_199 = arith.subi %sub3A_198, %and3A_197 : i32
    %jit3A_200 = arith.constant 1 : i32
    %select_n3A_201 = arith.select %gt3A_195, %sub3A_199, %jit3A_200 : i32
    %broadcast_in_dim3A_202 = arith.constant 1 : i32
    %broadcast_in_dim3A_203 = vector.broadcast %broadcast_in_dim3A_202 : i32 to vector<16xi32>
    %broadcast_in_dim3A_204 = vector.broadcast %select_n3A_201 : i32 to vector<16xi32>
    tpu.vector_store_idx %arg6[%broadcast_in_dim3A_203], %broadcast_in_dim3A_204 masked %eq3A_7 : memref<32xi32, #tpu.memory_space<vmem>>[vector<16xi32>], vector<16xi32>, vector<16xi1>
    %get3A_205 = arith.constant 2 : i32
    %get3A_206 = arith.index_cast %get3A_205 : i32 to index
    %get3A_207 = arith.constant 0 : index
    %get3A_208 = tpu.vector_load %arg4[%get3A_206, %get3A_207] {strides = array<i32>} : memref<32x50xi32, #tpu.memory_space<vmem>>, vector<16xi32>,
    %get3A_209 = arith.constant 2 : i32
    %get3A_210 = arith.index_cast %get3A_209 : i32 to index
    %get3A_211 = arith.constant 16 : index
    %get3A_212 = tpu.vector_load %arg4[%get3A_210, %get3A_211] {strides = array<i32>} : memref<32x50xi32, #tpu.memory_space<vmem>>, vector<16xi32>,
    %get3A_213 = arith.constant 2 : i32
    %get3A_214 = arith.index_cast %get3A_213 : i32 to index
    %get3A_215 = arith.constant 32 : index
    %get3A_216 = tpu.vector_load %arg4[%get3A_214, %get3A_215] {strides = array<i32>} : memref<32x50xi32, #tpu.memory_space<vmem>>, vector<16xi32>,
    %get3A_217 = arith.constant 2 : i32
    %get3A_218 = arith.index_cast %get3A_217 : i32 to index
    %get3A_219 = arith.constant 34 : index
    %get3A_220 = tpu.vector_load %arg4[%get3A_218, %get3A_219] {strides = array<i32>} : memref<32x50xi32, #tpu.memory_space<vmem>>, vector<16xi32>,
    %gt3A_221 = arith.constant 1 : i32
    %gt3A_222 = vector.broadcast %gt3A_221 : i32 to vector<16xi32>
    %gt3A_223 = arith.cmpi sgt, %get3A_208, %gt3A_222 : vector<16xi32>
    %gt3A_224 = arith.constant 1 : i32
    %gt3A_225 = vector.broadcast %gt3A_224 : i32 to vector<16xi32>
    %gt3A_226 = arith.cmpi sgt, %get3A_212, %gt3A_225 : vector<16xi32>
    %gt3A_227 = arith.constant 1 : i32
    %gt3A_228 = vector.broadcast %gt3A_227 : i32 to vector<16xi32>
    %gt3A_229 = arith.cmpi sgt, %get3A_216, %gt3A_228 : vector<16xi32>
    %gt3A_230 = arith.constant 1 : i32
    %gt3A_231 = vector.broadcast %gt3A_230 : i32 to vector<16xi32>
    %gt3A_232 = arith.cmpi sgt, %get3A_220, %gt3A_231 : vector<16xi32>
    %and3A_233 = arith.andi %gt3A_232, %ge3A_20 : vector<16xi1>
    tpu.vector_store_idx %arg5[%get3A_208], %broadcast_in_dim3A_5 masked %gt3A_223 {add = true} : memref<1024xi32, #tpu.memory_space<vmem>>[vector<16xi32>], vector<16xi32>, vector<16xi1>
    tpu.vector_store_idx %arg5[%get3A_212], %broadcast_in_dim3A_5 masked %gt3A_226 {add = true} : memref<1024xi32, #tpu.memory_space<vmem>>[vector<16xi32>], vector<16xi32>, vector<16xi1>
    tpu.vector_store_idx %arg5[%get3A_216], %broadcast_in_dim3A_5 masked %gt3A_229 {add = true} : memref<1024xi32, #tpu.memory_space<vmem>>[vector<16xi32>], vector<16xi32>, vector<16xi1>
    tpu.vector_store_idx %arg5[%get3A_220], %broadcast_in_dim3A_5 masked %and3A_233 {add = true} : memref<1024xi32, #tpu.memory_space<vmem>>[vector<16xi32>], vector<16xi32>, vector<16xi1>
    %gather3A_234 = tpu.vector_load_idx %arg5[%get3A_208] : memref<1024xi32, #tpu.memory_space<vmem>>[vector<16xi32>], vector<16xi32>,
    %shift_left3A_235 = arith.constant 10 : i32
    %shift_left3A_236 = vector.broadcast %shift_left3A_235 : i32 to vector<16xi32>
    %shift_left3A_237 = arith.shli %gather3A_234, %shift_left3A_236 : vector<16xi32>
    %sub3A_238 = arith.constant 1023 : i32
    %sub3A_239 = vector.broadcast %sub3A_238 : i32 to vector<16xi32>
    %sub3A_240 = arith.subi %sub3A_239, %get3A_208 : vector<16xi32>
    %or3A_241 = arith.ori %shift_left3A_237, %sub3A_240 : vector<16xi32>
    %jit3A_242 = arith.constant 0 : i32
    %broadcast_in_dim3A_243 = vector.broadcast %jit3A_242 : i32 to vector<16xi32>
    %select_n3A_244 = arith.select %gt3A_223, %or3A_241, %broadcast_in_dim3A_243 : vector<16xi1>, vector<16xi32>
    %max3A_245 = arith.maxsi %broadcast_in_dim3A_3, %select_n3A_244 : vector<16xi32>
    tpu.vector_store_idx %arg5[%get3A_208], %broadcast_in_dim3A_3 masked %gt3A_223 : memref<1024xi32, #tpu.memory_space<vmem>>[vector<16xi32>], vector<16xi32>, vector<16xi1>
    %gather3A_246 = tpu.vector_load_idx %arg5[%get3A_212] : memref<1024xi32, #tpu.memory_space<vmem>>[vector<16xi32>], vector<16xi32>,
    %shift_left3A_247 = arith.constant 10 : i32
    %shift_left3A_248 = vector.broadcast %shift_left3A_247 : i32 to vector<16xi32>
    %shift_left3A_249 = arith.shli %gather3A_246, %shift_left3A_248 : vector<16xi32>
    %sub3A_250 = arith.constant 1023 : i32
    %sub3A_251 = vector.broadcast %sub3A_250 : i32 to vector<16xi32>
    %sub3A_252 = arith.subi %sub3A_251, %get3A_212 : vector<16xi32>
    %or3A_253 = arith.ori %shift_left3A_249, %sub3A_252 : vector<16xi32>
    %jit3A_254 = arith.constant 0 : i32
    %broadcast_in_dim3A_255 = vector.broadcast %jit3A_254 : i32 to vector<16xi32>
    %select_n3A_256 = arith.select %gt3A_226, %or3A_253, %broadcast_in_dim3A_255 : vector<16xi1>, vector<16xi32>
    %max3A_257 = arith.maxsi %max3A_245, %select_n3A_256 : vector<16xi32>
    tpu.vector_store_idx %arg5[%get3A_212], %broadcast_in_dim3A_3 masked %gt3A_226 : memref<1024xi32, #tpu.memory_space<vmem>>[vector<16xi32>], vector<16xi32>, vector<16xi1>
    %gather3A_258 = tpu.vector_load_idx %arg5[%get3A_216] : memref<1024xi32, #tpu.memory_space<vmem>>[vector<16xi32>], vector<16xi32>,
    %shift_left3A_259 = arith.constant 10 : i32
    %shift_left3A_260 = vector.broadcast %shift_left3A_259 : i32 to vector<16xi32>
    %shift_left3A_261 = arith.shli %gather3A_258, %shift_left3A_260 : vector<16xi32>
    %sub3A_262 = arith.constant 1023 : i32
    %sub3A_263 = vector.broadcast %sub3A_262 : i32 to vector<16xi32>
    %sub3A_264 = arith.subi %sub3A_263, %get3A_216 : vector<16xi32>
    %or3A_265 = arith.ori %shift_left3A_261, %sub3A_264 : vector<16xi32>
    %jit3A_266 = arith.constant 0 : i32
    %broadcast_in_dim3A_267 = vector.broadcast %jit3A_266 : i32 to vector<16xi32>
    %select_n3A_268 = arith.select %gt3A_229, %or3A_265, %broadcast_in_dim3A_267 : vector<16xi1>, vector<16xi32>
    %max3A_269 = arith.maxsi %max3A_257, %select_n3A_268 : vector<16xi32>
    tpu.vector_store_idx %arg5[%get3A_216], %broadcast_in_dim3A_3 masked %gt3A_229 : memref<1024xi32, #tpu.memory_space<vmem>>[vector<16xi32>], vector<16xi32>, vector<16xi1>
    %gather3A_270 = tpu.vector_load_idx %arg5[%get3A_220] : memref<1024xi32, #tpu.memory_space<vmem>>[vector<16xi32>], vector<16xi32>,
    %shift_left3A_271 = arith.constant 10 : i32
    %shift_left3A_272 = vector.broadcast %shift_left3A_271 : i32 to vector<16xi32>
    %shift_left3A_273 = arith.shli %gather3A_270, %shift_left3A_272 : vector<16xi32>
    %sub3A_274 = arith.constant 1023 : i32
    %sub3A_275 = vector.broadcast %sub3A_274 : i32 to vector<16xi32>
    %sub3A_276 = arith.subi %sub3A_275, %get3A_220 : vector<16xi32>
    %or3A_277 = arith.ori %shift_left3A_273, %sub3A_276 : vector<16xi32>
    %jit3A_278 = arith.constant 0 : i32
    %broadcast_in_dim3A_279 = vector.broadcast %jit3A_278 : i32 to vector<16xi32>
    %select_n3A_280 = arith.select %and3A_233, %or3A_277, %broadcast_in_dim3A_279 : vector<16xi1>, vector<16xi32>
    %max3A_281 = arith.maxsi %max3A_269, %select_n3A_280 : vector<16xi32>
    tpu.vector_store_idx %arg5[%get3A_220], %broadcast_in_dim3A_3 masked %and3A_233 : memref<1024xi32, #tpu.memory_space<vmem>>[vector<16xi32>], vector<16xi32>, vector<16xi1>
    %reduce_max3A_282 = arith.constant true
    %reduce_max3A_283 = vector.broadcast %reduce_max3A_282 : i1 to vector<16xi1>
    %reduce_max3A_284 = arith.constant -2147483648 : i32
    %reduce_max3A_285 = vector.broadcast %reduce_max3A_284 : i32 to vector<16xi32>
    %reduce_max3A_286 = arith.xori %max3A_281, %reduce_max3A_285 : vector<16xi32>
    %reduce_max3A_287 = tpu.scan <max>, %reduce_max3A_286 masked %reduce_max3A_283 : vector<16xi32>, vector<16xi1> -> vector<16xi32>
    %reduce_max3A_288 = arith.xori %reduce_max3A_287, %reduce_max3A_285 : vector<16xi32>
    %reduce_max3A_289 = vector.extract %reduce_max3A_288[15] : i32 from vector<16xi32>
    %shift_right_arithmetic3A_290 = arith.constant 10 : i32
    %shift_right_arithmetic3A_291 = arith.shrsi %reduce_max3A_289, %shift_right_arithmetic3A_290 : i32
    %gt3A_292 = arith.constant 0 : i32
    %gt3A_293 = arith.cmpi sgt, %shift_right_arithmetic3A_291, %gt3A_292 : i32
    %and3A_294 = arith.constant 1023 : i32
    %and3A_295 = arith.andi %reduce_max3A_289, %and3A_294 : i32
    %sub3A_296 = arith.constant 1023 : i32
    %sub3A_297 = arith.subi %sub3A_296, %and3A_295 : i32
    %jit3A_298 = arith.constant 1 : i32
    %select_n3A_299 = arith.select %gt3A_293, %sub3A_297, %jit3A_298 : i32
    %broadcast_in_dim3A_300 = arith.constant 2 : i32
    %broadcast_in_dim3A_301 = vector.broadcast %broadcast_in_dim3A_300 : i32 to vector<16xi32>
    %broadcast_in_dim3A_302 = vector.broadcast %select_n3A_299 : i32 to vector<16xi32>
    tpu.vector_store_idx %arg6[%broadcast_in_dim3A_301], %broadcast_in_dim3A_302 masked %eq3A_7 : memref<32xi32, #tpu.memory_space<vmem>>[vector<16xi32>], vector<16xi32>, vector<16xi1>
    %get3A_303 = arith.constant 3 : i32
    %get3A_304 = arith.index_cast %get3A_303 : i32 to index
    %get3A_305 = arith.constant 0 : index
    %get3A_306 = tpu.vector_load %arg4[%get3A_304, %get3A_305] {strides = array<i32>} : memref<32x50xi32, #tpu.memory_space<vmem>>, vector<16xi32>,
    %get3A_307 = arith.constant 3 : i32
    %get3A_308 = arith.index_cast %get3A_307 : i32 to index
    %get3A_309 = arith.constant 16 : index
    %get3A_310 = tpu.vector_load %arg4[%get3A_308, %get3A_309] {strides = array<i32>} : memref<32x50xi32, #tpu.memory_space<vmem>>, vector<16xi32>,
    %get3A_311 = arith.constant 3 : i32
    %get3A_312 = arith.index_cast %get3A_311 : i32 to index
    %get3A_313 = arith.constant 32 : index
    %get3A_314 = tpu.vector_load %arg4[%get3A_312, %get3A_313] {strides = array<i32>} : memref<32x50xi32, #tpu.memory_space<vmem>>, vector<16xi32>,
    %get3A_315 = arith.constant 3 : i32
    %get3A_316 = arith.index_cast %get3A_315 : i32 to index
    %get3A_317 = arith.constant 34 : index
    %get3A_318 = tpu.vector_load %arg4[%get3A_316, %get3A_317] {strides = array<i32>} : memref<32x50xi32, #tpu.memory_space<vmem>>, vector<16xi32>,
    %gt3A_319 = arith.constant 1 : i32
    %gt3A_320 = vector.broadcast %gt3A_319 : i32 to vector<16xi32>
    %gt3A_321 = arith.cmpi sgt, %get3A_306, %gt3A_320 : vector<16xi32>
    %gt3A_322 = arith.constant 1 : i32
    %gt3A_323 = vector.broadcast %gt3A_322 : i32 to vector<16xi32>
    %gt3A_324 = arith.cmpi sgt, %get3A_310, %gt3A_323 : vector<16xi32>
    %gt3A_325 = arith.constant 1 : i32
    %gt3A_326 = vector.broadcast %gt3A_325 : i32 to vector<16xi32>
    %gt3A_327 = arith.cmpi sgt, %get3A_314, %gt3A_326 : vector<16xi32>
    %gt3A_328 = arith.constant 1 : i32
    %gt3A_329 = vector.broadcast %gt3A_328 : i32 to vector<16xi32>
    %gt3A_330 = arith.cmpi sgt, %get3A_318, %gt3A_329 : vector<16xi32>
    %and3A_331 = arith.andi %gt3A_330, %ge3A_20 : vector<16xi1>
    tpu.vector_store_idx %arg5[%get3A_306], %broadcast_in_dim3A_5 masked %gt3A_321 {add = true} : memref<1024xi32, #tpu.memory_space<vmem>>[vector<16xi32>], vector<16xi32>, vector<16xi1>
    tpu.vector_store_idx %arg5[%get3A_310], %broadcast_in_dim3A_5 masked %gt3A_324 {add = true} : memref<1024xi32, #tpu.memory_space<vmem>>[vector<16xi32>], vector<16xi32>, vector<16xi1>
    tpu.vector_store_idx %arg5[%get3A_314], %broadcast_in_dim3A_5 masked %gt3A_327 {add = true} : memref<1024xi32, #tpu.memory_space<vmem>>[vector<16xi32>], vector<16xi32>, vector<16xi1>
    tpu.vector_store_idx %arg5[%get3A_318], %broadcast_in_dim3A_5 masked %and3A_331 {add = true} : memref<1024xi32, #tpu.memory_space<vmem>>[vector<16xi32>], vector<16xi32>, vector<16xi1>
    %gather3A_332 = tpu.vector_load_idx %arg5[%get3A_306] : memref<1024xi32, #tpu.memory_space<vmem>>[vector<16xi32>], vector<16xi32>,
    %shift_left3A_333 = arith.constant 10 : i32
    %shift_left3A_334 = vector.broadcast %shift_left3A_333 : i32 to vector<16xi32>
    %shift_left3A_335 = arith.shli %gather3A_332, %shift_left3A_334 : vector<16xi32>
    %sub3A_336 = arith.constant 1023 : i32
    %sub3A_337 = vector.broadcast %sub3A_336 : i32 to vector<16xi32>
    %sub3A_338 = arith.subi %sub3A_337, %get3A_306 : vector<16xi32>
    %or3A_339 = arith.ori %shift_left3A_335, %sub3A_338 : vector<16xi32>
    %jit3A_340 = arith.constant 0 : i32
    %broadcast_in_dim3A_341 = vector.broadcast %jit3A_340 : i32 to vector<16xi32>
    %select_n3A_342 = arith.select %gt3A_321, %or3A_339, %broadcast_in_dim3A_341 : vector<16xi1>, vector<16xi32>
    %max3A_343 = arith.maxsi %broadcast_in_dim3A_3, %select_n3A_342 : vector<16xi32>
    tpu.vector_store_idx %arg5[%get3A_306], %broadcast_in_dim3A_3 masked %gt3A_321 : memref<1024xi32, #tpu.memory_space<vmem>>[vector<16xi32>], vector<16xi32>, vector<16xi1>
    %gather3A_344 = tpu.vector_load_idx %arg5[%get3A_310] : memref<1024xi32, #tpu.memory_space<vmem>>[vector<16xi32>], vector<16xi32>,
    %shift_left3A_345 = arith.constant 10 : i32
    %shift_left3A_346 = vector.broadcast %shift_left3A_345 : i32 to vector<16xi32>
    %shift_left3A_347 = arith.shli %gather3A_344, %shift_left3A_346 : vector<16xi32>
    %sub3A_348 = arith.constant 1023 : i32
    %sub3A_349 = vector.broadcast %sub3A_348 : i32 to vector<16xi32>
    %sub3A_350 = arith.subi %sub3A_349, %get3A_310 : vector<16xi32>
    %or3A_351 = arith.ori %shift_left3A_347, %sub3A_350 : vector<16xi32>
    %jit3A_352 = arith.constant 0 : i32
    %broadcast_in_dim3A_353 = vector.broadcast %jit3A_352 : i32 to vector<16xi32>
    %select_n3A_354 = arith.select %gt3A_324, %or3A_351, %broadcast_in_dim3A_353 : vector<16xi1>, vector<16xi32>
    %max3A_355 = arith.maxsi %max3A_343, %select_n3A_354 : vector<16xi32>
    tpu.vector_store_idx %arg5[%get3A_310], %broadcast_in_dim3A_3 masked %gt3A_324 : memref<1024xi32, #tpu.memory_space<vmem>>[vector<16xi32>], vector<16xi32>, vector<16xi1>
    %gather3A_356 = tpu.vector_load_idx %arg5[%get3A_314] : memref<1024xi32, #tpu.memory_space<vmem>>[vector<16xi32>], vector<16xi32>,
    %shift_left3A_357 = arith.constant 10 : i32
    %shift_left3A_358 = vector.broadcast %shift_left3A_357 : i32 to vector<16xi32>
    %shift_left3A_359 = arith.shli %gather3A_356, %shift_left3A_358 : vector<16xi32>
    %sub3A_360 = arith.constant 1023 : i32
    %sub3A_361 = vector.broadcast %sub3A_360 : i32 to vector<16xi32>
    %sub3A_362 = arith.subi %sub3A_361, %get3A_314 : vector<16xi32>
    %or3A_363 = arith.ori %shift_left3A_359, %sub3A_362 : vector<16xi32>
    %jit3A_364 = arith.constant 0 : i32
    %broadcast_in_dim3A_365 = vector.broadcast %jit3A_364 : i32 to vector<16xi32>
    %select_n3A_366 = arith.select %gt3A_327, %or3A_363, %broadcast_in_dim3A_365 : vector<16xi1>, vector<16xi32>
    %max3A_367 = arith.maxsi %max3A_355, %select_n3A_366 : vector<16xi32>
    tpu.vector_store_idx %arg5[%get3A_314], %broadcast_in_dim3A_3 masked %gt3A_327 : memref<1024xi32, #tpu.memory_space<vmem>>[vector<16xi32>], vector<16xi32>, vector<16xi1>
    %gather3A_368 = tpu.vector_load_idx %arg5[%get3A_318] : memref<1024xi32, #tpu.memory_space<vmem>>[vector<16xi32>], vector<16xi32>,
    %shift_left3A_369 = arith.constant 10 : i32
    %shift_left3A_370 = vector.broadcast %shift_left3A_369 : i32 to vector<16xi32>
    %shift_left3A_371 = arith.shli %gather3A_368, %shift_left3A_370 : vector<16xi32>
    %sub3A_372 = arith.constant 1023 : i32
    %sub3A_373 = vector.broadcast %sub3A_372 : i32 to vector<16xi32>
    %sub3A_374 = arith.subi %sub3A_373, %get3A_318 : vector<16xi32>
    %or3A_375 = arith.ori %shift_left3A_371, %sub3A_374 : vector<16xi32>
    %jit3A_376 = arith.constant 0 : i32
    %broadcast_in_dim3A_377 = vector.broadcast %jit3A_376 : i32 to vector<16xi32>
    %select_n3A_378 = arith.select %and3A_331, %or3A_375, %broadcast_in_dim3A_377 : vector<16xi1>, vector<16xi32>
    %max3A_379 = arith.maxsi %max3A_367, %select_n3A_378 : vector<16xi32>
    tpu.vector_store_idx %arg5[%get3A_318], %broadcast_in_dim3A_3 masked %and3A_331 : memref<1024xi32, #tpu.memory_space<vmem>>[vector<16xi32>], vector<16xi32>, vector<16xi1>
    %reduce_max3A_380 = arith.constant true
    %reduce_max3A_381 = vector.broadcast %reduce_max3A_380 : i1 to vector<16xi1>
    %reduce_max3A_382 = arith.constant -2147483648 : i32
    %reduce_max3A_383 = vector.broadcast %reduce_max3A_382 : i32 to vector<16xi32>
    %reduce_max3A_384 = arith.xori %max3A_379, %reduce_max3A_383 : vector<16xi32>
    %reduce_max3A_385 = tpu.scan <max>, %reduce_max3A_384 masked %reduce_max3A_381 : vector<16xi32>, vector<16xi1> -> vector<16xi32>
    %reduce_max3A_386 = arith.xori %reduce_max3A_385, %reduce_max3A_383 : vector<16xi32>
    %reduce_max3A_387 = vector.extract %reduce_max3A_386[15] : i32 from vector<16xi32>
    %shift_right_arithmetic3A_388 = arith.constant 10 : i32
    %shift_right_arithmetic3A_389 = arith.shrsi %reduce_max3A_387, %shift_right_arithmetic3A_388 : i32
    %gt3A_390 = arith.constant 0 : i32
    %gt3A_391 = arith.cmpi sgt, %shift_right_arithmetic3A_389, %gt3A_390 : i32
    %and3A_392 = arith.constant 1023 : i32
    %and3A_393 = arith.andi %reduce_max3A_387, %and3A_392 : i32
    %sub3A_394 = arith.constant 1023 : i32
    %sub3A_395 = arith.subi %sub3A_394, %and3A_393 : i32
    %jit3A_396 = arith.constant 1 : i32
    %select_n3A_397 = arith.select %gt3A_391, %sub3A_395, %jit3A_396 : i32
    %broadcast_in_dim3A_398 = arith.constant 3 : i32
    %broadcast_in_dim3A_399 = vector.broadcast %broadcast_in_dim3A_398 : i32 to vector<16xi32>
    %broadcast_in_dim3A_400 = vector.broadcast %select_n3A_397 : i32 to vector<16xi32>
    tpu.vector_store_idx %arg6[%broadcast_in_dim3A_399], %broadcast_in_dim3A_400 masked %eq3A_7 : memref<32xi32, #tpu.memory_space<vmem>>[vector<16xi32>], vector<16xi32>, vector<16xi1>
    %get3A_401 = arith.constant 4 : i32
    %get3A_402 = arith.index_cast %get3A_401 : i32 to index
    %get3A_403 = arith.constant 0 : index
    %get3A_404 = tpu.vector_load %arg4[%get3A_402, %get3A_403] {strides = array<i32>} : memref<32x50xi32, #tpu.memory_space<vmem>>, vector<16xi32>,
    %get3A_405 = arith.constant 4 : i32
    %get3A_406 = arith.index_cast %get3A_405 : i32 to index
    %get3A_407 = arith.constant 16 : index
    %get3A_408 = tpu.vector_load %arg4[%get3A_406, %get3A_407] {strides = array<i32>} : memref<32x50xi32, #tpu.memory_space<vmem>>, vector<16xi32>,
    %get3A_409 = arith.constant 4 : i32
    %get3A_410 = arith.index_cast %get3A_409 : i32 to index
    %get3A_411 = arith.constant 32 : index
    %get3A_412 = tpu.vector_load %arg4[%get3A_410, %get3A_411] {strides = array<i32>} : memref<32x50xi32, #tpu.memory_space<vmem>>, vector<16xi32>,
    %get3A_413 = arith.constant 4 : i32
    %get3A_414 = arith.index_cast %get3A_413 : i32 to index
    %get3A_415 = arith.constant 34 : index
    %get3A_416 = tpu.vector_load %arg4[%get3A_414, %get3A_415] {strides = array<i32>} : memref<32x50xi32, #tpu.memory_space<vmem>>, vector<16xi32>,
    %gt3A_417 = arith.constant 1 : i32
    %gt3A_418 = vector.broadcast %gt3A_417 : i32 to vector<16xi32>
    %gt3A_419 = arith.cmpi sgt, %get3A_404, %gt3A_418 : vector<16xi32>
    %gt3A_420 = arith.constant 1 : i32
    %gt3A_421 = vector.broadcast %gt3A_420 : i32 to vector<16xi32>
    %gt3A_422 = arith.cmpi sgt, %get3A_408, %gt3A_421 : vector<16xi32>
    %gt3A_423 = arith.constant 1 : i32
    %gt3A_424 = vector.broadcast %gt3A_423 : i32 to vector<16xi32>
    %gt3A_425 = arith.cmpi sgt, %get3A_412, %gt3A_424 : vector<16xi32>
    %gt3A_426 = arith.constant 1 : i32
    %gt3A_427 = vector.broadcast %gt3A_426 : i32 to vector<16xi32>
    %gt3A_428 = arith.cmpi sgt, %get3A_416, %gt3A_427 : vector<16xi32>
    %and3A_429 = arith.andi %gt3A_428, %ge3A_20 : vector<16xi1>
    tpu.vector_store_idx %arg5[%get3A_404], %broadcast_in_dim3A_5 masked %gt3A_419 {add = true} : memref<1024xi32, #tpu.memory_space<vmem>>[vector<16xi32>], vector<16xi32>, vector<16xi1>
    tpu.vector_store_idx %arg5[%get3A_408], %broadcast_in_dim3A_5 masked %gt3A_422 {add = true} : memref<1024xi32, #tpu.memory_space<vmem>>[vector<16xi32>], vector<16xi32>, vector<16xi1>
    tpu.vector_store_idx %arg5[%get3A_412], %broadcast_in_dim3A_5 masked %gt3A_425 {add = true} : memref<1024xi32, #tpu.memory_space<vmem>>[vector<16xi32>], vector<16xi32>, vector<16xi1>
    tpu.vector_store_idx %arg5[%get3A_416], %broadcast_in_dim3A_5 masked %and3A_429 {add = true} : memref<1024xi32, #tpu.memory_space<vmem>>[vector<16xi32>], vector<16xi32>, vector<16xi1>
    %gather3A_430 = tpu.vector_load_idx %arg5[%get3A_404] : memref<1024xi32, #tpu.memory_space<vmem>>[vector<16xi32>], vector<16xi32>,
    %shift_left3A_431 = arith.constant 10 : i32
    %shift_left3A_432 = vector.broadcast %shift_left3A_431 : i32 to vector<16xi32>
    %shift_left3A_433 = arith.shli %gather3A_430, %shift_left3A_432 : vector<16xi32>
    %sub3A_434 = arith.constant 1023 : i32
    %sub3A_435 = vector.broadcast %sub3A_434 : i32 to vector<16xi32>
    %sub3A_436 = arith.subi %sub3A_435, %get3A_404 : vector<16xi32>
    %or3A_437 = arith.ori %shift_left3A_433, %sub3A_436 : vector<16xi32>
    %jit3A_438 = arith.constant 0 : i32
    %broadcast_in_dim3A_439 = vector.broadcast %jit3A_438 : i32 to vector<16xi32>
    %select_n3A_440 = arith.select %gt3A_419, %or3A_437, %broadcast_in_dim3A_439 : vector<16xi1>, vector<16xi32>
    %max3A_441 = arith.maxsi %broadcast_in_dim3A_3, %select_n3A_440 : vector<16xi32>
    tpu.vector_store_idx %arg5[%get3A_404], %broadcast_in_dim3A_3 masked %gt3A_419 : memref<1024xi32, #tpu.memory_space<vmem>>[vector<16xi32>], vector<16xi32>, vector<16xi1>
    %gather3A_442 = tpu.vector_load_idx %arg5[%get3A_408] : memref<1024xi32, #tpu.memory_space<vmem>>[vector<16xi32>], vector<16xi32>,
    %shift_left3A_443 = arith.constant 10 : i32
    %shift_left3A_444 = vector.broadcast %shift_left3A_443 : i32 to vector<16xi32>
    %shift_left3A_445 = arith.shli %gather3A_442, %shift_left3A_444 : vector<16xi32>
    %sub3A_446 = arith.constant 1023 : i32
    %sub3A_447 = vector.broadcast %sub3A_446 : i32 to vector<16xi32>
    %sub3A_448 = arith.subi %sub3A_447, %get3A_408 : vector<16xi32>
    %or3A_449 = arith.ori %shift_left3A_445, %sub3A_448 : vector<16xi32>
    %jit3A_450 = arith.constant 0 : i32
    %broadcast_in_dim3A_451 = vector.broadcast %jit3A_450 : i32 to vector<16xi32>
    %select_n3A_452 = arith.select %gt3A_422, %or3A_449, %broadcast_in_dim3A_451 : vector<16xi1>, vector<16xi32>
    %max3A_453 = arith.maxsi %max3A_441, %select_n3A_452 : vector<16xi32>
    tpu.vector_store_idx %arg5[%get3A_408], %broadcast_in_dim3A_3 masked %gt3A_422 : memref<1024xi32, #tpu.memory_space<vmem>>[vector<16xi32>], vector<16xi32>, vector<16xi1>
    %gather3A_454 = tpu.vector_load_idx %arg5[%get3A_412] : memref<1024xi32, #tpu.memory_space<vmem>>[vector<16xi32>], vector<16xi32>,
    %shift_left3A_455 = arith.constant 10 : i32
    %shift_left3A_456 = vector.broadcast %shift_left3A_455 : i32 to vector<16xi32>
    %shift_left3A_457 = arith.shli %gather3A_454, %shift_left3A_456 : vector<16xi32>
    %sub3A_458 = arith.constant 1023 : i32
    %sub3A_459 = vector.broadcast %sub3A_458 : i32 to vector<16xi32>
    %sub3A_460 = arith.subi %sub3A_459, %get3A_412 : vector<16xi32>
    %or3A_461 = arith.ori %shift_left3A_457, %sub3A_460 : vector<16xi32>
    %jit3A_462 = arith.constant 0 : i32
    %broadcast_in_dim3A_463 = vector.broadcast %jit3A_462 : i32 to vector<16xi32>
    %select_n3A_464 = arith.select %gt3A_425, %or3A_461, %broadcast_in_dim3A_463 : vector<16xi1>, vector<16xi32>
    %max3A_465 = arith.maxsi %max3A_453, %select_n3A_464 : vector<16xi32>
    tpu.vector_store_idx %arg5[%get3A_412], %broadcast_in_dim3A_3 masked %gt3A_425 : memref<1024xi32, #tpu.memory_space<vmem>>[vector<16xi32>], vector<16xi32>, vector<16xi1>
    %gather3A_466 = tpu.vector_load_idx %arg5[%get3A_416] : memref<1024xi32, #tpu.memory_space<vmem>>[vector<16xi32>], vector<16xi32>,
    %shift_left3A_467 = arith.constant 10 : i32
    %shift_left3A_468 = vector.broadcast %shift_left3A_467 : i32 to vector<16xi32>
    %shift_left3A_469 = arith.shli %gather3A_466, %shift_left3A_468 : vector<16xi32>
    %sub3A_470 = arith.constant 1023 : i32
    %sub3A_471 = vector.broadcast %sub3A_470 : i32 to vector<16xi32>
    %sub3A_472 = arith.subi %sub3A_471, %get3A_416 : vector<16xi32>
    %or3A_473 = arith.ori %shift_left3A_469, %sub3A_472 : vector<16xi32>
    %jit3A_474 = arith.constant 0 : i32
    %broadcast_in_dim3A_475 = vector.broadcast %jit3A_474 : i32 to vector<16xi32>
    %select_n3A_476 = arith.select %and3A_429, %or3A_473, %broadcast_in_dim3A_475 : vector<16xi1>, vector<16xi32>
    %max3A_477 = arith.maxsi %max3A_465, %select_n3A_476 : vector<16xi32>
    tpu.vector_store_idx %arg5[%get3A_416], %broadcast_in_dim3A_3 masked %and3A_429 : memref<1024xi32, #tpu.memory_space<vmem>>[vector<16xi32>], vector<16xi32>, vector<16xi1>
    %reduce_max3A_478 = arith.constant true
    %reduce_max3A_479 = vector.broadcast %reduce_max3A_478 : i1 to vector<16xi1>
    %reduce_max3A_480 = arith.constant -2147483648 : i32
    %reduce_max3A_481 = vector.broadcast %reduce_max3A_480 : i32 to vector<16xi32>
    %reduce_max3A_482 = arith.xori %max3A_477, %reduce_max3A_481 : vector<16xi32>
    %reduce_max3A_483 = tpu.scan <max>, %reduce_max3A_482 masked %reduce_max3A_479 : vector<16xi32>, vector<16xi1> -> vector<16xi32>
    %reduce_max3A_484 = arith.xori %reduce_max3A_483, %reduce_max3A_481 : vector<16xi32>
    %reduce_max3A_485 = vector.extract %reduce_max3A_484[15] : i32 from vector<16xi32>
    %shift_right_arithmetic3A_486 = arith.constant 10 : i32
    %shift_right_arithmetic3A_487 = arith.shrsi %reduce_max3A_485, %shift_right_arithmetic3A_486 : i32
    %gt3A_488 = arith.constant 0 : i32
    %gt3A_489 = arith.cmpi sgt, %shift_right_arithmetic3A_487, %gt3A_488 : i32
    %and3A_490 = arith.constant 1023 : i32
    %and3A_491 = arith.andi %reduce_max3A_485, %and3A_490 : i32
    %sub3A_492 = arith.constant 1023 : i32
    %sub3A_493 = arith.subi %sub3A_492, %and3A_491 : i32
    %jit3A_494 = arith.constant 1 : i32
    %select_n3A_495 = arith.select %gt3A_489, %sub3A_493, %jit3A_494 : i32
    %broadcast_in_dim3A_496 = arith.constant 4 : i32
    %broadcast_in_dim3A_497 = vector.broadcast %broadcast_in_dim3A_496 : i32 to vector<16xi32>
    %broadcast_in_dim3A_498 = vector.broadcast %select_n3A_495 : i32 to vector<16xi32>
    tpu.vector_store_idx %arg6[%broadcast_in_dim3A_497], %broadcast_in_dim3A_498 masked %eq3A_7 : memref<32xi32, #tpu.memory_space<vmem>>[vector<16xi32>], vector<16xi32>, vector<16xi1>
    %get3A_499 = arith.constant 5 : i32
    %get3A_500 = arith.index_cast %get3A_499 : i32 to index
    %get3A_501 = arith.constant 0 : index
    %get3A_502 = tpu.vector_load %arg4[%get3A_500, %get3A_501] {strides = array<i32>} : memref<32x50xi32, #tpu.memory_space<vmem>>, vector<16xi32>,
    %get3A_503 = arith.constant 5 : i32
    %get3A_504 = arith.index_cast %get3A_503 : i32 to index
    %get3A_505 = arith.constant 16 : index
    %get3A_506 = tpu.vector_load %arg4[%get3A_504, %get3A_505] {strides = array<i32>} : memref<32x50xi32, #tpu.memory_space<vmem>>, vector<16xi32>,
    %get3A_507 = arith.constant 5 : i32
    %get3A_508 = arith.index_cast %get3A_507 : i32 to index
    %get3A_509 = arith.constant 32 : index
    %get3A_510 = tpu.vector_load %arg4[%get3A_508, %get3A_509] {strides = array<i32>} : memref<32x50xi32, #tpu.memory_space<vmem>>, vector<16xi32>,
    %get3A_511 = arith.constant 5 : i32
    %get3A_512 = arith.index_cast %get3A_511 : i32 to index
    %get3A_513 = arith.constant 34 : index
    %get3A_514 = tpu.vector_load %arg4[%get3A_512, %get3A_513] {strides = array<i32>} : memref<32x50xi32, #tpu.memory_space<vmem>>, vector<16xi32>,
    %gt3A_515 = arith.constant 1 : i32
    %gt3A_516 = vector.broadcast %gt3A_515 : i32 to vector<16xi32>
    %gt3A_517 = arith.cmpi sgt, %get3A_502, %gt3A_516 : vector<16xi32>
    %gt3A_518 = arith.constant 1 : i32
    %gt3A_519 = vector.broadcast %gt3A_518 : i32 to vector<16xi32>
    %gt3A_520 = arith.cmpi sgt, %get3A_506, %gt3A_519 : vector<16xi32>
    %gt3A_521 = arith.constant 1 : i32
    %gt3A_522 = vector.broadcast %gt3A_521 : i32 to vector<16xi32>
    %gt3A_523 = arith.cmpi sgt, %get3A_510, %gt3A_522 : vector<16xi32>
    %gt3A_524 = arith.constant 1 : i32
    %gt3A_525 = vector.broadcast %gt3A_524 : i32 to vector<16xi32>
    %gt3A_526 = arith.cmpi sgt, %get3A_514, %gt3A_525 : vector<16xi32>
    %and3A_527 = arith.andi %gt3A_526, %ge3A_20 : vector<16xi1>
    tpu.vector_store_idx %arg5[%get3A_502], %broadcast_in_dim3A_5 masked %gt3A_517 {add = true} : memref<1024xi32, #tpu.memory_space<vmem>>[vector<16xi32>], vector<16xi32>, vector<16xi1>
    tpu.vector_store_idx %arg5[%get3A_506], %broadcast_in_dim3A_5 masked %gt3A_520 {add = true} : memref<1024xi32, #tpu.memory_space<vmem>>[vector<16xi32>], vector<16xi32>, vector<16xi1>
    tpu.vector_store_idx %arg5[%get3A_510], %broadcast_in_dim3A_5 masked %gt3A_523 {add = true} : memref<1024xi32, #tpu.memory_space<vmem>>[vector<16xi32>], vector<16xi32>, vector<16xi1>
    tpu.vector_store_idx %arg5[%get3A_514], %broadcast_in_dim3A_5 masked %and3A_527 {add = true} : memref<1024xi32, #tpu.memory_space<vmem>>[vector<16xi32>], vector<16xi32>, vector<16xi1>
    %gather3A_528 = tpu.vector_load_idx %arg5[%get3A_502] : memref<1024xi32, #tpu.memory_space<vmem>>[vector<16xi32>], vector<16xi32>,
    %shift_left3A_529 = arith.constant 10 : i32
    %shift_left3A_530 = vector.broadcast %shift_left3A_529 : i32 to vector<16xi32>
    %shift_left3A_531 = arith.shli %gather3A_528, %shift_left3A_530 : vector<16xi32>
    %sub3A_532 = arith.constant 1023 : i32
    %sub3A_533 = vector.broadcast %sub3A_532 : i32 to vector<16xi32>
    %sub3A_534 = arith.subi %sub3A_533, %get3A_502 : vector<16xi32>
    %or3A_535 = arith.ori %shift_left3A_531, %sub3A_534 : vector<16xi32>
    %jit3A_536 = arith.constant 0 : i32
    %broadcast_in_dim3A_537 = vector.broadcast %jit3A_536 : i32 to vector<16xi32>
    %select_n3A_538 = arith.select %gt3A_517, %or3A_535, %broadcast_in_dim3A_537 : vector<16xi1>, vector<16xi32>
    %max3A_539 = arith.maxsi %broadcast_in_dim3A_3, %select_n3A_538 : vector<16xi32>
    tpu.vector_store_idx %arg5[%get3A_502], %broadcast_in_dim3A_3 masked %gt3A_517 : memref<1024xi32, #tpu.memory_space<vmem>>[vector<16xi32>], vector<16xi32>, vector<16xi1>
    %gather3A_540 = tpu.vector_load_idx %arg5[%get3A_506] : memref<1024xi32, #tpu.memory_space<vmem>>[vector<16xi32>], vector<16xi32>,
    %shift_left3A_541 = arith.constant 10 : i32
    %shift_left3A_542 = vector.broadcast %shift_left3A_541 : i32 to vector<16xi32>
    %shift_left3A_543 = arith.shli %gather3A_540, %shift_left3A_542 : vector<16xi32>
    %sub3A_544 = arith.constant 1023 : i32
    %sub3A_545 = vector.broadcast %sub3A_544 : i32 to vector<16xi32>
    %sub3A_546 = arith.subi %sub3A_545, %get3A_506 : vector<16xi32>
    %or3A_547 = arith.ori %shift_left3A_543, %sub3A_546 : vector<16xi32>
    %jit3A_548 = arith.constant 0 : i32
    %broadcast_in_dim3A_549 = vector.broadcast %jit3A_548 : i32 to vector<16xi32>
    %select_n3A_550 = arith.select %gt3A_520, %or3A_547, %broadcast_in_dim3A_549 : vector<16xi1>, vector<16xi32>
    %max3A_551 = arith.maxsi %max3A_539, %select_n3A_550 : vector<16xi32>
    tpu.vector_store_idx %arg5[%get3A_506], %broadcast_in_dim3A_3 masked %gt3A_520 : memref<1024xi32, #tpu.memory_space<vmem>>[vector<16xi32>], vector<16xi32>, vector<16xi1>
    %gather3A_552 = tpu.vector_load_idx %arg5[%get3A_510] : memref<1024xi32, #tpu.memory_space<vmem>>[vector<16xi32>], vector<16xi32>,
    %shift_left3A_553 = arith.constant 10 : i32
    %shift_left3A_554 = vector.broadcast %shift_left3A_553 : i32 to vector<16xi32>
    %shift_left3A_555 = arith.shli %gather3A_552, %shift_left3A_554 : vector<16xi32>
    %sub3A_556 = arith.constant 1023 : i32
    %sub3A_557 = vector.broadcast %sub3A_556 : i32 to vector<16xi32>
    %sub3A_558 = arith.subi %sub3A_557, %get3A_510 : vector<16xi32>
    %or3A_559 = arith.ori %shift_left3A_555, %sub3A_558 : vector<16xi32>
    %jit3A_560 = arith.constant 0 : i32
    %broadcast_in_dim3A_561 = vector.broadcast %jit3A_560 : i32 to vector<16xi32>
    %select_n3A_562 = arith.select %gt3A_523, %or3A_559, %broadcast_in_dim3A_561 : vector<16xi1>, vector<16xi32>
    %max3A_563 = arith.maxsi %max3A_551, %select_n3A_562 : vector<16xi32>
    tpu.vector_store_idx %arg5[%get3A_510], %broadcast_in_dim3A_3 masked %gt3A_523 : memref<1024xi32, #tpu.memory_space<vmem>>[vector<16xi32>], vector<16xi32>, vector<16xi1>
    %gather3A_564 = tpu.vector_load_idx %arg5[%get3A_514] : memref<1024xi32, #tpu.memory_space<vmem>>[vector<16xi32>], vector<16xi32>,
    %shift_left3A_565 = arith.constant 10 : i32
    %shift_left3A_566 = vector.broadcast %shift_left3A_565 : i32 to vector<16xi32>
    %shift_left3A_567 = arith.shli %gather3A_564, %shift_left3A_566 : vector<16xi32>
    %sub3A_568 = arith.constant 1023 : i32
    %sub3A_569 = vector.broadcast %sub3A_568 : i32 to vector<16xi32>
    %sub3A_570 = arith.subi %sub3A_569, %get3A_514 : vector<16xi32>
    %or3A_571 = arith.ori %shift_left3A_567, %sub3A_570 : vector<16xi32>
    %jit3A_572 = arith.constant 0 : i32
    %broadcast_in_dim3A_573 = vector.broadcast %jit3A_572 : i32 to vector<16xi32>
    %select_n3A_574 = arith.select %and3A_527, %or3A_571, %broadcast_in_dim3A_573 : vector<16xi1>, vector<16xi32>
    %max3A_575 = arith.maxsi %max3A_563, %select_n3A_574 : vector<16xi32>
    tpu.vector_store_idx %arg5[%get3A_514], %broadcast_in_dim3A_3 masked %and3A_527 : memref<1024xi32, #tpu.memory_space<vmem>>[vector<16xi32>], vector<16xi32>, vector<16xi1>
    %reduce_max3A_576 = arith.constant true
    %reduce_max3A_577 = vector.broadcast %reduce_max3A_576 : i1 to vector<16xi1>
    %reduce_max3A_578 = arith.constant -2147483648 : i32
    %reduce_max3A_579 = vector.broadcast %reduce_max3A_578 : i32 to vector<16xi32>
    %reduce_max3A_580 = arith.xori %max3A_575, %reduce_max3A_579 : vector<16xi32>
    %reduce_max3A_581 = tpu.scan <max>, %reduce_max3A_580 masked %reduce_max3A_577 : vector<16xi32>, vector<16xi1> -> vector<16xi32>
    %reduce_max3A_582 = arith.xori %reduce_max3A_581, %reduce_max3A_579 : vector<16xi32>
    %reduce_max3A_583 = vector.extract %reduce_max3A_582[15] : i32 from vector<16xi32>
    %shift_right_arithmetic3A_584 = arith.constant 10 : i32
    %shift_right_arithmetic3A_585 = arith.shrsi %reduce_max3A_583, %shift_right_arithmetic3A_584 : i32
    %gt3A_586 = arith.constant 0 : i32
    %gt3A_587 = arith.cmpi sgt, %shift_right_arithmetic3A_585, %gt3A_586 : i32
    %and3A_588 = arith.constant 1023 : i32
    %and3A_589 = arith.andi %reduce_max3A_583, %and3A_588 : i32
    %sub3A_590 = arith.constant 1023 : i32
    %sub3A_591 = arith.subi %sub3A_590, %and3A_589 : i32
    %jit3A_592 = arith.constant 1 : i32
    %select_n3A_593 = arith.select %gt3A_587, %sub3A_591, %jit3A_592 : i32
    %broadcast_in_dim3A_594 = arith.constant 5 : i32
    %broadcast_in_dim3A_595 = vector.broadcast %broadcast_in_dim3A_594 : i32 to vector<16xi32>
    %broadcast_in_dim3A_596 = vector.broadcast %select_n3A_593 : i32 to vector<16xi32>
    tpu.vector_store_idx %arg6[%broadcast_in_dim3A_595], %broadcast_in_dim3A_596 masked %eq3A_7 : memref<32xi32, #tpu.memory_space<vmem>>[vector<16xi32>], vector<16xi32>, vector<16xi1>
    %get3A_597 = arith.constant 6 : i32
    %get3A_598 = arith.index_cast %get3A_597 : i32 to index
    %get3A_599 = arith.constant 0 : index
    %get3A_600 = tpu.vector_load %arg4[%get3A_598, %get3A_599] {strides = array<i32>} : memref<32x50xi32, #tpu.memory_space<vmem>>, vector<16xi32>,
    %get3A_601 = arith.constant 6 : i32
    %get3A_602 = arith.index_cast %get3A_601 : i32 to index
    %get3A_603 = arith.constant 16 : index
    %get3A_604 = tpu.vector_load %arg4[%get3A_602, %get3A_603] {strides = array<i32>} : memref<32x50xi32, #tpu.memory_space<vmem>>, vector<16xi32>,
    %get3A_605 = arith.constant 6 : i32
    %get3A_606 = arith.index_cast %get3A_605 : i32 to index
    %get3A_607 = arith.constant 32 : index
    %get3A_608 = tpu.vector_load %arg4[%get3A_606, %get3A_607] {strides = array<i32>} : memref<32x50xi32, #tpu.memory_space<vmem>>, vector<16xi32>,
    %get3A_609 = arith.constant 6 : i32
    %get3A_610 = arith.index_cast %get3A_609 : i32 to index
    %get3A_611 = arith.constant 34 : index
    %get3A_612 = tpu.vector_load %arg4[%get3A_610, %get3A_611] {strides = array<i32>} : memref<32x50xi32, #tpu.memory_space<vmem>>, vector<16xi32>,
    %gt3A_613 = arith.constant 1 : i32
    %gt3A_614 = vector.broadcast %gt3A_613 : i32 to vector<16xi32>
    %gt3A_615 = arith.cmpi sgt, %get3A_600, %gt3A_614 : vector<16xi32>
    %gt3A_616 = arith.constant 1 : i32
    %gt3A_617 = vector.broadcast %gt3A_616 : i32 to vector<16xi32>
    %gt3A_618 = arith.cmpi sgt, %get3A_604, %gt3A_617 : vector<16xi32>
    %gt3A_619 = arith.constant 1 : i32
    %gt3A_620 = vector.broadcast %gt3A_619 : i32 to vector<16xi32>
    %gt3A_621 = arith.cmpi sgt, %get3A_608, %gt3A_620 : vector<16xi32>
    %gt3A_622 = arith.constant 1 : i32
    %gt3A_623 = vector.broadcast %gt3A_622 : i32 to vector<16xi32>
    %gt3A_624 = arith.cmpi sgt, %get3A_612, %gt3A_623 : vector<16xi32>
    %and3A_625 = arith.andi %gt3A_624, %ge3A_20 : vector<16xi1>
    tpu.vector_store_idx %arg5[%get3A_600], %broadcast_in_dim3A_5 masked %gt3A_615 {add = true} : memref<1024xi32, #tpu.memory_space<vmem>>[vector<16xi32>], vector<16xi32>, vector<16xi1>
    tpu.vector_store_idx %arg5[%get3A_604], %broadcast_in_dim3A_5 masked %gt3A_618 {add = true} : memref<1024xi32, #tpu.memory_space<vmem>>[vector<16xi32>], vector<16xi32>, vector<16xi1>
    tpu.vector_store_idx %arg5[%get3A_608], %broadcast_in_dim3A_5 masked %gt3A_621 {add = true} : memref<1024xi32, #tpu.memory_space<vmem>>[vector<16xi32>], vector<16xi32>, vector<16xi1>
    tpu.vector_store_idx %arg5[%get3A_612], %broadcast_in_dim3A_5 masked %and3A_625 {add = true} : memref<1024xi32, #tpu.memory_space<vmem>>[vector<16xi32>], vector<16xi32>, vector<16xi1>
    %gather3A_626 = tpu.vector_load_idx %arg5[%get3A_600] : memref<1024xi32, #tpu.memory_space<vmem>>[vector<16xi32>], vector<16xi32>,
    %shift_left3A_627 = arith.constant 10 : i32
    %shift_left3A_628 = vector.broadcast %shift_left3A_627 : i32 to vector<16xi32>
    %shift_left3A_629 = arith.shli %gather3A_626, %shift_left3A_628 : vector<16xi32>
    %sub3A_630 = arith.constant 1023 : i32
    %sub3A_631 = vector.broadcast %sub3A_630 : i32 to vector<16xi32>
    %sub3A_632 = arith.subi %sub3A_631, %get3A_600 : vector<16xi32>
    %or3A_633 = arith.ori %shift_left3A_629, %sub3A_632 : vector<16xi32>
    %jit3A_634 = arith.constant 0 : i32
    %broadcast_in_dim3A_635 = vector.broadcast %jit3A_634 : i32 to vector<16xi32>
    %select_n3A_636 = arith.select %gt3A_615, %or3A_633, %broadcast_in_dim3A_635 : vector<16xi1>, vector<16xi32>
    %max3A_637 = arith.maxsi %broadcast_in_dim3A_3, %select_n3A_636 : vector<16xi32>
    tpu.vector_store_idx %arg5[%get3A_600], %broadcast_in_dim3A_3 masked %gt3A_615 : memref<1024xi32, #tpu.memory_space<vmem>>[vector<16xi32>], vector<16xi32>, vector<16xi1>
    %gather3A_638 = tpu.vector_load_idx %arg5[%get3A_604] : memref<1024xi32, #tpu.memory_space<vmem>>[vector<16xi32>], vector<16xi32>,
    %shift_left3A_639 = arith.constant 10 : i32
    %shift_left3A_640 = vector.broadcast %shift_left3A_639 : i32 to vector<16xi32>
    %shift_left3A_641 = arith.shli %gather3A_638, %shift_left3A_640 : vector<16xi32>
    %sub3A_642 = arith.constant 1023 : i32
    %sub3A_643 = vector.broadcast %sub3A_642 : i32 to vector<16xi32>
    %sub3A_644 = arith.subi %sub3A_643, %get3A_604 : vector<16xi32>
    %or3A_645 = arith.ori %shift_left3A_641, %sub3A_644 : vector<16xi32>
    %jit3A_646 = arith.constant 0 : i32
    %broadcast_in_dim3A_647 = vector.broadcast %jit3A_646 : i32 to vector<16xi32>
    %select_n3A_648 = arith.select %gt3A_618, %or3A_645, %broadcast_in_dim3A_647 : vector<16xi1>, vector<16xi32>
    %max3A_649 = arith.maxsi %max3A_637, %select_n3A_648 : vector<16xi32>
    tpu.vector_store_idx %arg5[%get3A_604], %broadcast_in_dim3A_3 masked %gt3A_618 : memref<1024xi32, #tpu.memory_space<vmem>>[vector<16xi32>], vector<16xi32>, vector<16xi1>
    %gather3A_650 = tpu.vector_load_idx %arg5[%get3A_608] : memref<1024xi32, #tpu.memory_space<vmem>>[vector<16xi32>], vector<16xi32>,
    %shift_left3A_651 = arith.constant 10 : i32
    %shift_left3A_652 = vector.broadcast %shift_left3A_651 : i32 to vector<16xi32>
    %shift_left3A_653 = arith.shli %gather3A_650, %shift_left3A_652 : vector<16xi32>
    %sub3A_654 = arith.constant 1023 : i32
    %sub3A_655 = vector.broadcast %sub3A_654 : i32 to vector<16xi32>
    %sub3A_656 = arith.subi %sub3A_655, %get3A_608 : vector<16xi32>
    %or3A_657 = arith.ori %shift_left3A_653, %sub3A_656 : vector<16xi32>
    %jit3A_658 = arith.constant 0 : i32
    %broadcast_in_dim3A_659 = vector.broadcast %jit3A_658 : i32 to vector<16xi32>
    %select_n3A_660 = arith.select %gt3A_621, %or3A_657, %broadcast_in_dim3A_659 : vector<16xi1>, vector<16xi32>
    %max3A_661 = arith.maxsi %max3A_649, %select_n3A_660 : vector<16xi32>
    tpu.vector_store_idx %arg5[%get3A_608], %broadcast_in_dim3A_3 masked %gt3A_621 : memref<1024xi32, #tpu.memory_space<vmem>>[vector<16xi32>], vector<16xi32>, vector<16xi1>
    %gather3A_662 = tpu.vector_load_idx %arg5[%get3A_612] : memref<1024xi32, #tpu.memory_space<vmem>>[vector<16xi32>], vector<16xi32>,
    %shift_left3A_663 = arith.constant 10 : i32
    %shift_left3A_664 = vector.broadcast %shift_left3A_663 : i32 to vector<16xi32>
    %shift_left3A_665 = arith.shli %gather3A_662, %shift_left3A_664 : vector<16xi32>
    %sub3A_666 = arith.constant 1023 : i32
    %sub3A_667 = vector.broadcast %sub3A_666 : i32 to vector<16xi32>
    %sub3A_668 = arith.subi %sub3A_667, %get3A_612 : vector<16xi32>
    %or3A_669 = arith.ori %shift_left3A_665, %sub3A_668 : vector<16xi32>
    %jit3A_670 = arith.constant 0 : i32
    %broadcast_in_dim3A_671 = vector.broadcast %jit3A_670 : i32 to vector<16xi32>
    %select_n3A_672 = arith.select %and3A_625, %or3A_669, %broadcast_in_dim3A_671 : vector<16xi1>, vector<16xi32>
    %max3A_673 = arith.maxsi %max3A_661, %select_n3A_672 : vector<16xi32>
    tpu.vector_store_idx %arg5[%get3A_612], %broadcast_in_dim3A_3 masked %and3A_625 : memref<1024xi32, #tpu.memory_space<vmem>>[vector<16xi32>], vector<16xi32>, vector<16xi1>
    %reduce_max3A_674 = arith.constant true
    %reduce_max3A_675 = vector.broadcast %reduce_max3A_674 : i1 to vector<16xi1>
    %reduce_max3A_676 = arith.constant -2147483648 : i32
    %reduce_max3A_677 = vector.broadcast %reduce_max3A_676 : i32 to vector<16xi32>
    %reduce_max3A_678 = arith.xori %max3A_673, %reduce_max3A_677 : vector<16xi32>
    %reduce_max3A_679 = tpu.scan <max>, %reduce_max3A_678 masked %reduce_max3A_675 : vector<16xi32>, vector<16xi1> -> vector<16xi32>
    %reduce_max3A_680 = arith.xori %reduce_max3A_679, %reduce_max3A_677 : vector<16xi32>
    %reduce_max3A_681 = vector.extract %reduce_max3A_680[15] : i32 from vector<16xi32>
    %shift_right_arithmetic3A_682 = arith.constant 10 : i32
    %shift_right_arithmetic3A_683 = arith.shrsi %reduce_max3A_681, %shift_right_arithmetic3A_682 : i32
    %gt3A_684 = arith.constant 0 : i32
    %gt3A_685 = arith.cmpi sgt, %shift_right_arithmetic3A_683, %gt3A_684 : i32
    %and3A_686 = arith.constant 1023 : i32
    %and3A_687 = arith.andi %reduce_max3A_681, %and3A_686 : i32
    %sub3A_688 = arith.constant 1023 : i32
    %sub3A_689 = arith.subi %sub3A_688, %and3A_687 : i32
    %jit3A_690 = arith.constant 1 : i32
    %select_n3A_691 = arith.select %gt3A_685, %sub3A_689, %jit3A_690 : i32
    %broadcast_in_dim3A_692 = arith.constant 6 : i32
    %broadcast_in_dim3A_693 = vector.broadcast %broadcast_in_dim3A_692 : i32 to vector<16xi32>
    %broadcast_in_dim3A_694 = vector.broadcast %select_n3A_691 : i32 to vector<16xi32>
    tpu.vector_store_idx %arg6[%broadcast_in_dim3A_693], %broadcast_in_dim3A_694 masked %eq3A_7 : memref<32xi32, #tpu.memory_space<vmem>>[vector<16xi32>], vector<16xi32>, vector<16xi1>
    %get3A_695 = arith.constant 7 : i32
    %get3A_696 = arith.index_cast %get3A_695 : i32 to index
    %get3A_697 = arith.constant 0 : index
    %get3A_698 = tpu.vector_load %arg4[%get3A_696, %get3A_697] {strides = array<i32>} : memref<32x50xi32, #tpu.memory_space<vmem>>, vector<16xi32>,
    %get3A_699 = arith.constant 7 : i32
    %get3A_700 = arith.index_cast %get3A_699 : i32 to index
    %get3A_701 = arith.constant 16 : index
    %get3A_702 = tpu.vector_load %arg4[%get3A_700, %get3A_701] {strides = array<i32>} : memref<32x50xi32, #tpu.memory_space<vmem>>, vector<16xi32>,
    %get3A_703 = arith.constant 7 : i32
    %get3A_704 = arith.index_cast %get3A_703 : i32 to index
    %get3A_705 = arith.constant 32 : index
    %get3A_706 = tpu.vector_load %arg4[%get3A_704, %get3A_705] {strides = array<i32>} : memref<32x50xi32, #tpu.memory_space<vmem>>, vector<16xi32>,
    %get3A_707 = arith.constant 7 : i32
    %get3A_708 = arith.index_cast %get3A_707 : i32 to index
    %get3A_709 = arith.constant 34 : index
    %get3A_710 = tpu.vector_load %arg4[%get3A_708, %get3A_709] {strides = array<i32>} : memref<32x50xi32, #tpu.memory_space<vmem>>, vector<16xi32>,
    %gt3A_711 = arith.constant 1 : i32
    %gt3A_712 = vector.broadcast %gt3A_711 : i32 to vector<16xi32>
    %gt3A_713 = arith.cmpi sgt, %get3A_698, %gt3A_712 : vector<16xi32>
    %gt3A_714 = arith.constant 1 : i32
    %gt3A_715 = vector.broadcast %gt3A_714 : i32 to vector<16xi32>
    %gt3A_716 = arith.cmpi sgt, %get3A_702, %gt3A_715 : vector<16xi32>
    %gt3A_717 = arith.constant 1 : i32
    %gt3A_718 = vector.broadcast %gt3A_717 : i32 to vector<16xi32>
    %gt3A_719 = arith.cmpi sgt, %get3A_706, %gt3A_718 : vector<16xi32>
    %gt3A_720 = arith.constant 1 : i32
    %gt3A_721 = vector.broadcast %gt3A_720 : i32 to vector<16xi32>
    %gt3A_722 = arith.cmpi sgt, %get3A_710, %gt3A_721 : vector<16xi32>
    %and3A_723 = arith.andi %gt3A_722, %ge3A_20 : vector<16xi1>
    tpu.vector_store_idx %arg5[%get3A_698], %broadcast_in_dim3A_5 masked %gt3A_713 {add = true} : memref<1024xi32, #tpu.memory_space<vmem>>[vector<16xi32>], vector<16xi32>, vector<16xi1>
    tpu.vector_store_idx %arg5[%get3A_702], %broadcast_in_dim3A_5 masked %gt3A_716 {add = true} : memref<1024xi32, #tpu.memory_space<vmem>>[vector<16xi32>], vector<16xi32>, vector<16xi1>
    tpu.vector_store_idx %arg5[%get3A_706], %broadcast_in_dim3A_5 masked %gt3A_719 {add = true} : memref<1024xi32, #tpu.memory_space<vmem>>[vector<16xi32>], vector<16xi32>, vector<16xi1>
    tpu.vector_store_idx %arg5[%get3A_710], %broadcast_in_dim3A_5 masked %and3A_723 {add = true} : memref<1024xi32, #tpu.memory_space<vmem>>[vector<16xi32>], vector<16xi32>, vector<16xi1>
    %gather3A_724 = tpu.vector_load_idx %arg5[%get3A_698] : memref<1024xi32, #tpu.memory_space<vmem>>[vector<16xi32>], vector<16xi32>,
    %shift_left3A_725 = arith.constant 10 : i32
    %shift_left3A_726 = vector.broadcast %shift_left3A_725 : i32 to vector<16xi32>
    %shift_left3A_727 = arith.shli %gather3A_724, %shift_left3A_726 : vector<16xi32>
    %sub3A_728 = arith.constant 1023 : i32
    %sub3A_729 = vector.broadcast %sub3A_728 : i32 to vector<16xi32>
    %sub3A_730 = arith.subi %sub3A_729, %get3A_698 : vector<16xi32>
    %or3A_731 = arith.ori %shift_left3A_727, %sub3A_730 : vector<16xi32>
    %jit3A_732 = arith.constant 0 : i32
    %broadcast_in_dim3A_733 = vector.broadcast %jit3A_732 : i32 to vector<16xi32>
    %select_n3A_734 = arith.select %gt3A_713, %or3A_731, %broadcast_in_dim3A_733 : vector<16xi1>, vector<16xi32>
    %max3A_735 = arith.maxsi %broadcast_in_dim3A_3, %select_n3A_734 : vector<16xi32>
    tpu.vector_store_idx %arg5[%get3A_698], %broadcast_in_dim3A_3 masked %gt3A_713 : memref<1024xi32, #tpu.memory_space<vmem>>[vector<16xi32>], vector<16xi32>, vector<16xi1>
    %gather3A_736 = tpu.vector_load_idx %arg5[%get3A_702] : memref<1024xi32, #tpu.memory_space<vmem>>[vector<16xi32>], vector<16xi32>,
    %shift_left3A_737 = arith.constant 10 : i32
    %shift_left3A_738 = vector.broadcast %shift_left3A_737 : i32 to vector<16xi32>
    %shift_left3A_739 = arith.shli %gather3A_736, %shift_left3A_738 : vector<16xi32>
    %sub3A_740 = arith.constant 1023 : i32
    %sub3A_741 = vector.broadcast %sub3A_740 : i32 to vector<16xi32>
    %sub3A_742 = arith.subi %sub3A_741, %get3A_702 : vector<16xi32>
    %or3A_743 = arith.ori %shift_left3A_739, %sub3A_742 : vector<16xi32>
    %jit3A_744 = arith.constant 0 : i32
    %broadcast_in_dim3A_745 = vector.broadcast %jit3A_744 : i32 to vector<16xi32>
    %select_n3A_746 = arith.select %gt3A_716, %or3A_743, %broadcast_in_dim3A_745 : vector<16xi1>, vector<16xi32>
    %max3A_747 = arith.maxsi %max3A_735, %select_n3A_746 : vector<16xi32>
    tpu.vector_store_idx %arg5[%get3A_702], %broadcast_in_dim3A_3 masked %gt3A_716 : memref<1024xi32, #tpu.memory_space<vmem>>[vector<16xi32>], vector<16xi32>, vector<16xi1>
    %gather3A_748 = tpu.vector_load_idx %arg5[%get3A_706] : memref<1024xi32, #tpu.memory_space<vmem>>[vector<16xi32>], vector<16xi32>,
    %shift_left3A_749 = arith.constant 10 : i32
    %shift_left3A_750 = vector.broadcast %shift_left3A_749 : i32 to vector<16xi32>
    %shift_left3A_751 = arith.shli %gather3A_748, %shift_left3A_750 : vector<16xi32>
    %sub3A_752 = arith.constant 1023 : i32
    %sub3A_753 = vector.broadcast %sub3A_752 : i32 to vector<16xi32>
    %sub3A_754 = arith.subi %sub3A_753, %get3A_706 : vector<16xi32>
    %or3A_755 = arith.ori %shift_left3A_751, %sub3A_754 : vector<16xi32>
    %jit3A_756 = arith.constant 0 : i32
    %broadcast_in_dim3A_757 = vector.broadcast %jit3A_756 : i32 to vector<16xi32>
    %select_n3A_758 = arith.select %gt3A_719, %or3A_755, %broadcast_in_dim3A_757 : vector<16xi1>, vector<16xi32>
    %max3A_759 = arith.maxsi %max3A_747, %select_n3A_758 : vector<16xi32>
    tpu.vector_store_idx %arg5[%get3A_706], %broadcast_in_dim3A_3 masked %gt3A_719 : memref<1024xi32, #tpu.memory_space<vmem>>[vector<16xi32>], vector<16xi32>, vector<16xi1>
    %gather3A_760 = tpu.vector_load_idx %arg5[%get3A_710] : memref<1024xi32, #tpu.memory_space<vmem>>[vector<16xi32>], vector<16xi32>,
    %shift_left3A_761 = arith.constant 10 : i32
    %shift_left3A_762 = vector.broadcast %shift_left3A_761 : i32 to vector<16xi32>
    %shift_left3A_763 = arith.shli %gather3A_760, %shift_left3A_762 : vector<16xi32>
    %sub3A_764 = arith.constant 1023 : i32
    %sub3A_765 = vector.broadcast %sub3A_764 : i32 to vector<16xi32>
    %sub3A_766 = arith.subi %sub3A_765, %get3A_710 : vector<16xi32>
    %or3A_767 = arith.ori %shift_left3A_763, %sub3A_766 : vector<16xi32>
    %jit3A_768 = arith.constant 0 : i32
    %broadcast_in_dim3A_769 = vector.broadcast %jit3A_768 : i32 to vector<16xi32>
    %select_n3A_770 = arith.select %and3A_723, %or3A_767, %broadcast_in_dim3A_769 : vector<16xi1>, vector<16xi32>
    %max3A_771 = arith.maxsi %max3A_759, %select_n3A_770 : vector<16xi32>
    tpu.vector_store_idx %arg5[%get3A_710], %broadcast_in_dim3A_3 masked %and3A_723 : memref<1024xi32, #tpu.memory_space<vmem>>[vector<16xi32>], vector<16xi32>, vector<16xi1>
    %reduce_max3A_772 = arith.constant true
    %reduce_max3A_773 = vector.broadcast %reduce_max3A_772 : i1 to vector<16xi1>
    %reduce_max3A_774 = arith.constant -2147483648 : i32
    %reduce_max3A_775 = vector.broadcast %reduce_max3A_774 : i32 to vector<16xi32>
    %reduce_max3A_776 = arith.xori %max3A_771, %reduce_max3A_775 : vector<16xi32>
    %reduce_max3A_777 = tpu.scan <max>, %reduce_max3A_776 masked %reduce_max3A_773 : vector<16xi32>, vector<16xi1> -> vector<16xi32>
    %reduce_max3A_778 = arith.xori %reduce_max3A_777, %reduce_max3A_775 : vector<16xi32>
    %reduce_max3A_779 = vector.extract %reduce_max3A_778[15] : i32 from vector<16xi32>
    %shift_right_arithmetic3A_780 = arith.constant 10 : i32
    %shift_right_arithmetic3A_781 = arith.shrsi %reduce_max3A_779, %shift_right_arithmetic3A_780 : i32
    %gt3A_782 = arith.constant 0 : i32
    %gt3A_783 = arith.cmpi sgt, %shift_right_arithmetic3A_781, %gt3A_782 : i32
    %and3A_784 = arith.constant 1023 : i32
    %and3A_785 = arith.andi %reduce_max3A_779, %and3A_784 : i32
    %sub3A_786 = arith.constant 1023 : i32
    %sub3A_787 = arith.subi %sub3A_786, %and3A_785 : i32
    %jit3A_788 = arith.constant 1 : i32
    %select_n3A_789 = arith.select %gt3A_783, %sub3A_787, %jit3A_788 : i32
    %broadcast_in_dim3A_790 = arith.constant 7 : i32
    %broadcast_in_dim3A_791 = vector.broadcast %broadcast_in_dim3A_790 : i32 to vector<16xi32>
    %broadcast_in_dim3A_792 = vector.broadcast %select_n3A_789 : i32 to vector<16xi32>
    tpu.vector_store_idx %arg6[%broadcast_in_dim3A_791], %broadcast_in_dim3A_792 masked %eq3A_7 : memref<32xi32, #tpu.memory_space<vmem>>[vector<16xi32>], vector<16xi32>, vector<16xi1>
    %get3A_793 = arith.constant 8 : i32
    %get3A_794 = arith.index_cast %get3A_793 : i32 to index
    %get3A_795 = arith.constant 0 : index
    %get3A_796 = tpu.vector_load %arg4[%get3A_794, %get3A_795] {strides = array<i32>} : memref<32x50xi32, #tpu.memory_space<vmem>>, vector<16xi32>,
    %get3A_797 = arith.constant 8 : i32
    %get3A_798 = arith.index_cast %get3A_797 : i32 to index
    %get3A_799 = arith.constant 16 : index
    %get3A_800 = tpu.vector_load %arg4[%get3A_798, %get3A_799] {strides = array<i32>} : memref<32x50xi32, #tpu.memory_space<vmem>>, vector<16xi32>,
    %get3A_801 = arith.constant 8 : i32
    %get3A_802 = arith.index_cast %get3A_801 : i32 to index
    %get3A_803 = arith.constant 32 : index
    %get3A_804 = tpu.vector_load %arg4[%get3A_802, %get3A_803] {strides = array<i32>} : memref<32x50xi32, #tpu.memory_space<vmem>>, vector<16xi32>,
    %get3A_805 = arith.constant 8 : i32
    %get3A_806 = arith.index_cast %get3A_805 : i32 to index
    %get3A_807 = arith.constant 34 : index
    %get3A_808 = tpu.vector_load %arg4[%get3A_806, %get3A_807] {strides = array<i32>} : memref<32x50xi32, #tpu.memory_space<vmem>>, vector<16xi32>,
    %gt3A_809 = arith.constant 1 : i32
    %gt3A_810 = vector.broadcast %gt3A_809 : i32 to vector<16xi32>
    %gt3A_811 = arith.cmpi sgt, %get3A_796, %gt3A_810 : vector<16xi32>
    %gt3A_812 = arith.constant 1 : i32
    %gt3A_813 = vector.broadcast %gt3A_812 : i32 to vector<16xi32>
    %gt3A_814 = arith.cmpi sgt, %get3A_800, %gt3A_813 : vector<16xi32>
    %gt3A_815 = arith.constant 1 : i32
    %gt3A_816 = vector.broadcast %gt3A_815 : i32 to vector<16xi32>
    %gt3A_817 = arith.cmpi sgt, %get3A_804, %gt3A_816 : vector<16xi32>
    %gt3A_818 = arith.constant 1 : i32
    %gt3A_819 = vector.broadcast %gt3A_818 : i32 to vector<16xi32>
    %gt3A_820 = arith.cmpi sgt, %get3A_808, %gt3A_819 : vector<16xi32>
    %and3A_821 = arith.andi %gt3A_820, %ge3A_20 : vector<16xi1>
    tpu.vector_store_idx %arg5[%get3A_796], %broadcast_in_dim3A_5 masked %gt3A_811 {add = true} : memref<1024xi32, #tpu.memory_space<vmem>>[vector<16xi32>], vector<16xi32>, vector<16xi1>
    tpu.vector_store_idx %arg5[%get3A_800], %broadcast_in_dim3A_5 masked %gt3A_814 {add = true} : memref<1024xi32, #tpu.memory_space<vmem>>[vector<16xi32>], vector<16xi32>, vector<16xi1>
    tpu.vector_store_idx %arg5[%get3A_804], %broadcast_in_dim3A_5 masked %gt3A_817 {add = true} : memref<1024xi32, #tpu.memory_space<vmem>>[vector<16xi32>], vector<16xi32>, vector<16xi1>
    tpu.vector_store_idx %arg5[%get3A_808], %broadcast_in_dim3A_5 masked %and3A_821 {add = true} : memref<1024xi32, #tpu.memory_space<vmem>>[vector<16xi32>], vector<16xi32>, vector<16xi1>
    %gather3A_822 = tpu.vector_load_idx %arg5[%get3A_796] : memref<1024xi32, #tpu.memory_space<vmem>>[vector<16xi32>], vector<16xi32>,
    %shift_left3A_823 = arith.constant 10 : i32
    %shift_left3A_824 = vector.broadcast %shift_left3A_823 : i32 to vector<16xi32>
    %shift_left3A_825 = arith.shli %gather3A_822, %shift_left3A_824 : vector<16xi32>
    %sub3A_826 = arith.constant 1023 : i32
    %sub3A_827 = vector.broadcast %sub3A_826 : i32 to vector<16xi32>
    %sub3A_828 = arith.subi %sub3A_827, %get3A_796 : vector<16xi32>
    %or3A_829 = arith.ori %shift_left3A_825, %sub3A_828 : vector<16xi32>
    %jit3A_830 = arith.constant 0 : i32
    %broadcast_in_dim3A_831 = vector.broadcast %jit3A_830 : i32 to vector<16xi32>
    %select_n3A_832 = arith.select %gt3A_811, %or3A_829, %broadcast_in_dim3A_831 : vector<16xi1>, vector<16xi32>
    %max3A_833 = arith.maxsi %broadcast_in_dim3A_3, %select_n3A_832 : vector<16xi32>
    tpu.vector_store_idx %arg5[%get3A_796], %broadcast_in_dim3A_3 masked %gt3A_811 : memref<1024xi32, #tpu.memory_space<vmem>>[vector<16xi32>], vector<16xi32>, vector<16xi1>
    %gather3A_834 = tpu.vector_load_idx %arg5[%get3A_800] : memref<1024xi32, #tpu.memory_space<vmem>>[vector<16xi32>], vector<16xi32>,
    %shift_left3A_835 = arith.constant 10 : i32
    %shift_left3A_836 = vector.broadcast %shift_left3A_835 : i32 to vector<16xi32>
    %shift_left3A_837 = arith.shli %gather3A_834, %shift_left3A_836 : vector<16xi32>
    %sub3A_838 = arith.constant 1023 : i32
    %sub3A_839 = vector.broadcast %sub3A_838 : i32 to vector<16xi32>
    %sub3A_840 = arith.subi %sub3A_839, %get3A_800 : vector<16xi32>
    %or3A_841 = arith.ori %shift_left3A_837, %sub3A_840 : vector<16xi32>
    %jit3A_842 = arith.constant 0 : i32
    %broadcast_in_dim3A_843 = vector.broadcast %jit3A_842 : i32 to vector<16xi32>
    %select_n3A_844 = arith.select %gt3A_814, %or3A_841, %broadcast_in_dim3A_843 : vector<16xi1>, vector<16xi32>
    %max3A_845 = arith.maxsi %max3A_833, %select_n3A_844 : vector<16xi32>
    tpu.vector_store_idx %arg5[%get3A_800], %broadcast_in_dim3A_3 masked %gt3A_814 : memref<1024xi32, #tpu.memory_space<vmem>>[vector<16xi32>], vector<16xi32>, vector<16xi1>
    %gather3A_846 = tpu.vector_load_idx %arg5[%get3A_804] : memref<1024xi32, #tpu.memory_space<vmem>>[vector<16xi32>], vector<16xi32>,
    %shift_left3A_847 = arith.constant 10 : i32
    %shift_left3A_848 = vector.broadcast %shift_left3A_847 : i32 to vector<16xi32>
    %shift_left3A_849 = arith.shli %gather3A_846, %shift_left3A_848 : vector<16xi32>
    %sub3A_850 = arith.constant 1023 : i32
    %sub3A_851 = vector.broadcast %sub3A_850 : i32 to vector<16xi32>
    %sub3A_852 = arith.subi %sub3A_851, %get3A_804 : vector<16xi32>
    %or3A_853 = arith.ori %shift_left3A_849, %sub3A_852 : vector<16xi32>
    %jit3A_854 = arith.constant 0 : i32
    %broadcast_in_dim3A_855 = vector.broadcast %jit3A_854 : i32 to vector<16xi32>
    %select_n3A_856 = arith.select %gt3A_817, %or3A_853, %broadcast_in_dim3A_855 : vector<16xi1>, vector<16xi32>
    %max3A_857 = arith.maxsi %max3A_845, %select_n3A_856 : vector<16xi32>
    tpu.vector_store_idx %arg5[%get3A_804], %broadcast_in_dim3A_3 masked %gt3A_817 : memref<1024xi32, #tpu.memory_space<vmem>>[vector<16xi32>], vector<16xi32>, vector<16xi1>
    %gather3A_858 = tpu.vector_load_idx %arg5[%get3A_808] : memref<1024xi32, #tpu.memory_space<vmem>>[vector<16xi32>], vector<16xi32>,
    %shift_left3A_859 = arith.constant 10 : i32
    %shift_left3A_860 = vector.broadcast %shift_left3A_859 : i32 to vector<16xi32>
    %shift_left3A_861 = arith.shli %gather3A_858, %shift_left3A_860 : vector<16xi32>
    %sub3A_862 = arith.constant 1023 : i32
    %sub3A_863 = vector.broadcast %sub3A_862 : i32 to vector<16xi32>
    %sub3A_864 = arith.subi %sub3A_863, %get3A_808 : vector<16xi32>
    %or3A_865 = arith.ori %shift_left3A_861, %sub3A_864 : vector<16xi32>
    %jit3A_866 = arith.constant 0 : i32
    %broadcast_in_dim3A_867 = vector.broadcast %jit3A_866 : i32 to vector<16xi32>
    %select_n3A_868 = arith.select %and3A_821, %or3A_865, %broadcast_in_dim3A_867 : vector<16xi1>, vector<16xi32>
    %max3A_869 = arith.maxsi %max3A_857, %select_n3A_868 : vector<16xi32>
    tpu.vector_store_idx %arg5[%get3A_808], %broadcast_in_dim3A_3 masked %and3A_821 : memref<1024xi32, #tpu.memory_space<vmem>>[vector<16xi32>], vector<16xi32>, vector<16xi1>
    %reduce_max3A_870 = arith.constant true
    %reduce_max3A_871 = vector.broadcast %reduce_max3A_870 : i1 to vector<16xi1>
    %reduce_max3A_872 = arith.constant -2147483648 : i32
    %reduce_max3A_873 = vector.broadcast %reduce_max3A_872 : i32 to vector<16xi32>
    %reduce_max3A_874 = arith.xori %max3A_869, %reduce_max3A_873 : vector<16xi32>
    %reduce_max3A_875 = tpu.scan <max>, %reduce_max3A_874 masked %reduce_max3A_871 : vector<16xi32>, vector<16xi1> -> vector<16xi32>
    %reduce_max3A_876 = arith.xori %reduce_max3A_875, %reduce_max3A_873 : vector<16xi32>
    %reduce_max3A_877 = vector.extract %reduce_max3A_876[15] : i32 from vector<16xi32>
    %shift_right_arithmetic3A_878 = arith.constant 10 : i32
    %shift_right_arithmetic3A_879 = arith.shrsi %reduce_max3A_877, %shift_right_arithmetic3A_878 : i32
    %gt3A_880 = arith.constant 0 : i32
    %gt3A_881 = arith.cmpi sgt, %shift_right_arithmetic3A_879, %gt3A_880 : i32
    %and3A_882 = arith.constant 1023 : i32
    %and3A_883 = arith.andi %reduce_max3A_877, %and3A_882 : i32
    %sub3A_884 = arith.constant 1023 : i32
    %sub3A_885 = arith.subi %sub3A_884, %and3A_883 : i32
    %jit3A_886 = arith.constant 1 : i32
    %select_n3A_887 = arith.select %gt3A_881, %sub3A_885, %jit3A_886 : i32
    %broadcast_in_dim3A_888 = arith.constant 8 : i32
    %broadcast_in_dim3A_889 = vector.broadcast %broadcast_in_dim3A_888 : i32 to vector<16xi32>
    %broadcast_in_dim3A_890 = vector.broadcast %select_n3A_887 : i32 to vector<16xi32>
    tpu.vector_store_idx %arg6[%broadcast_in_dim3A_889], %broadcast_in_dim3A_890 masked %eq3A_7 : memref<32xi32, #tpu.memory_space<vmem>>[vector<16xi32>], vector<16xi32>, vector<16xi1>
    %get3A_891 = arith.constant 9 : i32
    %get3A_892 = arith.index_cast %get3A_891 : i32 to index
    %get3A_893 = arith.constant 0 : index
    %get3A_894 = tpu.vector_load %arg4[%get3A_892, %get3A_893] {strides = array<i32>} : memref<32x50xi32, #tpu.memory_space<vmem>>, vector<16xi32>,
    %get3A_895 = arith.constant 9 : i32
    %get3A_896 = arith.index_cast %get3A_895 : i32 to index
    %get3A_897 = arith.constant 16 : index
    %get3A_898 = tpu.vector_load %arg4[%get3A_896, %get3A_897] {strides = array<i32>} : memref<32x50xi32, #tpu.memory_space<vmem>>, vector<16xi32>,
    %get3A_899 = arith.constant 9 : i32
    %get3A_900 = arith.index_cast %get3A_899 : i32 to index
    %get3A_901 = arith.constant 32 : index
    %get3A_902 = tpu.vector_load %arg4[%get3A_900, %get3A_901] {strides = array<i32>} : memref<32x50xi32, #tpu.memory_space<vmem>>, vector<16xi32>,
    %get3A_903 = arith.constant 9 : i32
    %get3A_904 = arith.index_cast %get3A_903 : i32 to index
    %get3A_905 = arith.constant 34 : index
    %get3A_906 = tpu.vector_load %arg4[%get3A_904, %get3A_905] {strides = array<i32>} : memref<32x50xi32, #tpu.memory_space<vmem>>, vector<16xi32>,
    %gt3A_907 = arith.constant 1 : i32
    %gt3A_908 = vector.broadcast %gt3A_907 : i32 to vector<16xi32>
    %gt3A_909 = arith.cmpi sgt, %get3A_894, %gt3A_908 : vector<16xi32>
    %gt3A_910 = arith.constant 1 : i32
    %gt3A_911 = vector.broadcast %gt3A_910 : i32 to vector<16xi32>
    %gt3A_912 = arith.cmpi sgt, %get3A_898, %gt3A_911 : vector<16xi32>
    %gt3A_913 = arith.constant 1 : i32
    %gt3A_914 = vector.broadcast %gt3A_913 : i32 to vector<16xi32>
    %gt3A_915 = arith.cmpi sgt, %get3A_902, %gt3A_914 : vector<16xi32>
    %gt3A_916 = arith.constant 1 : i32
    %gt3A_917 = vector.broadcast %gt3A_916 : i32 to vector<16xi32>
    %gt3A_918 = arith.cmpi sgt, %get3A_906, %gt3A_917 : vector<16xi32>
    %and3A_919 = arith.andi %gt3A_918, %ge3A_20 : vector<16xi1>
    tpu.vector_store_idx %arg5[%get3A_894], %broadcast_in_dim3A_5 masked %gt3A_909 {add = true} : memref<1024xi32, #tpu.memory_space<vmem>>[vector<16xi32>], vector<16xi32>, vector<16xi1>
    tpu.vector_store_idx %arg5[%get3A_898], %broadcast_in_dim3A_5 masked %gt3A_912 {add = true} : memref<1024xi32, #tpu.memory_space<vmem>>[vector<16xi32>], vector<16xi32>, vector<16xi1>
    tpu.vector_store_idx %arg5[%get3A_902], %broadcast_in_dim3A_5 masked %gt3A_915 {add = true} : memref<1024xi32, #tpu.memory_space<vmem>>[vector<16xi32>], vector<16xi32>, vector<16xi1>
    tpu.vector_store_idx %arg5[%get3A_906], %broadcast_in_dim3A_5 masked %and3A_919 {add = true} : memref<1024xi32, #tpu.memory_space<vmem>>[vector<16xi32>], vector<16xi32>, vector<16xi1>
    %gather3A_920 = tpu.vector_load_idx %arg5[%get3A_894] : memref<1024xi32, #tpu.memory_space<vmem>>[vector<16xi32>], vector<16xi32>,
    %shift_left3A_921 = arith.constant 10 : i32
    %shift_left3A_922 = vector.broadcast %shift_left3A_921 : i32 to vector<16xi32>
    %shift_left3A_923 = arith.shli %gather3A_920, %shift_left3A_922 : vector<16xi32>
    %sub3A_924 = arith.constant 1023 : i32
    %sub3A_925 = vector.broadcast %sub3A_924 : i32 to vector<16xi32>
    %sub3A_926 = arith.subi %sub3A_925, %get3A_894 : vector<16xi32>
    %or3A_927 = arith.ori %shift_left3A_923, %sub3A_926 : vector<16xi32>
    %jit3A_928 = arith.constant 0 : i32
    %broadcast_in_dim3A_929 = vector.broadcast %jit3A_928 : i32 to vector<16xi32>
    %select_n3A_930 = arith.select %gt3A_909, %or3A_927, %broadcast_in_dim3A_929 : vector<16xi1>, vector<16xi32>
    %max3A_931 = arith.maxsi %broadcast_in_dim3A_3, %select_n3A_930 : vector<16xi32>
    tpu.vector_store_idx %arg5[%get3A_894], %broadcast_in_dim3A_3 masked %gt3A_909 : memref<1024xi32, #tpu.memory_space<vmem>>[vector<16xi32>], vector<16xi32>, vector<16xi1>
    %gather3A_932 = tpu.vector_load_idx %arg5[%get3A_898] : memref<1024xi32, #tpu.memory_space<vmem>>[vector<16xi32>], vector<16xi32>,
    %shift_left3A_933 = arith.constant 10 : i32
    %shift_left3A_934 = vector.broadcast %shift_left3A_933 : i32 to vector<16xi32>
    %shift_left3A_935 = arith.shli %gather3A_932, %shift_left3A_934 : vector<16xi32>
    %sub3A_936 = arith.constant 1023 : i32
    %sub3A_937 = vector.broadcast %sub3A_936 : i32 to vector<16xi32>
    %sub3A_938 = arith.subi %sub3A_937, %get3A_898 : vector<16xi32>
    %or3A_939 = arith.ori %shift_left3A_935, %sub3A_938 : vector<16xi32>
    %jit3A_940 = arith.constant 0 : i32
    %broadcast_in_dim3A_941 = vector.broadcast %jit3A_940 : i32 to vector<16xi32>
    %select_n3A_942 = arith.select %gt3A_912, %or3A_939, %broadcast_in_dim3A_941 : vector<16xi1>, vector<16xi32>
    %max3A_943 = arith.maxsi %max3A_931, %select_n3A_942 : vector<16xi32>
    tpu.vector_store_idx %arg5[%get3A_898], %broadcast_in_dim3A_3 masked %gt3A_912 : memref<1024xi32, #tpu.memory_space<vmem>>[vector<16xi32>], vector<16xi32>, vector<16xi1>
    %gather3A_944 = tpu.vector_load_idx %arg5[%get3A_902] : memref<1024xi32, #tpu.memory_space<vmem>>[vector<16xi32>], vector<16xi32>,
    %shift_left3A_945 = arith.constant 10 : i32
    %shift_left3A_946 = vector.broadcast %shift_left3A_945 : i32 to vector<16xi32>
    %shift_left3A_947 = arith.shli %gather3A_944, %shift_left3A_946 : vector<16xi32>
    %sub3A_948 = arith.constant 1023 : i32
    %sub3A_949 = vector.broadcast %sub3A_948 : i32 to vector<16xi32>
    %sub3A_950 = arith.subi %sub3A_949, %get3A_902 : vector<16xi32>
    %or3A_951 = arith.ori %shift_left3A_947, %sub3A_950 : vector<16xi32>
    %jit3A_952 = arith.constant 0 : i32
    %broadcast_in_dim3A_953 = vector.broadcast %jit3A_952 : i32 to vector<16xi32>
    %select_n3A_954 = arith.select %gt3A_915, %or3A_951, %broadcast_in_dim3A_953 : vector<16xi1>, vector<16xi32>
    %max3A_955 = arith.maxsi %max3A_943, %select_n3A_954 : vector<16xi32>
    tpu.vector_store_idx %arg5[%get3A_902], %broadcast_in_dim3A_3 masked %gt3A_915 : memref<1024xi32, #tpu.memory_space<vmem>>[vector<16xi32>], vector<16xi32>, vector<16xi1>
    %gather3A_956 = tpu.vector_load_idx %arg5[%get3A_906] : memref<1024xi32, #tpu.memory_space<vmem>>[vector<16xi32>], vector<16xi32>,
    %shift_left3A_957 = arith.constant 10 : i32
    %shift_left3A_958 = vector.broadcast %shift_left3A_957 : i32 to vector<16xi32>
    %shift_left3A_959 = arith.shli %gather3A_956, %shift_left3A_958 : vector<16xi32>
    %sub3A_960 = arith.constant 1023 : i32
    %sub3A_961 = vector.broadcast %sub3A_960 : i32 to vector<16xi32>
    %sub3A_962 = arith.subi %sub3A_961, %get3A_906 : vector<16xi32>
    %or3A_963 = arith.ori %shift_left3A_959, %sub3A_962 : vector<16xi32>
    %jit3A_964 = arith.constant 0 : i32
    %broadcast_in_dim3A_965 = vector.broadcast %jit3A_964 : i32 to vector<16xi32>
    %select_n3A_966 = arith.select %and3A_919, %or3A_963, %broadcast_in_dim3A_965 : vector<16xi1>, vector<16xi32>
    %max3A_967 = arith.maxsi %max3A_955, %select_n3A_966 : vector<16xi32>
    tpu.vector_store_idx %arg5[%get3A_906], %broadcast_in_dim3A_3 masked %and3A_919 : memref<1024xi32, #tpu.memory_space<vmem>>[vector<16xi32>], vector<16xi32>, vector<16xi1>
    %reduce_max3A_968 = arith.constant true
    %reduce_max3A_969 = vector.broadcast %reduce_max3A_968 : i1 to vector<16xi1>
    %reduce_max3A_970 = arith.constant -2147483648 : i32
    %reduce_max3A_971 = vector.broadcast %reduce_max3A_970 : i32 to vector<16xi32>
    %reduce_max3A_972 = arith.xori %max3A_967, %reduce_max3A_971 : vector<16xi32>
    %reduce_max3A_973 = tpu.scan <max>, %reduce_max3A_972 masked %reduce_max3A_969 : vector<16xi32>, vector<16xi1> -> vector<16xi32>
    %reduce_max3A_974 = arith.xori %reduce_max3A_973, %reduce_max3A_971 : vector<16xi32>
    %reduce_max3A_975 = vector.extract %reduce_max3A_974[15] : i32 from vector<16xi32>
    %shift_right_arithmetic3A_976 = arith.constant 10 : i32
    %shift_right_arithmetic3A_977 = arith.shrsi %reduce_max3A_975, %shift_right_arithmetic3A_976 : i32
    %gt3A_978 = arith.constant 0 : i32
    %gt3A_979 = arith.cmpi sgt, %shift_right_arithmetic3A_977, %gt3A_978 : i32
    %and3A_980 = arith.constant 1023 : i32
    %and3A_981 = arith.andi %reduce_max3A_975, %and3A_980 : i32
    %sub3A_982 = arith.constant 1023 : i32
    %sub3A_983 = arith.subi %sub3A_982, %and3A_981 : i32
    %jit3A_984 = arith.constant 1 : i32
    %select_n3A_985 = arith.select %gt3A_979, %sub3A_983, %jit3A_984 : i32
    %broadcast_in_dim3A_986 = arith.constant 9 : i32
    %broadcast_in_dim3A_987 = vector.broadcast %broadcast_in_dim3A_986 : i32 to vector<16xi32>
    %broadcast_in_dim3A_988 = vector.broadcast %select_n3A_985 : i32 to vector<16xi32>
    tpu.vector_store_idx %arg6[%broadcast_in_dim3A_987], %broadcast_in_dim3A_988 masked %eq3A_7 : memref<32xi32, #tpu.memory_space<vmem>>[vector<16xi32>], vector<16xi32>, vector<16xi1>
    %get3A_989 = arith.constant 10 : i32
    %get3A_990 = arith.index_cast %get3A_989 : i32 to index
    %get3A_991 = arith.constant 0 : index
    %get3A_992 = tpu.vector_load %arg4[%get3A_990, %get3A_991] {strides = array<i32>} : memref<32x50xi32, #tpu.memory_space<vmem>>, vector<16xi32>,
    %get3A_993 = arith.constant 10 : i32
    %get3A_994 = arith.index_cast %get3A_993 : i32 to index
    %get3A_995 = arith.constant 16 : index
    %get3A_996 = tpu.vector_load %arg4[%get3A_994, %get3A_995] {strides = array<i32>} : memref<32x50xi32, #tpu.memory_space<vmem>>, vector<16xi32>,
    %get3A_997 = arith.constant 10 : i32
    %get3A_998 = arith.index_cast %get3A_997 : i32 to index
    %get3A_999 = arith.constant 32 : index
    %get3A_1000 = tpu.vector_load %arg4[%get3A_998, %get3A_999] {strides = array<i32>} : memref<32x50xi32, #tpu.memory_space<vmem>>, vector<16xi32>,
    %get3A_1001 = arith.constant 10 : i32
    %get3A_1002 = arith.index_cast %get3A_1001 : i32 to index
    %get3A_1003 = arith.constant 34 : index
    %get3A_1004 = tpu.vector_load %arg4[%get3A_1002, %get3A_1003] {strides = array<i32>} : memref<32x50xi32, #tpu.memory_space<vmem>>, vector<16xi32>,
    %gt3A_1005 = arith.constant 1 : i32
    %gt3A_1006 = vector.broadcast %gt3A_1005 : i32 to vector<16xi32>
    %gt3A_1007 = arith.cmpi sgt, %get3A_992, %gt3A_1006 : vector<16xi32>
    %gt3A_1008 = arith.constant 1 : i32
    %gt3A_1009 = vector.broadcast %gt3A_1008 : i32 to vector<16xi32>
    %gt3A_1010 = arith.cmpi sgt, %get3A_996, %gt3A_1009 : vector<16xi32>
    %gt3A_1011 = arith.constant 1 : i32
    %gt3A_1012 = vector.broadcast %gt3A_1011 : i32 to vector<16xi32>
    %gt3A_1013 = arith.cmpi sgt, %get3A_1000, %gt3A_1012 : vector<16xi32>
    %gt3A_1014 = arith.constant 1 : i32
    %gt3A_1015 = vector.broadcast %gt3A_1014 : i32 to vector<16xi32>
    %gt3A_1016 = arith.cmpi sgt, %get3A_1004, %gt3A_1015 : vector<16xi32>
    %and3A_1017 = arith.andi %gt3A_1016, %ge3A_20 : vector<16xi1>
    tpu.vector_store_idx %arg5[%get3A_992], %broadcast_in_dim3A_5 masked %gt3A_1007 {add = true} : memref<1024xi32, #tpu.memory_space<vmem>>[vector<16xi32>], vector<16xi32>, vector<16xi1>
    tpu.vector_store_idx %arg5[%get3A_996], %broadcast_in_dim3A_5 masked %gt3A_1010 {add = true} : memref<1024xi32, #tpu.memory_space<vmem>>[vector<16xi32>], vector<16xi32>, vector<16xi1>
    tpu.vector_store_idx %arg5[%get3A_1000], %broadcast_in_dim3A_5 masked %gt3A_1013 {add = true} : memref<1024xi32, #tpu.memory_space<vmem>>[vector<16xi32>], vector<16xi32>, vector<16xi1>
    tpu.vector_store_idx %arg5[%get3A_1004], %broadcast_in_dim3A_5 masked %and3A_1017 {add = true} : memref<1024xi32, #tpu.memory_space<vmem>>[vector<16xi32>], vector<16xi32>, vector<16xi1>
    %gather3A_1018 = tpu.vector_load_idx %arg5[%get3A_992] : memref<1024xi32, #tpu.memory_space<vmem>>[vector<16xi32>], vector<16xi32>,
    %shift_left3A_1019 = arith.constant 10 : i32
    %shift_left3A_1020 = vector.broadcast %shift_left3A_1019 : i32 to vector<16xi32>
    %shift_left3A_1021 = arith.shli %gather3A_1018, %shift_left3A_1020 : vector<16xi32>
    %sub3A_1022 = arith.constant 1023 : i32
    %sub3A_1023 = vector.broadcast %sub3A_1022 : i32 to vector<16xi32>
    %sub3A_1024 = arith.subi %sub3A_1023, %get3A_992 : vector<16xi32>
    %or3A_1025 = arith.ori %shift_left3A_1021, %sub3A_1024 : vector<16xi32>
    %jit3A_1026 = arith.constant 0 : i32
    %broadcast_in_dim3A_1027 = vector.broadcast %jit3A_1026 : i32 to vector<16xi32>
    %select_n3A_1028 = arith.select %gt3A_1007, %or3A_1025, %broadcast_in_dim3A_1027 : vector<16xi1>, vector<16xi32>
    %max3A_1029 = arith.maxsi %broadcast_in_dim3A_3, %select_n3A_1028 : vector<16xi32>
    tpu.vector_store_idx %arg5[%get3A_992], %broadcast_in_dim3A_3 masked %gt3A_1007 : memref<1024xi32, #tpu.memory_space<vmem>>[vector<16xi32>], vector<16xi32>, vector<16xi1>
    %gather3A_1030 = tpu.vector_load_idx %arg5[%get3A_996] : memref<1024xi32, #tpu.memory_space<vmem>>[vector<16xi32>], vector<16xi32>,
    %shift_left3A_1031 = arith.constant 10 : i32
    %shift_left3A_1032 = vector.broadcast %shift_left3A_1031 : i32 to vector<16xi32>
    %shift_left3A_1033 = arith.shli %gather3A_1030, %shift_left3A_1032 : vector<16xi32>
    %sub3A_1034 = arith.constant 1023 : i32
    %sub3A_1035 = vector.broadcast %sub3A_1034 : i32 to vector<16xi32>
    %sub3A_1036 = arith.subi %sub3A_1035, %get3A_996 : vector<16xi32>
    %or3A_1037 = arith.ori %shift_left3A_1033, %sub3A_1036 : vector<16xi32>
    %jit3A_1038 = arith.constant 0 : i32
    %broadcast_in_dim3A_1039 = vector.broadcast %jit3A_1038 : i32 to vector<16xi32>
    %select_n3A_1040 = arith.select %gt3A_1010, %or3A_1037, %broadcast_in_dim3A_1039 : vector<16xi1>, vector<16xi32>
    %max3A_1041 = arith.maxsi %max3A_1029, %select_n3A_1040 : vector<16xi32>
    tpu.vector_store_idx %arg5[%get3A_996], %broadcast_in_dim3A_3 masked %gt3A_1010 : memref<1024xi32, #tpu.memory_space<vmem>>[vector<16xi32>], vector<16xi32>, vector<16xi1>
    %gather3A_1042 = tpu.vector_load_idx %arg5[%get3A_1000] : memref<1024xi32, #tpu.memory_space<vmem>>[vector<16xi32>], vector<16xi32>,
    %shift_left3A_1043 = arith.constant 10 : i32
    %shift_left3A_1044 = vector.broadcast %shift_left3A_1043 : i32 to vector<16xi32>
    %shift_left3A_1045 = arith.shli %gather3A_1042, %shift_left3A_1044 : vector<16xi32>
    %sub3A_1046 = arith.constant 1023 : i32
    %sub3A_1047 = vector.broadcast %sub3A_1046 : i32 to vector<16xi32>
    %sub3A_1048 = arith.subi %sub3A_1047, %get3A_1000 : vector<16xi32>
    %or3A_1049 = arith.ori %shift_left3A_1045, %sub3A_1048 : vector<16xi32>
    %jit3A_1050 = arith.constant 0 : i32
    %broadcast_in_dim3A_1051 = vector.broadcast %jit3A_1050 : i32 to vector<16xi32>
    %select_n3A_1052 = arith.select %gt3A_1013, %or3A_1049, %broadcast_in_dim3A_1051 : vector<16xi1>, vector<16xi32>
    %max3A_1053 = arith.maxsi %max3A_1041, %select_n3A_1052 : vector<16xi32>
    tpu.vector_store_idx %arg5[%get3A_1000], %broadcast_in_dim3A_3 masked %gt3A_1013 : memref<1024xi32, #tpu.memory_space<vmem>>[vector<16xi32>], vector<16xi32>, vector<16xi1>
    %gather3A_1054 = tpu.vector_load_idx %arg5[%get3A_1004] : memref<1024xi32, #tpu.memory_space<vmem>>[vector<16xi32>], vector<16xi32>,
    %shift_left3A_1055 = arith.constant 10 : i32
    %shift_left3A_1056 = vector.broadcast %shift_left3A_1055 : i32 to vector<16xi32>
    %shift_left3A_1057 = arith.shli %gather3A_1054, %shift_left3A_1056 : vector<16xi32>
    %sub3A_1058 = arith.constant 1023 : i32
    %sub3A_1059 = vector.broadcast %sub3A_1058 : i32 to vector<16xi32>
    %sub3A_1060 = arith.subi %sub3A_1059, %get3A_1004 : vector<16xi32>
    %or3A_1061 = arith.ori %shift_left3A_1057, %sub3A_1060 : vector<16xi32>
    %jit3A_1062 = arith.constant 0 : i32
    %broadcast_in_dim3A_1063 = vector.broadcast %jit3A_1062 : i32 to vector<16xi32>
    %select_n3A_1064 = arith.select %and3A_1017, %or3A_1061, %broadcast_in_dim3A_1063 : vector<16xi1>, vector<16xi32>
    %max3A_1065 = arith.maxsi %max3A_1053, %select_n3A_1064 : vector<16xi32>
    tpu.vector_store_idx %arg5[%get3A_1004], %broadcast_in_dim3A_3 masked %and3A_1017 : memref<1024xi32, #tpu.memory_space<vmem>>[vector<16xi32>], vector<16xi32>, vector<16xi1>
    %reduce_max3A_1066 = arith.constant true
    %reduce_max3A_1067 = vector.broadcast %reduce_max3A_1066 : i1 to vector<16xi1>
    %reduce_max3A_1068 = arith.constant -2147483648 : i32
    %reduce_max3A_1069 = vector.broadcast %reduce_max3A_1068 : i32 to vector<16xi32>
    %reduce_max3A_1070 = arith.xori %max3A_1065, %reduce_max3A_1069 : vector<16xi32>
    %reduce_max3A_1071 = tpu.scan <max>, %reduce_max3A_1070 masked %reduce_max3A_1067 : vector<16xi32>, vector<16xi1> -> vector<16xi32>
    %reduce_max3A_1072 = arith.xori %reduce_max3A_1071, %reduce_max3A_1069 : vector<16xi32>
    %reduce_max3A_1073 = vector.extract %reduce_max3A_1072[15] : i32 from vector<16xi32>
    %shift_right_arithmetic3A_1074 = arith.constant 10 : i32
    %shift_right_arithmetic3A_1075 = arith.shrsi %reduce_max3A_1073, %shift_right_arithmetic3A_1074 : i32
    %gt3A_1076 = arith.constant 0 : i32
    %gt3A_1077 = arith.cmpi sgt, %shift_right_arithmetic3A_1075, %gt3A_1076 : i32
    %and3A_1078 = arith.constant 1023 : i32
    %and3A_1079 = arith.andi %reduce_max3A_1073, %and3A_1078 : i32
    %sub3A_1080 = arith.constant 1023 : i32
    %sub3A_1081 = arith.subi %sub3A_1080, %and3A_1079 : i32
    %jit3A_1082 = arith.constant 1 : i32
    %select_n3A_1083 = arith.select %gt3A_1077, %sub3A_1081, %jit3A_1082 : i32
    %broadcast_in_dim3A_1084 = arith.constant 10 : i32
    %broadcast_in_dim3A_1085 = vector.broadcast %broadcast_in_dim3A_1084 : i32 to vector<16xi32>
    %broadcast_in_dim3A_1086 = vector.broadcast %select_n3A_1083 : i32 to vector<16xi32>
    tpu.vector_store_idx %arg6[%broadcast_in_dim3A_1085], %broadcast_in_dim3A_1086 masked %eq3A_7 : memref<32xi32, #tpu.memory_space<vmem>>[vector<16xi32>], vector<16xi32>, vector<16xi1>
    %get3A_1087 = arith.constant 11 : i32
    %get3A_1088 = arith.index_cast %get3A_1087 : i32 to index
    %get3A_1089 = arith.constant 0 : index
    %get3A_1090 = tpu.vector_load %arg4[%get3A_1088, %get3A_1089] {strides = array<i32>} : memref<32x50xi32, #tpu.memory_space<vmem>>, vector<16xi32>,
    %get3A_1091 = arith.constant 11 : i32
    %get3A_1092 = arith.index_cast %get3A_1091 : i32 to index
    %get3A_1093 = arith.constant 16 : index
    %get3A_1094 = tpu.vector_load %arg4[%get3A_1092, %get3A_1093] {strides = array<i32>} : memref<32x50xi32, #tpu.memory_space<vmem>>, vector<16xi32>,
    %get3A_1095 = arith.constant 11 : i32
    %get3A_1096 = arith.index_cast %get3A_1095 : i32 to index
    %get3A_1097 = arith.constant 32 : index
    %get3A_1098 = tpu.vector_load %arg4[%get3A_1096, %get3A_1097] {strides = array<i32>} : memref<32x50xi32, #tpu.memory_space<vmem>>, vector<16xi32>,
    %get3A_1099 = arith.constant 11 : i32
    %get3A_1100 = arith.index_cast %get3A_1099 : i32 to index
    %get3A_1101 = arith.constant 34 : index
    %get3A_1102 = tpu.vector_load %arg4[%get3A_1100, %get3A_1101] {strides = array<i32>} : memref<32x50xi32, #tpu.memory_space<vmem>>, vector<16xi32>,
    %gt3A_1103 = arith.constant 1 : i32
    %gt3A_1104 = vector.broadcast %gt3A_1103 : i32 to vector<16xi32>
    %gt3A_1105 = arith.cmpi sgt, %get3A_1090, %gt3A_1104 : vector<16xi32>
    %gt3A_1106 = arith.constant 1 : i32
    %gt3A_1107 = vector.broadcast %gt3A_1106 : i32 to vector<16xi32>
    %gt3A_1108 = arith.cmpi sgt, %get3A_1094, %gt3A_1107 : vector<16xi32>
    %gt3A_1109 = arith.constant 1 : i32
    %gt3A_1110 = vector.broadcast %gt3A_1109 : i32 to vector<16xi32>
    %gt3A_1111 = arith.cmpi sgt, %get3A_1098, %gt3A_1110 : vector<16xi32>
    %gt3A_1112 = arith.constant 1 : i32
    %gt3A_1113 = vector.broadcast %gt3A_1112 : i32 to vector<16xi32>
    %gt3A_1114 = arith.cmpi sgt, %get3A_1102, %gt3A_1113 : vector<16xi32>
    %and3A_1115 = arith.andi %gt3A_1114, %ge3A_20 : vector<16xi1>
    tpu.vector_store_idx %arg5[%get3A_1090], %broadcast_in_dim3A_5 masked %gt3A_1105 {add = true} : memref<1024xi32, #tpu.memory_space<vmem>>[vector<16xi32>], vector<16xi32>, vector<16xi1>
    tpu.vector_store_idx %arg5[%get3A_1094], %broadcast_in_dim3A_5 masked %gt3A_1108 {add = true} : memref<1024xi32, #tpu.memory_space<vmem>>[vector<16xi32>], vector<16xi32>, vector<16xi1>
    tpu.vector_store_idx %arg5[%get3A_1098], %broadcast_in_dim3A_5 masked %gt3A_1111 {add = true} : memref<1024xi32, #tpu.memory_space<vmem>>[vector<16xi32>], vector<16xi32>, vector<16xi1>
    tpu.vector_store_idx %arg5[%get3A_1102], %broadcast_in_dim3A_5 masked %and3A_1115 {add = true} : memref<1024xi32, #tpu.memory_space<vmem>>[vector<16xi32>], vector<16xi32>, vector<16xi1>
    %gather3A_1116 = tpu.vector_load_idx %arg5[%get3A_1090] : memref<1024xi32, #tpu.memory_space<vmem>>[vector<16xi32>], vector<16xi32>,
    %shift_left3A_1117 = arith.constant 10 : i32
    %shift_left3A_1118 = vector.broadcast %shift_left3A_1117 : i32 to vector<16xi32>
    %shift_left3A_1119 = arith.shli %gather3A_1116, %shift_left3A_1118 : vector<16xi32>
    %sub3A_1120 = arith.constant 1023 : i32
    %sub3A_1121 = vector.broadcast %sub3A_1120 : i32 to vector<16xi32>
    %sub3A_1122 = arith.subi %sub3A_1121, %get3A_1090 : vector<16xi32>
    %or3A_1123 = arith.ori %shift_left3A_1119, %sub3A_1122 : vector<16xi32>
    %jit3A_1124 = arith.constant 0 : i32
    %broadcast_in_dim3A_1125 = vector.broadcast %jit3A_1124 : i32 to vector<16xi32>
    %select_n3A_1126 = arith.select %gt3A_1105, %or3A_1123, %broadcast_in_dim3A_1125 : vector<16xi1>, vector<16xi32>
    %max3A_1127 = arith.maxsi %broadcast_in_dim3A_3, %select_n3A_1126 : vector<16xi32>
    tpu.vector_store_idx %arg5[%get3A_1090], %broadcast_in_dim3A_3 masked %gt3A_1105 : memref<1024xi32, #tpu.memory_space<vmem>>[vector<16xi32>], vector<16xi32>, vector<16xi1>
    %gather3A_1128 = tpu.vector_load_idx %arg5[%get3A_1094] : memref<1024xi32, #tpu.memory_space<vmem>>[vector<16xi32>], vector<16xi32>,
    %shift_left3A_1129 = arith.constant 10 : i32
    %shift_left3A_1130 = vector.broadcast %shift_left3A_1129 : i32 to vector<16xi32>
    %shift_left3A_1131 = arith.shli %gather3A_1128, %shift_left3A_1130 : vector<16xi32>
    %sub3A_1132 = arith.constant 1023 : i32
    %sub3A_1133 = vector.broadcast %sub3A_1132 : i32 to vector<16xi32>
    %sub3A_1134 = arith.subi %sub3A_1133, %get3A_1094 : vector<16xi32>
    %or3A_1135 = arith.ori %shift_left3A_1131, %sub3A_1134 : vector<16xi32>
    %jit3A_1136 = arith.constant 0 : i32
    %broadcast_in_dim3A_1137 = vector.broadcast %jit3A_1136 : i32 to vector<16xi32>
    %select_n3A_1138 = arith.select %gt3A_1108, %or3A_1135, %broadcast_in_dim3A_1137 : vector<16xi1>, vector<16xi32>
    %max3A_1139 = arith.maxsi %max3A_1127, %select_n3A_1138 : vector<16xi32>
    tpu.vector_store_idx %arg5[%get3A_1094], %broadcast_in_dim3A_3 masked %gt3A_1108 : memref<1024xi32, #tpu.memory_space<vmem>>[vector<16xi32>], vector<16xi32>, vector<16xi1>
    %gather3A_1140 = tpu.vector_load_idx %arg5[%get3A_1098] : memref<1024xi32, #tpu.memory_space<vmem>>[vector<16xi32>], vector<16xi32>,
    %shift_left3A_1141 = arith.constant 10 : i32
    %shift_left3A_1142 = vector.broadcast %shift_left3A_1141 : i32 to vector<16xi32>
    %shift_left3A_1143 = arith.shli %gather3A_1140, %shift_left3A_1142 : vector<16xi32>
    %sub3A_1144 = arith.constant 1023 : i32
    %sub3A_1145 = vector.broadcast %sub3A_1144 : i32 to vector<16xi32>
    %sub3A_1146 = arith.subi %sub3A_1145, %get3A_1098 : vector<16xi32>
    %or3A_1147 = arith.ori %shift_left3A_1143, %sub3A_1146 : vector<16xi32>
    %jit3A_1148 = arith.constant 0 : i32
    %broadcast_in_dim3A_1149 = vector.broadcast %jit3A_1148 : i32 to vector<16xi32>
    %select_n3A_1150 = arith.select %gt3A_1111, %or3A_1147, %broadcast_in_dim3A_1149 : vector<16xi1>, vector<16xi32>
    %max3A_1151 = arith.maxsi %max3A_1139, %select_n3A_1150 : vector<16xi32>
    tpu.vector_store_idx %arg5[%get3A_1098], %broadcast_in_dim3A_3 masked %gt3A_1111 : memref<1024xi32, #tpu.memory_space<vmem>>[vector<16xi32>], vector<16xi32>, vector<16xi1>
    %gather3A_1152 = tpu.vector_load_idx %arg5[%get3A_1102] : memref<1024xi32, #tpu.memory_space<vmem>>[vector<16xi32>], vector<16xi32>,
    %shift_left3A_1153 = arith.constant 10 : i32
    %shift_left3A_1154 = vector.broadcast %shift_left3A_1153 : i32 to vector<16xi32>
    %shift_left3A_1155 = arith.shli %gather3A_1152, %shift_left3A_1154 : vector<16xi32>
    %sub3A_1156 = arith.constant 1023 : i32
    %sub3A_1157 = vector.broadcast %sub3A_1156 : i32 to vector<16xi32>
    %sub3A_1158 = arith.subi %sub3A_1157, %get3A_1102 : vector<16xi32>
    %or3A_1159 = arith.ori %shift_left3A_1155, %sub3A_1158 : vector<16xi32>
    %jit3A_1160 = arith.constant 0 : i32
    %broadcast_in_dim3A_1161 = vector.broadcast %jit3A_1160 : i32 to vector<16xi32>
    %select_n3A_1162 = arith.select %and3A_1115, %or3A_1159, %broadcast_in_dim3A_1161 : vector<16xi1>, vector<16xi32>
    %max3A_1163 = arith.maxsi %max3A_1151, %select_n3A_1162 : vector<16xi32>
    tpu.vector_store_idx %arg5[%get3A_1102], %broadcast_in_dim3A_3 masked %and3A_1115 : memref<1024xi32, #tpu.memory_space<vmem>>[vector<16xi32>], vector<16xi32>, vector<16xi1>
    %reduce_max3A_1164 = arith.constant true
    %reduce_max3A_1165 = vector.broadcast %reduce_max3A_1164 : i1 to vector<16xi1>
    %reduce_max3A_1166 = arith.constant -2147483648 : i32
    %reduce_max3A_1167 = vector.broadcast %reduce_max3A_1166 : i32 to vector<16xi32>
    %reduce_max3A_1168 = arith.xori %max3A_1163, %reduce_max3A_1167 : vector<16xi32>
    %reduce_max3A_1169 = tpu.scan <max>, %reduce_max3A_1168 masked %reduce_max3A_1165 : vector<16xi32>, vector<16xi1> -> vector<16xi32>
    %reduce_max3A_1170 = arith.xori %reduce_max3A_1169, %reduce_max3A_1167 : vector<16xi32>
    %reduce_max3A_1171 = vector.extract %reduce_max3A_1170[15] : i32 from vector<16xi32>
    %shift_right_arithmetic3A_1172 = arith.constant 10 : i32
    %shift_right_arithmetic3A_1173 = arith.shrsi %reduce_max3A_1171, %shift_right_arithmetic3A_1172 : i32
    %gt3A_1174 = arith.constant 0 : i32
    %gt3A_1175 = arith.cmpi sgt, %shift_right_arithmetic3A_1173, %gt3A_1174 : i32
    %and3A_1176 = arith.constant 1023 : i32
    %and3A_1177 = arith.andi %reduce_max3A_1171, %and3A_1176 : i32
    %sub3A_1178 = arith.constant 1023 : i32
    %sub3A_1179 = arith.subi %sub3A_1178, %and3A_1177 : i32
    %jit3A_1180 = arith.constant 1 : i32
    %select_n3A_1181 = arith.select %gt3A_1175, %sub3A_1179, %jit3A_1180 : i32
    %broadcast_in_dim3A_1182 = arith.constant 11 : i32
    %broadcast_in_dim3A_1183 = vector.broadcast %broadcast_in_dim3A_1182 : i32 to vector<16xi32>
    %broadcast_in_dim3A_1184 = vector.broadcast %select_n3A_1181 : i32 to vector<16xi32>
    tpu.vector_store_idx %arg6[%broadcast_in_dim3A_1183], %broadcast_in_dim3A_1184 masked %eq3A_7 : memref<32xi32, #tpu.memory_space<vmem>>[vector<16xi32>], vector<16xi32>, vector<16xi1>
    %get3A_1185 = arith.constant 12 : i32
    %get3A_1186 = arith.index_cast %get3A_1185 : i32 to index
    %get3A_1187 = arith.constant 0 : index
    %get3A_1188 = tpu.vector_load %arg4[%get3A_1186, %get3A_1187] {strides = array<i32>} : memref<32x50xi32, #tpu.memory_space<vmem>>, vector<16xi32>,
    %get3A_1189 = arith.constant 12 : i32
    %get3A_1190 = arith.index_cast %get3A_1189 : i32 to index
    %get3A_1191 = arith.constant 16 : index
    %get3A_1192 = tpu.vector_load %arg4[%get3A_1190, %get3A_1191] {strides = array<i32>} : memref<32x50xi32, #tpu.memory_space<vmem>>, vector<16xi32>,
    %get3A_1193 = arith.constant 12 : i32
    %get3A_1194 = arith.index_cast %get3A_1193 : i32 to index
    %get3A_1195 = arith.constant 32 : index
    %get3A_1196 = tpu.vector_load %arg4[%get3A_1194, %get3A_1195] {strides = array<i32>} : memref<32x50xi32, #tpu.memory_space<vmem>>, vector<16xi32>,
    %get3A_1197 = arith.constant 12 : i32
    %get3A_1198 = arith.index_cast %get3A_1197 : i32 to index
    %get3A_1199 = arith.constant 34 : index
    %get3A_1200 = tpu.vector_load %arg4[%get3A_1198, %get3A_1199] {strides = array<i32>} : memref<32x50xi32, #tpu.memory_space<vmem>>, vector<16xi32>,
    %gt3A_1201 = arith.constant 1 : i32
    %gt3A_1202 = vector.broadcast %gt3A_1201 : i32 to vector<16xi32>
    %gt3A_1203 = arith.cmpi sgt, %get3A_1188, %gt3A_1202 : vector<16xi32>
    %gt3A_1204 = arith.constant 1 : i32
    %gt3A_1205 = vector.broadcast %gt3A_1204 : i32 to vector<16xi32>
    %gt3A_1206 = arith.cmpi sgt, %get3A_1192, %gt3A_1205 : vector<16xi32>
    %gt3A_1207 = arith.constant 1 : i32
    %gt3A_1208 = vector.broadcast %gt3A_1207 : i32 to vector<16xi32>
    %gt3A_1209 = arith.cmpi sgt, %get3A_1196, %gt3A_1208 : vector<16xi32>
    %gt3A_1210 = arith.constant 1 : i32
    %gt3A_1211 = vector.broadcast %gt3A_1210 : i32 to vector<16xi32>
    %gt3A_1212 = arith.cmpi sgt, %get3A_1200, %gt3A_1211 : vector<16xi32>
    %and3A_1213 = arith.andi %gt3A_1212, %ge3A_20 : vector<16xi1>
    tpu.vector_store_idx %arg5[%get3A_1188], %broadcast_in_dim3A_5 masked %gt3A_1203 {add = true} : memref<1024xi32, #tpu.memory_space<vmem>>[vector<16xi32>], vector<16xi32>, vector<16xi1>
    tpu.vector_store_idx %arg5[%get3A_1192], %broadcast_in_dim3A_5 masked %gt3A_1206 {add = true} : memref<1024xi32, #tpu.memory_space<vmem>>[vector<16xi32>], vector<16xi32>, vector<16xi1>
    tpu.vector_store_idx %arg5[%get3A_1196], %broadcast_in_dim3A_5 masked %gt3A_1209 {add = true} : memref<1024xi32, #tpu.memory_space<vmem>>[vector<16xi32>], vector<16xi32>, vector<16xi1>
    tpu.vector_store_idx %arg5[%get3A_1200], %broadcast_in_dim3A_5 masked %and3A_1213 {add = true} : memref<1024xi32, #tpu.memory_space<vmem>>[vector<16xi32>], vector<16xi32>, vector<16xi1>
    %gather3A_1214 = tpu.vector_load_idx %arg5[%get3A_1188] : memref<1024xi32, #tpu.memory_space<vmem>>[vector<16xi32>], vector<16xi32>,
    %shift_left3A_1215 = arith.constant 10 : i32
    %shift_left3A_1216 = vector.broadcast %shift_left3A_1215 : i32 to vector<16xi32>
    %shift_left3A_1217 = arith.shli %gather3A_1214, %shift_left3A_1216 : vector<16xi32>
    %sub3A_1218 = arith.constant 1023 : i32
    %sub3A_1219 = vector.broadcast %sub3A_1218 : i32 to vector<16xi32>
    %sub3A_1220 = arith.subi %sub3A_1219, %get3A_1188 : vector<16xi32>
    %or3A_1221 = arith.ori %shift_left3A_1217, %sub3A_1220 : vector<16xi32>
    %jit3A_1222 = arith.constant 0 : i32
    %broadcast_in_dim3A_1223 = vector.broadcast %jit3A_1222 : i32 to vector<16xi32>
    %select_n3A_1224 = arith.select %gt3A_1203, %or3A_1221, %broadcast_in_dim3A_1223 : vector<16xi1>, vector<16xi32>
    %max3A_1225 = arith.maxsi %broadcast_in_dim3A_3, %select_n3A_1224 : vector<16xi32>
    tpu.vector_store_idx %arg5[%get3A_1188], %broadcast_in_dim3A_3 masked %gt3A_1203 : memref<1024xi32, #tpu.memory_space<vmem>>[vector<16xi32>], vector<16xi32>, vector<16xi1>
    %gather3A_1226 = tpu.vector_load_idx %arg5[%get3A_1192] : memref<1024xi32, #tpu.memory_space<vmem>>[vector<16xi32>], vector<16xi32>,
    %shift_left3A_1227 = arith.constant 10 : i32
    %shift_left3A_1228 = vector.broadcast %shift_left3A_1227 : i32 to vector<16xi32>
    %shift_left3A_1229 = arith.shli %gather3A_1226, %shift_left3A_1228 : vector<16xi32>
    %sub3A_1230 = arith.constant 1023 : i32
    %sub3A_1231 = vector.broadcast %sub3A_1230 : i32 to vector<16xi32>
    %sub3A_1232 = arith.subi %sub3A_1231, %get3A_1192 : vector<16xi32>
    %or3A_1233 = arith.ori %shift_left3A_1229, %sub3A_1232 : vector<16xi32>
    %jit3A_1234 = arith.constant 0 : i32
    %broadcast_in_dim3A_1235 = vector.broadcast %jit3A_1234 : i32 to vector<16xi32>
    %select_n3A_1236 = arith.select %gt3A_1206, %or3A_1233, %broadcast_in_dim3A_1235 : vector<16xi1>, vector<16xi32>
    %max3A_1237 = arith.maxsi %max3A_1225, %select_n3A_1236 : vector<16xi32>
    tpu.vector_store_idx %arg5[%get3A_1192], %broadcast_in_dim3A_3 masked %gt3A_1206 : memref<1024xi32, #tpu.memory_space<vmem>>[vector<16xi32>], vector<16xi32>, vector<16xi1>
    %gather3A_1238 = tpu.vector_load_idx %arg5[%get3A_1196] : memref<1024xi32, #tpu.memory_space<vmem>>[vector<16xi32>], vector<16xi32>,
    %shift_left3A_1239 = arith.constant 10 : i32
    %shift_left3A_1240 = vector.broadcast %shift_left3A_1239 : i32 to vector<16xi32>
    %shift_left3A_1241 = arith.shli %gather3A_1238, %shift_left3A_1240 : vector<16xi32>
    %sub3A_1242 = arith.constant 1023 : i32
    %sub3A_1243 = vector.broadcast %sub3A_1242 : i32 to vector<16xi32>
    %sub3A_1244 = arith.subi %sub3A_1243, %get3A_1196 : vector<16xi32>
    %or3A_1245 = arith.ori %shift_left3A_1241, %sub3A_1244 : vector<16xi32>
    %jit3A_1246 = arith.constant 0 : i32
    %broadcast_in_dim3A_1247 = vector.broadcast %jit3A_1246 : i32 to vector<16xi32>
    %select_n3A_1248 = arith.select %gt3A_1209, %or3A_1245, %broadcast_in_dim3A_1247 : vector<16xi1>, vector<16xi32>
    %max3A_1249 = arith.maxsi %max3A_1237, %select_n3A_1248 : vector<16xi32>
    tpu.vector_store_idx %arg5[%get3A_1196], %broadcast_in_dim3A_3 masked %gt3A_1209 : memref<1024xi32, #tpu.memory_space<vmem>>[vector<16xi32>], vector<16xi32>, vector<16xi1>
    %gather3A_1250 = tpu.vector_load_idx %arg5[%get3A_1200] : memref<1024xi32, #tpu.memory_space<vmem>>[vector<16xi32>], vector<16xi32>,
    %shift_left3A_1251 = arith.constant 10 : i32
    %shift_left3A_1252 = vector.broadcast %shift_left3A_1251 : i32 to vector<16xi32>
    %shift_left3A_1253 = arith.shli %gather3A_1250, %shift_left3A_1252 : vector<16xi32>
    %sub3A_1254 = arith.constant 1023 : i32
    %sub3A_1255 = vector.broadcast %sub3A_1254 : i32 to vector<16xi32>
    %sub3A_1256 = arith.subi %sub3A_1255, %get3A_1200 : vector<16xi32>
    %or3A_1257 = arith.ori %shift_left3A_1253, %sub3A_1256 : vector<16xi32>
    %jit3A_1258 = arith.constant 0 : i32
    %broadcast_in_dim3A_1259 = vector.broadcast %jit3A_1258 : i32 to vector<16xi32>
    %select_n3A_1260 = arith.select %and3A_1213, %or3A_1257, %broadcast_in_dim3A_1259 : vector<16xi1>, vector<16xi32>
    %max3A_1261 = arith.maxsi %max3A_1249, %select_n3A_1260 : vector<16xi32>
    tpu.vector_store_idx %arg5[%get3A_1200], %broadcast_in_dim3A_3 masked %and3A_1213 : memref<1024xi32, #tpu.memory_space<vmem>>[vector<16xi32>], vector<16xi32>, vector<16xi1>
    %reduce_max3A_1262 = arith.constant true
    %reduce_max3A_1263 = vector.broadcast %reduce_max3A_1262 : i1 to vector<16xi1>
    %reduce_max3A_1264 = arith.constant -2147483648 : i32
    %reduce_max3A_1265 = vector.broadcast %reduce_max3A_1264 : i32 to vector<16xi32>
    %reduce_max3A_1266 = arith.xori %max3A_1261, %reduce_max3A_1265 : vector<16xi32>
    %reduce_max3A_1267 = tpu.scan <max>, %reduce_max3A_1266 masked %reduce_max3A_1263 : vector<16xi32>, vector<16xi1> -> vector<16xi32>
    %reduce_max3A_1268 = arith.xori %reduce_max3A_1267, %reduce_max3A_1265 : vector<16xi32>
    %reduce_max3A_1269 = vector.extract %reduce_max3A_1268[15] : i32 from vector<16xi32>
    %shift_right_arithmetic3A_1270 = arith.constant 10 : i32
    %shift_right_arithmetic3A_1271 = arith.shrsi %reduce_max3A_1269, %shift_right_arithmetic3A_1270 : i32
    %gt3A_1272 = arith.constant 0 : i32
    %gt3A_1273 = arith.cmpi sgt, %shift_right_arithmetic3A_1271, %gt3A_1272 : i32
    %and3A_1274 = arith.constant 1023 : i32
    %and3A_1275 = arith.andi %reduce_max3A_1269, %and3A_1274 : i32
    %sub3A_1276 = arith.constant 1023 : i32
    %sub3A_1277 = arith.subi %sub3A_1276, %and3A_1275 : i32
    %jit3A_1278 = arith.constant 1 : i32
    %select_n3A_1279 = arith.select %gt3A_1273, %sub3A_1277, %jit3A_1278 : i32
    %broadcast_in_dim3A_1280 = arith.constant 12 : i32
    %broadcast_in_dim3A_1281 = vector.broadcast %broadcast_in_dim3A_1280 : i32 to vector<16xi32>
    %broadcast_in_dim3A_1282 = vector.broadcast %select_n3A_1279 : i32 to vector<16xi32>
    tpu.vector_store_idx %arg6[%broadcast_in_dim3A_1281], %broadcast_in_dim3A_1282 masked %eq3A_7 : memref<32xi32, #tpu.memory_space<vmem>>[vector<16xi32>], vector<16xi32>, vector<16xi1>
    %get3A_1283 = arith.constant 13 : i32
    %get3A_1284 = arith.index_cast %get3A_1283 : i32 to index
    %get3A_1285 = arith.constant 0 : index
    %get3A_1286 = tpu.vector_load %arg4[%get3A_1284, %get3A_1285] {strides = array<i32>} : memref<32x50xi32, #tpu.memory_space<vmem>>, vector<16xi32>,
    %get3A_1287 = arith.constant 13 : i32
    %get3A_1288 = arith.index_cast %get3A_1287 : i32 to index
    %get3A_1289 = arith.constant 16 : index
    %get3A_1290 = tpu.vector_load %arg4[%get3A_1288, %get3A_1289] {strides = array<i32>} : memref<32x50xi32, #tpu.memory_space<vmem>>, vector<16xi32>,
    %get3A_1291 = arith.constant 13 : i32
    %get3A_1292 = arith.index_cast %get3A_1291 : i32 to index
    %get3A_1293 = arith.constant 32 : index
    %get3A_1294 = tpu.vector_load %arg4[%get3A_1292, %get3A_1293] {strides = array<i32>} : memref<32x50xi32, #tpu.memory_space<vmem>>, vector<16xi32>,
    %get3A_1295 = arith.constant 13 : i32
    %get3A_1296 = arith.index_cast %get3A_1295 : i32 to index
    %get3A_1297 = arith.constant 34 : index
    %get3A_1298 = tpu.vector_load %arg4[%get3A_1296, %get3A_1297] {strides = array<i32>} : memref<32x50xi32, #tpu.memory_space<vmem>>, vector<16xi32>,
    %gt3A_1299 = arith.constant 1 : i32
    %gt3A_1300 = vector.broadcast %gt3A_1299 : i32 to vector<16xi32>
    %gt3A_1301 = arith.cmpi sgt, %get3A_1286, %gt3A_1300 : vector<16xi32>
    %gt3A_1302 = arith.constant 1 : i32
    %gt3A_1303 = vector.broadcast %gt3A_1302 : i32 to vector<16xi32>
    %gt3A_1304 = arith.cmpi sgt, %get3A_1290, %gt3A_1303 : vector<16xi32>
    %gt3A_1305 = arith.constant 1 : i32
    %gt3A_1306 = vector.broadcast %gt3A_1305 : i32 to vector<16xi32>
    %gt3A_1307 = arith.cmpi sgt, %get3A_1294, %gt3A_1306 : vector<16xi32>
    %gt3A_1308 = arith.constant 1 : i32
    %gt3A_1309 = vector.broadcast %gt3A_1308 : i32 to vector<16xi32>
    %gt3A_1310 = arith.cmpi sgt, %get3A_1298, %gt3A_1309 : vector<16xi32>
    %and3A_1311 = arith.andi %gt3A_1310, %ge3A_20 : vector<16xi1>
    tpu.vector_store_idx %arg5[%get3A_1286], %broadcast_in_dim3A_5 masked %gt3A_1301 {add = true} : memref<1024xi32, #tpu.memory_space<vmem>>[vector<16xi32>], vector<16xi32>, vector<16xi1>
    tpu.vector_store_idx %arg5[%get3A_1290], %broadcast_in_dim3A_5 masked %gt3A_1304 {add = true} : memref<1024xi32, #tpu.memory_space<vmem>>[vector<16xi32>], vector<16xi32>, vector<16xi1>
    tpu.vector_store_idx %arg5[%get3A_1294], %broadcast_in_dim3A_5 masked %gt3A_1307 {add = true} : memref<1024xi32, #tpu.memory_space<vmem>>[vector<16xi32>], vector<16xi32>, vector<16xi1>
    tpu.vector_store_idx %arg5[%get3A_1298], %broadcast_in_dim3A_5 masked %and3A_1311 {add = true} : memref<1024xi32, #tpu.memory_space<vmem>>[vector<16xi32>], vector<16xi32>, vector<16xi1>
    %gather3A_1312 = tpu.vector_load_idx %arg5[%get3A_1286] : memref<1024xi32, #tpu.memory_space<vmem>>[vector<16xi32>], vector<16xi32>,
    %shift_left3A_1313 = arith.constant 10 : i32
    %shift_left3A_1314 = vector.broadcast %shift_left3A_1313 : i32 to vector<16xi32>
    %shift_left3A_1315 = arith.shli %gather3A_1312, %shift_left3A_1314 : vector<16xi32>
    %sub3A_1316 = arith.constant 1023 : i32
    %sub3A_1317 = vector.broadcast %sub3A_1316 : i32 to vector<16xi32>
    %sub3A_1318 = arith.subi %sub3A_1317, %get3A_1286 : vector<16xi32>
    %or3A_1319 = arith.ori %shift_left3A_1315, %sub3A_1318 : vector<16xi32>
    %jit3A_1320 = arith.constant 0 : i32
    %broadcast_in_dim3A_1321 = vector.broadcast %jit3A_1320 : i32 to vector<16xi32>
    %select_n3A_1322 = arith.select %gt3A_1301, %or3A_1319, %broadcast_in_dim3A_1321 : vector<16xi1>, vector<16xi32>
    %max3A_1323 = arith.maxsi %broadcast_in_dim3A_3, %select_n3A_1322 : vector<16xi32>
    tpu.vector_store_idx %arg5[%get3A_1286], %broadcast_in_dim3A_3 masked %gt3A_1301 : memref<1024xi32, #tpu.memory_space<vmem>>[vector<16xi32>], vector<16xi32>, vector<16xi1>
    %gather3A_1324 = tpu.vector_load_idx %arg5[%get3A_1290] : memref<1024xi32, #tpu.memory_space<vmem>>[vector<16xi32>], vector<16xi32>,
    %shift_left3A_1325 = arith.constant 10 : i32
    %shift_left3A_1326 = vector.broadcast %shift_left3A_1325 : i32 to vector<16xi32>
    %shift_left3A_1327 = arith.shli %gather3A_1324, %shift_left3A_1326 : vector<16xi32>
    %sub3A_1328 = arith.constant 1023 : i32
    %sub3A_1329 = vector.broadcast %sub3A_1328 : i32 to vector<16xi32>
    %sub3A_1330 = arith.subi %sub3A_1329, %get3A_1290 : vector<16xi32>
    %or3A_1331 = arith.ori %shift_left3A_1327, %sub3A_1330 : vector<16xi32>
    %jit3A_1332 = arith.constant 0 : i32
    %broadcast_in_dim3A_1333 = vector.broadcast %jit3A_1332 : i32 to vector<16xi32>
    %select_n3A_1334 = arith.select %gt3A_1304, %or3A_1331, %broadcast_in_dim3A_1333 : vector<16xi1>, vector<16xi32>
    %max3A_1335 = arith.maxsi %max3A_1323, %select_n3A_1334 : vector<16xi32>
    tpu.vector_store_idx %arg5[%get3A_1290], %broadcast_in_dim3A_3 masked %gt3A_1304 : memref<1024xi32, #tpu.memory_space<vmem>>[vector<16xi32>], vector<16xi32>, vector<16xi1>
    %gather3A_1336 = tpu.vector_load_idx %arg5[%get3A_1294] : memref<1024xi32, #tpu.memory_space<vmem>>[vector<16xi32>], vector<16xi32>,
    %shift_left3A_1337 = arith.constant 10 : i32
    %shift_left3A_1338 = vector.broadcast %shift_left3A_1337 : i32 to vector<16xi32>
    %shift_left3A_1339 = arith.shli %gather3A_1336, %shift_left3A_1338 : vector<16xi32>
    %sub3A_1340 = arith.constant 1023 : i32
    %sub3A_1341 = vector.broadcast %sub3A_1340 : i32 to vector<16xi32>
    %sub3A_1342 = arith.subi %sub3A_1341, %get3A_1294 : vector<16xi32>
    %or3A_1343 = arith.ori %shift_left3A_1339, %sub3A_1342 : vector<16xi32>
    %jit3A_1344 = arith.constant 0 : i32
    %broadcast_in_dim3A_1345 = vector.broadcast %jit3A_1344 : i32 to vector<16xi32>
    %select_n3A_1346 = arith.select %gt3A_1307, %or3A_1343, %broadcast_in_dim3A_1345 : vector<16xi1>, vector<16xi32>
    %max3A_1347 = arith.maxsi %max3A_1335, %select_n3A_1346 : vector<16xi32>
    tpu.vector_store_idx %arg5[%get3A_1294], %broadcast_in_dim3A_3 masked %gt3A_1307 : memref<1024xi32, #tpu.memory_space<vmem>>[vector<16xi32>], vector<16xi32>, vector<16xi1>
    %gather3A_1348 = tpu.vector_load_idx %arg5[%get3A_1298] : memref<1024xi32, #tpu.memory_space<vmem>>[vector<16xi32>], vector<16xi32>,
    %shift_left3A_1349 = arith.constant 10 : i32
    %shift_left3A_1350 = vector.broadcast %shift_left3A_1349 : i32 to vector<16xi32>
    %shift_left3A_1351 = arith.shli %gather3A_1348, %shift_left3A_1350 : vector<16xi32>
    %sub3A_1352 = arith.constant 1023 : i32
    %sub3A_1353 = vector.broadcast %sub3A_1352 : i32 to vector<16xi32>
    %sub3A_1354 = arith.subi %sub3A_1353, %get3A_1298 : vector<16xi32>
    %or3A_1355 = arith.ori %shift_left3A_1351, %sub3A_1354 : vector<16xi32>
    %jit3A_1356 = arith.constant 0 : i32
    %broadcast_in_dim3A_1357 = vector.broadcast %jit3A_1356 : i32 to vector<16xi32>
    %select_n3A_1358 = arith.select %and3A_1311, %or3A_1355, %broadcast_in_dim3A_1357 : vector<16xi1>, vector<16xi32>
    %max3A_1359 = arith.maxsi %max3A_1347, %select_n3A_1358 : vector<16xi32>
    tpu.vector_store_idx %arg5[%get3A_1298], %broadcast_in_dim3A_3 masked %and3A_1311 : memref<1024xi32, #tpu.memory_space<vmem>>[vector<16xi32>], vector<16xi32>, vector<16xi1>
    %reduce_max3A_1360 = arith.constant true
    %reduce_max3A_1361 = vector.broadcast %reduce_max3A_1360 : i1 to vector<16xi1>
    %reduce_max3A_1362 = arith.constant -2147483648 : i32
    %reduce_max3A_1363 = vector.broadcast %reduce_max3A_1362 : i32 to vector<16xi32>
    %reduce_max3A_1364 = arith.xori %max3A_1359, %reduce_max3A_1363 : vector<16xi32>
    %reduce_max3A_1365 = tpu.scan <max>, %reduce_max3A_1364 masked %reduce_max3A_1361 : vector<16xi32>, vector<16xi1> -> vector<16xi32>
    %reduce_max3A_1366 = arith.xori %reduce_max3A_1365, %reduce_max3A_1363 : vector<16xi32>
    %reduce_max3A_1367 = vector.extract %reduce_max3A_1366[15] : i32 from vector<16xi32>
    %shift_right_arithmetic3A_1368 = arith.constant 10 : i32
    %shift_right_arithmetic3A_1369 = arith.shrsi %reduce_max3A_1367, %shift_right_arithmetic3A_1368 : i32
    %gt3A_1370 = arith.constant 0 : i32
    %gt3A_1371 = arith.cmpi sgt, %shift_right_arithmetic3A_1369, %gt3A_1370 : i32
    %and3A_1372 = arith.constant 1023 : i32
    %and3A_1373 = arith.andi %reduce_max3A_1367, %and3A_1372 : i32
    %sub3A_1374 = arith.constant 1023 : i32
    %sub3A_1375 = arith.subi %sub3A_1374, %and3A_1373 : i32
    %jit3A_1376 = arith.constant 1 : i32
    %select_n3A_1377 = arith.select %gt3A_1371, %sub3A_1375, %jit3A_1376 : i32
    %broadcast_in_dim3A_1378 = arith.constant 13 : i32
    %broadcast_in_dim3A_1379 = vector.broadcast %broadcast_in_dim3A_1378 : i32 to vector<16xi32>
    %broadcast_in_dim3A_1380 = vector.broadcast %select_n3A_1377 : i32 to vector<16xi32>
    tpu.vector_store_idx %arg6[%broadcast_in_dim3A_1379], %broadcast_in_dim3A_1380 masked %eq3A_7 : memref<32xi32, #tpu.memory_space<vmem>>[vector<16xi32>], vector<16xi32>, vector<16xi1>
    %get3A_1381 = arith.constant 14 : i32
    %get3A_1382 = arith.index_cast %get3A_1381 : i32 to index
    %get3A_1383 = arith.constant 0 : index
    %get3A_1384 = tpu.vector_load %arg4[%get3A_1382, %get3A_1383] {strides = array<i32>} : memref<32x50xi32, #tpu.memory_space<vmem>>, vector<16xi32>,
    %get3A_1385 = arith.constant 14 : i32
    %get3A_1386 = arith.index_cast %get3A_1385 : i32 to index
    %get3A_1387 = arith.constant 16 : index
    %get3A_1388 = tpu.vector_load %arg4[%get3A_1386, %get3A_1387] {strides = array<i32>} : memref<32x50xi32, #tpu.memory_space<vmem>>, vector<16xi32>,
    %get3A_1389 = arith.constant 14 : i32
    %get3A_1390 = arith.index_cast %get3A_1389 : i32 to index
    %get3A_1391 = arith.constant 32 : index
    %get3A_1392 = tpu.vector_load %arg4[%get3A_1390, %get3A_1391] {strides = array<i32>} : memref<32x50xi32, #tpu.memory_space<vmem>>, vector<16xi32>,
    %get3A_1393 = arith.constant 14 : i32
    %get3A_1394 = arith.index_cast %get3A_1393 : i32 to index
    %get3A_1395 = arith.constant 34 : index
    %get3A_1396 = tpu.vector_load %arg4[%get3A_1394, %get3A_1395] {strides = array<i32>} : memref<32x50xi32, #tpu.memory_space<vmem>>, vector<16xi32>,
    %gt3A_1397 = arith.constant 1 : i32
    %gt3A_1398 = vector.broadcast %gt3A_1397 : i32 to vector<16xi32>
    %gt3A_1399 = arith.cmpi sgt, %get3A_1384, %gt3A_1398 : vector<16xi32>
    %gt3A_1400 = arith.constant 1 : i32
    %gt3A_1401 = vector.broadcast %gt3A_1400 : i32 to vector<16xi32>
    %gt3A_1402 = arith.cmpi sgt, %get3A_1388, %gt3A_1401 : vector<16xi32>
    %gt3A_1403 = arith.constant 1 : i32
    %gt3A_1404 = vector.broadcast %gt3A_1403 : i32 to vector<16xi32>
    %gt3A_1405 = arith.cmpi sgt, %get3A_1392, %gt3A_1404 : vector<16xi32>
    %gt3A_1406 = arith.constant 1 : i32
    %gt3A_1407 = vector.broadcast %gt3A_1406 : i32 to vector<16xi32>
    %gt3A_1408 = arith.cmpi sgt, %get3A_1396, %gt3A_1407 : vector<16xi32>
    %and3A_1409 = arith.andi %gt3A_1408, %ge3A_20 : vector<16xi1>
    tpu.vector_store_idx %arg5[%get3A_1384], %broadcast_in_dim3A_5 masked %gt3A_1399 {add = true} : memref<1024xi32, #tpu.memory_space<vmem>>[vector<16xi32>], vector<16xi32>, vector<16xi1>
    tpu.vector_store_idx %arg5[%get3A_1388], %broadcast_in_dim3A_5 masked %gt3A_1402 {add = true} : memref<1024xi32, #tpu.memory_space<vmem>>[vector<16xi32>], vector<16xi32>, vector<16xi1>
    tpu.vector_store_idx %arg5[%get3A_1392], %broadcast_in_dim3A_5 masked %gt3A_1405 {add = true} : memref<1024xi32, #tpu.memory_space<vmem>>[vector<16xi32>], vector<16xi32>, vector<16xi1>
    tpu.vector_store_idx %arg5[%get3A_1396], %broadcast_in_dim3A_5 masked %and3A_1409 {add = true} : memref<1024xi32, #tpu.memory_space<vmem>>[vector<16xi32>], vector<16xi32>, vector<16xi1>
    %gather3A_1410 = tpu.vector_load_idx %arg5[%get3A_1384] : memref<1024xi32, #tpu.memory_space<vmem>>[vector<16xi32>], vector<16xi32>,
    %shift_left3A_1411 = arith.constant 10 : i32
    %shift_left3A_1412 = vector.broadcast %shift_left3A_1411 : i32 to vector<16xi32>
    %shift_left3A_1413 = arith.shli %gather3A_1410, %shift_left3A_1412 : vector<16xi32>
    %sub3A_1414 = arith.constant 1023 : i32
    %sub3A_1415 = vector.broadcast %sub3A_1414 : i32 to vector<16xi32>
    %sub3A_1416 = arith.subi %sub3A_1415, %get3A_1384 : vector<16xi32>
    %or3A_1417 = arith.ori %shift_left3A_1413, %sub3A_1416 : vector<16xi32>
    %jit3A_1418 = arith.constant 0 : i32
    %broadcast_in_dim3A_1419 = vector.broadcast %jit3A_1418 : i32 to vector<16xi32>
    %select_n3A_1420 = arith.select %gt3A_1399, %or3A_1417, %broadcast_in_dim3A_1419 : vector<16xi1>, vector<16xi32>
    %max3A_1421 = arith.maxsi %broadcast_in_dim3A_3, %select_n3A_1420 : vector<16xi32>
    tpu.vector_store_idx %arg5[%get3A_1384], %broadcast_in_dim3A_3 masked %gt3A_1399 : memref<1024xi32, #tpu.memory_space<vmem>>[vector<16xi32>], vector<16xi32>, vector<16xi1>
    %gather3A_1422 = tpu.vector_load_idx %arg5[%get3A_1388] : memref<1024xi32, #tpu.memory_space<vmem>>[vector<16xi32>], vector<16xi32>,
    %shift_left3A_1423 = arith.constant 10 : i32
    %shift_left3A_1424 = vector.broadcast %shift_left3A_1423 : i32 to vector<16xi32>
    %shift_left3A_1425 = arith.shli %gather3A_1422, %shift_left3A_1424 : vector<16xi32>
    %sub3A_1426 = arith.constant 1023 : i32
    %sub3A_1427 = vector.broadcast %sub3A_1426 : i32 to vector<16xi32>
    %sub3A_1428 = arith.subi %sub3A_1427, %get3A_1388 : vector<16xi32>
    %or3A_1429 = arith.ori %shift_left3A_1425, %sub3A_1428 : vector<16xi32>
    %jit3A_1430 = arith.constant 0 : i32
    %broadcast_in_dim3A_1431 = vector.broadcast %jit3A_1430 : i32 to vector<16xi32>
    %select_n3A_1432 = arith.select %gt3A_1402, %or3A_1429, %broadcast_in_dim3A_1431 : vector<16xi1>, vector<16xi32>
    %max3A_1433 = arith.maxsi %max3A_1421, %select_n3A_1432 : vector<16xi32>
    tpu.vector_store_idx %arg5[%get3A_1388], %broadcast_in_dim3A_3 masked %gt3A_1402 : memref<1024xi32, #tpu.memory_space<vmem>>[vector<16xi32>], vector<16xi32>, vector<16xi1>
    %gather3A_1434 = tpu.vector_load_idx %arg5[%get3A_1392] : memref<1024xi32, #tpu.memory_space<vmem>>[vector<16xi32>], vector<16xi32>,
    %shift_left3A_1435 = arith.constant 10 : i32
    %shift_left3A_1436 = vector.broadcast %shift_left3A_1435 : i32 to vector<16xi32>
    %shift_left3A_1437 = arith.shli %gather3A_1434, %shift_left3A_1436 : vector<16xi32>
    %sub3A_1438 = arith.constant 1023 : i32
    %sub3A_1439 = vector.broadcast %sub3A_1438 : i32 to vector<16xi32>
    %sub3A_1440 = arith.subi %sub3A_1439, %get3A_1392 : vector<16xi32>
    %or3A_1441 = arith.ori %shift_left3A_1437, %sub3A_1440 : vector<16xi32>
    %jit3A_1442 = arith.constant 0 : i32
    %broadcast_in_dim3A_1443 = vector.broadcast %jit3A_1442 : i32 to vector<16xi32>
    %select_n3A_1444 = arith.select %gt3A_1405, %or3A_1441, %broadcast_in_dim3A_1443 : vector<16xi1>, vector<16xi32>
    %max3A_1445 = arith.maxsi %max3A_1433, %select_n3A_1444 : vector<16xi32>
    tpu.vector_store_idx %arg5[%get3A_1392], %broadcast_in_dim3A_3 masked %gt3A_1405 : memref<1024xi32, #tpu.memory_space<vmem>>[vector<16xi32>], vector<16xi32>, vector<16xi1>
    %gather3A_1446 = tpu.vector_load_idx %arg5[%get3A_1396] : memref<1024xi32, #tpu.memory_space<vmem>>[vector<16xi32>], vector<16xi32>,
    %shift_left3A_1447 = arith.constant 10 : i32
    %shift_left3A_1448 = vector.broadcast %shift_left3A_1447 : i32 to vector<16xi32>
    %shift_left3A_1449 = arith.shli %gather3A_1446, %shift_left3A_1448 : vector<16xi32>
    %sub3A_1450 = arith.constant 1023 : i32
    %sub3A_1451 = vector.broadcast %sub3A_1450 : i32 to vector<16xi32>
    %sub3A_1452 = arith.subi %sub3A_1451, %get3A_1396 : vector<16xi32>
    %or3A_1453 = arith.ori %shift_left3A_1449, %sub3A_1452 : vector<16xi32>
    %jit3A_1454 = arith.constant 0 : i32
    %broadcast_in_dim3A_1455 = vector.broadcast %jit3A_1454 : i32 to vector<16xi32>
    %select_n3A_1456 = arith.select %and3A_1409, %or3A_1453, %broadcast_in_dim3A_1455 : vector<16xi1>, vector<16xi32>
    %max3A_1457 = arith.maxsi %max3A_1445, %select_n3A_1456 : vector<16xi32>
    tpu.vector_store_idx %arg5[%get3A_1396], %broadcast_in_dim3A_3 masked %and3A_1409 : memref<1024xi32, #tpu.memory_space<vmem>>[vector<16xi32>], vector<16xi32>, vector<16xi1>
    %reduce_max3A_1458 = arith.constant true
    %reduce_max3A_1459 = vector.broadcast %reduce_max3A_1458 : i1 to vector<16xi1>
    %reduce_max3A_1460 = arith.constant -2147483648 : i32
    %reduce_max3A_1461 = vector.broadcast %reduce_max3A_1460 : i32 to vector<16xi32>
    %reduce_max3A_1462 = arith.xori %max3A_1457, %reduce_max3A_1461 : vector<16xi32>
    %reduce_max3A_1463 = tpu.scan <max>, %reduce_max3A_1462 masked %reduce_max3A_1459 : vector<16xi32>, vector<16xi1> -> vector<16xi32>
    %reduce_max3A_1464 = arith.xori %reduce_max3A_1463, %reduce_max3A_1461 : vector<16xi32>
    %reduce_max3A_1465 = vector.extract %reduce_max3A_1464[15] : i32 from vector<16xi32>
    %shift_right_arithmetic3A_1466 = arith.constant 10 : i32
    %shift_right_arithmetic3A_1467 = arith.shrsi %reduce_max3A_1465, %shift_right_arithmetic3A_1466 : i32
    %gt3A_1468 = arith.constant 0 : i32
    %gt3A_1469 = arith.cmpi sgt, %shift_right_arithmetic3A_1467, %gt3A_1468 : i32
    %and3A_1470 = arith.constant 1023 : i32
    %and3A_1471 = arith.andi %reduce_max3A_1465, %and3A_1470 : i32
    %sub3A_1472 = arith.constant 1023 : i32
    %sub3A_1473 = arith.subi %sub3A_1472, %and3A_1471 : i32
    %jit3A_1474 = arith.constant 1 : i32
    %select_n3A_1475 = arith.select %gt3A_1469, %sub3A_1473, %jit3A_1474 : i32
    %broadcast_in_dim3A_1476 = arith.constant 14 : i32
    %broadcast_in_dim3A_1477 = vector.broadcast %broadcast_in_dim3A_1476 : i32 to vector<16xi32>
    %broadcast_in_dim3A_1478 = vector.broadcast %select_n3A_1475 : i32 to vector<16xi32>
    tpu.vector_store_idx %arg6[%broadcast_in_dim3A_1477], %broadcast_in_dim3A_1478 masked %eq3A_7 : memref<32xi32, #tpu.memory_space<vmem>>[vector<16xi32>], vector<16xi32>, vector<16xi1>
    %get3A_1479 = arith.constant 15 : i32
    %get3A_1480 = arith.index_cast %get3A_1479 : i32 to index
    %get3A_1481 = arith.constant 0 : index
    %get3A_1482 = tpu.vector_load %arg4[%get3A_1480, %get3A_1481] {strides = array<i32>} : memref<32x50xi32, #tpu.memory_space<vmem>>, vector<16xi32>,
    %get3A_1483 = arith.constant 15 : i32
    %get3A_1484 = arith.index_cast %get3A_1483 : i32 to index
    %get3A_1485 = arith.constant 16 : index
    %get3A_1486 = tpu.vector_load %arg4[%get3A_1484, %get3A_1485] {strides = array<i32>} : memref<32x50xi32, #tpu.memory_space<vmem>>, vector<16xi32>,
    %get3A_1487 = arith.constant 15 : i32
    %get3A_1488 = arith.index_cast %get3A_1487 : i32 to index
    %get3A_1489 = arith.constant 32 : index
    %get3A_1490 = tpu.vector_load %arg4[%get3A_1488, %get3A_1489] {strides = array<i32>} : memref<32x50xi32, #tpu.memory_space<vmem>>, vector<16xi32>,
    %get3A_1491 = arith.constant 15 : i32
    %get3A_1492 = arith.index_cast %get3A_1491 : i32 to index
    %get3A_1493 = arith.constant 34 : index
    %get3A_1494 = tpu.vector_load %arg4[%get3A_1492, %get3A_1493] {strides = array<i32>} : memref<32x50xi32, #tpu.memory_space<vmem>>, vector<16xi32>,
    %gt3A_1495 = arith.constant 1 : i32
    %gt3A_1496 = vector.broadcast %gt3A_1495 : i32 to vector<16xi32>
    %gt3A_1497 = arith.cmpi sgt, %get3A_1482, %gt3A_1496 : vector<16xi32>
    %gt3A_1498 = arith.constant 1 : i32
    %gt3A_1499 = vector.broadcast %gt3A_1498 : i32 to vector<16xi32>
    %gt3A_1500 = arith.cmpi sgt, %get3A_1486, %gt3A_1499 : vector<16xi32>
    %gt3A_1501 = arith.constant 1 : i32
    %gt3A_1502 = vector.broadcast %gt3A_1501 : i32 to vector<16xi32>
    %gt3A_1503 = arith.cmpi sgt, %get3A_1490, %gt3A_1502 : vector<16xi32>
    %gt3A_1504 = arith.constant 1 : i32
    %gt3A_1505 = vector.broadcast %gt3A_1504 : i32 to vector<16xi32>
    %gt3A_1506 = arith.cmpi sgt, %get3A_1494, %gt3A_1505 : vector<16xi32>
    %and3A_1507 = arith.andi %gt3A_1506, %ge3A_20 : vector<16xi1>
    tpu.vector_store_idx %arg5[%get3A_1482], %broadcast_in_dim3A_5 masked %gt3A_1497 {add = true} : memref<1024xi32, #tpu.memory_space<vmem>>[vector<16xi32>], vector<16xi32>, vector<16xi1>
    tpu.vector_store_idx %arg5[%get3A_1486], %broadcast_in_dim3A_5 masked %gt3A_1500 {add = true} : memref<1024xi32, #tpu.memory_space<vmem>>[vector<16xi32>], vector<16xi32>, vector<16xi1>
    tpu.vector_store_idx %arg5[%get3A_1490], %broadcast_in_dim3A_5 masked %gt3A_1503 {add = true} : memref<1024xi32, #tpu.memory_space<vmem>>[vector<16xi32>], vector<16xi32>, vector<16xi1>
    tpu.vector_store_idx %arg5[%get3A_1494], %broadcast_in_dim3A_5 masked %and3A_1507 {add = true} : memref<1024xi32, #tpu.memory_space<vmem>>[vector<16xi32>], vector<16xi32>, vector<16xi1>
    %gather3A_1508 = tpu.vector_load_idx %arg5[%get3A_1482] : memref<1024xi32, #tpu.memory_space<vmem>>[vector<16xi32>], vector<16xi32>,
    %shift_left3A_1509 = arith.constant 10 : i32
    %shift_left3A_1510 = vector.broadcast %shift_left3A_1509 : i32 to vector<16xi32>
    %shift_left3A_1511 = arith.shli %gather3A_1508, %shift_left3A_1510 : vector<16xi32>
    %sub3A_1512 = arith.constant 1023 : i32
    %sub3A_1513 = vector.broadcast %sub3A_1512 : i32 to vector<16xi32>
    %sub3A_1514 = arith.subi %sub3A_1513, %get3A_1482 : vector<16xi32>
    %or3A_1515 = arith.ori %shift_left3A_1511, %sub3A_1514 : vector<16xi32>
    %jit3A_1516 = arith.constant 0 : i32
    %broadcast_in_dim3A_1517 = vector.broadcast %jit3A_1516 : i32 to vector<16xi32>
    %select_n3A_1518 = arith.select %gt3A_1497, %or3A_1515, %broadcast_in_dim3A_1517 : vector<16xi1>, vector<16xi32>
    %max3A_1519 = arith.maxsi %broadcast_in_dim3A_3, %select_n3A_1518 : vector<16xi32>
    tpu.vector_store_idx %arg5[%get3A_1482], %broadcast_in_dim3A_3 masked %gt3A_1497 : memref<1024xi32, #tpu.memory_space<vmem>>[vector<16xi32>], vector<16xi32>, vector<16xi1>
    %gather3A_1520 = tpu.vector_load_idx %arg5[%get3A_1486] : memref<1024xi32, #tpu.memory_space<vmem>>[vector<16xi32>], vector<16xi32>,
    %shift_left3A_1521 = arith.constant 10 : i32
    %shift_left3A_1522 = vector.broadcast %shift_left3A_1521 : i32 to vector<16xi32>
    %shift_left3A_1523 = arith.shli %gather3A_1520, %shift_left3A_1522 : vector<16xi32>
    %sub3A_1524 = arith.constant 1023 : i32
    %sub3A_1525 = vector.broadcast %sub3A_1524 : i32 to vector<16xi32>
    %sub3A_1526 = arith.subi %sub3A_1525, %get3A_1486 : vector<16xi32>
    %or3A_1527 = arith.ori %shift_left3A_1523, %sub3A_1526 : vector<16xi32>
    %jit3A_1528 = arith.constant 0 : i32
    %broadcast_in_dim3A_1529 = vector.broadcast %jit3A_1528 : i32 to vector<16xi32>
    %select_n3A_1530 = arith.select %gt3A_1500, %or3A_1527, %broadcast_in_dim3A_1529 : vector<16xi1>, vector<16xi32>
    %max3A_1531 = arith.maxsi %max3A_1519, %select_n3A_1530 : vector<16xi32>
    tpu.vector_store_idx %arg5[%get3A_1486], %broadcast_in_dim3A_3 masked %gt3A_1500 : memref<1024xi32, #tpu.memory_space<vmem>>[vector<16xi32>], vector<16xi32>, vector<16xi1>
    %gather3A_1532 = tpu.vector_load_idx %arg5[%get3A_1490] : memref<1024xi32, #tpu.memory_space<vmem>>[vector<16xi32>], vector<16xi32>,
    %shift_left3A_1533 = arith.constant 10 : i32
    %shift_left3A_1534 = vector.broadcast %shift_left3A_1533 : i32 to vector<16xi32>
    %shift_left3A_1535 = arith.shli %gather3A_1532, %shift_left3A_1534 : vector<16xi32>
    %sub3A_1536 = arith.constant 1023 : i32
    %sub3A_1537 = vector.broadcast %sub3A_1536 : i32 to vector<16xi32>
    %sub3A_1538 = arith.subi %sub3A_1537, %get3A_1490 : vector<16xi32>
    %or3A_1539 = arith.ori %shift_left3A_1535, %sub3A_1538 : vector<16xi32>
    %jit3A_1540 = arith.constant 0 : i32
    %broadcast_in_dim3A_1541 = vector.broadcast %jit3A_1540 : i32 to vector<16xi32>
    %select_n3A_1542 = arith.select %gt3A_1503, %or3A_1539, %broadcast_in_dim3A_1541 : vector<16xi1>, vector<16xi32>
    %max3A_1543 = arith.maxsi %max3A_1531, %select_n3A_1542 : vector<16xi32>
    tpu.vector_store_idx %arg5[%get3A_1490], %broadcast_in_dim3A_3 masked %gt3A_1503 : memref<1024xi32, #tpu.memory_space<vmem>>[vector<16xi32>], vector<16xi32>, vector<16xi1>
    %gather3A_1544 = tpu.vector_load_idx %arg5[%get3A_1494] : memref<1024xi32, #tpu.memory_space<vmem>>[vector<16xi32>], vector<16xi32>,
    %shift_left3A_1545 = arith.constant 10 : i32
    %shift_left3A_1546 = vector.broadcast %shift_left3A_1545 : i32 to vector<16xi32>
    %shift_left3A_1547 = arith.shli %gather3A_1544, %shift_left3A_1546 : vector<16xi32>
    %sub3A_1548 = arith.constant 1023 : i32
    %sub3A_1549 = vector.broadcast %sub3A_1548 : i32 to vector<16xi32>
    %sub3A_1550 = arith.subi %sub3A_1549, %get3A_1494 : vector<16xi32>
    %or3A_1551 = arith.ori %shift_left3A_1547, %sub3A_1550 : vector<16xi32>
    %jit3A_1552 = arith.constant 0 : i32
    %broadcast_in_dim3A_1553 = vector.broadcast %jit3A_1552 : i32 to vector<16xi32>
    %select_n3A_1554 = arith.select %and3A_1507, %or3A_1551, %broadcast_in_dim3A_1553 : vector<16xi1>, vector<16xi32>
    %max3A_1555 = arith.maxsi %max3A_1543, %select_n3A_1554 : vector<16xi32>
    tpu.vector_store_idx %arg5[%get3A_1494], %broadcast_in_dim3A_3 masked %and3A_1507 : memref<1024xi32, #tpu.memory_space<vmem>>[vector<16xi32>], vector<16xi32>, vector<16xi1>
    %reduce_max3A_1556 = arith.constant true
    %reduce_max3A_1557 = vector.broadcast %reduce_max3A_1556 : i1 to vector<16xi1>
    %reduce_max3A_1558 = arith.constant -2147483648 : i32
    %reduce_max3A_1559 = vector.broadcast %reduce_max3A_1558 : i32 to vector<16xi32>
    %reduce_max3A_1560 = arith.xori %max3A_1555, %reduce_max3A_1559 : vector<16xi32>
    %reduce_max3A_1561 = tpu.scan <max>, %reduce_max3A_1560 masked %reduce_max3A_1557 : vector<16xi32>, vector<16xi1> -> vector<16xi32>
    %reduce_max3A_1562 = arith.xori %reduce_max3A_1561, %reduce_max3A_1559 : vector<16xi32>
    %reduce_max3A_1563 = vector.extract %reduce_max3A_1562[15] : i32 from vector<16xi32>
    %shift_right_arithmetic3A_1564 = arith.constant 10 : i32
    %shift_right_arithmetic3A_1565 = arith.shrsi %reduce_max3A_1563, %shift_right_arithmetic3A_1564 : i32
    %gt3A_1566 = arith.constant 0 : i32
    %gt3A_1567 = arith.cmpi sgt, %shift_right_arithmetic3A_1565, %gt3A_1566 : i32
    %and3A_1568 = arith.constant 1023 : i32
    %and3A_1569 = arith.andi %reduce_max3A_1563, %and3A_1568 : i32
    %sub3A_1570 = arith.constant 1023 : i32
    %sub3A_1571 = arith.subi %sub3A_1570, %and3A_1569 : i32
    %jit3A_1572 = arith.constant 1 : i32
    %select_n3A_1573 = arith.select %gt3A_1567, %sub3A_1571, %jit3A_1572 : i32
    %broadcast_in_dim3A_1574 = arith.constant 15 : i32
    %broadcast_in_dim3A_1575 = vector.broadcast %broadcast_in_dim3A_1574 : i32 to vector<16xi32>
    %broadcast_in_dim3A_1576 = vector.broadcast %select_n3A_1573 : i32 to vector<16xi32>
    tpu.vector_store_idx %arg6[%broadcast_in_dim3A_1575], %broadcast_in_dim3A_1576 masked %eq3A_7 : memref<32xi32, #tpu.memory_space<vmem>>[vector<16xi32>], vector<16xi32>, vector<16xi1>
    %get3A_1577 = arith.constant 16 : i32
    %get3A_1578 = arith.index_cast %get3A_1577 : i32 to index
    %get3A_1579 = arith.constant 0 : index
    %get3A_1580 = tpu.vector_load %arg4[%get3A_1578, %get3A_1579] {strides = array<i32>} : memref<32x50xi32, #tpu.memory_space<vmem>>, vector<16xi32>,
    %get3A_1581 = arith.constant 16 : i32
    %get3A_1582 = arith.index_cast %get3A_1581 : i32 to index
    %get3A_1583 = arith.constant 16 : index
    %get3A_1584 = tpu.vector_load %arg4[%get3A_1582, %get3A_1583] {strides = array<i32>} : memref<32x50xi32, #tpu.memory_space<vmem>>, vector<16xi32>,
    %get3A_1585 = arith.constant 16 : i32
    %get3A_1586 = arith.index_cast %get3A_1585 : i32 to index
    %get3A_1587 = arith.constant 32 : index
    %get3A_1588 = tpu.vector_load %arg4[%get3A_1586, %get3A_1587] {strides = array<i32>} : memref<32x50xi32, #tpu.memory_space<vmem>>, vector<16xi32>,
    %get3A_1589 = arith.constant 16 : i32
    %get3A_1590 = arith.index_cast %get3A_1589 : i32 to index
    %get3A_1591 = arith.constant 34 : index
    %get3A_1592 = tpu.vector_load %arg4[%get3A_1590, %get3A_1591] {strides = array<i32>} : memref<32x50xi32, #tpu.memory_space<vmem>>, vector<16xi32>,
    %gt3A_1593 = arith.constant 1 : i32
    %gt3A_1594 = vector.broadcast %gt3A_1593 : i32 to vector<16xi32>
    %gt3A_1595 = arith.cmpi sgt, %get3A_1580, %gt3A_1594 : vector<16xi32>
    %gt3A_1596 = arith.constant 1 : i32
    %gt3A_1597 = vector.broadcast %gt3A_1596 : i32 to vector<16xi32>
    %gt3A_1598 = arith.cmpi sgt, %get3A_1584, %gt3A_1597 : vector<16xi32>
    %gt3A_1599 = arith.constant 1 : i32
    %gt3A_1600 = vector.broadcast %gt3A_1599 : i32 to vector<16xi32>
    %gt3A_1601 = arith.cmpi sgt, %get3A_1588, %gt3A_1600 : vector<16xi32>
    %gt3A_1602 = arith.constant 1 : i32
    %gt3A_1603 = vector.broadcast %gt3A_1602 : i32 to vector<16xi32>
    %gt3A_1604 = arith.cmpi sgt, %get3A_1592, %gt3A_1603 : vector<16xi32>
    %and3A_1605 = arith.andi %gt3A_1604, %ge3A_20 : vector<16xi1>
    tpu.vector_store_idx %arg5[%get3A_1580], %broadcast_in_dim3A_5 masked %gt3A_1595 {add = true} : memref<1024xi32, #tpu.memory_space<vmem>>[vector<16xi32>], vector<16xi32>, vector<16xi1>
    tpu.vector_store_idx %arg5[%get3A_1584], %broadcast_in_dim3A_5 masked %gt3A_1598 {add = true} : memref<1024xi32, #tpu.memory_space<vmem>>[vector<16xi32>], vector<16xi32>, vector<16xi1>
    tpu.vector_store_idx %arg5[%get3A_1588], %broadcast_in_dim3A_5 masked %gt3A_1601 {add = true} : memref<1024xi32, #tpu.memory_space<vmem>>[vector<16xi32>], vector<16xi32>, vector<16xi1>
    tpu.vector_store_idx %arg5[%get3A_1592], %broadcast_in_dim3A_5 masked %and3A_1605 {add = true} : memref<1024xi32, #tpu.memory_space<vmem>>[vector<16xi32>], vector<16xi32>, vector<16xi1>
    %gather3A_1606 = tpu.vector_load_idx %arg5[%get3A_1580] : memref<1024xi32, #tpu.memory_space<vmem>>[vector<16xi32>], vector<16xi32>,
    %shift_left3A_1607 = arith.constant 10 : i32
    %shift_left3A_1608 = vector.broadcast %shift_left3A_1607 : i32 to vector<16xi32>
    %shift_left3A_1609 = arith.shli %gather3A_1606, %shift_left3A_1608 : vector<16xi32>
    %sub3A_1610 = arith.constant 1023 : i32
    %sub3A_1611 = vector.broadcast %sub3A_1610 : i32 to vector<16xi32>
    %sub3A_1612 = arith.subi %sub3A_1611, %get3A_1580 : vector<16xi32>
    %or3A_1613 = arith.ori %shift_left3A_1609, %sub3A_1612 : vector<16xi32>
    %jit3A_1614 = arith.constant 0 : i32
    %broadcast_in_dim3A_1615 = vector.broadcast %jit3A_1614 : i32 to vector<16xi32>
    %select_n3A_1616 = arith.select %gt3A_1595, %or3A_1613, %broadcast_in_dim3A_1615 : vector<16xi1>, vector<16xi32>
    %max3A_1617 = arith.maxsi %broadcast_in_dim3A_3, %select_n3A_1616 : vector<16xi32>
    tpu.vector_store_idx %arg5[%get3A_1580], %broadcast_in_dim3A_3 masked %gt3A_1595 : memref<1024xi32, #tpu.memory_space<vmem>>[vector<16xi32>], vector<16xi32>, vector<16xi1>
    %gather3A_1618 = tpu.vector_load_idx %arg5[%get3A_1584] : memref<1024xi32, #tpu.memory_space<vmem>>[vector<16xi32>], vector<16xi32>,
    %shift_left3A_1619 = arith.constant 10 : i32
    %shift_left3A_1620 = vector.broadcast %shift_left3A_1619 : i32 to vector<16xi32>
    %shift_left3A_1621 = arith.shli %gather3A_1618, %shift_left3A_1620 : vector<16xi32>
    %sub3A_1622 = arith.constant 1023 : i32
    %sub3A_1623 = vector.broadcast %sub3A_1622 : i32 to vector<16xi32>
    %sub3A_1624 = arith.subi %sub3A_1623, %get3A_1584 : vector<16xi32>
    %or3A_1625 = arith.ori %shift_left3A_1621, %sub3A_1624 : vector<16xi32>
    %jit3A_1626 = arith.constant 0 : i32
    %broadcast_in_dim3A_1627 = vector.broadcast %jit3A_1626 : i32 to vector<16xi32>
    %select_n3A_1628 = arith.select %gt3A_1598, %or3A_1625, %broadcast_in_dim3A_1627 : vector<16xi1>, vector<16xi32>
    %max3A_1629 = arith.maxsi %max3A_1617, %select_n3A_1628 : vector<16xi32>
    tpu.vector_store_idx %arg5[%get3A_1584], %broadcast_in_dim3A_3 masked %gt3A_1598 : memref<1024xi32, #tpu.memory_space<vmem>>[vector<16xi32>], vector<16xi32>, vector<16xi1>
    %gather3A_1630 = tpu.vector_load_idx %arg5[%get3A_1588] : memref<1024xi32, #tpu.memory_space<vmem>>[vector<16xi32>], vector<16xi32>,
    %shift_left3A_1631 = arith.constant 10 : i32
    %shift_left3A_1632 = vector.broadcast %shift_left3A_1631 : i32 to vector<16xi32>
    %shift_left3A_1633 = arith.shli %gather3A_1630, %shift_left3A_1632 : vector<16xi32>
    %sub3A_1634 = arith.constant 1023 : i32
    %sub3A_1635 = vector.broadcast %sub3A_1634 : i32 to vector<16xi32>
    %sub3A_1636 = arith.subi %sub3A_1635, %get3A_1588 : vector<16xi32>
    %or3A_1637 = arith.ori %shift_left3A_1633, %sub3A_1636 : vector<16xi32>
    %jit3A_1638 = arith.constant 0 : i32
    %broadcast_in_dim3A_1639 = vector.broadcast %jit3A_1638 : i32 to vector<16xi32>
    %select_n3A_1640 = arith.select %gt3A_1601, %or3A_1637, %broadcast_in_dim3A_1639 : vector<16xi1>, vector<16xi32>
    %max3A_1641 = arith.maxsi %max3A_1629, %select_n3A_1640 : vector<16xi32>
    tpu.vector_store_idx %arg5[%get3A_1588], %broadcast_in_dim3A_3 masked %gt3A_1601 : memref<1024xi32, #tpu.memory_space<vmem>>[vector<16xi32>], vector<16xi32>, vector<16xi1>
    %gather3A_1642 = tpu.vector_load_idx %arg5[%get3A_1592] : memref<1024xi32, #tpu.memory_space<vmem>>[vector<16xi32>], vector<16xi32>,
    %shift_left3A_1643 = arith.constant 10 : i32
    %shift_left3A_1644 = vector.broadcast %shift_left3A_1643 : i32 to vector<16xi32>
    %shift_left3A_1645 = arith.shli %gather3A_1642, %shift_left3A_1644 : vector<16xi32>
    %sub3A_1646 = arith.constant 1023 : i32
    %sub3A_1647 = vector.broadcast %sub3A_1646 : i32 to vector<16xi32>
    %sub3A_1648 = arith.subi %sub3A_1647, %get3A_1592 : vector<16xi32>
    %or3A_1649 = arith.ori %shift_left3A_1645, %sub3A_1648 : vector<16xi32>
    %jit3A_1650 = arith.constant 0 : i32
    %broadcast_in_dim3A_1651 = vector.broadcast %jit3A_1650 : i32 to vector<16xi32>
    %select_n3A_1652 = arith.select %and3A_1605, %or3A_1649, %broadcast_in_dim3A_1651 : vector<16xi1>, vector<16xi32>
    %max3A_1653 = arith.maxsi %max3A_1641, %select_n3A_1652 : vector<16xi32>
    tpu.vector_store_idx %arg5[%get3A_1592], %broadcast_in_dim3A_3 masked %and3A_1605 : memref<1024xi32, #tpu.memory_space<vmem>>[vector<16xi32>], vector<16xi32>, vector<16xi1>
    %reduce_max3A_1654 = arith.constant true
    %reduce_max3A_1655 = vector.broadcast %reduce_max3A_1654 : i1 to vector<16xi1>
    %reduce_max3A_1656 = arith.constant -2147483648 : i32
    %reduce_max3A_1657 = vector.broadcast %reduce_max3A_1656 : i32 to vector<16xi32>
    %reduce_max3A_1658 = arith.xori %max3A_1653, %reduce_max3A_1657 : vector<16xi32>
    %reduce_max3A_1659 = tpu.scan <max>, %reduce_max3A_1658 masked %reduce_max3A_1655 : vector<16xi32>, vector<16xi1> -> vector<16xi32>
    %reduce_max3A_1660 = arith.xori %reduce_max3A_1659, %reduce_max3A_1657 : vector<16xi32>
    %reduce_max3A_1661 = vector.extract %reduce_max3A_1660[15] : i32 from vector<16xi32>
    %shift_right_arithmetic3A_1662 = arith.constant 10 : i32
    %shift_right_arithmetic3A_1663 = arith.shrsi %reduce_max3A_1661, %shift_right_arithmetic3A_1662 : i32
    %gt3A_1664 = arith.constant 0 : i32
    %gt3A_1665 = arith.cmpi sgt, %shift_right_arithmetic3A_1663, %gt3A_1664 : i32
    %and3A_1666 = arith.constant 1023 : i32
    %and3A_1667 = arith.andi %reduce_max3A_1661, %and3A_1666 : i32
    %sub3A_1668 = arith.constant 1023 : i32
    %sub3A_1669 = arith.subi %sub3A_1668, %and3A_1667 : i32
    %jit3A_1670 = arith.constant 1 : i32
    %select_n3A_1671 = arith.select %gt3A_1665, %sub3A_1669, %jit3A_1670 : i32
    %broadcast_in_dim3A_1672 = arith.constant 16 : i32
    %broadcast_in_dim3A_1673 = vector.broadcast %broadcast_in_dim3A_1672 : i32 to vector<16xi32>
    %broadcast_in_dim3A_1674 = vector.broadcast %select_n3A_1671 : i32 to vector<16xi32>
    tpu.vector_store_idx %arg6[%broadcast_in_dim3A_1673], %broadcast_in_dim3A_1674 masked %eq3A_7 : memref<32xi32, #tpu.memory_space<vmem>>[vector<16xi32>], vector<16xi32>, vector<16xi1>
    %get3A_1675 = arith.constant 17 : i32
    %get3A_1676 = arith.index_cast %get3A_1675 : i32 to index
    %get3A_1677 = arith.constant 0 : index
    %get3A_1678 = tpu.vector_load %arg4[%get3A_1676, %get3A_1677] {strides = array<i32>} : memref<32x50xi32, #tpu.memory_space<vmem>>, vector<16xi32>,
    %get3A_1679 = arith.constant 17 : i32
    %get3A_1680 = arith.index_cast %get3A_1679 : i32 to index
    %get3A_1681 = arith.constant 16 : index
    %get3A_1682 = tpu.vector_load %arg4[%get3A_1680, %get3A_1681] {strides = array<i32>} : memref<32x50xi32, #tpu.memory_space<vmem>>, vector<16xi32>,
    %get3A_1683 = arith.constant 17 : i32
    %get3A_1684 = arith.index_cast %get3A_1683 : i32 to index
    %get3A_1685 = arith.constant 32 : index
    %get3A_1686 = tpu.vector_load %arg4[%get3A_1684, %get3A_1685] {strides = array<i32>} : memref<32x50xi32, #tpu.memory_space<vmem>>, vector<16xi32>,
    %get3A_1687 = arith.constant 17 : i32
    %get3A_1688 = arith.index_cast %get3A_1687 : i32 to index
    %get3A_1689 = arith.constant 34 : index
    %get3A_1690 = tpu.vector_load %arg4[%get3A_1688, %get3A_1689] {strides = array<i32>} : memref<32x50xi32, #tpu.memory_space<vmem>>, vector<16xi32>,
    %gt3A_1691 = arith.constant 1 : i32
    %gt3A_1692 = vector.broadcast %gt3A_1691 : i32 to vector<16xi32>
    %gt3A_1693 = arith.cmpi sgt, %get3A_1678, %gt3A_1692 : vector<16xi32>
    %gt3A_1694 = arith.constant 1 : i32
    %gt3A_1695 = vector.broadcast %gt3A_1694 : i32 to vector<16xi32>
    %gt3A_1696 = arith.cmpi sgt, %get3A_1682, %gt3A_1695 : vector<16xi32>
    %gt3A_1697 = arith.constant 1 : i32
    %gt3A_1698 = vector.broadcast %gt3A_1697 : i32 to vector<16xi32>
    %gt3A_1699 = arith.cmpi sgt, %get3A_1686, %gt3A_1698 : vector<16xi32>
    %gt3A_1700 = arith.constant 1 : i32
    %gt3A_1701 = vector.broadcast %gt3A_1700 : i32 to vector<16xi32>
    %gt3A_1702 = arith.cmpi sgt, %get3A_1690, %gt3A_1701 : vector<16xi32>
    %and3A_1703 = arith.andi %gt3A_1702, %ge3A_20 : vector<16xi1>
    tpu.vector_store_idx %arg5[%get3A_1678], %broadcast_in_dim3A_5 masked %gt3A_1693 {add = true} : memref<1024xi32, #tpu.memory_space<vmem>>[vector<16xi32>], vector<16xi32>, vector<16xi1>
    tpu.vector_store_idx %arg5[%get3A_1682], %broadcast_in_dim3A_5 masked %gt3A_1696 {add = true} : memref<1024xi32, #tpu.memory_space<vmem>>[vector<16xi32>], vector<16xi32>, vector<16xi1>
    tpu.vector_store_idx %arg5[%get3A_1686], %broadcast_in_dim3A_5 masked %gt3A_1699 {add = true} : memref<1024xi32, #tpu.memory_space<vmem>>[vector<16xi32>], vector<16xi32>, vector<16xi1>
    tpu.vector_store_idx %arg5[%get3A_1690], %broadcast_in_dim3A_5 masked %and3A_1703 {add = true} : memref<1024xi32, #tpu.memory_space<vmem>>[vector<16xi32>], vector<16xi32>, vector<16xi1>
    %gather3A_1704 = tpu.vector_load_idx %arg5[%get3A_1678] : memref<1024xi32, #tpu.memory_space<vmem>>[vector<16xi32>], vector<16xi32>,
    %shift_left3A_1705 = arith.constant 10 : i32
    %shift_left3A_1706 = vector.broadcast %shift_left3A_1705 : i32 to vector<16xi32>
    %shift_left3A_1707 = arith.shli %gather3A_1704, %shift_left3A_1706 : vector<16xi32>
    %sub3A_1708 = arith.constant 1023 : i32
    %sub3A_1709 = vector.broadcast %sub3A_1708 : i32 to vector<16xi32>
    %sub3A_1710 = arith.subi %sub3A_1709, %get3A_1678 : vector<16xi32>
    %or3A_1711 = arith.ori %shift_left3A_1707, %sub3A_1710 : vector<16xi32>
    %jit3A_1712 = arith.constant 0 : i32
    %broadcast_in_dim3A_1713 = vector.broadcast %jit3A_1712 : i32 to vector<16xi32>
    %select_n3A_1714 = arith.select %gt3A_1693, %or3A_1711, %broadcast_in_dim3A_1713 : vector<16xi1>, vector<16xi32>
    %max3A_1715 = arith.maxsi %broadcast_in_dim3A_3, %select_n3A_1714 : vector<16xi32>
    tpu.vector_store_idx %arg5[%get3A_1678], %broadcast_in_dim3A_3 masked %gt3A_1693 : memref<1024xi32, #tpu.memory_space<vmem>>[vector<16xi32>], vector<16xi32>, vector<16xi1>
    %gather3A_1716 = tpu.vector_load_idx %arg5[%get3A_1682] : memref<1024xi32, #tpu.memory_space<vmem>>[vector<16xi32>], vector<16xi32>,
    %shift_left3A_1717 = arith.constant 10 : i32
    %shift_left3A_1718 = vector.broadcast %shift_left3A_1717 : i32 to vector<16xi32>
    %shift_left3A_1719 = arith.shli %gather3A_1716, %shift_left3A_1718 : vector<16xi32>
    %sub3A_1720 = arith.constant 1023 : i32
    %sub3A_1721 = vector.broadcast %sub3A_1720 : i32 to vector<16xi32>
    %sub3A_1722 = arith.subi %sub3A_1721, %get3A_1682 : vector<16xi32>
    %or3A_1723 = arith.ori %shift_left3A_1719, %sub3A_1722 : vector<16xi32>
    %jit3A_1724 = arith.constant 0 : i32
    %broadcast_in_dim3A_1725 = vector.broadcast %jit3A_1724 : i32 to vector<16xi32>
    %select_n3A_1726 = arith.select %gt3A_1696, %or3A_1723, %broadcast_in_dim3A_1725 : vector<16xi1>, vector<16xi32>
    %max3A_1727 = arith.maxsi %max3A_1715, %select_n3A_1726 : vector<16xi32>
    tpu.vector_store_idx %arg5[%get3A_1682], %broadcast_in_dim3A_3 masked %gt3A_1696 : memref<1024xi32, #tpu.memory_space<vmem>>[vector<16xi32>], vector<16xi32>, vector<16xi1>
    %gather3A_1728 = tpu.vector_load_idx %arg5[%get3A_1686] : memref<1024xi32, #tpu.memory_space<vmem>>[vector<16xi32>], vector<16xi32>,
    %shift_left3A_1729 = arith.constant 10 : i32
    %shift_left3A_1730 = vector.broadcast %shift_left3A_1729 : i32 to vector<16xi32>
    %shift_left3A_1731 = arith.shli %gather3A_1728, %shift_left3A_1730 : vector<16xi32>
    %sub3A_1732 = arith.constant 1023 : i32
    %sub3A_1733 = vector.broadcast %sub3A_1732 : i32 to vector<16xi32>
    %sub3A_1734 = arith.subi %sub3A_1733, %get3A_1686 : vector<16xi32>
    %or3A_1735 = arith.ori %shift_left3A_1731, %sub3A_1734 : vector<16xi32>
    %jit3A_1736 = arith.constant 0 : i32
    %broadcast_in_dim3A_1737 = vector.broadcast %jit3A_1736 : i32 to vector<16xi32>
    %select_n3A_1738 = arith.select %gt3A_1699, %or3A_1735, %broadcast_in_dim3A_1737 : vector<16xi1>, vector<16xi32>
    %max3A_1739 = arith.maxsi %max3A_1727, %select_n3A_1738 : vector<16xi32>
    tpu.vector_store_idx %arg5[%get3A_1686], %broadcast_in_dim3A_3 masked %gt3A_1699 : memref<1024xi32, #tpu.memory_space<vmem>>[vector<16xi32>], vector<16xi32>, vector<16xi1>
    %gather3A_1740 = tpu.vector_load_idx %arg5[%get3A_1690] : memref<1024xi32, #tpu.memory_space<vmem>>[vector<16xi32>], vector<16xi32>,
    %shift_left3A_1741 = arith.constant 10 : i32
    %shift_left3A_1742 = vector.broadcast %shift_left3A_1741 : i32 to vector<16xi32>
    %shift_left3A_1743 = arith.shli %gather3A_1740, %shift_left3A_1742 : vector<16xi32>
    %sub3A_1744 = arith.constant 1023 : i32
    %sub3A_1745 = vector.broadcast %sub3A_1744 : i32 to vector<16xi32>
    %sub3A_1746 = arith.subi %sub3A_1745, %get3A_1690 : vector<16xi32>
    %or3A_1747 = arith.ori %shift_left3A_1743, %sub3A_1746 : vector<16xi32>
    %jit3A_1748 = arith.constant 0 : i32
    %broadcast_in_dim3A_1749 = vector.broadcast %jit3A_1748 : i32 to vector<16xi32>
    %select_n3A_1750 = arith.select %and3A_1703, %or3A_1747, %broadcast_in_dim3A_1749 : vector<16xi1>, vector<16xi32>
    %max3A_1751 = arith.maxsi %max3A_1739, %select_n3A_1750 : vector<16xi32>
    tpu.vector_store_idx %arg5[%get3A_1690], %broadcast_in_dim3A_3 masked %and3A_1703 : memref<1024xi32, #tpu.memory_space<vmem>>[vector<16xi32>], vector<16xi32>, vector<16xi1>
    %reduce_max3A_1752 = arith.constant true
    %reduce_max3A_1753 = vector.broadcast %reduce_max3A_1752 : i1 to vector<16xi1>
    %reduce_max3A_1754 = arith.constant -2147483648 : i32
    %reduce_max3A_1755 = vector.broadcast %reduce_max3A_1754 : i32 to vector<16xi32>
    %reduce_max3A_1756 = arith.xori %max3A_1751, %reduce_max3A_1755 : vector<16xi32>
    %reduce_max3A_1757 = tpu.scan <max>, %reduce_max3A_1756 masked %reduce_max3A_1753 : vector<16xi32>, vector<16xi1> -> vector<16xi32>
    %reduce_max3A_1758 = arith.xori %reduce_max3A_1757, %reduce_max3A_1755 : vector<16xi32>
    %reduce_max3A_1759 = vector.extract %reduce_max3A_1758[15] : i32 from vector<16xi32>
    %shift_right_arithmetic3A_1760 = arith.constant 10 : i32
    %shift_right_arithmetic3A_1761 = arith.shrsi %reduce_max3A_1759, %shift_right_arithmetic3A_1760 : i32
    %gt3A_1762 = arith.constant 0 : i32
    %gt3A_1763 = arith.cmpi sgt, %shift_right_arithmetic3A_1761, %gt3A_1762 : i32
    %and3A_1764 = arith.constant 1023 : i32
    %and3A_1765 = arith.andi %reduce_max3A_1759, %and3A_1764 : i32
    %sub3A_1766 = arith.constant 1023 : i32
    %sub3A_1767 = arith.subi %sub3A_1766, %and3A_1765 : i32
    %jit3A_1768 = arith.constant 1 : i32
    %select_n3A_1769 = arith.select %gt3A_1763, %sub3A_1767, %jit3A_1768 : i32
    %broadcast_in_dim3A_1770 = arith.constant 17 : i32
    %broadcast_in_dim3A_1771 = vector.broadcast %broadcast_in_dim3A_1770 : i32 to vector<16xi32>
    %broadcast_in_dim3A_1772 = vector.broadcast %select_n3A_1769 : i32 to vector<16xi32>
    tpu.vector_store_idx %arg6[%broadcast_in_dim3A_1771], %broadcast_in_dim3A_1772 masked %eq3A_7 : memref<32xi32, #tpu.memory_space<vmem>>[vector<16xi32>], vector<16xi32>, vector<16xi1>
    %get3A_1773 = arith.constant 18 : i32
    %get3A_1774 = arith.index_cast %get3A_1773 : i32 to index
    %get3A_1775 = arith.constant 0 : index
    %get3A_1776 = tpu.vector_load %arg4[%get3A_1774, %get3A_1775] {strides = array<i32>} : memref<32x50xi32, #tpu.memory_space<vmem>>, vector<16xi32>,
    %get3A_1777 = arith.constant 18 : i32
    %get3A_1778 = arith.index_cast %get3A_1777 : i32 to index
    %get3A_1779 = arith.constant 16 : index
    %get3A_1780 = tpu.vector_load %arg4[%get3A_1778, %get3A_1779] {strides = array<i32>} : memref<32x50xi32, #tpu.memory_space<vmem>>, vector<16xi32>,
    %get3A_1781 = arith.constant 18 : i32
    %get3A_1782 = arith.index_cast %get3A_1781 : i32 to index
    %get3A_1783 = arith.constant 32 : index
    %get3A_1784 = tpu.vector_load %arg4[%get3A_1782, %get3A_1783] {strides = array<i32>} : memref<32x50xi32, #tpu.memory_space<vmem>>, vector<16xi32>,
    %get3A_1785 = arith.constant 18 : i32
    %get3A_1786 = arith.index_cast %get3A_1785 : i32 to index
    %get3A_1787 = arith.constant 34 : index
    %get3A_1788 = tpu.vector_load %arg4[%get3A_1786, %get3A_1787] {strides = array<i32>} : memref<32x50xi32, #tpu.memory_space<vmem>>, vector<16xi32>,
    %gt3A_1789 = arith.constant 1 : i32
    %gt3A_1790 = vector.broadcast %gt3A_1789 : i32 to vector<16xi32>
    %gt3A_1791 = arith.cmpi sgt, %get3A_1776, %gt3A_1790 : vector<16xi32>
    %gt3A_1792 = arith.constant 1 : i32
    %gt3A_1793 = vector.broadcast %gt3A_1792 : i32 to vector<16xi32>
    %gt3A_1794 = arith.cmpi sgt, %get3A_1780, %gt3A_1793 : vector<16xi32>
    %gt3A_1795 = arith.constant 1 : i32
    %gt3A_1796 = vector.broadcast %gt3A_1795 : i32 to vector<16xi32>
    %gt3A_1797 = arith.cmpi sgt, %get3A_1784, %gt3A_1796 : vector<16xi32>
    %gt3A_1798 = arith.constant 1 : i32
    %gt3A_1799 = vector.broadcast %gt3A_1798 : i32 to vector<16xi32>
    %gt3A_1800 = arith.cmpi sgt, %get3A_1788, %gt3A_1799 : vector<16xi32>
    %and3A_1801 = arith.andi %gt3A_1800, %ge3A_20 : vector<16xi1>
    tpu.vector_store_idx %arg5[%get3A_1776], %broadcast_in_dim3A_5 masked %gt3A_1791 {add = true} : memref<1024xi32, #tpu.memory_space<vmem>>[vector<16xi32>], vector<16xi32>, vector<16xi1>
    tpu.vector_store_idx %arg5[%get3A_1780], %broadcast_in_dim3A_5 masked %gt3A_1794 {add = true} : memref<1024xi32, #tpu.memory_space<vmem>>[vector<16xi32>], vector<16xi32>, vector<16xi1>
    tpu.vector_store_idx %arg5[%get3A_1784], %broadcast_in_dim3A_5 masked %gt3A_1797 {add = true} : memref<1024xi32, #tpu.memory_space<vmem>>[vector<16xi32>], vector<16xi32>, vector<16xi1>
    tpu.vector_store_idx %arg5[%get3A_1788], %broadcast_in_dim3A_5 masked %and3A_1801 {add = true} : memref<1024xi32, #tpu.memory_space<vmem>>[vector<16xi32>], vector<16xi32>, vector<16xi1>
    %gather3A_1802 = tpu.vector_load_idx %arg5[%get3A_1776] : memref<1024xi32, #tpu.memory_space<vmem>>[vector<16xi32>], vector<16xi32>,
    %shift_left3A_1803 = arith.constant 10 : i32
    %shift_left3A_1804 = vector.broadcast %shift_left3A_1803 : i32 to vector<16xi32>
    %shift_left3A_1805 = arith.shli %gather3A_1802, %shift_left3A_1804 : vector<16xi32>
    %sub3A_1806 = arith.constant 1023 : i32
    %sub3A_1807 = vector.broadcast %sub3A_1806 : i32 to vector<16xi32>
    %sub3A_1808 = arith.subi %sub3A_1807, %get3A_1776 : vector<16xi32>
    %or3A_1809 = arith.ori %shift_left3A_1805, %sub3A_1808 : vector<16xi32>
    %jit3A_1810 = arith.constant 0 : i32
    %broadcast_in_dim3A_1811 = vector.broadcast %jit3A_1810 : i32 to vector<16xi32>
    %select_n3A_1812 = arith.select %gt3A_1791, %or3A_1809, %broadcast_in_dim3A_1811 : vector<16xi1>, vector<16xi32>
    %max3A_1813 = arith.maxsi %broadcast_in_dim3A_3, %select_n3A_1812 : vector<16xi32>
    tpu.vector_store_idx %arg5[%get3A_1776], %broadcast_in_dim3A_3 masked %gt3A_1791 : memref<1024xi32, #tpu.memory_space<vmem>>[vector<16xi32>], vector<16xi32>, vector<16xi1>
    %gather3A_1814 = tpu.vector_load_idx %arg5[%get3A_1780] : memref<1024xi32, #tpu.memory_space<vmem>>[vector<16xi32>], vector<16xi32>,
    %shift_left3A_1815 = arith.constant 10 : i32
    %shift_left3A_1816 = vector.broadcast %shift_left3A_1815 : i32 to vector<16xi32>
    %shift_left3A_1817 = arith.shli %gather3A_1814, %shift_left3A_1816 : vector<16xi32>
    %sub3A_1818 = arith.constant 1023 : i32
    %sub3A_1819 = vector.broadcast %sub3A_1818 : i32 to vector<16xi32>
    %sub3A_1820 = arith.subi %sub3A_1819, %get3A_1780 : vector<16xi32>
    %or3A_1821 = arith.ori %shift_left3A_1817, %sub3A_1820 : vector<16xi32>
    %jit3A_1822 = arith.constant 0 : i32
    %broadcast_in_dim3A_1823 = vector.broadcast %jit3A_1822 : i32 to vector<16xi32>
    %select_n3A_1824 = arith.select %gt3A_1794, %or3A_1821, %broadcast_in_dim3A_1823 : vector<16xi1>, vector<16xi32>
    %max3A_1825 = arith.maxsi %max3A_1813, %select_n3A_1824 : vector<16xi32>
    tpu.vector_store_idx %arg5[%get3A_1780], %broadcast_in_dim3A_3 masked %gt3A_1794 : memref<1024xi32, #tpu.memory_space<vmem>>[vector<16xi32>], vector<16xi32>, vector<16xi1>
    %gather3A_1826 = tpu.vector_load_idx %arg5[%get3A_1784] : memref<1024xi32, #tpu.memory_space<vmem>>[vector<16xi32>], vector<16xi32>,
    %shift_left3A_1827 = arith.constant 10 : i32
    %shift_left3A_1828 = vector.broadcast %shift_left3A_1827 : i32 to vector<16xi32>
    %shift_left3A_1829 = arith.shli %gather3A_1826, %shift_left3A_1828 : vector<16xi32>
    %sub3A_1830 = arith.constant 1023 : i32
    %sub3A_1831 = vector.broadcast %sub3A_1830 : i32 to vector<16xi32>
    %sub3A_1832 = arith.subi %sub3A_1831, %get3A_1784 : vector<16xi32>
    %or3A_1833 = arith.ori %shift_left3A_1829, %sub3A_1832 : vector<16xi32>
    %jit3A_1834 = arith.constant 0 : i32
    %broadcast_in_dim3A_1835 = vector.broadcast %jit3A_1834 : i32 to vector<16xi32>
    %select_n3A_1836 = arith.select %gt3A_1797, %or3A_1833, %broadcast_in_dim3A_1835 : vector<16xi1>, vector<16xi32>
    %max3A_1837 = arith.maxsi %max3A_1825, %select_n3A_1836 : vector<16xi32>
    tpu.vector_store_idx %arg5[%get3A_1784], %broadcast_in_dim3A_3 masked %gt3A_1797 : memref<1024xi32, #tpu.memory_space<vmem>>[vector<16xi32>], vector<16xi32>, vector<16xi1>
    %gather3A_1838 = tpu.vector_load_idx %arg5[%get3A_1788] : memref<1024xi32, #tpu.memory_space<vmem>>[vector<16xi32>], vector<16xi32>,
    %shift_left3A_1839 = arith.constant 10 : i32
    %shift_left3A_1840 = vector.broadcast %shift_left3A_1839 : i32 to vector<16xi32>
    %shift_left3A_1841 = arith.shli %gather3A_1838, %shift_left3A_1840 : vector<16xi32>
    %sub3A_1842 = arith.constant 1023 : i32
    %sub3A_1843 = vector.broadcast %sub3A_1842 : i32 to vector<16xi32>
    %sub3A_1844 = arith.subi %sub3A_1843, %get3A_1788 : vector<16xi32>
    %or3A_1845 = arith.ori %shift_left3A_1841, %sub3A_1844 : vector<16xi32>
    %jit3A_1846 = arith.constant 0 : i32
    %broadcast_in_dim3A_1847 = vector.broadcast %jit3A_1846 : i32 to vector<16xi32>
    %select_n3A_1848 = arith.select %and3A_1801, %or3A_1845, %broadcast_in_dim3A_1847 : vector<16xi1>, vector<16xi32>
    %max3A_1849 = arith.maxsi %max3A_1837, %select_n3A_1848 : vector<16xi32>
    tpu.vector_store_idx %arg5[%get3A_1788], %broadcast_in_dim3A_3 masked %and3A_1801 : memref<1024xi32, #tpu.memory_space<vmem>>[vector<16xi32>], vector<16xi32>, vector<16xi1>
    %reduce_max3A_1850 = arith.constant true
    %reduce_max3A_1851 = vector.broadcast %reduce_max3A_1850 : i1 to vector<16xi1>
    %reduce_max3A_1852 = arith.constant -2147483648 : i32
    %reduce_max3A_1853 = vector.broadcast %reduce_max3A_1852 : i32 to vector<16xi32>
    %reduce_max3A_1854 = arith.xori %max3A_1849, %reduce_max3A_1853 : vector<16xi32>
    %reduce_max3A_1855 = tpu.scan <max>, %reduce_max3A_1854 masked %reduce_max3A_1851 : vector<16xi32>, vector<16xi1> -> vector<16xi32>
    %reduce_max3A_1856 = arith.xori %reduce_max3A_1855, %reduce_max3A_1853 : vector<16xi32>
    %reduce_max3A_1857 = vector.extract %reduce_max3A_1856[15] : i32 from vector<16xi32>
    %shift_right_arithmetic3A_1858 = arith.constant 10 : i32
    %shift_right_arithmetic3A_1859 = arith.shrsi %reduce_max3A_1857, %shift_right_arithmetic3A_1858 : i32
    %gt3A_1860 = arith.constant 0 : i32
    %gt3A_1861 = arith.cmpi sgt, %shift_right_arithmetic3A_1859, %gt3A_1860 : i32
    %and3A_1862 = arith.constant 1023 : i32
    %and3A_1863 = arith.andi %reduce_max3A_1857, %and3A_1862 : i32
    %sub3A_1864 = arith.constant 1023 : i32
    %sub3A_1865 = arith.subi %sub3A_1864, %and3A_1863 : i32
    %jit3A_1866 = arith.constant 1 : i32
    %select_n3A_1867 = arith.select %gt3A_1861, %sub3A_1865, %jit3A_1866 : i32
    %broadcast_in_dim3A_1868 = arith.constant 18 : i32
    %broadcast_in_dim3A_1869 = vector.broadcast %broadcast_in_dim3A_1868 : i32 to vector<16xi32>
    %broadcast_in_dim3A_1870 = vector.broadcast %select_n3A_1867 : i32 to vector<16xi32>
    tpu.vector_store_idx %arg6[%broadcast_in_dim3A_1869], %broadcast_in_dim3A_1870 masked %eq3A_7 : memref<32xi32, #tpu.memory_space<vmem>>[vector<16xi32>], vector<16xi32>, vector<16xi1>
    %get3A_1871 = arith.constant 19 : i32
    %get3A_1872 = arith.index_cast %get3A_1871 : i32 to index
    %get3A_1873 = arith.constant 0 : index
    %get3A_1874 = tpu.vector_load %arg4[%get3A_1872, %get3A_1873] {strides = array<i32>} : memref<32x50xi32, #tpu.memory_space<vmem>>, vector<16xi32>,
    %get3A_1875 = arith.constant 19 : i32
    %get3A_1876 = arith.index_cast %get3A_1875 : i32 to index
    %get3A_1877 = arith.constant 16 : index
    %get3A_1878 = tpu.vector_load %arg4[%get3A_1876, %get3A_1877] {strides = array<i32>} : memref<32x50xi32, #tpu.memory_space<vmem>>, vector<16xi32>,
    %get3A_1879 = arith.constant 19 : i32
    %get3A_1880 = arith.index_cast %get3A_1879 : i32 to index
    %get3A_1881 = arith.constant 32 : index
    %get3A_1882 = tpu.vector_load %arg4[%get3A_1880, %get3A_1881] {strides = array<i32>} : memref<32x50xi32, #tpu.memory_space<vmem>>, vector<16xi32>,
    %get3A_1883 = arith.constant 19 : i32
    %get3A_1884 = arith.index_cast %get3A_1883 : i32 to index
    %get3A_1885 = arith.constant 34 : index
    %get3A_1886 = tpu.vector_load %arg4[%get3A_1884, %get3A_1885] {strides = array<i32>} : memref<32x50xi32, #tpu.memory_space<vmem>>, vector<16xi32>,
    %gt3A_1887 = arith.constant 1 : i32
    %gt3A_1888 = vector.broadcast %gt3A_1887 : i32 to vector<16xi32>
    %gt3A_1889 = arith.cmpi sgt, %get3A_1874, %gt3A_1888 : vector<16xi32>
    %gt3A_1890 = arith.constant 1 : i32
    %gt3A_1891 = vector.broadcast %gt3A_1890 : i32 to vector<16xi32>
    %gt3A_1892 = arith.cmpi sgt, %get3A_1878, %gt3A_1891 : vector<16xi32>
    %gt3A_1893 = arith.constant 1 : i32
    %gt3A_1894 = vector.broadcast %gt3A_1893 : i32 to vector<16xi32>
    %gt3A_1895 = arith.cmpi sgt, %get3A_1882, %gt3A_1894 : vector<16xi32>
    %gt3A_1896 = arith.constant 1 : i32
    %gt3A_1897 = vector.broadcast %gt3A_1896 : i32 to vector<16xi32>
    %gt3A_1898 = arith.cmpi sgt, %get3A_1886, %gt3A_1897 : vector<16xi32>
    %and3A_1899 = arith.andi %gt3A_1898, %ge3A_20 : vector<16xi1>
    tpu.vector_store_idx %arg5[%get3A_1874], %broadcast_in_dim3A_5 masked %gt3A_1889 {add = true} : memref<1024xi32, #tpu.memory_space<vmem>>[vector<16xi32>], vector<16xi32>, vector<16xi1>
    tpu.vector_store_idx %arg5[%get3A_1878], %broadcast_in_dim3A_5 masked %gt3A_1892 {add = true} : memref<1024xi32, #tpu.memory_space<vmem>>[vector<16xi32>], vector<16xi32>, vector<16xi1>
    tpu.vector_store_idx %arg5[%get3A_1882], %broadcast_in_dim3A_5 masked %gt3A_1895 {add = true} : memref<1024xi32, #tpu.memory_space<vmem>>[vector<16xi32>], vector<16xi32>, vector<16xi1>
    tpu.vector_store_idx %arg5[%get3A_1886], %broadcast_in_dim3A_5 masked %and3A_1899 {add = true} : memref<1024xi32, #tpu.memory_space<vmem>>[vector<16xi32>], vector<16xi32>, vector<16xi1>
    %gather3A_1900 = tpu.vector_load_idx %arg5[%get3A_1874] : memref<1024xi32, #tpu.memory_space<vmem>>[vector<16xi32>], vector<16xi32>,
    %shift_left3A_1901 = arith.constant 10 : i32
    %shift_left3A_1902 = vector.broadcast %shift_left3A_1901 : i32 to vector<16xi32>
    %shift_left3A_1903 = arith.shli %gather3A_1900, %shift_left3A_1902 : vector<16xi32>
    %sub3A_1904 = arith.constant 1023 : i32
    %sub3A_1905 = vector.broadcast %sub3A_1904 : i32 to vector<16xi32>
    %sub3A_1906 = arith.subi %sub3A_1905, %get3A_1874 : vector<16xi32>
    %or3A_1907 = arith.ori %shift_left3A_1903, %sub3A_1906 : vector<16xi32>
    %jit3A_1908 = arith.constant 0 : i32
    %broadcast_in_dim3A_1909 = vector.broadcast %jit3A_1908 : i32 to vector<16xi32>
    %select_n3A_1910 = arith.select %gt3A_1889, %or3A_1907, %broadcast_in_dim3A_1909 : vector<16xi1>, vector<16xi32>
    %max3A_1911 = arith.maxsi %broadcast_in_dim3A_3, %select_n3A_1910 : vector<16xi32>
    tpu.vector_store_idx %arg5[%get3A_1874], %broadcast_in_dim3A_3 masked %gt3A_1889 : memref<1024xi32, #tpu.memory_space<vmem>>[vector<16xi32>], vector<16xi32>, vector<16xi1>
    %gather3A_1912 = tpu.vector_load_idx %arg5[%get3A_1878] : memref<1024xi32, #tpu.memory_space<vmem>>[vector<16xi32>], vector<16xi32>,
    %shift_left3A_1913 = arith.constant 10 : i32
    %shift_left3A_1914 = vector.broadcast %shift_left3A_1913 : i32 to vector<16xi32>
    %shift_left3A_1915 = arith.shli %gather3A_1912, %shift_left3A_1914 : vector<16xi32>
    %sub3A_1916 = arith.constant 1023 : i32
    %sub3A_1917 = vector.broadcast %sub3A_1916 : i32 to vector<16xi32>
    %sub3A_1918 = arith.subi %sub3A_1917, %get3A_1878 : vector<16xi32>
    %or3A_1919 = arith.ori %shift_left3A_1915, %sub3A_1918 : vector<16xi32>
    %jit3A_1920 = arith.constant 0 : i32
    %broadcast_in_dim3A_1921 = vector.broadcast %jit3A_1920 : i32 to vector<16xi32>
    %select_n3A_1922 = arith.select %gt3A_1892, %or3A_1919, %broadcast_in_dim3A_1921 : vector<16xi1>, vector<16xi32>
    %max3A_1923 = arith.maxsi %max3A_1911, %select_n3A_1922 : vector<16xi32>
    tpu.vector_store_idx %arg5[%get3A_1878], %broadcast_in_dim3A_3 masked %gt3A_1892 : memref<1024xi32, #tpu.memory_space<vmem>>[vector<16xi32>], vector<16xi32>, vector<16xi1>
    %gather3A_1924 = tpu.vector_load_idx %arg5[%get3A_1882] : memref<1024xi32, #tpu.memory_space<vmem>>[vector<16xi32>], vector<16xi32>,
    %shift_left3A_1925 = arith.constant 10 : i32
    %shift_left3A_1926 = vector.broadcast %shift_left3A_1925 : i32 to vector<16xi32>
    %shift_left3A_1927 = arith.shli %gather3A_1924, %shift_left3A_1926 : vector<16xi32>
    %sub3A_1928 = arith.constant 1023 : i32
    %sub3A_1929 = vector.broadcast %sub3A_1928 : i32 to vector<16xi32>
    %sub3A_1930 = arith.subi %sub3A_1929, %get3A_1882 : vector<16xi32>
    %or3A_1931 = arith.ori %shift_left3A_1927, %sub3A_1930 : vector<16xi32>
    %jit3A_1932 = arith.constant 0 : i32
    %broadcast_in_dim3A_1933 = vector.broadcast %jit3A_1932 : i32 to vector<16xi32>
    %select_n3A_1934 = arith.select %gt3A_1895, %or3A_1931, %broadcast_in_dim3A_1933 : vector<16xi1>, vector<16xi32>
    %max3A_1935 = arith.maxsi %max3A_1923, %select_n3A_1934 : vector<16xi32>
    tpu.vector_store_idx %arg5[%get3A_1882], %broadcast_in_dim3A_3 masked %gt3A_1895 : memref<1024xi32, #tpu.memory_space<vmem>>[vector<16xi32>], vector<16xi32>, vector<16xi1>
    %gather3A_1936 = tpu.vector_load_idx %arg5[%get3A_1886] : memref<1024xi32, #tpu.memory_space<vmem>>[vector<16xi32>], vector<16xi32>,
    %shift_left3A_1937 = arith.constant 10 : i32
    %shift_left3A_1938 = vector.broadcast %shift_left3A_1937 : i32 to vector<16xi32>
    %shift_left3A_1939 = arith.shli %gather3A_1936, %shift_left3A_1938 : vector<16xi32>
    %sub3A_1940 = arith.constant 1023 : i32
    %sub3A_1941 = vector.broadcast %sub3A_1940 : i32 to vector<16xi32>
    %sub3A_1942 = arith.subi %sub3A_1941, %get3A_1886 : vector<16xi32>
    %or3A_1943 = arith.ori %shift_left3A_1939, %sub3A_1942 : vector<16xi32>
    %jit3A_1944 = arith.constant 0 : i32
    %broadcast_in_dim3A_1945 = vector.broadcast %jit3A_1944 : i32 to vector<16xi32>
    %select_n3A_1946 = arith.select %and3A_1899, %or3A_1943, %broadcast_in_dim3A_1945 : vector<16xi1>, vector<16xi32>
    %max3A_1947 = arith.maxsi %max3A_1935, %select_n3A_1946 : vector<16xi32>
    tpu.vector_store_idx %arg5[%get3A_1886], %broadcast_in_dim3A_3 masked %and3A_1899 : memref<1024xi32, #tpu.memory_space<vmem>>[vector<16xi32>], vector<16xi32>, vector<16xi1>
    %reduce_max3A_1948 = arith.constant true
    %reduce_max3A_1949 = vector.broadcast %reduce_max3A_1948 : i1 to vector<16xi1>
    %reduce_max3A_1950 = arith.constant -2147483648 : i32
    %reduce_max3A_1951 = vector.broadcast %reduce_max3A_1950 : i32 to vector<16xi32>
    %reduce_max3A_1952 = arith.xori %max3A_1947, %reduce_max3A_1951 : vector<16xi32>
    %reduce_max3A_1953 = tpu.scan <max>, %reduce_max3A_1952 masked %reduce_max3A_1949 : vector<16xi32>, vector<16xi1> -> vector<16xi32>
    %reduce_max3A_1954 = arith.xori %reduce_max3A_1953, %reduce_max3A_1951 : vector<16xi32>
    %reduce_max3A_1955 = vector.extract %reduce_max3A_1954[15] : i32 from vector<16xi32>
    %shift_right_arithmetic3A_1956 = arith.constant 10 : i32
    %shift_right_arithmetic3A_1957 = arith.shrsi %reduce_max3A_1955, %shift_right_arithmetic3A_1956 : i32
    %gt3A_1958 = arith.constant 0 : i32
    %gt3A_1959 = arith.cmpi sgt, %shift_right_arithmetic3A_1957, %gt3A_1958 : i32
    %and3A_1960 = arith.constant 1023 : i32
    %and3A_1961 = arith.andi %reduce_max3A_1955, %and3A_1960 : i32
    %sub3A_1962 = arith.constant 1023 : i32
    %sub3A_1963 = arith.subi %sub3A_1962, %and3A_1961 : i32
    %jit3A_1964 = arith.constant 1 : i32
    %select_n3A_1965 = arith.select %gt3A_1959, %sub3A_1963, %jit3A_1964 : i32
    %broadcast_in_dim3A_1966 = arith.constant 19 : i32
    %broadcast_in_dim3A_1967 = vector.broadcast %broadcast_in_dim3A_1966 : i32 to vector<16xi32>
    %broadcast_in_dim3A_1968 = vector.broadcast %select_n3A_1965 : i32 to vector<16xi32>
    tpu.vector_store_idx %arg6[%broadcast_in_dim3A_1967], %broadcast_in_dim3A_1968 masked %eq3A_7 : memref<32xi32, #tpu.memory_space<vmem>>[vector<16xi32>], vector<16xi32>, vector<16xi1>
    %get3A_1969 = arith.constant 20 : i32
    %get3A_1970 = arith.index_cast %get3A_1969 : i32 to index
    %get3A_1971 = arith.constant 0 : index
    %get3A_1972 = tpu.vector_load %arg4[%get3A_1970, %get3A_1971] {strides = array<i32>} : memref<32x50xi32, #tpu.memory_space<vmem>>, vector<16xi32>,
    %get3A_1973 = arith.constant 20 : i32
    %get3A_1974 = arith.index_cast %get3A_1973 : i32 to index
    %get3A_1975 = arith.constant 16 : index
    %get3A_1976 = tpu.vector_load %arg4[%get3A_1974, %get3A_1975] {strides = array<i32>} : memref<32x50xi32, #tpu.memory_space<vmem>>, vector<16xi32>,
    %get3A_1977 = arith.constant 20 : i32
    %get3A_1978 = arith.index_cast %get3A_1977 : i32 to index
    %get3A_1979 = arith.constant 32 : index
    %get3A_1980 = tpu.vector_load %arg4[%get3A_1978, %get3A_1979] {strides = array<i32>} : memref<32x50xi32, #tpu.memory_space<vmem>>, vector<16xi32>,
    %get3A_1981 = arith.constant 20 : i32
    %get3A_1982 = arith.index_cast %get3A_1981 : i32 to index
    %get3A_1983 = arith.constant 34 : index
    %get3A_1984 = tpu.vector_load %arg4[%get3A_1982, %get3A_1983] {strides = array<i32>} : memref<32x50xi32, #tpu.memory_space<vmem>>, vector<16xi32>,
    %gt3A_1985 = arith.constant 1 : i32
    %gt3A_1986 = vector.broadcast %gt3A_1985 : i32 to vector<16xi32>
    %gt3A_1987 = arith.cmpi sgt, %get3A_1972, %gt3A_1986 : vector<16xi32>
    %gt3A_1988 = arith.constant 1 : i32
    %gt3A_1989 = vector.broadcast %gt3A_1988 : i32 to vector<16xi32>
    %gt3A_1990 = arith.cmpi sgt, %get3A_1976, %gt3A_1989 : vector<16xi32>
    %gt3A_1991 = arith.constant 1 : i32
    %gt3A_1992 = vector.broadcast %gt3A_1991 : i32 to vector<16xi32>
    %gt3A_1993 = arith.cmpi sgt, %get3A_1980, %gt3A_1992 : vector<16xi32>
    %gt3A_1994 = arith.constant 1 : i32
    %gt3A_1995 = vector.broadcast %gt3A_1994 : i32 to vector<16xi32>
    %gt3A_1996 = arith.cmpi sgt, %get3A_1984, %gt3A_1995 : vector<16xi32>
    %and3A_1997 = arith.andi %gt3A_1996, %ge3A_20 : vector<16xi1>
    tpu.vector_store_idx %arg5[%get3A_1972], %broadcast_in_dim3A_5 masked %gt3A_1987 {add = true} : memref<1024xi32, #tpu.memory_space<vmem>>[vector<16xi32>], vector<16xi32>, vector<16xi1>
    tpu.vector_store_idx %arg5[%get3A_1976], %broadcast_in_dim3A_5 masked %gt3A_1990 {add = true} : memref<1024xi32, #tpu.memory_space<vmem>>[vector<16xi32>], vector<16xi32>, vector<16xi1>
    tpu.vector_store_idx %arg5[%get3A_1980], %broadcast_in_dim3A_5 masked %gt3A_1993 {add = true} : memref<1024xi32, #tpu.memory_space<vmem>>[vector<16xi32>], vector<16xi32>, vector<16xi1>
    tpu.vector_store_idx %arg5[%get3A_1984], %broadcast_in_dim3A_5 masked %and3A_1997 {add = true} : memref<1024xi32, #tpu.memory_space<vmem>>[vector<16xi32>], vector<16xi32>, vector<16xi1>
    %gather3A_1998 = tpu.vector_load_idx %arg5[%get3A_1972] : memref<1024xi32, #tpu.memory_space<vmem>>[vector<16xi32>], vector<16xi32>,
    %shift_left3A_1999 = arith.constant 10 : i32
    %shift_left3A_2000 = vector.broadcast %shift_left3A_1999 : i32 to vector<16xi32>
    %shift_left3A_2001 = arith.shli %gather3A_1998, %shift_left3A_2000 : vector<16xi32>
    %sub3A_2002 = arith.constant 1023 : i32
    %sub3A_2003 = vector.broadcast %sub3A_2002 : i32 to vector<16xi32>
    %sub3A_2004 = arith.subi %sub3A_2003, %get3A_1972 : vector<16xi32>
    %or3A_2005 = arith.ori %shift_left3A_2001, %sub3A_2004 : vector<16xi32>
    %jit3A_2006 = arith.constant 0 : i32
    %broadcast_in_dim3A_2007 = vector.broadcast %jit3A_2006 : i32 to vector<16xi32>
    %select_n3A_2008 = arith.select %gt3A_1987, %or3A_2005, %broadcast_in_dim3A_2007 : vector<16xi1>, vector<16xi32>
    %max3A_2009 = arith.maxsi %broadcast_in_dim3A_3, %select_n3A_2008 : vector<16xi32>
    tpu.vector_store_idx %arg5[%get3A_1972], %broadcast_in_dim3A_3 masked %gt3A_1987 : memref<1024xi32, #tpu.memory_space<vmem>>[vector<16xi32>], vector<16xi32>, vector<16xi1>
    %gather3A_2010 = tpu.vector_load_idx %arg5[%get3A_1976] : memref<1024xi32, #tpu.memory_space<vmem>>[vector<16xi32>], vector<16xi32>,
    %shift_left3A_2011 = arith.constant 10 : i32
    %shift_left3A_2012 = vector.broadcast %shift_left3A_2011 : i32 to vector<16xi32>
    %shift_left3A_2013 = arith.shli %gather3A_2010, %shift_left3A_2012 : vector<16xi32>
    %sub3A_2014 = arith.constant 1023 : i32
    %sub3A_2015 = vector.broadcast %sub3A_2014 : i32 to vector<16xi32>
    %sub3A_2016 = arith.subi %sub3A_2015, %get3A_1976 : vector<16xi32>
    %or3A_2017 = arith.ori %shift_left3A_2013, %sub3A_2016 : vector<16xi32>
    %jit3A_2018 = arith.constant 0 : i32
    %broadcast_in_dim3A_2019 = vector.broadcast %jit3A_2018 : i32 to vector<16xi32>
    %select_n3A_2020 = arith.select %gt3A_1990, %or3A_2017, %broadcast_in_dim3A_2019 : vector<16xi1>, vector<16xi32>
    %max3A_2021 = arith.maxsi %max3A_2009, %select_n3A_2020 : vector<16xi32>
    tpu.vector_store_idx %arg5[%get3A_1976], %broadcast_in_dim3A_3 masked %gt3A_1990 : memref<1024xi32, #tpu.memory_space<vmem>>[vector<16xi32>], vector<16xi32>, vector<16xi1>
    %gather3A_2022 = tpu.vector_load_idx %arg5[%get3A_1980] : memref<1024xi32, #tpu.memory_space<vmem>>[vector<16xi32>], vector<16xi32>,
    %shift_left3A_2023 = arith.constant 10 : i32
    %shift_left3A_2024 = vector.broadcast %shift_left3A_2023 : i32 to vector<16xi32>
    %shift_left3A_2025 = arith.shli %gather3A_2022, %shift_left3A_2024 : vector<16xi32>
    %sub3A_2026 = arith.constant 1023 : i32
    %sub3A_2027 = vector.broadcast %sub3A_2026 : i32 to vector<16xi32>
    %sub3A_2028 = arith.subi %sub3A_2027, %get3A_1980 : vector<16xi32>
    %or3A_2029 = arith.ori %shift_left3A_2025, %sub3A_2028 : vector<16xi32>
    %jit3A_2030 = arith.constant 0 : i32
    %broadcast_in_dim3A_2031 = vector.broadcast %jit3A_2030 : i32 to vector<16xi32>
    %select_n3A_2032 = arith.select %gt3A_1993, %or3A_2029, %broadcast_in_dim3A_2031 : vector<16xi1>, vector<16xi32>
    %max3A_2033 = arith.maxsi %max3A_2021, %select_n3A_2032 : vector<16xi32>
    tpu.vector_store_idx %arg5[%get3A_1980], %broadcast_in_dim3A_3 masked %gt3A_1993 : memref<1024xi32, #tpu.memory_space<vmem>>[vector<16xi32>], vector<16xi32>, vector<16xi1>
    %gather3A_2034 = tpu.vector_load_idx %arg5[%get3A_1984] : memref<1024xi32, #tpu.memory_space<vmem>>[vector<16xi32>], vector<16xi32>,
    %shift_left3A_2035 = arith.constant 10 : i32
    %shift_left3A_2036 = vector.broadcast %shift_left3A_2035 : i32 to vector<16xi32>
    %shift_left3A_2037 = arith.shli %gather3A_2034, %shift_left3A_2036 : vector<16xi32>
    %sub3A_2038 = arith.constant 1023 : i32
    %sub3A_2039 = vector.broadcast %sub3A_2038 : i32 to vector<16xi32>
    %sub3A_2040 = arith.subi %sub3A_2039, %get3A_1984 : vector<16xi32>
    %or3A_2041 = arith.ori %shift_left3A_2037, %sub3A_2040 : vector<16xi32>
    %jit3A_2042 = arith.constant 0 : i32
    %broadcast_in_dim3A_2043 = vector.broadcast %jit3A_2042 : i32 to vector<16xi32>
    %select_n3A_2044 = arith.select %and3A_1997, %or3A_2041, %broadcast_in_dim3A_2043 : vector<16xi1>, vector<16xi32>
    %max3A_2045 = arith.maxsi %max3A_2033, %select_n3A_2044 : vector<16xi32>
    tpu.vector_store_idx %arg5[%get3A_1984], %broadcast_in_dim3A_3 masked %and3A_1997 : memref<1024xi32, #tpu.memory_space<vmem>>[vector<16xi32>], vector<16xi32>, vector<16xi1>
    %reduce_max3A_2046 = arith.constant true
    %reduce_max3A_2047 = vector.broadcast %reduce_max3A_2046 : i1 to vector<16xi1>
    %reduce_max3A_2048 = arith.constant -2147483648 : i32
    %reduce_max3A_2049 = vector.broadcast %reduce_max3A_2048 : i32 to vector<16xi32>
    %reduce_max3A_2050 = arith.xori %max3A_2045, %reduce_max3A_2049 : vector<16xi32>
    %reduce_max3A_2051 = tpu.scan <max>, %reduce_max3A_2050 masked %reduce_max3A_2047 : vector<16xi32>, vector<16xi1> -> vector<16xi32>
    %reduce_max3A_2052 = arith.xori %reduce_max3A_2051, %reduce_max3A_2049 : vector<16xi32>
    %reduce_max3A_2053 = vector.extract %reduce_max3A_2052[15] : i32 from vector<16xi32>
    %shift_right_arithmetic3A_2054 = arith.constant 10 : i32
    %shift_right_arithmetic3A_2055 = arith.shrsi %reduce_max3A_2053, %shift_right_arithmetic3A_2054 : i32
    %gt3A_2056 = arith.constant 0 : i32
    %gt3A_2057 = arith.cmpi sgt, %shift_right_arithmetic3A_2055, %gt3A_2056 : i32
    %and3A_2058 = arith.constant 1023 : i32
    %and3A_2059 = arith.andi %reduce_max3A_2053, %and3A_2058 : i32
    %sub3A_2060 = arith.constant 1023 : i32
    %sub3A_2061 = arith.subi %sub3A_2060, %and3A_2059 : i32
    %jit3A_2062 = arith.constant 1 : i32
    %select_n3A_2063 = arith.select %gt3A_2057, %sub3A_2061, %jit3A_2062 : i32
    %broadcast_in_dim3A_2064 = arith.constant 20 : i32
    %broadcast_in_dim3A_2065 = vector.broadcast %broadcast_in_dim3A_2064 : i32 to vector<16xi32>
    %broadcast_in_dim3A_2066 = vector.broadcast %select_n3A_2063 : i32 to vector<16xi32>
    tpu.vector_store_idx %arg6[%broadcast_in_dim3A_2065], %broadcast_in_dim3A_2066 masked %eq3A_7 : memref<32xi32, #tpu.memory_space<vmem>>[vector<16xi32>], vector<16xi32>, vector<16xi1>
    %get3A_2067 = arith.constant 21 : i32
    %get3A_2068 = arith.index_cast %get3A_2067 : i32 to index
    %get3A_2069 = arith.constant 0 : index
    %get3A_2070 = tpu.vector_load %arg4[%get3A_2068, %get3A_2069] {strides = array<i32>} : memref<32x50xi32, #tpu.memory_space<vmem>>, vector<16xi32>,
    %get3A_2071 = arith.constant 21 : i32
    %get3A_2072 = arith.index_cast %get3A_2071 : i32 to index
    %get3A_2073 = arith.constant 16 : index
    %get3A_2074 = tpu.vector_load %arg4[%get3A_2072, %get3A_2073] {strides = array<i32>} : memref<32x50xi32, #tpu.memory_space<vmem>>, vector<16xi32>,
    %get3A_2075 = arith.constant 21 : i32
    %get3A_2076 = arith.index_cast %get3A_2075 : i32 to index
    %get3A_2077 = arith.constant 32 : index
    %get3A_2078 = tpu.vector_load %arg4[%get3A_2076, %get3A_2077] {strides = array<i32>} : memref<32x50xi32, #tpu.memory_space<vmem>>, vector<16xi32>,
    %get3A_2079 = arith.constant 21 : i32
    %get3A_2080 = arith.index_cast %get3A_2079 : i32 to index
    %get3A_2081 = arith.constant 34 : index
    %get3A_2082 = tpu.vector_load %arg4[%get3A_2080, %get3A_2081] {strides = array<i32>} : memref<32x50xi32, #tpu.memory_space<vmem>>, vector<16xi32>,
    %gt3A_2083 = arith.constant 1 : i32
    %gt3A_2084 = vector.broadcast %gt3A_2083 : i32 to vector<16xi32>
    %gt3A_2085 = arith.cmpi sgt, %get3A_2070, %gt3A_2084 : vector<16xi32>
    %gt3A_2086 = arith.constant 1 : i32
    %gt3A_2087 = vector.broadcast %gt3A_2086 : i32 to vector<16xi32>
    %gt3A_2088 = arith.cmpi sgt, %get3A_2074, %gt3A_2087 : vector<16xi32>
    %gt3A_2089 = arith.constant 1 : i32
    %gt3A_2090 = vector.broadcast %gt3A_2089 : i32 to vector<16xi32>
    %gt3A_2091 = arith.cmpi sgt, %get3A_2078, %gt3A_2090 : vector<16xi32>
    %gt3A_2092 = arith.constant 1 : i32
    %gt3A_2093 = vector.broadcast %gt3A_2092 : i32 to vector<16xi32>
    %gt3A_2094 = arith.cmpi sgt, %get3A_2082, %gt3A_2093 : vector<16xi32>
    %and3A_2095 = arith.andi %gt3A_2094, %ge3A_20 : vector<16xi1>
    tpu.vector_store_idx %arg5[%get3A_2070], %broadcast_in_dim3A_5 masked %gt3A_2085 {add = true} : memref<1024xi32, #tpu.memory_space<vmem>>[vector<16xi32>], vector<16xi32>, vector<16xi1>
    tpu.vector_store_idx %arg5[%get3A_2074], %broadcast_in_dim3A_5 masked %gt3A_2088 {add = true} : memref<1024xi32, #tpu.memory_space<vmem>>[vector<16xi32>], vector<16xi32>, vector<16xi1>
    tpu.vector_store_idx %arg5[%get3A_2078], %broadcast_in_dim3A_5 masked %gt3A_2091 {add = true} : memref<1024xi32, #tpu.memory_space<vmem>>[vector<16xi32>], vector<16xi32>, vector<16xi1>
    tpu.vector_store_idx %arg5[%get3A_2082], %broadcast_in_dim3A_5 masked %and3A_2095 {add = true} : memref<1024xi32, #tpu.memory_space<vmem>>[vector<16xi32>], vector<16xi32>, vector<16xi1>
    %gather3A_2096 = tpu.vector_load_idx %arg5[%get3A_2070] : memref<1024xi32, #tpu.memory_space<vmem>>[vector<16xi32>], vector<16xi32>,
    %shift_left3A_2097 = arith.constant 10 : i32
    %shift_left3A_2098 = vector.broadcast %shift_left3A_2097 : i32 to vector<16xi32>
    %shift_left3A_2099 = arith.shli %gather3A_2096, %shift_left3A_2098 : vector<16xi32>
    %sub3A_2100 = arith.constant 1023 : i32
    %sub3A_2101 = vector.broadcast %sub3A_2100 : i32 to vector<16xi32>
    %sub3A_2102 = arith.subi %sub3A_2101, %get3A_2070 : vector<16xi32>
    %or3A_2103 = arith.ori %shift_left3A_2099, %sub3A_2102 : vector<16xi32>
    %jit3A_2104 = arith.constant 0 : i32
    %broadcast_in_dim3A_2105 = vector.broadcast %jit3A_2104 : i32 to vector<16xi32>
    %select_n3A_2106 = arith.select %gt3A_2085, %or3A_2103, %broadcast_in_dim3A_2105 : vector<16xi1>, vector<16xi32>
    %max3A_2107 = arith.maxsi %broadcast_in_dim3A_3, %select_n3A_2106 : vector<16xi32>
    tpu.vector_store_idx %arg5[%get3A_2070], %broadcast_in_dim3A_3 masked %gt3A_2085 : memref<1024xi32, #tpu.memory_space<vmem>>[vector<16xi32>], vector<16xi32>, vector<16xi1>
    %gather3A_2108 = tpu.vector_load_idx %arg5[%get3A_2074] : memref<1024xi32, #tpu.memory_space<vmem>>[vector<16xi32>], vector<16xi32>,
    %shift_left3A_2109 = arith.constant 10 : i32
    %shift_left3A_2110 = vector.broadcast %shift_left3A_2109 : i32 to vector<16xi32>
    %shift_left3A_2111 = arith.shli %gather3A_2108, %shift_left3A_2110 : vector<16xi32>
    %sub3A_2112 = arith.constant 1023 : i32
    %sub3A_2113 = vector.broadcast %sub3A_2112 : i32 to vector<16xi32>
    %sub3A_2114 = arith.subi %sub3A_2113, %get3A_2074 : vector<16xi32>
    %or3A_2115 = arith.ori %shift_left3A_2111, %sub3A_2114 : vector<16xi32>
    %jit3A_2116 = arith.constant 0 : i32
    %broadcast_in_dim3A_2117 = vector.broadcast %jit3A_2116 : i32 to vector<16xi32>
    %select_n3A_2118 = arith.select %gt3A_2088, %or3A_2115, %broadcast_in_dim3A_2117 : vector<16xi1>, vector<16xi32>
    %max3A_2119 = arith.maxsi %max3A_2107, %select_n3A_2118 : vector<16xi32>
    tpu.vector_store_idx %arg5[%get3A_2074], %broadcast_in_dim3A_3 masked %gt3A_2088 : memref<1024xi32, #tpu.memory_space<vmem>>[vector<16xi32>], vector<16xi32>, vector<16xi1>
    %gather3A_2120 = tpu.vector_load_idx %arg5[%get3A_2078] : memref<1024xi32, #tpu.memory_space<vmem>>[vector<16xi32>], vector<16xi32>,
    %shift_left3A_2121 = arith.constant 10 : i32
    %shift_left3A_2122 = vector.broadcast %shift_left3A_2121 : i32 to vector<16xi32>
    %shift_left3A_2123 = arith.shli %gather3A_2120, %shift_left3A_2122 : vector<16xi32>
    %sub3A_2124 = arith.constant 1023 : i32
    %sub3A_2125 = vector.broadcast %sub3A_2124 : i32 to vector<16xi32>
    %sub3A_2126 = arith.subi %sub3A_2125, %get3A_2078 : vector<16xi32>
    %or3A_2127 = arith.ori %shift_left3A_2123, %sub3A_2126 : vector<16xi32>
    %jit3A_2128 = arith.constant 0 : i32
    %broadcast_in_dim3A_2129 = vector.broadcast %jit3A_2128 : i32 to vector<16xi32>
    %select_n3A_2130 = arith.select %gt3A_2091, %or3A_2127, %broadcast_in_dim3A_2129 : vector<16xi1>, vector<16xi32>
    %max3A_2131 = arith.maxsi %max3A_2119, %select_n3A_2130 : vector<16xi32>
    tpu.vector_store_idx %arg5[%get3A_2078], %broadcast_in_dim3A_3 masked %gt3A_2091 : memref<1024xi32, #tpu.memory_space<vmem>>[vector<16xi32>], vector<16xi32>, vector<16xi1>
    %gather3A_2132 = tpu.vector_load_idx %arg5[%get3A_2082] : memref<1024xi32, #tpu.memory_space<vmem>>[vector<16xi32>], vector<16xi32>,
    %shift_left3A_2133 = arith.constant 10 : i32
    %shift_left3A_2134 = vector.broadcast %shift_left3A_2133 : i32 to vector<16xi32>
    %shift_left3A_2135 = arith.shli %gather3A_2132, %shift_left3A_2134 : vector<16xi32>
    %sub3A_2136 = arith.constant 1023 : i32
    %sub3A_2137 = vector.broadcast %sub3A_2136 : i32 to vector<16xi32>
    %sub3A_2138 = arith.subi %sub3A_2137, %get3A_2082 : vector<16xi32>
    %or3A_2139 = arith.ori %shift_left3A_2135, %sub3A_2138 : vector<16xi32>
    %jit3A_2140 = arith.constant 0 : i32
    %broadcast_in_dim3A_2141 = vector.broadcast %jit3A_2140 : i32 to vector<16xi32>
    %select_n3A_2142 = arith.select %and3A_2095, %or3A_2139, %broadcast_in_dim3A_2141 : vector<16xi1>, vector<16xi32>
    %max3A_2143 = arith.maxsi %max3A_2131, %select_n3A_2142 : vector<16xi32>
    tpu.vector_store_idx %arg5[%get3A_2082], %broadcast_in_dim3A_3 masked %and3A_2095 : memref<1024xi32, #tpu.memory_space<vmem>>[vector<16xi32>], vector<16xi32>, vector<16xi1>
    %reduce_max3A_2144 = arith.constant true
    %reduce_max3A_2145 = vector.broadcast %reduce_max3A_2144 : i1 to vector<16xi1>
    %reduce_max3A_2146 = arith.constant -2147483648 : i32
    %reduce_max3A_2147 = vector.broadcast %reduce_max3A_2146 : i32 to vector<16xi32>
    %reduce_max3A_2148 = arith.xori %max3A_2143, %reduce_max3A_2147 : vector<16xi32>
    %reduce_max3A_2149 = tpu.scan <max>, %reduce_max3A_2148 masked %reduce_max3A_2145 : vector<16xi32>, vector<16xi1> -> vector<16xi32>
    %reduce_max3A_2150 = arith.xori %reduce_max3A_2149, %reduce_max3A_2147 : vector<16xi32>
    %reduce_max3A_2151 = vector.extract %reduce_max3A_2150[15] : i32 from vector<16xi32>
    %shift_right_arithmetic3A_2152 = arith.constant 10 : i32
    %shift_right_arithmetic3A_2153 = arith.shrsi %reduce_max3A_2151, %shift_right_arithmetic3A_2152 : i32
    %gt3A_2154 = arith.constant 0 : i32
    %gt3A_2155 = arith.cmpi sgt, %shift_right_arithmetic3A_2153, %gt3A_2154 : i32
    %and3A_2156 = arith.constant 1023 : i32
    %and3A_2157 = arith.andi %reduce_max3A_2151, %and3A_2156 : i32
    %sub3A_2158 = arith.constant 1023 : i32
    %sub3A_2159 = arith.subi %sub3A_2158, %and3A_2157 : i32
    %jit3A_2160 = arith.constant 1 : i32
    %select_n3A_2161 = arith.select %gt3A_2155, %sub3A_2159, %jit3A_2160 : i32
    %broadcast_in_dim3A_2162 = arith.constant 21 : i32
    %broadcast_in_dim3A_2163 = vector.broadcast %broadcast_in_dim3A_2162 : i32 to vector<16xi32>
    %broadcast_in_dim3A_2164 = vector.broadcast %select_n3A_2161 : i32 to vector<16xi32>
    tpu.vector_store_idx %arg6[%broadcast_in_dim3A_2163], %broadcast_in_dim3A_2164 masked %eq3A_7 : memref<32xi32, #tpu.memory_space<vmem>>[vector<16xi32>], vector<16xi32>, vector<16xi1>
    %get3A_2165 = arith.constant 22 : i32
    %get3A_2166 = arith.index_cast %get3A_2165 : i32 to index
    %get3A_2167 = arith.constant 0 : index
    %get3A_2168 = tpu.vector_load %arg4[%get3A_2166, %get3A_2167] {strides = array<i32>} : memref<32x50xi32, #tpu.memory_space<vmem>>, vector<16xi32>,
    %get3A_2169 = arith.constant 22 : i32
    %get3A_2170 = arith.index_cast %get3A_2169 : i32 to index
    %get3A_2171 = arith.constant 16 : index
    %get3A_2172 = tpu.vector_load %arg4[%get3A_2170, %get3A_2171] {strides = array<i32>} : memref<32x50xi32, #tpu.memory_space<vmem>>, vector<16xi32>,
    %get3A_2173 = arith.constant 22 : i32
    %get3A_2174 = arith.index_cast %get3A_2173 : i32 to index
    %get3A_2175 = arith.constant 32 : index
    %get3A_2176 = tpu.vector_load %arg4[%get3A_2174, %get3A_2175] {strides = array<i32>} : memref<32x50xi32, #tpu.memory_space<vmem>>, vector<16xi32>,
    %get3A_2177 = arith.constant 22 : i32
    %get3A_2178 = arith.index_cast %get3A_2177 : i32 to index
    %get3A_2179 = arith.constant 34 : index
    %get3A_2180 = tpu.vector_load %arg4[%get3A_2178, %get3A_2179] {strides = array<i32>} : memref<32x50xi32, #tpu.memory_space<vmem>>, vector<16xi32>,
    %gt3A_2181 = arith.constant 1 : i32
    %gt3A_2182 = vector.broadcast %gt3A_2181 : i32 to vector<16xi32>
    %gt3A_2183 = arith.cmpi sgt, %get3A_2168, %gt3A_2182 : vector<16xi32>
    %gt3A_2184 = arith.constant 1 : i32
    %gt3A_2185 = vector.broadcast %gt3A_2184 : i32 to vector<16xi32>
    %gt3A_2186 = arith.cmpi sgt, %get3A_2172, %gt3A_2185 : vector<16xi32>
    %gt3A_2187 = arith.constant 1 : i32
    %gt3A_2188 = vector.broadcast %gt3A_2187 : i32 to vector<16xi32>
    %gt3A_2189 = arith.cmpi sgt, %get3A_2176, %gt3A_2188 : vector<16xi32>
    %gt3A_2190 = arith.constant 1 : i32
    %gt3A_2191 = vector.broadcast %gt3A_2190 : i32 to vector<16xi32>
    %gt3A_2192 = arith.cmpi sgt, %get3A_2180, %gt3A_2191 : vector<16xi32>
    %and3A_2193 = arith.andi %gt3A_2192, %ge3A_20 : vector<16xi1>
    tpu.vector_store_idx %arg5[%get3A_2168], %broadcast_in_dim3A_5 masked %gt3A_2183 {add = true} : memref<1024xi32, #tpu.memory_space<vmem>>[vector<16xi32>], vector<16xi32>, vector<16xi1>
    tpu.vector_store_idx %arg5[%get3A_2172], %broadcast_in_dim3A_5 masked %gt3A_2186 {add = true} : memref<1024xi32, #tpu.memory_space<vmem>>[vector<16xi32>], vector<16xi32>, vector<16xi1>
    tpu.vector_store_idx %arg5[%get3A_2176], %broadcast_in_dim3A_5 masked %gt3A_2189 {add = true} : memref<1024xi32, #tpu.memory_space<vmem>>[vector<16xi32>], vector<16xi32>, vector<16xi1>
    tpu.vector_store_idx %arg5[%get3A_2180], %broadcast_in_dim3A_5 masked %and3A_2193 {add = true} : memref<1024xi32, #tpu.memory_space<vmem>>[vector<16xi32>], vector<16xi32>, vector<16xi1>
    %gather3A_2194 = tpu.vector_load_idx %arg5[%get3A_2168] : memref<1024xi32, #tpu.memory_space<vmem>>[vector<16xi32>], vector<16xi32>,
    %shift_left3A_2195 = arith.constant 10 : i32
    %shift_left3A_2196 = vector.broadcast %shift_left3A_2195 : i32 to vector<16xi32>
    %shift_left3A_2197 = arith.shli %gather3A_2194, %shift_left3A_2196 : vector<16xi32>
    %sub3A_2198 = arith.constant 1023 : i32
    %sub3A_2199 = vector.broadcast %sub3A_2198 : i32 to vector<16xi32>
    %sub3A_2200 = arith.subi %sub3A_2199, %get3A_2168 : vector<16xi32>
    %or3A_2201 = arith.ori %shift_left3A_2197, %sub3A_2200 : vector<16xi32>
    %jit3A_2202 = arith.constant 0 : i32
    %broadcast_in_dim3A_2203 = vector.broadcast %jit3A_2202 : i32 to vector<16xi32>
    %select_n3A_2204 = arith.select %gt3A_2183, %or3A_2201, %broadcast_in_dim3A_2203 : vector<16xi1>, vector<16xi32>
    %max3A_2205 = arith.maxsi %broadcast_in_dim3A_3, %select_n3A_2204 : vector<16xi32>
    tpu.vector_store_idx %arg5[%get3A_2168], %broadcast_in_dim3A_3 masked %gt3A_2183 : memref<1024xi32, #tpu.memory_space<vmem>>[vector<16xi32>], vector<16xi32>, vector<16xi1>
    %gather3A_2206 = tpu.vector_load_idx %arg5[%get3A_2172] : memref<1024xi32, #tpu.memory_space<vmem>>[vector<16xi32>], vector<16xi32>,
    %shift_left3A_2207 = arith.constant 10 : i32
    %shift_left3A_2208 = vector.broadcast %shift_left3A_2207 : i32 to vector<16xi32>
    %shift_left3A_2209 = arith.shli %gather3A_2206, %shift_left3A_2208 : vector<16xi32>
    %sub3A_2210 = arith.constant 1023 : i32
    %sub3A_2211 = vector.broadcast %sub3A_2210 : i32 to vector<16xi32>
    %sub3A_2212 = arith.subi %sub3A_2211, %get3A_2172 : vector<16xi32>
    %or3A_2213 = arith.ori %shift_left3A_2209, %sub3A_2212 : vector<16xi32>
    %jit3A_2214 = arith.constant 0 : i32
    %broadcast_in_dim3A_2215 = vector.broadcast %jit3A_2214 : i32 to vector<16xi32>
    %select_n3A_2216 = arith.select %gt3A_2186, %or3A_2213, %broadcast_in_dim3A_2215 : vector<16xi1>, vector<16xi32>
    %max3A_2217 = arith.maxsi %max3A_2205, %select_n3A_2216 : vector<16xi32>
    tpu.vector_store_idx %arg5[%get3A_2172], %broadcast_in_dim3A_3 masked %gt3A_2186 : memref<1024xi32, #tpu.memory_space<vmem>>[vector<16xi32>], vector<16xi32>, vector<16xi1>
    %gather3A_2218 = tpu.vector_load_idx %arg5[%get3A_2176] : memref<1024xi32, #tpu.memory_space<vmem>>[vector<16xi32>], vector<16xi32>,
    %shift_left3A_2219 = arith.constant 10 : i32
    %shift_left3A_2220 = vector.broadcast %shift_left3A_2219 : i32 to vector<16xi32>
    %shift_left3A_2221 = arith.shli %gather3A_2218, %shift_left3A_2220 : vector<16xi32>
    %sub3A_2222 = arith.constant 1023 : i32
    %sub3A_2223 = vector.broadcast %sub3A_2222 : i32 to vector<16xi32>
    %sub3A_2224 = arith.subi %sub3A_2223, %get3A_2176 : vector<16xi32>
    %or3A_2225 = arith.ori %shift_left3A_2221, %sub3A_2224 : vector<16xi32>
    %jit3A_2226 = arith.constant 0 : i32
    %broadcast_in_dim3A_2227 = vector.broadcast %jit3A_2226 : i32 to vector<16xi32>
    %select_n3A_2228 = arith.select %gt3A_2189, %or3A_2225, %broadcast_in_dim3A_2227 : vector<16xi1>, vector<16xi32>
    %max3A_2229 = arith.maxsi %max3A_2217, %select_n3A_2228 : vector<16xi32>
    tpu.vector_store_idx %arg5[%get3A_2176], %broadcast_in_dim3A_3 masked %gt3A_2189 : memref<1024xi32, #tpu.memory_space<vmem>>[vector<16xi32>], vector<16xi32>, vector<16xi1>
    %gather3A_2230 = tpu.vector_load_idx %arg5[%get3A_2180] : memref<1024xi32, #tpu.memory_space<vmem>>[vector<16xi32>], vector<16xi32>,
    %shift_left3A_2231 = arith.constant 10 : i32
    %shift_left3A_2232 = vector.broadcast %shift_left3A_2231 : i32 to vector<16xi32>
    %shift_left3A_2233 = arith.shli %gather3A_2230, %shift_left3A_2232 : vector<16xi32>
    %sub3A_2234 = arith.constant 1023 : i32
    %sub3A_2235 = vector.broadcast %sub3A_2234 : i32 to vector<16xi32>
    %sub3A_2236 = arith.subi %sub3A_2235, %get3A_2180 : vector<16xi32>
    %or3A_2237 = arith.ori %shift_left3A_2233, %sub3A_2236 : vector<16xi32>
    %jit3A_2238 = arith.constant 0 : i32
    %broadcast_in_dim3A_2239 = vector.broadcast %jit3A_2238 : i32 to vector<16xi32>
    %select_n3A_2240 = arith.select %and3A_2193, %or3A_2237, %broadcast_in_dim3A_2239 : vector<16xi1>, vector<16xi32>
    %max3A_2241 = arith.maxsi %max3A_2229, %select_n3A_2240 : vector<16xi32>
    tpu.vector_store_idx %arg5[%get3A_2180], %broadcast_in_dim3A_3 masked %and3A_2193 : memref<1024xi32, #tpu.memory_space<vmem>>[vector<16xi32>], vector<16xi32>, vector<16xi1>
    %reduce_max3A_2242 = arith.constant true
    %reduce_max3A_2243 = vector.broadcast %reduce_max3A_2242 : i1 to vector<16xi1>
    %reduce_max3A_2244 = arith.constant -2147483648 : i32
    %reduce_max3A_2245 = vector.broadcast %reduce_max3A_2244 : i32 to vector<16xi32>
    %reduce_max3A_2246 = arith.xori %max3A_2241, %reduce_max3A_2245 : vector<16xi32>
    %reduce_max3A_2247 = tpu.scan <max>, %reduce_max3A_2246 masked %reduce_max3A_2243 : vector<16xi32>, vector<16xi1> -> vector<16xi32>
    %reduce_max3A_2248 = arith.xori %reduce_max3A_2247, %reduce_max3A_2245 : vector<16xi32>
    %reduce_max3A_2249 = vector.extract %reduce_max3A_2248[15] : i32 from vector<16xi32>
    %shift_right_arithmetic3A_2250 = arith.constant 10 : i32
    %shift_right_arithmetic3A_2251 = arith.shrsi %reduce_max3A_2249, %shift_right_arithmetic3A_2250 : i32
    %gt3A_2252 = arith.constant 0 : i32
    %gt3A_2253 = arith.cmpi sgt, %shift_right_arithmetic3A_2251, %gt3A_2252 : i32
    %and3A_2254 = arith.constant 1023 : i32
    %and3A_2255 = arith.andi %reduce_max3A_2249, %and3A_2254 : i32
    %sub3A_2256 = arith.constant 1023 : i32
    %sub3A_2257 = arith.subi %sub3A_2256, %and3A_2255 : i32
    %jit3A_2258 = arith.constant 1 : i32
    %select_n3A_2259 = arith.select %gt3A_2253, %sub3A_2257, %jit3A_2258 : i32
    %broadcast_in_dim3A_2260 = arith.constant 22 : i32
    %broadcast_in_dim3A_2261 = vector.broadcast %broadcast_in_dim3A_2260 : i32 to vector<16xi32>
    %broadcast_in_dim3A_2262 = vector.broadcast %select_n3A_2259 : i32 to vector<16xi32>
    tpu.vector_store_idx %arg6[%broadcast_in_dim3A_2261], %broadcast_in_dim3A_2262 masked %eq3A_7 : memref<32xi32, #tpu.memory_space<vmem>>[vector<16xi32>], vector<16xi32>, vector<16xi1>
    %get3A_2263 = arith.constant 23 : i32
    %get3A_2264 = arith.index_cast %get3A_2263 : i32 to index
    %get3A_2265 = arith.constant 0 : index
    %get3A_2266 = tpu.vector_load %arg4[%get3A_2264, %get3A_2265] {strides = array<i32>} : memref<32x50xi32, #tpu.memory_space<vmem>>, vector<16xi32>,
    %get3A_2267 = arith.constant 23 : i32
    %get3A_2268 = arith.index_cast %get3A_2267 : i32 to index
    %get3A_2269 = arith.constant 16 : index
    %get3A_2270 = tpu.vector_load %arg4[%get3A_2268, %get3A_2269] {strides = array<i32>} : memref<32x50xi32, #tpu.memory_space<vmem>>, vector<16xi32>,
    %get3A_2271 = arith.constant 23 : i32
    %get3A_2272 = arith.index_cast %get3A_2271 : i32 to index
    %get3A_2273 = arith.constant 32 : index
    %get3A_2274 = tpu.vector_load %arg4[%get3A_2272, %get3A_2273] {strides = array<i32>} : memref<32x50xi32, #tpu.memory_space<vmem>>, vector<16xi32>,
    %get3A_2275 = arith.constant 23 : i32
    %get3A_2276 = arith.index_cast %get3A_2275 : i32 to index
    %get3A_2277 = arith.constant 34 : index
    %get3A_2278 = tpu.vector_load %arg4[%get3A_2276, %get3A_2277] {strides = array<i32>} : memref<32x50xi32, #tpu.memory_space<vmem>>, vector<16xi32>,
    %gt3A_2279 = arith.constant 1 : i32
    %gt3A_2280 = vector.broadcast %gt3A_2279 : i32 to vector<16xi32>
    %gt3A_2281 = arith.cmpi sgt, %get3A_2266, %gt3A_2280 : vector<16xi32>
    %gt3A_2282 = arith.constant 1 : i32
    %gt3A_2283 = vector.broadcast %gt3A_2282 : i32 to vector<16xi32>
    %gt3A_2284 = arith.cmpi sgt, %get3A_2270, %gt3A_2283 : vector<16xi32>
    %gt3A_2285 = arith.constant 1 : i32
    %gt3A_2286 = vector.broadcast %gt3A_2285 : i32 to vector<16xi32>
    %gt3A_2287 = arith.cmpi sgt, %get3A_2274, %gt3A_2286 : vector<16xi32>
    %gt3A_2288 = arith.constant 1 : i32
    %gt3A_2289 = vector.broadcast %gt3A_2288 : i32 to vector<16xi32>
    %gt3A_2290 = arith.cmpi sgt, %get3A_2278, %gt3A_2289 : vector<16xi32>
    %and3A_2291 = arith.andi %gt3A_2290, %ge3A_20 : vector<16xi1>
    tpu.vector_store_idx %arg5[%get3A_2266], %broadcast_in_dim3A_5 masked %gt3A_2281 {add = true} : memref<1024xi32, #tpu.memory_space<vmem>>[vector<16xi32>], vector<16xi32>, vector<16xi1>
    tpu.vector_store_idx %arg5[%get3A_2270], %broadcast_in_dim3A_5 masked %gt3A_2284 {add = true} : memref<1024xi32, #tpu.memory_space<vmem>>[vector<16xi32>], vector<16xi32>, vector<16xi1>
    tpu.vector_store_idx %arg5[%get3A_2274], %broadcast_in_dim3A_5 masked %gt3A_2287 {add = true} : memref<1024xi32, #tpu.memory_space<vmem>>[vector<16xi32>], vector<16xi32>, vector<16xi1>
    tpu.vector_store_idx %arg5[%get3A_2278], %broadcast_in_dim3A_5 masked %and3A_2291 {add = true} : memref<1024xi32, #tpu.memory_space<vmem>>[vector<16xi32>], vector<16xi32>, vector<16xi1>
    %gather3A_2292 = tpu.vector_load_idx %arg5[%get3A_2266] : memref<1024xi32, #tpu.memory_space<vmem>>[vector<16xi32>], vector<16xi32>,
    %shift_left3A_2293 = arith.constant 10 : i32
    %shift_left3A_2294 = vector.broadcast %shift_left3A_2293 : i32 to vector<16xi32>
    %shift_left3A_2295 = arith.shli %gather3A_2292, %shift_left3A_2294 : vector<16xi32>
    %sub3A_2296 = arith.constant 1023 : i32
    %sub3A_2297 = vector.broadcast %sub3A_2296 : i32 to vector<16xi32>
    %sub3A_2298 = arith.subi %sub3A_2297, %get3A_2266 : vector<16xi32>
    %or3A_2299 = arith.ori %shift_left3A_2295, %sub3A_2298 : vector<16xi32>
    %jit3A_2300 = arith.constant 0 : i32
    %broadcast_in_dim3A_2301 = vector.broadcast %jit3A_2300 : i32 to vector<16xi32>
    %select_n3A_2302 = arith.select %gt3A_2281, %or3A_2299, %broadcast_in_dim3A_2301 : vector<16xi1>, vector<16xi32>
    %max3A_2303 = arith.maxsi %broadcast_in_dim3A_3, %select_n3A_2302 : vector<16xi32>
    tpu.vector_store_idx %arg5[%get3A_2266], %broadcast_in_dim3A_3 masked %gt3A_2281 : memref<1024xi32, #tpu.memory_space<vmem>>[vector<16xi32>], vector<16xi32>, vector<16xi1>
    %gather3A_2304 = tpu.vector_load_idx %arg5[%get3A_2270] : memref<1024xi32, #tpu.memory_space<vmem>>[vector<16xi32>], vector<16xi32>,
    %shift_left3A_2305 = arith.constant 10 : i32
    %shift_left3A_2306 = vector.broadcast %shift_left3A_2305 : i32 to vector<16xi32>
    %shift_left3A_2307 = arith.shli %gather3A_2304, %shift_left3A_2306 : vector<16xi32>
    %sub3A_2308 = arith.constant 1023 : i32
    %sub3A_2309 = vector.broadcast %sub3A_2308 : i32 to vector<16xi32>
    %sub3A_2310 = arith.subi %sub3A_2309, %get3A_2270 : vector<16xi32>
    %or3A_2311 = arith.ori %shift_left3A_2307, %sub3A_2310 : vector<16xi32>
    %jit3A_2312 = arith.constant 0 : i32
    %broadcast_in_dim3A_2313 = vector.broadcast %jit3A_2312 : i32 to vector<16xi32>
    %select_n3A_2314 = arith.select %gt3A_2284, %or3A_2311, %broadcast_in_dim3A_2313 : vector<16xi1>, vector<16xi32>
    %max3A_2315 = arith.maxsi %max3A_2303, %select_n3A_2314 : vector<16xi32>
    tpu.vector_store_idx %arg5[%get3A_2270], %broadcast_in_dim3A_3 masked %gt3A_2284 : memref<1024xi32, #tpu.memory_space<vmem>>[vector<16xi32>], vector<16xi32>, vector<16xi1>
    %gather3A_2316 = tpu.vector_load_idx %arg5[%get3A_2274] : memref<1024xi32, #tpu.memory_space<vmem>>[vector<16xi32>], vector<16xi32>,
    %shift_left3A_2317 = arith.constant 10 : i32
    %shift_left3A_2318 = vector.broadcast %shift_left3A_2317 : i32 to vector<16xi32>
    %shift_left3A_2319 = arith.shli %gather3A_2316, %shift_left3A_2318 : vector<16xi32>
    %sub3A_2320 = arith.constant 1023 : i32
    %sub3A_2321 = vector.broadcast %sub3A_2320 : i32 to vector<16xi32>
    %sub3A_2322 = arith.subi %sub3A_2321, %get3A_2274 : vector<16xi32>
    %or3A_2323 = arith.ori %shift_left3A_2319, %sub3A_2322 : vector<16xi32>
    %jit3A_2324 = arith.constant 0 : i32
    %broadcast_in_dim3A_2325 = vector.broadcast %jit3A_2324 : i32 to vector<16xi32>
    %select_n3A_2326 = arith.select %gt3A_2287, %or3A_2323, %broadcast_in_dim3A_2325 : vector<16xi1>, vector<16xi32>
    %max3A_2327 = arith.maxsi %max3A_2315, %select_n3A_2326 : vector<16xi32>
    tpu.vector_store_idx %arg5[%get3A_2274], %broadcast_in_dim3A_3 masked %gt3A_2287 : memref<1024xi32, #tpu.memory_space<vmem>>[vector<16xi32>], vector<16xi32>, vector<16xi1>
    %gather3A_2328 = tpu.vector_load_idx %arg5[%get3A_2278] : memref<1024xi32, #tpu.memory_space<vmem>>[vector<16xi32>], vector<16xi32>,
    %shift_left3A_2329 = arith.constant 10 : i32
    %shift_left3A_2330 = vector.broadcast %shift_left3A_2329 : i32 to vector<16xi32>
    %shift_left3A_2331 = arith.shli %gather3A_2328, %shift_left3A_2330 : vector<16xi32>
    %sub3A_2332 = arith.constant 1023 : i32
    %sub3A_2333 = vector.broadcast %sub3A_2332 : i32 to vector<16xi32>
    %sub3A_2334 = arith.subi %sub3A_2333, %get3A_2278 : vector<16xi32>
    %or3A_2335 = arith.ori %shift_left3A_2331, %sub3A_2334 : vector<16xi32>
    %jit3A_2336 = arith.constant 0 : i32
    %broadcast_in_dim3A_2337 = vector.broadcast %jit3A_2336 : i32 to vector<16xi32>
    %select_n3A_2338 = arith.select %and3A_2291, %or3A_2335, %broadcast_in_dim3A_2337 : vector<16xi1>, vector<16xi32>
    %max3A_2339 = arith.maxsi %max3A_2327, %select_n3A_2338 : vector<16xi32>
    tpu.vector_store_idx %arg5[%get3A_2278], %broadcast_in_dim3A_3 masked %and3A_2291 : memref<1024xi32, #tpu.memory_space<vmem>>[vector<16xi32>], vector<16xi32>, vector<16xi1>
    %reduce_max3A_2340 = arith.constant true
    %reduce_max3A_2341 = vector.broadcast %reduce_max3A_2340 : i1 to vector<16xi1>
    %reduce_max3A_2342 = arith.constant -2147483648 : i32
    %reduce_max3A_2343 = vector.broadcast %reduce_max3A_2342 : i32 to vector<16xi32>
    %reduce_max3A_2344 = arith.xori %max3A_2339, %reduce_max3A_2343 : vector<16xi32>
    %reduce_max3A_2345 = tpu.scan <max>, %reduce_max3A_2344 masked %reduce_max3A_2341 : vector<16xi32>, vector<16xi1> -> vector<16xi32>
    %reduce_max3A_2346 = arith.xori %reduce_max3A_2345, %reduce_max3A_2343 : vector<16xi32>
    %reduce_max3A_2347 = vector.extract %reduce_max3A_2346[15] : i32 from vector<16xi32>
    %shift_right_arithmetic3A_2348 = arith.constant 10 : i32
    %shift_right_arithmetic3A_2349 = arith.shrsi %reduce_max3A_2347, %shift_right_arithmetic3A_2348 : i32
    %gt3A_2350 = arith.constant 0 : i32
    %gt3A_2351 = arith.cmpi sgt, %shift_right_arithmetic3A_2349, %gt3A_2350 : i32
    %and3A_2352 = arith.constant 1023 : i32
    %and3A_2353 = arith.andi %reduce_max3A_2347, %and3A_2352 : i32
    %sub3A_2354 = arith.constant 1023 : i32
    %sub3A_2355 = arith.subi %sub3A_2354, %and3A_2353 : i32
    %jit3A_2356 = arith.constant 1 : i32
    %select_n3A_2357 = arith.select %gt3A_2351, %sub3A_2355, %jit3A_2356 : i32
    %broadcast_in_dim3A_2358 = arith.constant 23 : i32
    %broadcast_in_dim3A_2359 = vector.broadcast %broadcast_in_dim3A_2358 : i32 to vector<16xi32>
    %broadcast_in_dim3A_2360 = vector.broadcast %select_n3A_2357 : i32 to vector<16xi32>
    tpu.vector_store_idx %arg6[%broadcast_in_dim3A_2359], %broadcast_in_dim3A_2360 masked %eq3A_7 : memref<32xi32, #tpu.memory_space<vmem>>[vector<16xi32>], vector<16xi32>, vector<16xi1>
    %get3A_2361 = arith.constant 24 : i32
    %get3A_2362 = arith.index_cast %get3A_2361 : i32 to index
    %get3A_2363 = arith.constant 0 : index
    %get3A_2364 = tpu.vector_load %arg4[%get3A_2362, %get3A_2363] {strides = array<i32>} : memref<32x50xi32, #tpu.memory_space<vmem>>, vector<16xi32>,
    %get3A_2365 = arith.constant 24 : i32
    %get3A_2366 = arith.index_cast %get3A_2365 : i32 to index
    %get3A_2367 = arith.constant 16 : index
    %get3A_2368 = tpu.vector_load %arg4[%get3A_2366, %get3A_2367] {strides = array<i32>} : memref<32x50xi32, #tpu.memory_space<vmem>>, vector<16xi32>,
    %get3A_2369 = arith.constant 24 : i32
    %get3A_2370 = arith.index_cast %get3A_2369 : i32 to index
    %get3A_2371 = arith.constant 32 : index
    %get3A_2372 = tpu.vector_load %arg4[%get3A_2370, %get3A_2371] {strides = array<i32>} : memref<32x50xi32, #tpu.memory_space<vmem>>, vector<16xi32>,
    %get3A_2373 = arith.constant 24 : i32
    %get3A_2374 = arith.index_cast %get3A_2373 : i32 to index
    %get3A_2375 = arith.constant 34 : index
    %get3A_2376 = tpu.vector_load %arg4[%get3A_2374, %get3A_2375] {strides = array<i32>} : memref<32x50xi32, #tpu.memory_space<vmem>>, vector<16xi32>,
    %gt3A_2377 = arith.constant 1 : i32
    %gt3A_2378 = vector.broadcast %gt3A_2377 : i32 to vector<16xi32>
    %gt3A_2379 = arith.cmpi sgt, %get3A_2364, %gt3A_2378 : vector<16xi32>
    %gt3A_2380 = arith.constant 1 : i32
    %gt3A_2381 = vector.broadcast %gt3A_2380 : i32 to vector<16xi32>
    %gt3A_2382 = arith.cmpi sgt, %get3A_2368, %gt3A_2381 : vector<16xi32>
    %gt3A_2383 = arith.constant 1 : i32
    %gt3A_2384 = vector.broadcast %gt3A_2383 : i32 to vector<16xi32>
    %gt3A_2385 = arith.cmpi sgt, %get3A_2372, %gt3A_2384 : vector<16xi32>
    %gt3A_2386 = arith.constant 1 : i32
    %gt3A_2387 = vector.broadcast %gt3A_2386 : i32 to vector<16xi32>
    %gt3A_2388 = arith.cmpi sgt, %get3A_2376, %gt3A_2387 : vector<16xi32>
    %and3A_2389 = arith.andi %gt3A_2388, %ge3A_20 : vector<16xi1>
    tpu.vector_store_idx %arg5[%get3A_2364], %broadcast_in_dim3A_5 masked %gt3A_2379 {add = true} : memref<1024xi32, #tpu.memory_space<vmem>>[vector<16xi32>], vector<16xi32>, vector<16xi1>
    tpu.vector_store_idx %arg5[%get3A_2368], %broadcast_in_dim3A_5 masked %gt3A_2382 {add = true} : memref<1024xi32, #tpu.memory_space<vmem>>[vector<16xi32>], vector<16xi32>, vector<16xi1>
    tpu.vector_store_idx %arg5[%get3A_2372], %broadcast_in_dim3A_5 masked %gt3A_2385 {add = true} : memref<1024xi32, #tpu.memory_space<vmem>>[vector<16xi32>], vector<16xi32>, vector<16xi1>
    tpu.vector_store_idx %arg5[%get3A_2376], %broadcast_in_dim3A_5 masked %and3A_2389 {add = true} : memref<1024xi32, #tpu.memory_space<vmem>>[vector<16xi32>], vector<16xi32>, vector<16xi1>
    %gather3A_2390 = tpu.vector_load_idx %arg5[%get3A_2364] : memref<1024xi32, #tpu.memory_space<vmem>>[vector<16xi32>], vector<16xi32>,
    %shift_left3A_2391 = arith.constant 10 : i32
    %shift_left3A_2392 = vector.broadcast %shift_left3A_2391 : i32 to vector<16xi32>
    %shift_left3A_2393 = arith.shli %gather3A_2390, %shift_left3A_2392 : vector<16xi32>
    %sub3A_2394 = arith.constant 1023 : i32
    %sub3A_2395 = vector.broadcast %sub3A_2394 : i32 to vector<16xi32>
    %sub3A_2396 = arith.subi %sub3A_2395, %get3A_2364 : vector<16xi32>
    %or3A_2397 = arith.ori %shift_left3A_2393, %sub3A_2396 : vector<16xi32>
    %jit3A_2398 = arith.constant 0 : i32
    %broadcast_in_dim3A_2399 = vector.broadcast %jit3A_2398 : i32 to vector<16xi32>
    %select_n3A_2400 = arith.select %gt3A_2379, %or3A_2397, %broadcast_in_dim3A_2399 : vector<16xi1>, vector<16xi32>
    %max3A_2401 = arith.maxsi %broadcast_in_dim3A_3, %select_n3A_2400 : vector<16xi32>
    tpu.vector_store_idx %arg5[%get3A_2364], %broadcast_in_dim3A_3 masked %gt3A_2379 : memref<1024xi32, #tpu.memory_space<vmem>>[vector<16xi32>], vector<16xi32>, vector<16xi1>
    %gather3A_2402 = tpu.vector_load_idx %arg5[%get3A_2368] : memref<1024xi32, #tpu.memory_space<vmem>>[vector<16xi32>], vector<16xi32>,
    %shift_left3A_2403 = arith.constant 10 : i32
    %shift_left3A_2404 = vector.broadcast %shift_left3A_2403 : i32 to vector<16xi32>
    %shift_left3A_2405 = arith.shli %gather3A_2402, %shift_left3A_2404 : vector<16xi32>
    %sub3A_2406 = arith.constant 1023 : i32
    %sub3A_2407 = vector.broadcast %sub3A_2406 : i32 to vector<16xi32>
    %sub3A_2408 = arith.subi %sub3A_2407, %get3A_2368 : vector<16xi32>
    %or3A_2409 = arith.ori %shift_left3A_2405, %sub3A_2408 : vector<16xi32>
    %jit3A_2410 = arith.constant 0 : i32
    %broadcast_in_dim3A_2411 = vector.broadcast %jit3A_2410 : i32 to vector<16xi32>
    %select_n3A_2412 = arith.select %gt3A_2382, %or3A_2409, %broadcast_in_dim3A_2411 : vector<16xi1>, vector<16xi32>
    %max3A_2413 = arith.maxsi %max3A_2401, %select_n3A_2412 : vector<16xi32>
    tpu.vector_store_idx %arg5[%get3A_2368], %broadcast_in_dim3A_3 masked %gt3A_2382 : memref<1024xi32, #tpu.memory_space<vmem>>[vector<16xi32>], vector<16xi32>, vector<16xi1>
    %gather3A_2414 = tpu.vector_load_idx %arg5[%get3A_2372] : memref<1024xi32, #tpu.memory_space<vmem>>[vector<16xi32>], vector<16xi32>,
    %shift_left3A_2415 = arith.constant 10 : i32
    %shift_left3A_2416 = vector.broadcast %shift_left3A_2415 : i32 to vector<16xi32>
    %shift_left3A_2417 = arith.shli %gather3A_2414, %shift_left3A_2416 : vector<16xi32>
    %sub3A_2418 = arith.constant 1023 : i32
    %sub3A_2419 = vector.broadcast %sub3A_2418 : i32 to vector<16xi32>
    %sub3A_2420 = arith.subi %sub3A_2419, %get3A_2372 : vector<16xi32>
    %or3A_2421 = arith.ori %shift_left3A_2417, %sub3A_2420 : vector<16xi32>
    %jit3A_2422 = arith.constant 0 : i32
    %broadcast_in_dim3A_2423 = vector.broadcast %jit3A_2422 : i32 to vector<16xi32>
    %select_n3A_2424 = arith.select %gt3A_2385, %or3A_2421, %broadcast_in_dim3A_2423 : vector<16xi1>, vector<16xi32>
    %max3A_2425 = arith.maxsi %max3A_2413, %select_n3A_2424 : vector<16xi32>
    tpu.vector_store_idx %arg5[%get3A_2372], %broadcast_in_dim3A_3 masked %gt3A_2385 : memref<1024xi32, #tpu.memory_space<vmem>>[vector<16xi32>], vector<16xi32>, vector<16xi1>
    %gather3A_2426 = tpu.vector_load_idx %arg5[%get3A_2376] : memref<1024xi32, #tpu.memory_space<vmem>>[vector<16xi32>], vector<16xi32>,
    %shift_left3A_2427 = arith.constant 10 : i32
    %shift_left3A_2428 = vector.broadcast %shift_left3A_2427 : i32 to vector<16xi32>
    %shift_left3A_2429 = arith.shli %gather3A_2426, %shift_left3A_2428 : vector<16xi32>
    %sub3A_2430 = arith.constant 1023 : i32
    %sub3A_2431 = vector.broadcast %sub3A_2430 : i32 to vector<16xi32>
    %sub3A_2432 = arith.subi %sub3A_2431, %get3A_2376 : vector<16xi32>
    %or3A_2433 = arith.ori %shift_left3A_2429, %sub3A_2432 : vector<16xi32>
    %jit3A_2434 = arith.constant 0 : i32
    %broadcast_in_dim3A_2435 = vector.broadcast %jit3A_2434 : i32 to vector<16xi32>
    %select_n3A_2436 = arith.select %and3A_2389, %or3A_2433, %broadcast_in_dim3A_2435 : vector<16xi1>, vector<16xi32>
    %max3A_2437 = arith.maxsi %max3A_2425, %select_n3A_2436 : vector<16xi32>
    tpu.vector_store_idx %arg5[%get3A_2376], %broadcast_in_dim3A_3 masked %and3A_2389 : memref<1024xi32, #tpu.memory_space<vmem>>[vector<16xi32>], vector<16xi32>, vector<16xi1>
    %reduce_max3A_2438 = arith.constant true
    %reduce_max3A_2439 = vector.broadcast %reduce_max3A_2438 : i1 to vector<16xi1>
    %reduce_max3A_2440 = arith.constant -2147483648 : i32
    %reduce_max3A_2441 = vector.broadcast %reduce_max3A_2440 : i32 to vector<16xi32>
    %reduce_max3A_2442 = arith.xori %max3A_2437, %reduce_max3A_2441 : vector<16xi32>
    %reduce_max3A_2443 = tpu.scan <max>, %reduce_max3A_2442 masked %reduce_max3A_2439 : vector<16xi32>, vector<16xi1> -> vector<16xi32>
    %reduce_max3A_2444 = arith.xori %reduce_max3A_2443, %reduce_max3A_2441 : vector<16xi32>
    %reduce_max3A_2445 = vector.extract %reduce_max3A_2444[15] : i32 from vector<16xi32>
    %shift_right_arithmetic3A_2446 = arith.constant 10 : i32
    %shift_right_arithmetic3A_2447 = arith.shrsi %reduce_max3A_2445, %shift_right_arithmetic3A_2446 : i32
    %gt3A_2448 = arith.constant 0 : i32
    %gt3A_2449 = arith.cmpi sgt, %shift_right_arithmetic3A_2447, %gt3A_2448 : i32
    %and3A_2450 = arith.constant 1023 : i32
    %and3A_2451 = arith.andi %reduce_max3A_2445, %and3A_2450 : i32
    %sub3A_2452 = arith.constant 1023 : i32
    %sub3A_2453 = arith.subi %sub3A_2452, %and3A_2451 : i32
    %jit3A_2454 = arith.constant 1 : i32
    %select_n3A_2455 = arith.select %gt3A_2449, %sub3A_2453, %jit3A_2454 : i32
    %broadcast_in_dim3A_2456 = arith.constant 24 : i32
    %broadcast_in_dim3A_2457 = vector.broadcast %broadcast_in_dim3A_2456 : i32 to vector<16xi32>
    %broadcast_in_dim3A_2458 = vector.broadcast %select_n3A_2455 : i32 to vector<16xi32>
    tpu.vector_store_idx %arg6[%broadcast_in_dim3A_2457], %broadcast_in_dim3A_2458 masked %eq3A_7 : memref<32xi32, #tpu.memory_space<vmem>>[vector<16xi32>], vector<16xi32>, vector<16xi1>
    %get3A_2459 = arith.constant 25 : i32
    %get3A_2460 = arith.index_cast %get3A_2459 : i32 to index
    %get3A_2461 = arith.constant 0 : index
    %get3A_2462 = tpu.vector_load %arg4[%get3A_2460, %get3A_2461] {strides = array<i32>} : memref<32x50xi32, #tpu.memory_space<vmem>>, vector<16xi32>,
    %get3A_2463 = arith.constant 25 : i32
    %get3A_2464 = arith.index_cast %get3A_2463 : i32 to index
    %get3A_2465 = arith.constant 16 : index
    %get3A_2466 = tpu.vector_load %arg4[%get3A_2464, %get3A_2465] {strides = array<i32>} : memref<32x50xi32, #tpu.memory_space<vmem>>, vector<16xi32>,
    %get3A_2467 = arith.constant 25 : i32
    %get3A_2468 = arith.index_cast %get3A_2467 : i32 to index
    %get3A_2469 = arith.constant 32 : index
    %get3A_2470 = tpu.vector_load %arg4[%get3A_2468, %get3A_2469] {strides = array<i32>} : memref<32x50xi32, #tpu.memory_space<vmem>>, vector<16xi32>,
    %get3A_2471 = arith.constant 25 : i32
    %get3A_2472 = arith.index_cast %get3A_2471 : i32 to index
    %get3A_2473 = arith.constant 34 : index
    %get3A_2474 = tpu.vector_load %arg4[%get3A_2472, %get3A_2473] {strides = array<i32>} : memref<32x50xi32, #tpu.memory_space<vmem>>, vector<16xi32>,
    %gt3A_2475 = arith.constant 1 : i32
    %gt3A_2476 = vector.broadcast %gt3A_2475 : i32 to vector<16xi32>
    %gt3A_2477 = arith.cmpi sgt, %get3A_2462, %gt3A_2476 : vector<16xi32>
    %gt3A_2478 = arith.constant 1 : i32
    %gt3A_2479 = vector.broadcast %gt3A_2478 : i32 to vector<16xi32>
    %gt3A_2480 = arith.cmpi sgt, %get3A_2466, %gt3A_2479 : vector<16xi32>
    %gt3A_2481 = arith.constant 1 : i32
    %gt3A_2482 = vector.broadcast %gt3A_2481 : i32 to vector<16xi32>
    %gt3A_2483 = arith.cmpi sgt, %get3A_2470, %gt3A_2482 : vector<16xi32>
    %gt3A_2484 = arith.constant 1 : i32
    %gt3A_2485 = vector.broadcast %gt3A_2484 : i32 to vector<16xi32>
    %gt3A_2486 = arith.cmpi sgt, %get3A_2474, %gt3A_2485 : vector<16xi32>
    %and3A_2487 = arith.andi %gt3A_2486, %ge3A_20 : vector<16xi1>
    tpu.vector_store_idx %arg5[%get3A_2462], %broadcast_in_dim3A_5 masked %gt3A_2477 {add = true} : memref<1024xi32, #tpu.memory_space<vmem>>[vector<16xi32>], vector<16xi32>, vector<16xi1>
    tpu.vector_store_idx %arg5[%get3A_2466], %broadcast_in_dim3A_5 masked %gt3A_2480 {add = true} : memref<1024xi32, #tpu.memory_space<vmem>>[vector<16xi32>], vector<16xi32>, vector<16xi1>
    tpu.vector_store_idx %arg5[%get3A_2470], %broadcast_in_dim3A_5 masked %gt3A_2483 {add = true} : memref<1024xi32, #tpu.memory_space<vmem>>[vector<16xi32>], vector<16xi32>, vector<16xi1>
    tpu.vector_store_idx %arg5[%get3A_2474], %broadcast_in_dim3A_5 masked %and3A_2487 {add = true} : memref<1024xi32, #tpu.memory_space<vmem>>[vector<16xi32>], vector<16xi32>, vector<16xi1>
    %gather3A_2488 = tpu.vector_load_idx %arg5[%get3A_2462] : memref<1024xi32, #tpu.memory_space<vmem>>[vector<16xi32>], vector<16xi32>,
    %shift_left3A_2489 = arith.constant 10 : i32
    %shift_left3A_2490 = vector.broadcast %shift_left3A_2489 : i32 to vector<16xi32>
    %shift_left3A_2491 = arith.shli %gather3A_2488, %shift_left3A_2490 : vector<16xi32>
    %sub3A_2492 = arith.constant 1023 : i32
    %sub3A_2493 = vector.broadcast %sub3A_2492 : i32 to vector<16xi32>
    %sub3A_2494 = arith.subi %sub3A_2493, %get3A_2462 : vector<16xi32>
    %or3A_2495 = arith.ori %shift_left3A_2491, %sub3A_2494 : vector<16xi32>
    %jit3A_2496 = arith.constant 0 : i32
    %broadcast_in_dim3A_2497 = vector.broadcast %jit3A_2496 : i32 to vector<16xi32>
    %select_n3A_2498 = arith.select %gt3A_2477, %or3A_2495, %broadcast_in_dim3A_2497 : vector<16xi1>, vector<16xi32>
    %max3A_2499 = arith.maxsi %broadcast_in_dim3A_3, %select_n3A_2498 : vector<16xi32>
    tpu.vector_store_idx %arg5[%get3A_2462], %broadcast_in_dim3A_3 masked %gt3A_2477 : memref<1024xi32, #tpu.memory_space<vmem>>[vector<16xi32>], vector<16xi32>, vector<16xi1>
    %gather3A_2500 = tpu.vector_load_idx %arg5[%get3A_2466] : memref<1024xi32, #tpu.memory_space<vmem>>[vector<16xi32>], vector<16xi32>,
    %shift_left3A_2501 = arith.constant 10 : i32
    %shift_left3A_2502 = vector.broadcast %shift_left3A_2501 : i32 to vector<16xi32>
    %shift_left3A_2503 = arith.shli %gather3A_2500, %shift_left3A_2502 : vector<16xi32>
    %sub3A_2504 = arith.constant 1023 : i32
    %sub3A_2505 = vector.broadcast %sub3A_2504 : i32 to vector<16xi32>
    %sub3A_2506 = arith.subi %sub3A_2505, %get3A_2466 : vector<16xi32>
    %or3A_2507 = arith.ori %shift_left3A_2503, %sub3A_2506 : vector<16xi32>
    %jit3A_2508 = arith.constant 0 : i32
    %broadcast_in_dim3A_2509 = vector.broadcast %jit3A_2508 : i32 to vector<16xi32>
    %select_n3A_2510 = arith.select %gt3A_2480, %or3A_2507, %broadcast_in_dim3A_2509 : vector<16xi1>, vector<16xi32>
    %max3A_2511 = arith.maxsi %max3A_2499, %select_n3A_2510 : vector<16xi32>
    tpu.vector_store_idx %arg5[%get3A_2466], %broadcast_in_dim3A_3 masked %gt3A_2480 : memref<1024xi32, #tpu.memory_space<vmem>>[vector<16xi32>], vector<16xi32>, vector<16xi1>
    %gather3A_2512 = tpu.vector_load_idx %arg5[%get3A_2470] : memref<1024xi32, #tpu.memory_space<vmem>>[vector<16xi32>], vector<16xi32>,
    %shift_left3A_2513 = arith.constant 10 : i32
    %shift_left3A_2514 = vector.broadcast %shift_left3A_2513 : i32 to vector<16xi32>
    %shift_left3A_2515 = arith.shli %gather3A_2512, %shift_left3A_2514 : vector<16xi32>
    %sub3A_2516 = arith.constant 1023 : i32
    %sub3A_2517 = vector.broadcast %sub3A_2516 : i32 to vector<16xi32>
    %sub3A_2518 = arith.subi %sub3A_2517, %get3A_2470 : vector<16xi32>
    %or3A_2519 = arith.ori %shift_left3A_2515, %sub3A_2518 : vector<16xi32>
    %jit3A_2520 = arith.constant 0 : i32
    %broadcast_in_dim3A_2521 = vector.broadcast %jit3A_2520 : i32 to vector<16xi32>
    %select_n3A_2522 = arith.select %gt3A_2483, %or3A_2519, %broadcast_in_dim3A_2521 : vector<16xi1>, vector<16xi32>
    %max3A_2523 = arith.maxsi %max3A_2511, %select_n3A_2522 : vector<16xi32>
    tpu.vector_store_idx %arg5[%get3A_2470], %broadcast_in_dim3A_3 masked %gt3A_2483 : memref<1024xi32, #tpu.memory_space<vmem>>[vector<16xi32>], vector<16xi32>, vector<16xi1>
    %gather3A_2524 = tpu.vector_load_idx %arg5[%get3A_2474] : memref<1024xi32, #tpu.memory_space<vmem>>[vector<16xi32>], vector<16xi32>,
    %shift_left3A_2525 = arith.constant 10 : i32
    %shift_left3A_2526 = vector.broadcast %shift_left3A_2525 : i32 to vector<16xi32>
    %shift_left3A_2527 = arith.shli %gather3A_2524, %shift_left3A_2526 : vector<16xi32>
    %sub3A_2528 = arith.constant 1023 : i32
    %sub3A_2529 = vector.broadcast %sub3A_2528 : i32 to vector<16xi32>
    %sub3A_2530 = arith.subi %sub3A_2529, %get3A_2474 : vector<16xi32>
    %or3A_2531 = arith.ori %shift_left3A_2527, %sub3A_2530 : vector<16xi32>
    %jit3A_2532 = arith.constant 0 : i32
    %broadcast_in_dim3A_2533 = vector.broadcast %jit3A_2532 : i32 to vector<16xi32>
    %select_n3A_2534 = arith.select %and3A_2487, %or3A_2531, %broadcast_in_dim3A_2533 : vector<16xi1>, vector<16xi32>
    %max3A_2535 = arith.maxsi %max3A_2523, %select_n3A_2534 : vector<16xi32>
    tpu.vector_store_idx %arg5[%get3A_2474], %broadcast_in_dim3A_3 masked %and3A_2487 : memref<1024xi32, #tpu.memory_space<vmem>>[vector<16xi32>], vector<16xi32>, vector<16xi1>
    %reduce_max3A_2536 = arith.constant true
    %reduce_max3A_2537 = vector.broadcast %reduce_max3A_2536 : i1 to vector<16xi1>
    %reduce_max3A_2538 = arith.constant -2147483648 : i32
    %reduce_max3A_2539 = vector.broadcast %reduce_max3A_2538 : i32 to vector<16xi32>
    %reduce_max3A_2540 = arith.xori %max3A_2535, %reduce_max3A_2539 : vector<16xi32>
    %reduce_max3A_2541 = tpu.scan <max>, %reduce_max3A_2540 masked %reduce_max3A_2537 : vector<16xi32>, vector<16xi1> -> vector<16xi32>
    %reduce_max3A_2542 = arith.xori %reduce_max3A_2541, %reduce_max3A_2539 : vector<16xi32>
    %reduce_max3A_2543 = vector.extract %reduce_max3A_2542[15] : i32 from vector<16xi32>
    %shift_right_arithmetic3A_2544 = arith.constant 10 : i32
    %shift_right_arithmetic3A_2545 = arith.shrsi %reduce_max3A_2543, %shift_right_arithmetic3A_2544 : i32
    %gt3A_2546 = arith.constant 0 : i32
    %gt3A_2547 = arith.cmpi sgt, %shift_right_arithmetic3A_2545, %gt3A_2546 : i32
    %and3A_2548 = arith.constant 1023 : i32
    %and3A_2549 = arith.andi %reduce_max3A_2543, %and3A_2548 : i32
    %sub3A_2550 = arith.constant 1023 : i32
    %sub3A_2551 = arith.subi %sub3A_2550, %and3A_2549 : i32
    %jit3A_2552 = arith.constant 1 : i32
    %select_n3A_2553 = arith.select %gt3A_2547, %sub3A_2551, %jit3A_2552 : i32
    %broadcast_in_dim3A_2554 = arith.constant 25 : i32
    %broadcast_in_dim3A_2555 = vector.broadcast %broadcast_in_dim3A_2554 : i32 to vector<16xi32>
    %broadcast_in_dim3A_2556 = vector.broadcast %select_n3A_2553 : i32 to vector<16xi32>
    tpu.vector_store_idx %arg6[%broadcast_in_dim3A_2555], %broadcast_in_dim3A_2556 masked %eq3A_7 : memref<32xi32, #tpu.memory_space<vmem>>[vector<16xi32>], vector<16xi32>, vector<16xi1>
    %get3A_2557 = arith.constant 26 : i32
    %get3A_2558 = arith.index_cast %get3A_2557 : i32 to index
    %get3A_2559 = arith.constant 0 : index
    %get3A_2560 = tpu.vector_load %arg4[%get3A_2558, %get3A_2559] {strides = array<i32>} : memref<32x50xi32, #tpu.memory_space<vmem>>, vector<16xi32>,
    %get3A_2561 = arith.constant 26 : i32
    %get3A_2562 = arith.index_cast %get3A_2561 : i32 to index
    %get3A_2563 = arith.constant 16 : index
    %get3A_2564 = tpu.vector_load %arg4[%get3A_2562, %get3A_2563] {strides = array<i32>} : memref<32x50xi32, #tpu.memory_space<vmem>>, vector<16xi32>,
    %get3A_2565 = arith.constant 26 : i32
    %get3A_2566 = arith.index_cast %get3A_2565 : i32 to index
    %get3A_2567 = arith.constant 32 : index
    %get3A_2568 = tpu.vector_load %arg4[%get3A_2566, %get3A_2567] {strides = array<i32>} : memref<32x50xi32, #tpu.memory_space<vmem>>, vector<16xi32>,
    %get3A_2569 = arith.constant 26 : i32
    %get3A_2570 = arith.index_cast %get3A_2569 : i32 to index
    %get3A_2571 = arith.constant 34 : index
    %get3A_2572 = tpu.vector_load %arg4[%get3A_2570, %get3A_2571] {strides = array<i32>} : memref<32x50xi32, #tpu.memory_space<vmem>>, vector<16xi32>,
    %gt3A_2573 = arith.constant 1 : i32
    %gt3A_2574 = vector.broadcast %gt3A_2573 : i32 to vector<16xi32>
    %gt3A_2575 = arith.cmpi sgt, %get3A_2560, %gt3A_2574 : vector<16xi32>
    %gt3A_2576 = arith.constant 1 : i32
    %gt3A_2577 = vector.broadcast %gt3A_2576 : i32 to vector<16xi32>
    %gt3A_2578 = arith.cmpi sgt, %get3A_2564, %gt3A_2577 : vector<16xi32>
    %gt3A_2579 = arith.constant 1 : i32
    %gt3A_2580 = vector.broadcast %gt3A_2579 : i32 to vector<16xi32>
    %gt3A_2581 = arith.cmpi sgt, %get3A_2568, %gt3A_2580 : vector<16xi32>
    %gt3A_2582 = arith.constant 1 : i32
    %gt3A_2583 = vector.broadcast %gt3A_2582 : i32 to vector<16xi32>
    %gt3A_2584 = arith.cmpi sgt, %get3A_2572, %gt3A_2583 : vector<16xi32>
    %and3A_2585 = arith.andi %gt3A_2584, %ge3A_20 : vector<16xi1>
    tpu.vector_store_idx %arg5[%get3A_2560], %broadcast_in_dim3A_5 masked %gt3A_2575 {add = true} : memref<1024xi32, #tpu.memory_space<vmem>>[vector<16xi32>], vector<16xi32>, vector<16xi1>
    tpu.vector_store_idx %arg5[%get3A_2564], %broadcast_in_dim3A_5 masked %gt3A_2578 {add = true} : memref<1024xi32, #tpu.memory_space<vmem>>[vector<16xi32>], vector<16xi32>, vector<16xi1>
    tpu.vector_store_idx %arg5[%get3A_2568], %broadcast_in_dim3A_5 masked %gt3A_2581 {add = true} : memref<1024xi32, #tpu.memory_space<vmem>>[vector<16xi32>], vector<16xi32>, vector<16xi1>
    tpu.vector_store_idx %arg5[%get3A_2572], %broadcast_in_dim3A_5 masked %and3A_2585 {add = true} : memref<1024xi32, #tpu.memory_space<vmem>>[vector<16xi32>], vector<16xi32>, vector<16xi1>
    %gather3A_2586 = tpu.vector_load_idx %arg5[%get3A_2560] : memref<1024xi32, #tpu.memory_space<vmem>>[vector<16xi32>], vector<16xi32>,
    %shift_left3A_2587 = arith.constant 10 : i32
    %shift_left3A_2588 = vector.broadcast %shift_left3A_2587 : i32 to vector<16xi32>
    %shift_left3A_2589 = arith.shli %gather3A_2586, %shift_left3A_2588 : vector<16xi32>
    %sub3A_2590 = arith.constant 1023 : i32
    %sub3A_2591 = vector.broadcast %sub3A_2590 : i32 to vector<16xi32>
    %sub3A_2592 = arith.subi %sub3A_2591, %get3A_2560 : vector<16xi32>
    %or3A_2593 = arith.ori %shift_left3A_2589, %sub3A_2592 : vector<16xi32>
    %jit3A_2594 = arith.constant 0 : i32
    %broadcast_in_dim3A_2595 = vector.broadcast %jit3A_2594 : i32 to vector<16xi32>
    %select_n3A_2596 = arith.select %gt3A_2575, %or3A_2593, %broadcast_in_dim3A_2595 : vector<16xi1>, vector<16xi32>
    %max3A_2597 = arith.maxsi %broadcast_in_dim3A_3, %select_n3A_2596 : vector<16xi32>
    tpu.vector_store_idx %arg5[%get3A_2560], %broadcast_in_dim3A_3 masked %gt3A_2575 : memref<1024xi32, #tpu.memory_space<vmem>>[vector<16xi32>], vector<16xi32>, vector<16xi1>
    %gather3A_2598 = tpu.vector_load_idx %arg5[%get3A_2564] : memref<1024xi32, #tpu.memory_space<vmem>>[vector<16xi32>], vector<16xi32>,
    %shift_left3A_2599 = arith.constant 10 : i32
    %shift_left3A_2600 = vector.broadcast %shift_left3A_2599 : i32 to vector<16xi32>
    %shift_left3A_2601 = arith.shli %gather3A_2598, %shift_left3A_2600 : vector<16xi32>
    %sub3A_2602 = arith.constant 1023 : i32
    %sub3A_2603 = vector.broadcast %sub3A_2602 : i32 to vector<16xi32>
    %sub3A_2604 = arith.subi %sub3A_2603, %get3A_2564 : vector<16xi32>
    %or3A_2605 = arith.ori %shift_left3A_2601, %sub3A_2604 : vector<16xi32>
    %jit3A_2606 = arith.constant 0 : i32
    %broadcast_in_dim3A_2607 = vector.broadcast %jit3A_2606 : i32 to vector<16xi32>
    %select_n3A_2608 = arith.select %gt3A_2578, %or3A_2605, %broadcast_in_dim3A_2607 : vector<16xi1>, vector<16xi32>
    %max3A_2609 = arith.maxsi %max3A_2597, %select_n3A_2608 : vector<16xi32>
    tpu.vector_store_idx %arg5[%get3A_2564], %broadcast_in_dim3A_3 masked %gt3A_2578 : memref<1024xi32, #tpu.memory_space<vmem>>[vector<16xi32>], vector<16xi32>, vector<16xi1>
    %gather3A_2610 = tpu.vector_load_idx %arg5[%get3A_2568] : memref<1024xi32, #tpu.memory_space<vmem>>[vector<16xi32>], vector<16xi32>,
    %shift_left3A_2611 = arith.constant 10 : i32
    %shift_left3A_2612 = vector.broadcast %shift_left3A_2611 : i32 to vector<16xi32>
    %shift_left3A_2613 = arith.shli %gather3A_2610, %shift_left3A_2612 : vector<16xi32>
    %sub3A_2614 = arith.constant 1023 : i32
    %sub3A_2615 = vector.broadcast %sub3A_2614 : i32 to vector<16xi32>
    %sub3A_2616 = arith.subi %sub3A_2615, %get3A_2568 : vector<16xi32>
    %or3A_2617 = arith.ori %shift_left3A_2613, %sub3A_2616 : vector<16xi32>
    %jit3A_2618 = arith.constant 0 : i32
    %broadcast_in_dim3A_2619 = vector.broadcast %jit3A_2618 : i32 to vector<16xi32>
    %select_n3A_2620 = arith.select %gt3A_2581, %or3A_2617, %broadcast_in_dim3A_2619 : vector<16xi1>, vector<16xi32>
    %max3A_2621 = arith.maxsi %max3A_2609, %select_n3A_2620 : vector<16xi32>
    tpu.vector_store_idx %arg5[%get3A_2568], %broadcast_in_dim3A_3 masked %gt3A_2581 : memref<1024xi32, #tpu.memory_space<vmem>>[vector<16xi32>], vector<16xi32>, vector<16xi1>
    %gather3A_2622 = tpu.vector_load_idx %arg5[%get3A_2572] : memref<1024xi32, #tpu.memory_space<vmem>>[vector<16xi32>], vector<16xi32>,
    %shift_left3A_2623 = arith.constant 10 : i32
    %shift_left3A_2624 = vector.broadcast %shift_left3A_2623 : i32 to vector<16xi32>
    %shift_left3A_2625 = arith.shli %gather3A_2622, %shift_left3A_2624 : vector<16xi32>
    %sub3A_2626 = arith.constant 1023 : i32
    %sub3A_2627 = vector.broadcast %sub3A_2626 : i32 to vector<16xi32>
    %sub3A_2628 = arith.subi %sub3A_2627, %get3A_2572 : vector<16xi32>
    %or3A_2629 = arith.ori %shift_left3A_2625, %sub3A_2628 : vector<16xi32>
    %jit3A_2630 = arith.constant 0 : i32
    %broadcast_in_dim3A_2631 = vector.broadcast %jit3A_2630 : i32 to vector<16xi32>
    %select_n3A_2632 = arith.select %and3A_2585, %or3A_2629, %broadcast_in_dim3A_2631 : vector<16xi1>, vector<16xi32>
    %max3A_2633 = arith.maxsi %max3A_2621, %select_n3A_2632 : vector<16xi32>
    tpu.vector_store_idx %arg5[%get3A_2572], %broadcast_in_dim3A_3 masked %and3A_2585 : memref<1024xi32, #tpu.memory_space<vmem>>[vector<16xi32>], vector<16xi32>, vector<16xi1>
    %reduce_max3A_2634 = arith.constant true
    %reduce_max3A_2635 = vector.broadcast %reduce_max3A_2634 : i1 to vector<16xi1>
    %reduce_max3A_2636 = arith.constant -2147483648 : i32
    %reduce_max3A_2637 = vector.broadcast %reduce_max3A_2636 : i32 to vector<16xi32>
    %reduce_max3A_2638 = arith.xori %max3A_2633, %reduce_max3A_2637 : vector<16xi32>
    %reduce_max3A_2639 = tpu.scan <max>, %reduce_max3A_2638 masked %reduce_max3A_2635 : vector<16xi32>, vector<16xi1> -> vector<16xi32>
    %reduce_max3A_2640 = arith.xori %reduce_max3A_2639, %reduce_max3A_2637 : vector<16xi32>
    %reduce_max3A_2641 = vector.extract %reduce_max3A_2640[15] : i32 from vector<16xi32>
    %shift_right_arithmetic3A_2642 = arith.constant 10 : i32
    %shift_right_arithmetic3A_2643 = arith.shrsi %reduce_max3A_2641, %shift_right_arithmetic3A_2642 : i32
    %gt3A_2644 = arith.constant 0 : i32
    %gt3A_2645 = arith.cmpi sgt, %shift_right_arithmetic3A_2643, %gt3A_2644 : i32
    %and3A_2646 = arith.constant 1023 : i32
    %and3A_2647 = arith.andi %reduce_max3A_2641, %and3A_2646 : i32
    %sub3A_2648 = arith.constant 1023 : i32
    %sub3A_2649 = arith.subi %sub3A_2648, %and3A_2647 : i32
    %jit3A_2650 = arith.constant 1 : i32
    %select_n3A_2651 = arith.select %gt3A_2645, %sub3A_2649, %jit3A_2650 : i32
    %broadcast_in_dim3A_2652 = arith.constant 26 : i32
    %broadcast_in_dim3A_2653 = vector.broadcast %broadcast_in_dim3A_2652 : i32 to vector<16xi32>
    %broadcast_in_dim3A_2654 = vector.broadcast %select_n3A_2651 : i32 to vector<16xi32>
    tpu.vector_store_idx %arg6[%broadcast_in_dim3A_2653], %broadcast_in_dim3A_2654 masked %eq3A_7 : memref<32xi32, #tpu.memory_space<vmem>>[vector<16xi32>], vector<16xi32>, vector<16xi1>
    %get3A_2655 = arith.constant 27 : i32
    %get3A_2656 = arith.index_cast %get3A_2655 : i32 to index
    %get3A_2657 = arith.constant 0 : index
    %get3A_2658 = tpu.vector_load %arg4[%get3A_2656, %get3A_2657] {strides = array<i32>} : memref<32x50xi32, #tpu.memory_space<vmem>>, vector<16xi32>,
    %get3A_2659 = arith.constant 27 : i32
    %get3A_2660 = arith.index_cast %get3A_2659 : i32 to index
    %get3A_2661 = arith.constant 16 : index
    %get3A_2662 = tpu.vector_load %arg4[%get3A_2660, %get3A_2661] {strides = array<i32>} : memref<32x50xi32, #tpu.memory_space<vmem>>, vector<16xi32>,
    %get3A_2663 = arith.constant 27 : i32
    %get3A_2664 = arith.index_cast %get3A_2663 : i32 to index
    %get3A_2665 = arith.constant 32 : index
    %get3A_2666 = tpu.vector_load %arg4[%get3A_2664, %get3A_2665] {strides = array<i32>} : memref<32x50xi32, #tpu.memory_space<vmem>>, vector<16xi32>,
    %get3A_2667 = arith.constant 27 : i32
    %get3A_2668 = arith.index_cast %get3A_2667 : i32 to index
    %get3A_2669 = arith.constant 34 : index
    %get3A_2670 = tpu.vector_load %arg4[%get3A_2668, %get3A_2669] {strides = array<i32>} : memref<32x50xi32, #tpu.memory_space<vmem>>, vector<16xi32>,
    %gt3A_2671 = arith.constant 1 : i32
    %gt3A_2672 = vector.broadcast %gt3A_2671 : i32 to vector<16xi32>
    %gt3A_2673 = arith.cmpi sgt, %get3A_2658, %gt3A_2672 : vector<16xi32>
    %gt3A_2674 = arith.constant 1 : i32
    %gt3A_2675 = vector.broadcast %gt3A_2674 : i32 to vector<16xi32>
    %gt3A_2676 = arith.cmpi sgt, %get3A_2662, %gt3A_2675 : vector<16xi32>
    %gt3A_2677 = arith.constant 1 : i32
    %gt3A_2678 = vector.broadcast %gt3A_2677 : i32 to vector<16xi32>
    %gt3A_2679 = arith.cmpi sgt, %get3A_2666, %gt3A_2678 : vector<16xi32>
    %gt3A_2680 = arith.constant 1 : i32
    %gt3A_2681 = vector.broadcast %gt3A_2680 : i32 to vector<16xi32>
    %gt3A_2682 = arith.cmpi sgt, %get3A_2670, %gt3A_2681 : vector<16xi32>
    %and3A_2683 = arith.andi %gt3A_2682, %ge3A_20 : vector<16xi1>
    tpu.vector_store_idx %arg5[%get3A_2658], %broadcast_in_dim3A_5 masked %gt3A_2673 {add = true} : memref<1024xi32, #tpu.memory_space<vmem>>[vector<16xi32>], vector<16xi32>, vector<16xi1>
    tpu.vector_store_idx %arg5[%get3A_2662], %broadcast_in_dim3A_5 masked %gt3A_2676 {add = true} : memref<1024xi32, #tpu.memory_space<vmem>>[vector<16xi32>], vector<16xi32>, vector<16xi1>
    tpu.vector_store_idx %arg5[%get3A_2666], %broadcast_in_dim3A_5 masked %gt3A_2679 {add = true} : memref<1024xi32, #tpu.memory_space<vmem>>[vector<16xi32>], vector<16xi32>, vector<16xi1>
    tpu.vector_store_idx %arg5[%get3A_2670], %broadcast_in_dim3A_5 masked %and3A_2683 {add = true} : memref<1024xi32, #tpu.memory_space<vmem>>[vector<16xi32>], vector<16xi32>, vector<16xi1>
    %gather3A_2684 = tpu.vector_load_idx %arg5[%get3A_2658] : memref<1024xi32, #tpu.memory_space<vmem>>[vector<16xi32>], vector<16xi32>,
    %shift_left3A_2685 = arith.constant 10 : i32
    %shift_left3A_2686 = vector.broadcast %shift_left3A_2685 : i32 to vector<16xi32>
    %shift_left3A_2687 = arith.shli %gather3A_2684, %shift_left3A_2686 : vector<16xi32>
    %sub3A_2688 = arith.constant 1023 : i32
    %sub3A_2689 = vector.broadcast %sub3A_2688 : i32 to vector<16xi32>
    %sub3A_2690 = arith.subi %sub3A_2689, %get3A_2658 : vector<16xi32>
    %or3A_2691 = arith.ori %shift_left3A_2687, %sub3A_2690 : vector<16xi32>
    %jit3A_2692 = arith.constant 0 : i32
    %broadcast_in_dim3A_2693 = vector.broadcast %jit3A_2692 : i32 to vector<16xi32>
    %select_n3A_2694 = arith.select %gt3A_2673, %or3A_2691, %broadcast_in_dim3A_2693 : vector<16xi1>, vector<16xi32>
    %max3A_2695 = arith.maxsi %broadcast_in_dim3A_3, %select_n3A_2694 : vector<16xi32>
    tpu.vector_store_idx %arg5[%get3A_2658], %broadcast_in_dim3A_3 masked %gt3A_2673 : memref<1024xi32, #tpu.memory_space<vmem>>[vector<16xi32>], vector<16xi32>, vector<16xi1>
    %gather3A_2696 = tpu.vector_load_idx %arg5[%get3A_2662] : memref<1024xi32, #tpu.memory_space<vmem>>[vector<16xi32>], vector<16xi32>,
    %shift_left3A_2697 = arith.constant 10 : i32
    %shift_left3A_2698 = vector.broadcast %shift_left3A_2697 : i32 to vector<16xi32>
    %shift_left3A_2699 = arith.shli %gather3A_2696, %shift_left3A_2698 : vector<16xi32>
    %sub3A_2700 = arith.constant 1023 : i32
    %sub3A_2701 = vector.broadcast %sub3A_2700 : i32 to vector<16xi32>
    %sub3A_2702 = arith.subi %sub3A_2701, %get3A_2662 : vector<16xi32>
    %or3A_2703 = arith.ori %shift_left3A_2699, %sub3A_2702 : vector<16xi32>
    %jit3A_2704 = arith.constant 0 : i32
    %broadcast_in_dim3A_2705 = vector.broadcast %jit3A_2704 : i32 to vector<16xi32>
    %select_n3A_2706 = arith.select %gt3A_2676, %or3A_2703, %broadcast_in_dim3A_2705 : vector<16xi1>, vector<16xi32>
    %max3A_2707 = arith.maxsi %max3A_2695, %select_n3A_2706 : vector<16xi32>
    tpu.vector_store_idx %arg5[%get3A_2662], %broadcast_in_dim3A_3 masked %gt3A_2676 : memref<1024xi32, #tpu.memory_space<vmem>>[vector<16xi32>], vector<16xi32>, vector<16xi1>
    %gather3A_2708 = tpu.vector_load_idx %arg5[%get3A_2666] : memref<1024xi32, #tpu.memory_space<vmem>>[vector<16xi32>], vector<16xi32>,
    %shift_left3A_2709 = arith.constant 10 : i32
    %shift_left3A_2710 = vector.broadcast %shift_left3A_2709 : i32 to vector<16xi32>
    %shift_left3A_2711 = arith.shli %gather3A_2708, %shift_left3A_2710 : vector<16xi32>
    %sub3A_2712 = arith.constant 1023 : i32
    %sub3A_2713 = vector.broadcast %sub3A_2712 : i32 to vector<16xi32>
    %sub3A_2714 = arith.subi %sub3A_2713, %get3A_2666 : vector<16xi32>
    %or3A_2715 = arith.ori %shift_left3A_2711, %sub3A_2714 : vector<16xi32>
    %jit3A_2716 = arith.constant 0 : i32
    %broadcast_in_dim3A_2717 = vector.broadcast %jit3A_2716 : i32 to vector<16xi32>
    %select_n3A_2718 = arith.select %gt3A_2679, %or3A_2715, %broadcast_in_dim3A_2717 : vector<16xi1>, vector<16xi32>
    %max3A_2719 = arith.maxsi %max3A_2707, %select_n3A_2718 : vector<16xi32>
    tpu.vector_store_idx %arg5[%get3A_2666], %broadcast_in_dim3A_3 masked %gt3A_2679 : memref<1024xi32, #tpu.memory_space<vmem>>[vector<16xi32>], vector<16xi32>, vector<16xi1>
    %gather3A_2720 = tpu.vector_load_idx %arg5[%get3A_2670] : memref<1024xi32, #tpu.memory_space<vmem>>[vector<16xi32>], vector<16xi32>,
    %shift_left3A_2721 = arith.constant 10 : i32
    %shift_left3A_2722 = vector.broadcast %shift_left3A_2721 : i32 to vector<16xi32>
    %shift_left3A_2723 = arith.shli %gather3A_2720, %shift_left3A_2722 : vector<16xi32>
    %sub3A_2724 = arith.constant 1023 : i32
    %sub3A_2725 = vector.broadcast %sub3A_2724 : i32 to vector<16xi32>
    %sub3A_2726 = arith.subi %sub3A_2725, %get3A_2670 : vector<16xi32>
    %or3A_2727 = arith.ori %shift_left3A_2723, %sub3A_2726 : vector<16xi32>
    %jit3A_2728 = arith.constant 0 : i32
    %broadcast_in_dim3A_2729 = vector.broadcast %jit3A_2728 : i32 to vector<16xi32>
    %select_n3A_2730 = arith.select %and3A_2683, %or3A_2727, %broadcast_in_dim3A_2729 : vector<16xi1>, vector<16xi32>
    %max3A_2731 = arith.maxsi %max3A_2719, %select_n3A_2730 : vector<16xi32>
    tpu.vector_store_idx %arg5[%get3A_2670], %broadcast_in_dim3A_3 masked %and3A_2683 : memref<1024xi32, #tpu.memory_space<vmem>>[vector<16xi32>], vector<16xi32>, vector<16xi1>
    %reduce_max3A_2732 = arith.constant true
    %reduce_max3A_2733 = vector.broadcast %reduce_max3A_2732 : i1 to vector<16xi1>
    %reduce_max3A_2734 = arith.constant -2147483648 : i32
    %reduce_max3A_2735 = vector.broadcast %reduce_max3A_2734 : i32 to vector<16xi32>
    %reduce_max3A_2736 = arith.xori %max3A_2731, %reduce_max3A_2735 : vector<16xi32>
    %reduce_max3A_2737 = tpu.scan <max>, %reduce_max3A_2736 masked %reduce_max3A_2733 : vector<16xi32>, vector<16xi1> -> vector<16xi32>
    %reduce_max3A_2738 = arith.xori %reduce_max3A_2737, %reduce_max3A_2735 : vector<16xi32>
    %reduce_max3A_2739 = vector.extract %reduce_max3A_2738[15] : i32 from vector<16xi32>
    %shift_right_arithmetic3A_2740 = arith.constant 10 : i32
    %shift_right_arithmetic3A_2741 = arith.shrsi %reduce_max3A_2739, %shift_right_arithmetic3A_2740 : i32
    %gt3A_2742 = arith.constant 0 : i32
    %gt3A_2743 = arith.cmpi sgt, %shift_right_arithmetic3A_2741, %gt3A_2742 : i32
    %and3A_2744 = arith.constant 1023 : i32
    %and3A_2745 = arith.andi %reduce_max3A_2739, %and3A_2744 : i32
    %sub3A_2746 = arith.constant 1023 : i32
    %sub3A_2747 = arith.subi %sub3A_2746, %and3A_2745 : i32
    %jit3A_2748 = arith.constant 1 : i32
    %select_n3A_2749 = arith.select %gt3A_2743, %sub3A_2747, %jit3A_2748 : i32
    %broadcast_in_dim3A_2750 = arith.constant 27 : i32
    %broadcast_in_dim3A_2751 = vector.broadcast %broadcast_in_dim3A_2750 : i32 to vector<16xi32>
    %broadcast_in_dim3A_2752 = vector.broadcast %select_n3A_2749 : i32 to vector<16xi32>
    tpu.vector_store_idx %arg6[%broadcast_in_dim3A_2751], %broadcast_in_dim3A_2752 masked %eq3A_7 : memref<32xi32, #tpu.memory_space<vmem>>[vector<16xi32>], vector<16xi32>, vector<16xi1>
    %get3A_2753 = arith.constant 28 : i32
    %get3A_2754 = arith.index_cast %get3A_2753 : i32 to index
    %get3A_2755 = arith.constant 0 : index
    %get3A_2756 = tpu.vector_load %arg4[%get3A_2754, %get3A_2755] {strides = array<i32>} : memref<32x50xi32, #tpu.memory_space<vmem>>, vector<16xi32>,
    %get3A_2757 = arith.constant 28 : i32
    %get3A_2758 = arith.index_cast %get3A_2757 : i32 to index
    %get3A_2759 = arith.constant 16 : index
    %get3A_2760 = tpu.vector_load %arg4[%get3A_2758, %get3A_2759] {strides = array<i32>} : memref<32x50xi32, #tpu.memory_space<vmem>>, vector<16xi32>,
    %get3A_2761 = arith.constant 28 : i32
    %get3A_2762 = arith.index_cast %get3A_2761 : i32 to index
    %get3A_2763 = arith.constant 32 : index
    %get3A_2764 = tpu.vector_load %arg4[%get3A_2762, %get3A_2763] {strides = array<i32>} : memref<32x50xi32, #tpu.memory_space<vmem>>, vector<16xi32>,
    %get3A_2765 = arith.constant 28 : i32
    %get3A_2766 = arith.index_cast %get3A_2765 : i32 to index
    %get3A_2767 = arith.constant 34 : index
    %get3A_2768 = tpu.vector_load %arg4[%get3A_2766, %get3A_2767] {strides = array<i32>} : memref<32x50xi32, #tpu.memory_space<vmem>>, vector<16xi32>,
    %gt3A_2769 = arith.constant 1 : i32
    %gt3A_2770 = vector.broadcast %gt3A_2769 : i32 to vector<16xi32>
    %gt3A_2771 = arith.cmpi sgt, %get3A_2756, %gt3A_2770 : vector<16xi32>
    %gt3A_2772 = arith.constant 1 : i32
    %gt3A_2773 = vector.broadcast %gt3A_2772 : i32 to vector<16xi32>
    %gt3A_2774 = arith.cmpi sgt, %get3A_2760, %gt3A_2773 : vector<16xi32>
    %gt3A_2775 = arith.constant 1 : i32
    %gt3A_2776 = vector.broadcast %gt3A_2775 : i32 to vector<16xi32>
    %gt3A_2777 = arith.cmpi sgt, %get3A_2764, %gt3A_2776 : vector<16xi32>
    %gt3A_2778 = arith.constant 1 : i32
    %gt3A_2779 = vector.broadcast %gt3A_2778 : i32 to vector<16xi32>
    %gt3A_2780 = arith.cmpi sgt, %get3A_2768, %gt3A_2779 : vector<16xi32>
    %and3A_2781 = arith.andi %gt3A_2780, %ge3A_20 : vector<16xi1>
    tpu.vector_store_idx %arg5[%get3A_2756], %broadcast_in_dim3A_5 masked %gt3A_2771 {add = true} : memref<1024xi32, #tpu.memory_space<vmem>>[vector<16xi32>], vector<16xi32>, vector<16xi1>
    tpu.vector_store_idx %arg5[%get3A_2760], %broadcast_in_dim3A_5 masked %gt3A_2774 {add = true} : memref<1024xi32, #tpu.memory_space<vmem>>[vector<16xi32>], vector<16xi32>, vector<16xi1>
    tpu.vector_store_idx %arg5[%get3A_2764], %broadcast_in_dim3A_5 masked %gt3A_2777 {add = true} : memref<1024xi32, #tpu.memory_space<vmem>>[vector<16xi32>], vector<16xi32>, vector<16xi1>
    tpu.vector_store_idx %arg5[%get3A_2768], %broadcast_in_dim3A_5 masked %and3A_2781 {add = true} : memref<1024xi32, #tpu.memory_space<vmem>>[vector<16xi32>], vector<16xi32>, vector<16xi1>
    %gather3A_2782 = tpu.vector_load_idx %arg5[%get3A_2756] : memref<1024xi32, #tpu.memory_space<vmem>>[vector<16xi32>], vector<16xi32>,
    %shift_left3A_2783 = arith.constant 10 : i32
    %shift_left3A_2784 = vector.broadcast %shift_left3A_2783 : i32 to vector<16xi32>
    %shift_left3A_2785 = arith.shli %gather3A_2782, %shift_left3A_2784 : vector<16xi32>
    %sub3A_2786 = arith.constant 1023 : i32
    %sub3A_2787 = vector.broadcast %sub3A_2786 : i32 to vector<16xi32>
    %sub3A_2788 = arith.subi %sub3A_2787, %get3A_2756 : vector<16xi32>
    %or3A_2789 = arith.ori %shift_left3A_2785, %sub3A_2788 : vector<16xi32>
    %jit3A_2790 = arith.constant 0 : i32
    %broadcast_in_dim3A_2791 = vector.broadcast %jit3A_2790 : i32 to vector<16xi32>
    %select_n3A_2792 = arith.select %gt3A_2771, %or3A_2789, %broadcast_in_dim3A_2791 : vector<16xi1>, vector<16xi32>
    %max3A_2793 = arith.maxsi %broadcast_in_dim3A_3, %select_n3A_2792 : vector<16xi32>
    tpu.vector_store_idx %arg5[%get3A_2756], %broadcast_in_dim3A_3 masked %gt3A_2771 : memref<1024xi32, #tpu.memory_space<vmem>>[vector<16xi32>], vector<16xi32>, vector<16xi1>
    %gather3A_2794 = tpu.vector_load_idx %arg5[%get3A_2760] : memref<1024xi32, #tpu.memory_space<vmem>>[vector<16xi32>], vector<16xi32>,
    %shift_left3A_2795 = arith.constant 10 : i32
    %shift_left3A_2796 = vector.broadcast %shift_left3A_2795 : i32 to vector<16xi32>
    %shift_left3A_2797 = arith.shli %gather3A_2794, %shift_left3A_2796 : vector<16xi32>
    %sub3A_2798 = arith.constant 1023 : i32
    %sub3A_2799 = vector.broadcast %sub3A_2798 : i32 to vector<16xi32>
    %sub3A_2800 = arith.subi %sub3A_2799, %get3A_2760 : vector<16xi32>
    %or3A_2801 = arith.ori %shift_left3A_2797, %sub3A_2800 : vector<16xi32>
    %jit3A_2802 = arith.constant 0 : i32
    %broadcast_in_dim3A_2803 = vector.broadcast %jit3A_2802 : i32 to vector<16xi32>
    %select_n3A_2804 = arith.select %gt3A_2774, %or3A_2801, %broadcast_in_dim3A_2803 : vector<16xi1>, vector<16xi32>
    %max3A_2805 = arith.maxsi %max3A_2793, %select_n3A_2804 : vector<16xi32>
    tpu.vector_store_idx %arg5[%get3A_2760], %broadcast_in_dim3A_3 masked %gt3A_2774 : memref<1024xi32, #tpu.memory_space<vmem>>[vector<16xi32>], vector<16xi32>, vector<16xi1>
    %gather3A_2806 = tpu.vector_load_idx %arg5[%get3A_2764] : memref<1024xi32, #tpu.memory_space<vmem>>[vector<16xi32>], vector<16xi32>,
    %shift_left3A_2807 = arith.constant 10 : i32
    %shift_left3A_2808 = vector.broadcast %shift_left3A_2807 : i32 to vector<16xi32>
    %shift_left3A_2809 = arith.shli %gather3A_2806, %shift_left3A_2808 : vector<16xi32>
    %sub3A_2810 = arith.constant 1023 : i32
    %sub3A_2811 = vector.broadcast %sub3A_2810 : i32 to vector<16xi32>
    %sub3A_2812 = arith.subi %sub3A_2811, %get3A_2764 : vector<16xi32>
    %or3A_2813 = arith.ori %shift_left3A_2809, %sub3A_2812 : vector<16xi32>
    %jit3A_2814 = arith.constant 0 : i32
    %broadcast_in_dim3A_2815 = vector.broadcast %jit3A_2814 : i32 to vector<16xi32>
    %select_n3A_2816 = arith.select %gt3A_2777, %or3A_2813, %broadcast_in_dim3A_2815 : vector<16xi1>, vector<16xi32>
    %max3A_2817 = arith.maxsi %max3A_2805, %select_n3A_2816 : vector<16xi32>
    tpu.vector_store_idx %arg5[%get3A_2764], %broadcast_in_dim3A_3 masked %gt3A_2777 : memref<1024xi32, #tpu.memory_space<vmem>>[vector<16xi32>], vector<16xi32>, vector<16xi1>
    %gather3A_2818 = tpu.vector_load_idx %arg5[%get3A_2768] : memref<1024xi32, #tpu.memory_space<vmem>>[vector<16xi32>], vector<16xi32>,
    %shift_left3A_2819 = arith.constant 10 : i32
    %shift_left3A_2820 = vector.broadcast %shift_left3A_2819 : i32 to vector<16xi32>
    %shift_left3A_2821 = arith.shli %gather3A_2818, %shift_left3A_2820 : vector<16xi32>
    %sub3A_2822 = arith.constant 1023 : i32
    %sub3A_2823 = vector.broadcast %sub3A_2822 : i32 to vector<16xi32>
    %sub3A_2824 = arith.subi %sub3A_2823, %get3A_2768 : vector<16xi32>
    %or3A_2825 = arith.ori %shift_left3A_2821, %sub3A_2824 : vector<16xi32>
    %jit3A_2826 = arith.constant 0 : i32
    %broadcast_in_dim3A_2827 = vector.broadcast %jit3A_2826 : i32 to vector<16xi32>
    %select_n3A_2828 = arith.select %and3A_2781, %or3A_2825, %broadcast_in_dim3A_2827 : vector<16xi1>, vector<16xi32>
    %max3A_2829 = arith.maxsi %max3A_2817, %select_n3A_2828 : vector<16xi32>
    tpu.vector_store_idx %arg5[%get3A_2768], %broadcast_in_dim3A_3 masked %and3A_2781 : memref<1024xi32, #tpu.memory_space<vmem>>[vector<16xi32>], vector<16xi32>, vector<16xi1>
    %reduce_max3A_2830 = arith.constant true
    %reduce_max3A_2831 = vector.broadcast %reduce_max3A_2830 : i1 to vector<16xi1>
    %reduce_max3A_2832 = arith.constant -2147483648 : i32
    %reduce_max3A_2833 = vector.broadcast %reduce_max3A_2832 : i32 to vector<16xi32>
    %reduce_max3A_2834 = arith.xori %max3A_2829, %reduce_max3A_2833 : vector<16xi32>
    %reduce_max3A_2835 = tpu.scan <max>, %reduce_max3A_2834 masked %reduce_max3A_2831 : vector<16xi32>, vector<16xi1> -> vector<16xi32>
    %reduce_max3A_2836 = arith.xori %reduce_max3A_2835, %reduce_max3A_2833 : vector<16xi32>
    %reduce_max3A_2837 = vector.extract %reduce_max3A_2836[15] : i32 from vector<16xi32>
    %shift_right_arithmetic3A_2838 = arith.constant 10 : i32
    %shift_right_arithmetic3A_2839 = arith.shrsi %reduce_max3A_2837, %shift_right_arithmetic3A_2838 : i32
    %gt3A_2840 = arith.constant 0 : i32
    %gt3A_2841 = arith.cmpi sgt, %shift_right_arithmetic3A_2839, %gt3A_2840 : i32
    %and3A_2842 = arith.constant 1023 : i32
    %and3A_2843 = arith.andi %reduce_max3A_2837, %and3A_2842 : i32
    %sub3A_2844 = arith.constant 1023 : i32
    %sub3A_2845 = arith.subi %sub3A_2844, %and3A_2843 : i32
    %jit3A_2846 = arith.constant 1 : i32
    %select_n3A_2847 = arith.select %gt3A_2841, %sub3A_2845, %jit3A_2846 : i32
    %broadcast_in_dim3A_2848 = arith.constant 28 : i32
    %broadcast_in_dim3A_2849 = vector.broadcast %broadcast_in_dim3A_2848 : i32 to vector<16xi32>
    %broadcast_in_dim3A_2850 = vector.broadcast %select_n3A_2847 : i32 to vector<16xi32>
    tpu.vector_store_idx %arg6[%broadcast_in_dim3A_2849], %broadcast_in_dim3A_2850 masked %eq3A_7 : memref<32xi32, #tpu.memory_space<vmem>>[vector<16xi32>], vector<16xi32>, vector<16xi1>
    %get3A_2851 = arith.constant 29 : i32
    %get3A_2852 = arith.index_cast %get3A_2851 : i32 to index
    %get3A_2853 = arith.constant 0 : index
    %get3A_2854 = tpu.vector_load %arg4[%get3A_2852, %get3A_2853] {strides = array<i32>} : memref<32x50xi32, #tpu.memory_space<vmem>>, vector<16xi32>,
    %get3A_2855 = arith.constant 29 : i32
    %get3A_2856 = arith.index_cast %get3A_2855 : i32 to index
    %get3A_2857 = arith.constant 16 : index
    %get3A_2858 = tpu.vector_load %arg4[%get3A_2856, %get3A_2857] {strides = array<i32>} : memref<32x50xi32, #tpu.memory_space<vmem>>, vector<16xi32>,
    %get3A_2859 = arith.constant 29 : i32
    %get3A_2860 = arith.index_cast %get3A_2859 : i32 to index
    %get3A_2861 = arith.constant 32 : index
    %get3A_2862 = tpu.vector_load %arg4[%get3A_2860, %get3A_2861] {strides = array<i32>} : memref<32x50xi32, #tpu.memory_space<vmem>>, vector<16xi32>,
    %get3A_2863 = arith.constant 29 : i32
    %get3A_2864 = arith.index_cast %get3A_2863 : i32 to index
    %get3A_2865 = arith.constant 34 : index
    %get3A_2866 = tpu.vector_load %arg4[%get3A_2864, %get3A_2865] {strides = array<i32>} : memref<32x50xi32, #tpu.memory_space<vmem>>, vector<16xi32>,
    %gt3A_2867 = arith.constant 1 : i32
    %gt3A_2868 = vector.broadcast %gt3A_2867 : i32 to vector<16xi32>
    %gt3A_2869 = arith.cmpi sgt, %get3A_2854, %gt3A_2868 : vector<16xi32>
    %gt3A_2870 = arith.constant 1 : i32
    %gt3A_2871 = vector.broadcast %gt3A_2870 : i32 to vector<16xi32>
    %gt3A_2872 = arith.cmpi sgt, %get3A_2858, %gt3A_2871 : vector<16xi32>
    %gt3A_2873 = arith.constant 1 : i32
    %gt3A_2874 = vector.broadcast %gt3A_2873 : i32 to vector<16xi32>
    %gt3A_2875 = arith.cmpi sgt, %get3A_2862, %gt3A_2874 : vector<16xi32>
    %gt3A_2876 = arith.constant 1 : i32
    %gt3A_2877 = vector.broadcast %gt3A_2876 : i32 to vector<16xi32>
    %gt3A_2878 = arith.cmpi sgt, %get3A_2866, %gt3A_2877 : vector<16xi32>
    %and3A_2879 = arith.andi %gt3A_2878, %ge3A_20 : vector<16xi1>
    tpu.vector_store_idx %arg5[%get3A_2854], %broadcast_in_dim3A_5 masked %gt3A_2869 {add = true} : memref<1024xi32, #tpu.memory_space<vmem>>[vector<16xi32>], vector<16xi32>, vector<16xi1>
    tpu.vector_store_idx %arg5[%get3A_2858], %broadcast_in_dim3A_5 masked %gt3A_2872 {add = true} : memref<1024xi32, #tpu.memory_space<vmem>>[vector<16xi32>], vector<16xi32>, vector<16xi1>
    tpu.vector_store_idx %arg5[%get3A_2862], %broadcast_in_dim3A_5 masked %gt3A_2875 {add = true} : memref<1024xi32, #tpu.memory_space<vmem>>[vector<16xi32>], vector<16xi32>, vector<16xi1>
    tpu.vector_store_idx %arg5[%get3A_2866], %broadcast_in_dim3A_5 masked %and3A_2879 {add = true} : memref<1024xi32, #tpu.memory_space<vmem>>[vector<16xi32>], vector<16xi32>, vector<16xi1>
    %gather3A_2880 = tpu.vector_load_idx %arg5[%get3A_2854] : memref<1024xi32, #tpu.memory_space<vmem>>[vector<16xi32>], vector<16xi32>,
    %shift_left3A_2881 = arith.constant 10 : i32
    %shift_left3A_2882 = vector.broadcast %shift_left3A_2881 : i32 to vector<16xi32>
    %shift_left3A_2883 = arith.shli %gather3A_2880, %shift_left3A_2882 : vector<16xi32>
    %sub3A_2884 = arith.constant 1023 : i32
    %sub3A_2885 = vector.broadcast %sub3A_2884 : i32 to vector<16xi32>
    %sub3A_2886 = arith.subi %sub3A_2885, %get3A_2854 : vector<16xi32>
    %or3A_2887 = arith.ori %shift_left3A_2883, %sub3A_2886 : vector<16xi32>
    %jit3A_2888 = arith.constant 0 : i32
    %broadcast_in_dim3A_2889 = vector.broadcast %jit3A_2888 : i32 to vector<16xi32>
    %select_n3A_2890 = arith.select %gt3A_2869, %or3A_2887, %broadcast_in_dim3A_2889 : vector<16xi1>, vector<16xi32>
    %max3A_2891 = arith.maxsi %broadcast_in_dim3A_3, %select_n3A_2890 : vector<16xi32>
    tpu.vector_store_idx %arg5[%get3A_2854], %broadcast_in_dim3A_3 masked %gt3A_2869 : memref<1024xi32, #tpu.memory_space<vmem>>[vector<16xi32>], vector<16xi32>, vector<16xi1>
    %gather3A_2892 = tpu.vector_load_idx %arg5[%get3A_2858] : memref<1024xi32, #tpu.memory_space<vmem>>[vector<16xi32>], vector<16xi32>,
    %shift_left3A_2893 = arith.constant 10 : i32
    %shift_left3A_2894 = vector.broadcast %shift_left3A_2893 : i32 to vector<16xi32>
    %shift_left3A_2895 = arith.shli %gather3A_2892, %shift_left3A_2894 : vector<16xi32>
    %sub3A_2896 = arith.constant 1023 : i32
    %sub3A_2897 = vector.broadcast %sub3A_2896 : i32 to vector<16xi32>
    %sub3A_2898 = arith.subi %sub3A_2897, %get3A_2858 : vector<16xi32>
    %or3A_2899 = arith.ori %shift_left3A_2895, %sub3A_2898 : vector<16xi32>
    %jit3A_2900 = arith.constant 0 : i32
    %broadcast_in_dim3A_2901 = vector.broadcast %jit3A_2900 : i32 to vector<16xi32>
    %select_n3A_2902 = arith.select %gt3A_2872, %or3A_2899, %broadcast_in_dim3A_2901 : vector<16xi1>, vector<16xi32>
    %max3A_2903 = arith.maxsi %max3A_2891, %select_n3A_2902 : vector<16xi32>
    tpu.vector_store_idx %arg5[%get3A_2858], %broadcast_in_dim3A_3 masked %gt3A_2872 : memref<1024xi32, #tpu.memory_space<vmem>>[vector<16xi32>], vector<16xi32>, vector<16xi1>
    %gather3A_2904 = tpu.vector_load_idx %arg5[%get3A_2862] : memref<1024xi32, #tpu.memory_space<vmem>>[vector<16xi32>], vector<16xi32>,
    %shift_left3A_2905 = arith.constant 10 : i32
    %shift_left3A_2906 = vector.broadcast %shift_left3A_2905 : i32 to vector<16xi32>
    %shift_left3A_2907 = arith.shli %gather3A_2904, %shift_left3A_2906 : vector<16xi32>
    %sub3A_2908 = arith.constant 1023 : i32
    %sub3A_2909 = vector.broadcast %sub3A_2908 : i32 to vector<16xi32>
    %sub3A_2910 = arith.subi %sub3A_2909, %get3A_2862 : vector<16xi32>
    %or3A_2911 = arith.ori %shift_left3A_2907, %sub3A_2910 : vector<16xi32>
    %jit3A_2912 = arith.constant 0 : i32
    %broadcast_in_dim3A_2913 = vector.broadcast %jit3A_2912 : i32 to vector<16xi32>
    %select_n3A_2914 = arith.select %gt3A_2875, %or3A_2911, %broadcast_in_dim3A_2913 : vector<16xi1>, vector<16xi32>
    %max3A_2915 = arith.maxsi %max3A_2903, %select_n3A_2914 : vector<16xi32>
    tpu.vector_store_idx %arg5[%get3A_2862], %broadcast_in_dim3A_3 masked %gt3A_2875 : memref<1024xi32, #tpu.memory_space<vmem>>[vector<16xi32>], vector<16xi32>, vector<16xi1>
    %gather3A_2916 = tpu.vector_load_idx %arg5[%get3A_2866] : memref<1024xi32, #tpu.memory_space<vmem>>[vector<16xi32>], vector<16xi32>,
    %shift_left3A_2917 = arith.constant 10 : i32
    %shift_left3A_2918 = vector.broadcast %shift_left3A_2917 : i32 to vector<16xi32>
    %shift_left3A_2919 = arith.shli %gather3A_2916, %shift_left3A_2918 : vector<16xi32>
    %sub3A_2920 = arith.constant 1023 : i32
    %sub3A_2921 = vector.broadcast %sub3A_2920 : i32 to vector<16xi32>
    %sub3A_2922 = arith.subi %sub3A_2921, %get3A_2866 : vector<16xi32>
    %or3A_2923 = arith.ori %shift_left3A_2919, %sub3A_2922 : vector<16xi32>
    %jit3A_2924 = arith.constant 0 : i32
    %broadcast_in_dim3A_2925 = vector.broadcast %jit3A_2924 : i32 to vector<16xi32>
    %select_n3A_2926 = arith.select %and3A_2879, %or3A_2923, %broadcast_in_dim3A_2925 : vector<16xi1>, vector<16xi32>
    %max3A_2927 = arith.maxsi %max3A_2915, %select_n3A_2926 : vector<16xi32>
    tpu.vector_store_idx %arg5[%get3A_2866], %broadcast_in_dim3A_3 masked %and3A_2879 : memref<1024xi32, #tpu.memory_space<vmem>>[vector<16xi32>], vector<16xi32>, vector<16xi1>
    %reduce_max3A_2928 = arith.constant true
    %reduce_max3A_2929 = vector.broadcast %reduce_max3A_2928 : i1 to vector<16xi1>
    %reduce_max3A_2930 = arith.constant -2147483648 : i32
    %reduce_max3A_2931 = vector.broadcast %reduce_max3A_2930 : i32 to vector<16xi32>
    %reduce_max3A_2932 = arith.xori %max3A_2927, %reduce_max3A_2931 : vector<16xi32>
    %reduce_max3A_2933 = tpu.scan <max>, %reduce_max3A_2932 masked %reduce_max3A_2929 : vector<16xi32>, vector<16xi1> -> vector<16xi32>
    %reduce_max3A_2934 = arith.xori %reduce_max3A_2933, %reduce_max3A_2931 : vector<16xi32>
    %reduce_max3A_2935 = vector.extract %reduce_max3A_2934[15] : i32 from vector<16xi32>
    %shift_right_arithmetic3A_2936 = arith.constant 10 : i32
    %shift_right_arithmetic3A_2937 = arith.shrsi %reduce_max3A_2935, %shift_right_arithmetic3A_2936 : i32
    %gt3A_2938 = arith.constant 0 : i32
    %gt3A_2939 = arith.cmpi sgt, %shift_right_arithmetic3A_2937, %gt3A_2938 : i32
    %and3A_2940 = arith.constant 1023 : i32
    %and3A_2941 = arith.andi %reduce_max3A_2935, %and3A_2940 : i32
    %sub3A_2942 = arith.constant 1023 : i32
    %sub3A_2943 = arith.subi %sub3A_2942, %and3A_2941 : i32
    %jit3A_2944 = arith.constant 1 : i32
    %select_n3A_2945 = arith.select %gt3A_2939, %sub3A_2943, %jit3A_2944 : i32
    %broadcast_in_dim3A_2946 = arith.constant 29 : i32
    %broadcast_in_dim3A_2947 = vector.broadcast %broadcast_in_dim3A_2946 : i32 to vector<16xi32>
    %broadcast_in_dim3A_2948 = vector.broadcast %select_n3A_2945 : i32 to vector<16xi32>
    tpu.vector_store_idx %arg6[%broadcast_in_dim3A_2947], %broadcast_in_dim3A_2948 masked %eq3A_7 : memref<32xi32, #tpu.memory_space<vmem>>[vector<16xi32>], vector<16xi32>, vector<16xi1>
    %get3A_2949 = arith.constant 30 : i32
    %get3A_2950 = arith.index_cast %get3A_2949 : i32 to index
    %get3A_2951 = arith.constant 0 : index
    %get3A_2952 = tpu.vector_load %arg4[%get3A_2950, %get3A_2951] {strides = array<i32>} : memref<32x50xi32, #tpu.memory_space<vmem>>, vector<16xi32>,
    %get3A_2953 = arith.constant 30 : i32
    %get3A_2954 = arith.index_cast %get3A_2953 : i32 to index
    %get3A_2955 = arith.constant 16 : index
    %get3A_2956 = tpu.vector_load %arg4[%get3A_2954, %get3A_2955] {strides = array<i32>} : memref<32x50xi32, #tpu.memory_space<vmem>>, vector<16xi32>,
    %get3A_2957 = arith.constant 30 : i32
    %get3A_2958 = arith.index_cast %get3A_2957 : i32 to index
    %get3A_2959 = arith.constant 32 : index
    %get3A_2960 = tpu.vector_load %arg4[%get3A_2958, %get3A_2959] {strides = array<i32>} : memref<32x50xi32, #tpu.memory_space<vmem>>, vector<16xi32>,
    %get3A_2961 = arith.constant 30 : i32
    %get3A_2962 = arith.index_cast %get3A_2961 : i32 to index
    %get3A_2963 = arith.constant 34 : index
    %get3A_2964 = tpu.vector_load %arg4[%get3A_2962, %get3A_2963] {strides = array<i32>} : memref<32x50xi32, #tpu.memory_space<vmem>>, vector<16xi32>,
    %gt3A_2965 = arith.constant 1 : i32
    %gt3A_2966 = vector.broadcast %gt3A_2965 : i32 to vector<16xi32>
    %gt3A_2967 = arith.cmpi sgt, %get3A_2952, %gt3A_2966 : vector<16xi32>
    %gt3A_2968 = arith.constant 1 : i32
    %gt3A_2969 = vector.broadcast %gt3A_2968 : i32 to vector<16xi32>
    %gt3A_2970 = arith.cmpi sgt, %get3A_2956, %gt3A_2969 : vector<16xi32>
    %gt3A_2971 = arith.constant 1 : i32
    %gt3A_2972 = vector.broadcast %gt3A_2971 : i32 to vector<16xi32>
    %gt3A_2973 = arith.cmpi sgt, %get3A_2960, %gt3A_2972 : vector<16xi32>
    %gt3A_2974 = arith.constant 1 : i32
    %gt3A_2975 = vector.broadcast %gt3A_2974 : i32 to vector<16xi32>
    %gt3A_2976 = arith.cmpi sgt, %get3A_2964, %gt3A_2975 : vector<16xi32>
    %and3A_2977 = arith.andi %gt3A_2976, %ge3A_20 : vector<16xi1>
    tpu.vector_store_idx %arg5[%get3A_2952], %broadcast_in_dim3A_5 masked %gt3A_2967 {add = true} : memref<1024xi32, #tpu.memory_space<vmem>>[vector<16xi32>], vector<16xi32>, vector<16xi1>
    tpu.vector_store_idx %arg5[%get3A_2956], %broadcast_in_dim3A_5 masked %gt3A_2970 {add = true} : memref<1024xi32, #tpu.memory_space<vmem>>[vector<16xi32>], vector<16xi32>, vector<16xi1>
    tpu.vector_store_idx %arg5[%get3A_2960], %broadcast_in_dim3A_5 masked %gt3A_2973 {add = true} : memref<1024xi32, #tpu.memory_space<vmem>>[vector<16xi32>], vector<16xi32>, vector<16xi1>
    tpu.vector_store_idx %arg5[%get3A_2964], %broadcast_in_dim3A_5 masked %and3A_2977 {add = true} : memref<1024xi32, #tpu.memory_space<vmem>>[vector<16xi32>], vector<16xi32>, vector<16xi1>
    %gather3A_2978 = tpu.vector_load_idx %arg5[%get3A_2952] : memref<1024xi32, #tpu.memory_space<vmem>>[vector<16xi32>], vector<16xi32>,
    %shift_left3A_2979 = arith.constant 10 : i32
    %shift_left3A_2980 = vector.broadcast %shift_left3A_2979 : i32 to vector<16xi32>
    %shift_left3A_2981 = arith.shli %gather3A_2978, %shift_left3A_2980 : vector<16xi32>
    %sub3A_2982 = arith.constant 1023 : i32
    %sub3A_2983 = vector.broadcast %sub3A_2982 : i32 to vector<16xi32>
    %sub3A_2984 = arith.subi %sub3A_2983, %get3A_2952 : vector<16xi32>
    %or3A_2985 = arith.ori %shift_left3A_2981, %sub3A_2984 : vector<16xi32>
    %jit3A_2986 = arith.constant 0 : i32
    %broadcast_in_dim3A_2987 = vector.broadcast %jit3A_2986 : i32 to vector<16xi32>
    %select_n3A_2988 = arith.select %gt3A_2967, %or3A_2985, %broadcast_in_dim3A_2987 : vector<16xi1>, vector<16xi32>
    %max3A_2989 = arith.maxsi %broadcast_in_dim3A_3, %select_n3A_2988 : vector<16xi32>
    tpu.vector_store_idx %arg5[%get3A_2952], %broadcast_in_dim3A_3 masked %gt3A_2967 : memref<1024xi32, #tpu.memory_space<vmem>>[vector<16xi32>], vector<16xi32>, vector<16xi1>
    %gather3A_2990 = tpu.vector_load_idx %arg5[%get3A_2956] : memref<1024xi32, #tpu.memory_space<vmem>>[vector<16xi32>], vector<16xi32>,
    %shift_left3A_2991 = arith.constant 10 : i32
    %shift_left3A_2992 = vector.broadcast %shift_left3A_2991 : i32 to vector<16xi32>
    %shift_left3A_2993 = arith.shli %gather3A_2990, %shift_left3A_2992 : vector<16xi32>
    %sub3A_2994 = arith.constant 1023 : i32
    %sub3A_2995 = vector.broadcast %sub3A_2994 : i32 to vector<16xi32>
    %sub3A_2996 = arith.subi %sub3A_2995, %get3A_2956 : vector<16xi32>
    %or3A_2997 = arith.ori %shift_left3A_2993, %sub3A_2996 : vector<16xi32>
    %jit3A_2998 = arith.constant 0 : i32
    %broadcast_in_dim3A_2999 = vector.broadcast %jit3A_2998 : i32 to vector<16xi32>
    %select_n3A_3000 = arith.select %gt3A_2970, %or3A_2997, %broadcast_in_dim3A_2999 : vector<16xi1>, vector<16xi32>
    %max3A_3001 = arith.maxsi %max3A_2989, %select_n3A_3000 : vector<16xi32>
    tpu.vector_store_idx %arg5[%get3A_2956], %broadcast_in_dim3A_3 masked %gt3A_2970 : memref<1024xi32, #tpu.memory_space<vmem>>[vector<16xi32>], vector<16xi32>, vector<16xi1>
    %gather3A_3002 = tpu.vector_load_idx %arg5[%get3A_2960] : memref<1024xi32, #tpu.memory_space<vmem>>[vector<16xi32>], vector<16xi32>,
    %shift_left3A_3003 = arith.constant 10 : i32
    %shift_left3A_3004 = vector.broadcast %shift_left3A_3003 : i32 to vector<16xi32>
    %shift_left3A_3005 = arith.shli %gather3A_3002, %shift_left3A_3004 : vector<16xi32>
    %sub3A_3006 = arith.constant 1023 : i32
    %sub3A_3007 = vector.broadcast %sub3A_3006 : i32 to vector<16xi32>
    %sub3A_3008 = arith.subi %sub3A_3007, %get3A_2960 : vector<16xi32>
    %or3A_3009 = arith.ori %shift_left3A_3005, %sub3A_3008 : vector<16xi32>
    %jit3A_3010 = arith.constant 0 : i32
    %broadcast_in_dim3A_3011 = vector.broadcast %jit3A_3010 : i32 to vector<16xi32>
    %select_n3A_3012 = arith.select %gt3A_2973, %or3A_3009, %broadcast_in_dim3A_3011 : vector<16xi1>, vector<16xi32>
    %max3A_3013 = arith.maxsi %max3A_3001, %select_n3A_3012 : vector<16xi32>
    tpu.vector_store_idx %arg5[%get3A_2960], %broadcast_in_dim3A_3 masked %gt3A_2973 : memref<1024xi32, #tpu.memory_space<vmem>>[vector<16xi32>], vector<16xi32>, vector<16xi1>
    %gather3A_3014 = tpu.vector_load_idx %arg5[%get3A_2964] : memref<1024xi32, #tpu.memory_space<vmem>>[vector<16xi32>], vector<16xi32>,
    %shift_left3A_3015 = arith.constant 10 : i32
    %shift_left3A_3016 = vector.broadcast %shift_left3A_3015 : i32 to vector<16xi32>
    %shift_left3A_3017 = arith.shli %gather3A_3014, %shift_left3A_3016 : vector<16xi32>
    %sub3A_3018 = arith.constant 1023 : i32
    %sub3A_3019 = vector.broadcast %sub3A_3018 : i32 to vector<16xi32>
    %sub3A_3020 = arith.subi %sub3A_3019, %get3A_2964 : vector<16xi32>
    %or3A_3021 = arith.ori %shift_left3A_3017, %sub3A_3020 : vector<16xi32>
    %jit3A_3022 = arith.constant 0 : i32
    %broadcast_in_dim3A_3023 = vector.broadcast %jit3A_3022 : i32 to vector<16xi32>
    %select_n3A_3024 = arith.select %and3A_2977, %or3A_3021, %broadcast_in_dim3A_3023 : vector<16xi1>, vector<16xi32>
    %max3A_3025 = arith.maxsi %max3A_3013, %select_n3A_3024 : vector<16xi32>
    tpu.vector_store_idx %arg5[%get3A_2964], %broadcast_in_dim3A_3 masked %and3A_2977 : memref<1024xi32, #tpu.memory_space<vmem>>[vector<16xi32>], vector<16xi32>, vector<16xi1>
    %reduce_max3A_3026 = arith.constant true
    %reduce_max3A_3027 = vector.broadcast %reduce_max3A_3026 : i1 to vector<16xi1>
    %reduce_max3A_3028 = arith.constant -2147483648 : i32
    %reduce_max3A_3029 = vector.broadcast %reduce_max3A_3028 : i32 to vector<16xi32>
    %reduce_max3A_3030 = arith.xori %max3A_3025, %reduce_max3A_3029 : vector<16xi32>
    %reduce_max3A_3031 = tpu.scan <max>, %reduce_max3A_3030 masked %reduce_max3A_3027 : vector<16xi32>, vector<16xi1> -> vector<16xi32>
    %reduce_max3A_3032 = arith.xori %reduce_max3A_3031, %reduce_max3A_3029 : vector<16xi32>
    %reduce_max3A_3033 = vector.extract %reduce_max3A_3032[15] : i32 from vector<16xi32>
    %shift_right_arithmetic3A_3034 = arith.constant 10 : i32
    %shift_right_arithmetic3A_3035 = arith.shrsi %reduce_max3A_3033, %shift_right_arithmetic3A_3034 : i32
    %gt3A_3036 = arith.constant 0 : i32
    %gt3A_3037 = arith.cmpi sgt, %shift_right_arithmetic3A_3035, %gt3A_3036 : i32
    %and3A_3038 = arith.constant 1023 : i32
    %and3A_3039 = arith.andi %reduce_max3A_3033, %and3A_3038 : i32
    %sub3A_3040 = arith.constant 1023 : i32
    %sub3A_3041 = arith.subi %sub3A_3040, %and3A_3039 : i32
    %jit3A_3042 = arith.constant 1 : i32
    %select_n3A_3043 = arith.select %gt3A_3037, %sub3A_3041, %jit3A_3042 : i32
    %broadcast_in_dim3A_3044 = arith.constant 30 : i32
    %broadcast_in_dim3A_3045 = vector.broadcast %broadcast_in_dim3A_3044 : i32 to vector<16xi32>
    %broadcast_in_dim3A_3046 = vector.broadcast %select_n3A_3043 : i32 to vector<16xi32>
    tpu.vector_store_idx %arg6[%broadcast_in_dim3A_3045], %broadcast_in_dim3A_3046 masked %eq3A_7 : memref<32xi32, #tpu.memory_space<vmem>>[vector<16xi32>], vector<16xi32>, vector<16xi1>
    %get3A_3047 = arith.constant 31 : i32
    %get3A_3048 = arith.index_cast %get3A_3047 : i32 to index
    %get3A_3049 = arith.constant 0 : index
    %get3A_3050 = tpu.vector_load %arg4[%get3A_3048, %get3A_3049] {strides = array<i32>} : memref<32x50xi32, #tpu.memory_space<vmem>>, vector<16xi32>,
    %get3A_3051 = arith.constant 31 : i32
    %get3A_3052 = arith.index_cast %get3A_3051 : i32 to index
    %get3A_3053 = arith.constant 16 : index
    %get3A_3054 = tpu.vector_load %arg4[%get3A_3052, %get3A_3053] {strides = array<i32>} : memref<32x50xi32, #tpu.memory_space<vmem>>, vector<16xi32>,
    %get3A_3055 = arith.constant 31 : i32
    %get3A_3056 = arith.index_cast %get3A_3055 : i32 to index
    %get3A_3057 = arith.constant 32 : index
    %get3A_3058 = tpu.vector_load %arg4[%get3A_3056, %get3A_3057] {strides = array<i32>} : memref<32x50xi32, #tpu.memory_space<vmem>>, vector<16xi32>,
    %get3A_3059 = arith.constant 31 : i32
    %get3A_3060 = arith.index_cast %get3A_3059 : i32 to index
    %get3A_3061 = arith.constant 34 : index
    %get3A_3062 = tpu.vector_load %arg4[%get3A_3060, %get3A_3061] {strides = array<i32>} : memref<32x50xi32, #tpu.memory_space<vmem>>, vector<16xi32>,
    %gt3A_3063 = arith.constant 1 : i32
    %gt3A_3064 = vector.broadcast %gt3A_3063 : i32 to vector<16xi32>
    %gt3A_3065 = arith.cmpi sgt, %get3A_3050, %gt3A_3064 : vector<16xi32>
    %gt3A_3066 = arith.constant 1 : i32
    %gt3A_3067 = vector.broadcast %gt3A_3066 : i32 to vector<16xi32>
    %gt3A_3068 = arith.cmpi sgt, %get3A_3054, %gt3A_3067 : vector<16xi32>
    %gt3A_3069 = arith.constant 1 : i32
    %gt3A_3070 = vector.broadcast %gt3A_3069 : i32 to vector<16xi32>
    %gt3A_3071 = arith.cmpi sgt, %get3A_3058, %gt3A_3070 : vector<16xi32>
    %gt3A_3072 = arith.constant 1 : i32
    %gt3A_3073 = vector.broadcast %gt3A_3072 : i32 to vector<16xi32>
    %gt3A_3074 = arith.cmpi sgt, %get3A_3062, %gt3A_3073 : vector<16xi32>
    %and3A_3075 = arith.andi %gt3A_3074, %ge3A_20 : vector<16xi1>
    tpu.vector_store_idx %arg5[%get3A_3050], %broadcast_in_dim3A_5 masked %gt3A_3065 {add = true} : memref<1024xi32, #tpu.memory_space<vmem>>[vector<16xi32>], vector<16xi32>, vector<16xi1>
    tpu.vector_store_idx %arg5[%get3A_3054], %broadcast_in_dim3A_5 masked %gt3A_3068 {add = true} : memref<1024xi32, #tpu.memory_space<vmem>>[vector<16xi32>], vector<16xi32>, vector<16xi1>
    tpu.vector_store_idx %arg5[%get3A_3058], %broadcast_in_dim3A_5 masked %gt3A_3071 {add = true} : memref<1024xi32, #tpu.memory_space<vmem>>[vector<16xi32>], vector<16xi32>, vector<16xi1>
    tpu.vector_store_idx %arg5[%get3A_3062], %broadcast_in_dim3A_5 masked %and3A_3075 {add = true} : memref<1024xi32, #tpu.memory_space<vmem>>[vector<16xi32>], vector<16xi32>, vector<16xi1>
    %gather3A_3076 = tpu.vector_load_idx %arg5[%get3A_3050] : memref<1024xi32, #tpu.memory_space<vmem>>[vector<16xi32>], vector<16xi32>,
    %shift_left3A_3077 = arith.constant 10 : i32
    %shift_left3A_3078 = vector.broadcast %shift_left3A_3077 : i32 to vector<16xi32>
    %shift_left3A_3079 = arith.shli %gather3A_3076, %shift_left3A_3078 : vector<16xi32>
    %sub3A_3080 = arith.constant 1023 : i32
    %sub3A_3081 = vector.broadcast %sub3A_3080 : i32 to vector<16xi32>
    %sub3A_3082 = arith.subi %sub3A_3081, %get3A_3050 : vector<16xi32>
    %or3A_3083 = arith.ori %shift_left3A_3079, %sub3A_3082 : vector<16xi32>
    %jit3A_3084 = arith.constant 0 : i32
    %broadcast_in_dim3A_3085 = vector.broadcast %jit3A_3084 : i32 to vector<16xi32>
    %select_n3A_3086 = arith.select %gt3A_3065, %or3A_3083, %broadcast_in_dim3A_3085 : vector<16xi1>, vector<16xi32>
    %max3A_3087 = arith.maxsi %broadcast_in_dim3A_3, %select_n3A_3086 : vector<16xi32>
    tpu.vector_store_idx %arg5[%get3A_3050], %broadcast_in_dim3A_3 masked %gt3A_3065 : memref<1024xi32, #tpu.memory_space<vmem>>[vector<16xi32>], vector<16xi32>, vector<16xi1>
    %gather3A_3088 = tpu.vector_load_idx %arg5[%get3A_3054] : memref<1024xi32, #tpu.memory_space<vmem>>[vector<16xi32>], vector<16xi32>,
    %shift_left3A_3089 = arith.constant 10 : i32
    %shift_left3A_3090 = vector.broadcast %shift_left3A_3089 : i32 to vector<16xi32>
    %shift_left3A_3091 = arith.shli %gather3A_3088, %shift_left3A_3090 : vector<16xi32>
    %sub3A_3092 = arith.constant 1023 : i32
    %sub3A_3093 = vector.broadcast %sub3A_3092 : i32 to vector<16xi32>
    %sub3A_3094 = arith.subi %sub3A_3093, %get3A_3054 : vector<16xi32>
    %or3A_3095 = arith.ori %shift_left3A_3091, %sub3A_3094 : vector<16xi32>
    %jit3A_3096 = arith.constant 0 : i32
    %broadcast_in_dim3A_3097 = vector.broadcast %jit3A_3096 : i32 to vector<16xi32>
    %select_n3A_3098 = arith.select %gt3A_3068, %or3A_3095, %broadcast_in_dim3A_3097 : vector<16xi1>, vector<16xi32>
    %max3A_3099 = arith.maxsi %max3A_3087, %select_n3A_3098 : vector<16xi32>
    tpu.vector_store_idx %arg5[%get3A_3054], %broadcast_in_dim3A_3 masked %gt3A_3068 : memref<1024xi32, #tpu.memory_space<vmem>>[vector<16xi32>], vector<16xi32>, vector<16xi1>
    %gather3A_3100 = tpu.vector_load_idx %arg5[%get3A_3058] : memref<1024xi32, #tpu.memory_space<vmem>>[vector<16xi32>], vector<16xi32>,
    %shift_left3A_3101 = arith.constant 10 : i32
    %shift_left3A_3102 = vector.broadcast %shift_left3A_3101 : i32 to vector<16xi32>
    %shift_left3A_3103 = arith.shli %gather3A_3100, %shift_left3A_3102 : vector<16xi32>
    %sub3A_3104 = arith.constant 1023 : i32
    %sub3A_3105 = vector.broadcast %sub3A_3104 : i32 to vector<16xi32>
    %sub3A_3106 = arith.subi %sub3A_3105, %get3A_3058 : vector<16xi32>
    %or3A_3107 = arith.ori %shift_left3A_3103, %sub3A_3106 : vector<16xi32>
    %jit3A_3108 = arith.constant 0 : i32
    %broadcast_in_dim3A_3109 = vector.broadcast %jit3A_3108 : i32 to vector<16xi32>
    %select_n3A_3110 = arith.select %gt3A_3071, %or3A_3107, %broadcast_in_dim3A_3109 : vector<16xi1>, vector<16xi32>
    %max3A_3111 = arith.maxsi %max3A_3099, %select_n3A_3110 : vector<16xi32>
    tpu.vector_store_idx %arg5[%get3A_3058], %broadcast_in_dim3A_3 masked %gt3A_3071 : memref<1024xi32, #tpu.memory_space<vmem>>[vector<16xi32>], vector<16xi32>, vector<16xi1>
    %gather3A_3112 = tpu.vector_load_idx %arg5[%get3A_3062] : memref<1024xi32, #tpu.memory_space<vmem>>[vector<16xi32>], vector<16xi32>,
    %shift_left3A_3113 = arith.constant 10 : i32
    %shift_left3A_3114 = vector.broadcast %shift_left3A_3113 : i32 to vector<16xi32>
    %shift_left3A_3115 = arith.shli %gather3A_3112, %shift_left3A_3114 : vector<16xi32>
    %sub3A_3116 = arith.constant 1023 : i32
    %sub3A_3117 = vector.broadcast %sub3A_3116 : i32 to vector<16xi32>
    %sub3A_3118 = arith.subi %sub3A_3117, %get3A_3062 : vector<16xi32>
    %or3A_3119 = arith.ori %shift_left3A_3115, %sub3A_3118 : vector<16xi32>
    %jit3A_3120 = arith.constant 0 : i32
    %broadcast_in_dim3A_3121 = vector.broadcast %jit3A_3120 : i32 to vector<16xi32>
    %select_n3A_3122 = arith.select %and3A_3075, %or3A_3119, %broadcast_in_dim3A_3121 : vector<16xi1>, vector<16xi32>
    %max3A_3123 = arith.maxsi %max3A_3111, %select_n3A_3122 : vector<16xi32>
    tpu.vector_store_idx %arg5[%get3A_3062], %broadcast_in_dim3A_3 masked %and3A_3075 : memref<1024xi32, #tpu.memory_space<vmem>>[vector<16xi32>], vector<16xi32>, vector<16xi1>
    %reduce_max3A_3124 = arith.constant true
    %reduce_max3A_3125 = vector.broadcast %reduce_max3A_3124 : i1 to vector<16xi1>
    %reduce_max3A_3126 = arith.constant -2147483648 : i32
    %reduce_max3A_3127 = vector.broadcast %reduce_max3A_3126 : i32 to vector<16xi32>
    %reduce_max3A_3128 = arith.xori %max3A_3123, %reduce_max3A_3127 : vector<16xi32>
    %reduce_max3A_3129 = tpu.scan <max>, %reduce_max3A_3128 masked %reduce_max3A_3125 : vector<16xi32>, vector<16xi1> -> vector<16xi32>
    %reduce_max3A_3130 = arith.xori %reduce_max3A_3129, %reduce_max3A_3127 : vector<16xi32>
    %reduce_max3A_3131 = vector.extract %reduce_max3A_3130[15] : i32 from vector<16xi32>
    %shift_right_arithmetic3A_3132 = arith.constant 10 : i32
    %shift_right_arithmetic3A_3133 = arith.shrsi %reduce_max3A_3131, %shift_right_arithmetic3A_3132 : i32
    %gt3A_3134 = arith.constant 0 : i32
    %gt3A_3135 = arith.cmpi sgt, %shift_right_arithmetic3A_3133, %gt3A_3134 : i32
    %and3A_3136 = arith.constant 1023 : i32
    %and3A_3137 = arith.andi %reduce_max3A_3131, %and3A_3136 : i32
    %sub3A_3138 = arith.constant 1023 : i32
    %sub3A_3139 = arith.subi %sub3A_3138, %and3A_3137 : i32
    %jit3A_3140 = arith.constant 1 : i32
    %select_n3A_3141 = arith.select %gt3A_3135, %sub3A_3139, %jit3A_3140 : i32
    %broadcast_in_dim3A_3142 = arith.constant 31 : i32
    %broadcast_in_dim3A_3143 = vector.broadcast %broadcast_in_dim3A_3142 : i32 to vector<16xi32>
    %broadcast_in_dim3A_3144 = vector.broadcast %select_n3A_3141 : i32 to vector<16xi32>
    tpu.vector_store_idx %arg6[%broadcast_in_dim3A_3143], %broadcast_in_dim3A_3144 masked %eq3A_7 : memref<32xi32, #tpu.memory_space<vmem>>[vector<16xi32>], vector<16xi32>, vector<16xi1>
    %run_scoped3A = arith.constant 0 : i32
    "tpu.region"() ({
      %run_scoped3A_3145 = tpu.sem_alloc : memref<!tpu.dma_semaphore, #tpu.memory_space<semaphore_mem>>
      %dma_start3A_3146 = tpu.memref_slice %arg3[%run_scoped3A, %mul3A_2] : memref<1x1024xi32, #tpu.memory_space<hbm>> -> memref<1x32xi32, #tpu.memory_space<hbm>>
      %dma_start3A_3147 = tpu.memref_squeeze %dma_start3A_3146 : memref<1x32xi32, #tpu.memory_space<hbm>> -> memref<32xi32, #tpu.memory_space<hbm>>
      %dma_start3A_3148 = tpu.memref_slice %arg3[%run_scoped3A, %mul3A_2] : memref<1x1024xi32, #tpu.memory_space<hbm>> -> memref<1x32xi32, #tpu.memory_space<hbm>>
      %dma_start3A_3149 = tpu.memref_squeeze %dma_start3A_3148 : memref<1x32xi32, #tpu.memory_space<hbm>> -> memref<32xi32, #tpu.memory_space<hbm>>
      tpu.enqueue_dma source(%arg6 : memref<32xi32, #tpu.memory_space<vmem>>) target(%dma_start3A_3149 : memref<32xi32, #tpu.memory_space<hbm>>) target_semaphore(%run_scoped3A_3145 : memref<!tpu.dma_semaphore, #tpu.memory_space<semaphore_mem>>)
      %dma_wait3A_3150 = tpu.memref_slice %arg3[%run_scoped3A, %mul3A_2] : memref<1x1024xi32, #tpu.memory_space<hbm>> -> memref<1x32xi32, #tpu.memory_space<hbm>>
      %dma_wait3A_3151 = tpu.memref_squeeze %dma_wait3A_3150 : memref<1x32xi32, #tpu.memory_space<hbm>> -> memref<32xi32, #tpu.memory_space<hbm>>
      %dma_wait3A_3152 = tpu.memref_slice %arg3[%run_scoped3A, %mul3A_2] : memref<1x1024xi32, #tpu.memory_space<hbm>> -> memref<1x32xi32, #tpu.memory_space<hbm>>
      %dma_wait3A_3153 = tpu.memref_squeeze %dma_wait3A_3152 : memref<1x32xi32, #tpu.memory_space<hbm>> -> memref<32xi32, #tpu.memory_space<hbm>>
      tpu.wait_dma2 semaphore(%run_scoped3A_3145 : memref<!tpu.dma_semaphore, #tpu.memory_space<semaphore_mem>>) src(%arg6 : memref<32xi32, #tpu.memory_space<vmem>>) dst(%dma_wait3A_3153 : memref<32xi32, #tpu.memory_space<hbm>>)
      tpu.yield
    }) : () -> ()
    return
  }
}

module attributes {stable_mosaic.version = 14 : i64} {
  func.func @_write_kernel(%arg0: i32, %arg1: memref<1x1024xi32, #tpu.memory_space<vmem>>, %arg2: memref<1x1000x1024xf32, #tpu.memory_space<vmem>>) attributes {dimension_semantics = [#tpu.dimension_semantics<arbitrary>], iteration_bounds = array<i64: 50>, scalar_prefetch = 0 : i64, scratch_operands = 0 : i64, tpu.core_type = #tpu.core_type<tc>, window_params = [{pipeline_mode = #tpu.pipeline_mode<synchronous>, transform_indices = @transform_0, window_bounds = array<i64: 1, 1024>}, {transform_indices = @transform_1, window_bounds = array<i64: 1, 1000, 1024>}]} {
    %get3A = arith.constant 0 : index
    %get3A_0 = arith.constant 0 : index
    %get3A_1 = vector.load %arg1[%get3A, %get3A_0] : memref<1x1024xi32, #tpu.memory_space<vmem>>, vector<1x1024xi32>
    %broadcast_in_dim3A = vector.shape_cast %get3A_1 : vector<1x1024xi32> to vector<1x1024xi32>
    %broadcast_in_dim3A_2 = vector.broadcast %broadcast_in_dim3A : vector<1x1024xi32> to vector<1000x1024xi32>
    %iota3A = tpu.iota {dimensions = array<i32: 0>} : vector<1000x1024xi32>
    %eq3A = arith.cmpi eq, %iota3A, %broadcast_in_dim3A_2 : vector<1000x1024xi32>
    %jit3A = arith.constant 6.000000e+00 : f32
    %jit3A_3 = arith.constant -6.000000e+00 : f32
    %broadcast_in_dim3A_4 = vector.broadcast %jit3A : f32 to vector<1000x1024xf32>
    %broadcast_in_dim3A_5 = vector.broadcast %jit3A_3 : f32 to vector<1000x1024xf32>
    %select_n3A = arith.select %eq3A, %broadcast_in_dim3A_4, %broadcast_in_dim3A_5 : vector<1000x1024xi1>, vector<1000x1024xf32>
    %swap3A = arith.constant 0 : index
    %swap3A_6 = arith.constant 0 : index
    %swap3A_7 = arith.constant 0 : index
    %swap3A_8 = vector.load %arg2[%swap3A, %swap3A_6, %swap3A_7] : memref<1x1000x1024xf32, #tpu.memory_space<vmem>>, vector<1x1000x1024xf32>
    %swap3A_9 = vector.shape_cast %swap3A_8 : vector<1x1000x1024xf32> to vector<1000x1024xf32>
    %swap3A_10 = vector.shape_cast %select_n3A : vector<1000x1024xf32> to vector<1x1000x1024xf32>
    tpu.vector_store %arg2[%swap3A, %swap3A_6, %swap3A_7], %swap3A_10 {strides = array<i32>} : memref<1x1000x1024xf32, #tpu.memory_space<vmem>>, vector<1x1000x1024xf32>,
    return
  }
  func.func @transform_0(%arg0: i32) -> (i32, i32) {
    %c0_i32 = arith.constant 0 : i32
    %c0_i32_0 = arith.constant 0 : i32
    %c0_i32_1 = arith.constant 0 : i32
    return %c0_i32, %c0_i32_0 : i32, i32
  }
  func.func @transform_1(%arg0: i32) -> (i32, i32, i32) {
    %c0_i32 = arith.constant 0 : i32
    %c0_i32_0 = arith.constant 0 : i32
    %c0_i32_1 = arith.constant 0 : i32
    return %arg0, %c0_i32, %c0_i32_0 : i32, i32, i32
  }
}

</mosaic_0001>

<sc_bundles>
// kernel: kernel.4.cloned.1.call-start
scs
__scs_entry_jumppad:
0x0: {  	(pc) =	sbr.rel $0x88, $3  }
0x1: {  	(tag) =	ssettag $0x0;
	lr =	simm.s32 $0x1  }
0x2: {  	[smem:$0x3FA0] =	sst lr;
	_ =	strace $0xD0000000  }
0x3: {  	_ = 	snop  }
0x4: {  	_ = 	snop  }
0x5: {  	_ = 	snop  }
0x6: {  	_ = 	snop  }
0x7: {  	_ = 	snop  }
__scs_overlays_trampoline_lowered:
0x8: {  	[smem:$0x3FAF] =	sst s0  }
0x9: {  	[smem:$0x3FB0] =	sst s1  }
0xa: {  	[smem:$0x3FB1] =	sst s2  }
0xb: {  	[smem:$0x3FB2] =	sst s3  }
0xc: {  	[smem:$0x3FB3] =	sst s4  }
0xd: {  	[smem:$0x3FB4] =	sst s5  }
0xe: {  	[smem:$0x3FB5] =	sst s6  }
0xf: {  	[smem:$0x3FB6] =	sst s7  }
0x10: {  	[smem:$0x3FB7] =	sst s8  }
0x11: {  	[smem:$0x3FB8] =	sst s9;
	s0 =	simm.s32 @!p0 $0x0  }
0x12: {  	s1 =	sld [smem:$0x3F9E];
	s0 =	simm.s32 @p0 $0x1  }
0x13: {  	[smem:$0x3FB9] =	sst s0;
	s0 =	simm.s32 @!p1 $0x0  }
0x14: {  	s2 =	sld [smem:$0x3F9D];
	s0 =	simm.s32 @p1 $0x1  }
0x15: {  	[smem:$0x3FBA] =	sst s0;
	s0 =	simm.s32 @!p2 $0x0  }
0x16: {  	s3 =	sld [smem:$0x3FDB];
	s0 =	simm.s32 @p2 $0x1  }
0x17: {  	s4 =	simm.s32 $0x1BF5;
	[smem:$0x3FBC] =	sst s0  }
0x18: {  	s0 =	sld [smem:$0x3F9F];
	_ =	swait.ge [sflag:s4], $0x0  }
0x19: {  	s7 =	sld [smem:$0x3FA0]  }
0x1a: {  	s8 =	sadd.s32 $0xFFFFE003, lr  }
0x1b: {  	s9 =	sadd.s32 $0xFFFFFEF7, lr;
	s5 =	simm.s32 $0xFFFFFFFF;
	p2 =	slt.u32 s8, $0xFFFFF086  }
0x1c: {  	p1 =	slt.u32 s9, $0xF7A;
	s5 =	simm.s32 @!p2 $0x0  }
0x1d: {  	s5 =	simm.s32 @p1 $0x1;
	p0 =	seq.s32 s7, s2  }
0x1e: {  	s7 =	smul.u32 @!p0 $0xF7A, s2;
	p2 =	seq.s32 @!p0 s5, $0x0  }
0x1f: {  	s9 =	smul.u32 $0xF7A, s1;
	s8 =	simm.s32 @!p0 $0x1BF5;
	p2 =	por !p2, p0  }
0x20: {  	[sflag:s8] =	ssyncset.s32 @!p0 $0xFFFFF086;
	s6 =	sadd.s32 @!p0 s3, s7;
	s7 =	simm.s32 @!p0 $0x108  }
0x21: {  	s3 =	sadd.s32 s3, s9;
	s6 =	sadd.s32 @!p0 $0x88, s6;
	s7 =	simm.s32 @p2 $0x1082  }
0x22: {  	[simem:s7], [sflag:s8] =	dma.local @!p0 [hbm:s6], $0xF7A  }
0x23: {  	s9 =	sor.u32 $0xD0000000, s2;
	s6 =	simm.s32 $0x108;
	_ =	swait.ge @!p0 [sflag:s8], $0x0  }
0x24: {  	s3 =	sadd.s32 $0x88, s3;
	s6 =	simm.s32 @!p1 $0x1082;
	[sflag:s4] =	ssyncset.s32 $0xFFFFF086  }
0x25: {  	[simem:s6], [sflag:s4] =	dma.local [hbm:s3], $0xF7A  }
0x26: {  	[smem:$0x3FA0] =	sst s1;
	(tag) =	ssettag s2;
	_ =	strace s9  }
0x27: {  	s1 =	sld [smem:$0x3FB0]  }
0x28: {  	s2 =	sld [smem:$0x3FB1]  }
0x29: {  	s4 =	sld [smem:$0x3FB3]  }
0x2a: {  	p0 =	seq.s32 s5, $0x0;
	s5 =	sld [smem:$0x3FB4]  }
0x2b: {  	s6 =	sld [smem:$0x3FB5]  }
0x2c: {  	s7 =	sld [smem:$0x3FB6]  }
0x2d: {  	s3 =	simm.s32 $0x108;
	s8 =	sld [smem:$0x3FB7]  }
0x2e: {  	s3 =	simm.s32 @!p0 $0x1082;
	s9 =	sld [smem:$0x3FB8]  }
0x2f: {  	lr =	sadd.s32 s0, s3;
	s0 =	sld [smem:$0x3FAF]  }
0x30: {  	s3 =	sld [smem:$0x3FB2]  }
0x31: {  	[smem:$0x3FBB] =	sst s10  }
0x32: {  	s10 =	sld [smem:$0x3FB9];
	_ =	sdelay $0x3  }
0x33: {  	p0 =	seq.s32 s10, $0x1;
	s10 =	sld [smem:$0x3FBB];
	_ =	sdelay $0x3  }
0x34: {  	[smem:$0x3FBB] =	sst s10  }
0x35: {  	s10 =	sld [smem:$0x3FBA];
	_ =	sdelay $0x3  }
0x36: {  	p1 =	seq.s32 s10, $0x1;
	s10 =	sld [smem:$0x3FBB];
	_ =	sdelay $0x3  }
0x37: {  	[smem:$0x3FBB] =	sst s10  }
0x38: {  	s10 =	sld [smem:$0x3FBC]  }
0x39: {  	_ = 	snop;
	(pc) =	sbr.ind lr, $3  }
0x3a: {  	_ = 	snop  }
0x3b: {  	_ = 	snop  }
0x3c: {  	p2 =	seq.s32 s10, $0x1;
	s10 =	sld [smem:$0x3FBB]  }
0x3d: {  	_ =	shalt  }
0x3e: {  	_ =	shalt  }
0x3f: {  	_ =	shalt  }
0x40: {  	_ =	shalt  }
0x41: {  	_ =	shalt  }
0x42: {  	_ =	shalt  }
0x43: {  	_ =	shalt  }
0x44: {  	_ =	shalt  }
0x45: {  	_ =	shalt  }
0x46: {  	_ =	shalt  }
0x47: {  	_ =	shalt  }
0x48: {  	_ =	shalt  }
0x49: {  	_ =	shalt  }
0x4a: {  	_ =	shalt  }
0x4b: {  	_ =	shalt  }
0x4c: {  	_ =	shalt  }
0x4d: {  	_ =	shalt  }
0x4e: {  	_ =	shalt  }
0x4f: {  	_ =	shalt  }
0x50: {  	_ =	shalt  }
0x51: {  	_ =	shalt  }
0x52: {  	_ =	shalt  }
0x53: {  	_ =	shalt  }
0x54: {  	_ =	shalt  }
0x55: {  	_ =	shalt  }
0x56: {  	_ =	shalt  }
0x57: {  	_ =	shalt  }
0x58: {  	_ =	shalt  }
0x59: {  	_ =	shalt  }
0x5a: {  	_ =	shalt  }
0x5b: {  	_ =	shalt  }
0x5c: {  	_ =	shalt  }
0x5d: {  	_ =	shalt  }
0x5e: {  	_ =	shalt  }
0x5f: {  	_ =	shalt  }
0x60: {  	_ =	shalt  }
0x61: {  	_ =	shalt  }
0x62: {  	_ =	shalt  }
0x63: {  	_ =	shalt  }
0x64: {  	_ =	shalt  }
0x65: {  	_ =	shalt  }
0x66: {  	_ =	shalt  }
0x67: {  	_ =	shalt  }
0x68: {  	_ =	shalt  }
0x69: {  	_ =	shalt  }
0x6a: {  	_ =	shalt  }
0x6b: {  	_ =	shalt  }
0x6c: {  	_ =	shalt  }
0x6d: {  	_ =	shalt  }
0x6e: {  	_ =	shalt  }
0x6f: {  	_ =	shalt  }
0x70: {  	_ =	shalt  }
0x71: {  	_ =	shalt  }
0x72: {  	_ =	shalt  }
0x73: {  	_ =	shalt  }
0x74: {  	_ =	shalt  }
0x75: {  	_ =	shalt  }
0x76: {  	_ =	shalt  }
0x77: {  	_ =	shalt  }
0x78: {  	_ =	shalt  }
0x79: {  	_ =	shalt  }
0x7a: {  	_ =	shalt  }
0x7b: {  	_ =	shalt  }
0x7c: {  	_ =	shalt  }
0x7d: {  	_ =	shalt  }
0x7e: {  	_ =	shalt  }
0x7f: {  	_ =	shalt  }
0x80: {  	_ =	shalt  }
0x81: {  	_ =	shalt  }
0x82: {  	_ =	shalt  }
0x83: {  	_ =	shalt  }
0x84: {  	_ =	shalt  }
0x85: {  	_ =	shalt  }
0x86: {  	_ =	shalt  }
0x87: {  	_ =	shalt  }
.Lfunc_end0:
.L_simem_size_0:
called_computation_lowered:
.L_overlay_start_0:
0x88: {  	s2 =	sld [smem:$0x3FD9]  }
0x89: {  	s3 =	sld [smem:$0x3FFE];
	_ =	sdelay $0x1  }
0x8a: {  	s1 =	srdreg.scid  }
0x8b: {  	s0 =	sand.u32 $0x1, s1  }
0x8c: {  	s17 =	sshll.u32 s0, $0xA;
	s2 =	sadd.s32 s3, s2  }
0x8d: {  	s2 =	sadd.s32 s2, s17  }
0x8e: {  	[smem:$0x3FC7] =	sst s2  }
0x8f: {  	_ = 	snop  }
0x90: {  	s2 =	sld [smem:$0x3FD0];
	(tm) =	ssettm $0x1  }
0x91: {  	s18 =	sld [smem:$0x3FFB];
	_ =	sdelay $0x3  }
0x92: {  	_ =	strace s18  }
0x93: {  	s3 =	sld [smem:$0x3FFC];
	_ =	sdelay $0x3  }
0x94: {  	_ =	strace s3  }
0x95: {  	s3 =	sld [smem:$0x3FFD];
	_ =	sdelay $0x3  }
0x96: {  	_ =	strace s3  }
0x97: {  	_ =	strace $0x8FFFFFFF  }
0x98: {  	s19 =	sld [smem:$0x3FDB];
	_ =	sdelay $0x1  }
0x99: {  	s4 =	simm.s32 $_scs_section_size  }
0x9a: {  	s5 =	simm.s32 $_size__tile_overlayer_lowered;
	s6 =	simm.s32 $_tile_overlayer_lowered  }
0x9b: {  	s22 =	simm.s32 $0x1BFF;
	s21 =	sshll.u32 s6, $0x1;
	s3 =	sadd.s32 s4, s19  }
0x9c: {  	s7 =	simm.s32 $0x0;
	s20 =	sshll.u32 s5, $0x1;
	s5 =	sadd.s32 s21, s3  }
0x9d: {  	[timem:s7], [sflag:s22] =	dma.local [hbm:s5], s20  }
0x9e: {  	_ =	swait.ge [sflag:s22], s20  }
0x9f: {  	s4 =	ssub.s32 $0x0, s20;
	[sflag:s22] =	ssyncset.done $0x0  }
0xa0: {  	[sflag:s22] =	ssyncadd.s32 s4;
	_ =	sdelay $0x1  }
0xa1: {  	s23 =	simm.s32 $0x1B8B  }
0xa2: {  	_ =	swait.ge [sflag:s23], $0x1  }
0xa3: {  	[sflag:s23] =	ssyncset.done $0x0  }
0xa4: {  	s25 =	simm.s32 $0x1B8E;
	s24 =	sld [smem:$0x3FFE];
	[sflag:s23] =	ssyncadd.s32 $0xFFFFFFFF  }
0xa5: {  	s26 =	simm.s32 $execute0_lowered;
	[smem:$0x3FD2] =	sst s25  }
0xa6: {  	s5 =	sshll.u32 s26, $0x1;
	_ =	strace $0x80000046;
	[dreg:$0x1] =	wrdreg $0xFFFFFFFF  }
0xa7: {  	s28 =	simm.s32 $_size_execute0_lowered;
	s3 =	sadd.s32 s3, s5;
	[dreg:$0x0] =	wrdreg $0x0  }
0xa8: {  	s5 =	sshll.u32 s28, $0x1;
	[dreg:$0x2] =	wrdreg s3  }
0xa9: {  	[dreg:$0x3] =	wrdreg s5  }
0xaa: {  	[dreg:$0x4] =	wrdreg $0xC0  }
0xab: {  	_ =	task [dreg:s7], $0x5FFFF  }
0xac: {  	[dreg:$0x1] =	wrdreg $0xFFFFFFFF  }
0xad: {  	[dreg:$0x0] =	wrdreg $0x60  }
0xae: {  	[dreg:$0x2] =	wrdreg s2  }
0xaf: {  	[dreg:$0x3] =	wrdreg s24  }
0xb0: {  	[dreg:$0x4] =	wrdreg $0x9  }
0xb1: {  	_ =	task.clear_ibuf [dreg:s7], $0x5FFFF;
	_ =	strace $0x90000046  }
0xb2: {  	s29 =	simm.s32 $0x9;
	_ =	strace $0x80000048  }
0xb3: {  	_ =	swait.ge [sflag:s29], $0x1  }
0xb4: {  	[sflag:s29] =	ssyncadd.s32 $0xFFFFFFFF  }
0xb5: {  	_ =	strace $0x90000048  }
0xb6: {  	_ =	sfence  }
0xb7: {  	s30 =	sld [smem:$0x0];
	_ =	sdelay $0x2  }
0xb8: {  	s31 =	sshll.u32 s1, $0xD;
	s1 =	sshrl.u32 s1, $0x2  }
0xb9: {  	s3 =	sand.u32 $0x4000, s31;
	s1 =	sadd.s32 s1, s30  }
0xba: {  	s0 =	sor.u32 s3, s0;
	s1 =	sshll.u32 s1, $0x11  }
0xbb: {  	s0 =	sor.u32 s1, s0  }
0xbc: {  	s0 =	sadd.s32 $0x8F2B, s0  }
0xbd: {  	[sflag:s0] =	ssyncadd.remote.s32 $0x1  }
0xbe: {  	_ =	sfence.sel $0xFFFF  }
0xbf: {  	[dreg:$0x0] =	wrdreg $0xFFFFFFFF;
	(pc) =	sbr.abs _section_cstart, $3  }
0xc0: {  	[dreg:$0x1] =	wrdreg $0xFFFFFFFF  }
0xc1: {  	_ =	task.clear_ibuf [dreg:s7], $0x2FFFF;
	_ =	strace $0x9FFFFFFF  }
0xc2: {  	(tm) =	ssettm $0x7FFFFFFF  }
0xc3: {  	_ =	shalt  }
tec
execute0_lowered:
.L_overlay_start_1:
0x0: {  	(tag) =	ssettag $0x1  }
0x1: {  	v0 =	vimm.s32 $0x0;
	v1 =	vimm.s32 $0x1;
	vm0 =	vcmask $0x3F38  }
0x2: {  	s3 =	rddreg [dreg:$0x0];
	v2 =	vimm.s32 $0xA;
	v3 =	vimm.s32 $0x2;
	v4 =	vimm.s32 $0x3  }
0x3: {  	s4 =	rddreg [dreg:$0x1];
	s2 =	srdreg.scid;
	v5 =	vimm.s32 $0x4;
	v6 =	vimm.s32 $0x5;
	v7 =	vimm.s32 $0x6  }
0x4: {  	s0 =	rddreg [dreg:$0x2];
	s1 =	stileid.u32;
	v8 =	vimm.s32 $0x7;
	v9 =	vimm.s32 $0x8;
	v10 =	vimm.s32 $0x9  }
0x5: {  	v11 =	vimm.s32 $0xB;
	v12 =	vimm.s32 $0xC;
	v13 =	vimm.s32 $0xD;
	s8 =	simm.s32 $0x1400;
	s9 =	simm.s32 $0x2;
	s10 =	simm.s32 $0x0  }
0x6: {  	v14 =	vimm.s32 $0xE;
	v15 =	vimm.s32 $0xF;
	v16 =	vimm.s32 $0x10;
	s5 =	sand.u32 $0x1, s2;
	s2 =	simm.s32 $0x0;
	s6 =	sshll.u32 s1, $0x6  }
0x7: {  	v17 =	vimm.s32 $0x11;
	v18 =	vimm.s32 $0x12;
	v19 =	vimm.s32 $0x13;
	s7 =	sshll.u32 s5, $0x5;
	[smem:$0x7FF] =	sst s2;
	s5 =	ssub.s32 $0x2, s5  }
0x8: {  	v20 =	vimm.s32 $0x14;
	v21 =	vimm.s32 $0x15;
	v22 =	vimm.s32 $0x16;
	s6 =	sor.u32 s7, s6;
	_ =	strace $0x80000047;
	s31 =	sshrl.u32 s5, $0x1  }
0x9: {  	v23 =	vimm.s32 $0x17;
	v24 =	vimm.s32 $0x18;
	v25 =	vimm.s32 $0x19;
	s7 =	sshrl.u32 s6, $0x3;
	s6 =	sshll.u32 s6, $0x4;
	s5 =	ssub.s32 s5, s31  }
0xa: {  	v26 =	vimm.s32 $0x1A;
	v27 =	vimm.s32 $0x1B;
	v28 =	vimm.s32 $0x1C;
	s4 =	sadd.s32 s7, s4;
	s3 =	sadd.s32 s3, s6;
	s5 =	smax.u32 s5, $0x1  }
0xb: {  	v29 =	vimm.s32 $0x1D;
	v30 =	vimm.s32 $0x1E;
	v31 =	vimm.s32 $0x1F;
	s6 =	simm.s32 $0x1;
	s7 =	simm.s32 $0x1000;
	s4 =	sadd.s32 $0x600, s4  }
.LBB2_1:
0xc: {  	[tilespmem:s2], [sflag:$0x1] =	stream.linear.gather [hbm4b:s3+s2], $0x1000, $0x38;
	[tilespmem:$0x1480] =	vst v63  }
0xd: {  	s11 =	simm.s32 $0x40;
	s12 =	simm.s32 $0x0  }
.LBB2_2:
0xe: {  	p0 =	sne.s32 s11, $0xFC0;
	[tilespmem:s12+$0x1000] =	vst v0;
	s12 =	smov.u32 s11;
	s11 =	sadd.s32 $0x40, s11  }
.Ltmp0:
0xf: {  	(pc) =	sbr.rel @p0 .LBB2_2-.Ltmp0, $2  }
0x10: {  	_ =	sdelay $0x2  }
0x11: {  	s12 =	sshra.s32 s12, $0x2  }
0x12: {  	[tilespmem:s12+$0x1000] =	vst v0  }
0x13: {  	_ =	swait.ge [sflag:s6], $0x1000  }
0x14: {  	[sflag:s6] =	ssyncset.done $0x0  }
0x15: {  	[sflag:s6] =	ssyncadd.s32 $0xFFFFF000  }
0x16: {  	v32 =	vld [tilespmem:$0x0]  }
0x17: {  	v33 =	vld [tilespmem:$0x10]  }
0x18: {  	v34 =	vld [tilespmem:$0x20]  }
0x19: {  	v35 =	vld [tilespmem:$0x22];
	_ =	sdelay $0x2  }
0x1a: {  	vm3 =	vgt.s32 v32, $0x1  }
0x1b: {  	vm4 =	vgt.s32 v33, $0x1  }
0x1c: {  	vm2 =	vgt.s32 v34, $0x1;
	vm1 =	vgt.s32 v35, $0x1  }
0x1d: {  	vm1 =	vmand vm1, vm0;
	_ =	sdelay $0x2  }
0x1e: {  	[tilespmem:v32+s7+$0x0] =	vst.idx.add.s32.msk vm3, v1  }
0x1f: {  	[tilespmem:v33+s7+$0x0] =	vst.idx.add.s32.msk vm4, v1  }
0x20: {  	[tilespmem:v34+s7+$0x0] =	vst.idx.add.s32.msk vm2, v1  }
0x21: {  	[tilespmem:v35+s7+$0x0] =	vst.idx.add.s32.msk vm1, v1  }
0x22: {  	v36 =	vld.idx.msk [tilespmem:v32+s7+$0x0], $0xffff;
	_ =	sdelay $0x1  }
0x23: {  	[tilespmem:v32+s7+$0x0] =	vst.idx.msk vm3, v0  }
0x24: {  	v37 =	vld.idx.msk [tilespmem:v33+s7+$0x0], $0xffff;
	_ =	sdelay $0x1  }
0x25: {  	v32 =	vsub.s32 $0x3FF, v32;
	[tilespmem:v33+s7+$0x0] =	vst.idx.msk vm4, v0;
	v36 =	vshll.u32 v36, $0xA  }
0x26: {  	v62 =	vld.idx.msk [tilespmem:v34+s7+$0x0], $0xffff;
	v32 =	vor.u32 v32, v36  }
0x27: {  	vm5 =	vgt.s32 v32, $0x0  }
0x28: {  	v33 =	vsub.s32 $0x3FF, v33;
	[tilespmem:v34+s7+$0x0] =	vst.idx.msk vm2, v0;
	v37 =	vshll.u32 v37, $0xA;
	v32 =	vnsel vm5, $0x0, v32  }
0x29: {  	v63 =	vld.idx.msk [tilespmem:v35+s7+$0x0], $0xffff;
	v33 =	vor.u32 v33, v37;
	v32 =	vnsel vm3, $0x0, v32  }
0x2a: {  	vm3 =	vgt.s32 v32, v33  }
0x2b: {  	v34 =	vsub.s32 $0x3FF, v34;
	v36 =	vshll.u32 v62, $0xA;
	v33 =	vsel vm3, v32, v33  }
0x2c: {  	v39 =	vor.u32 v34, v36;
	v32 =	vsel vm4, v33, v32  }
0x2d: {  	vm3 =	vgt.s32 v32, v39  }
0x2e: {  	v41 =	vsub.s32 $0x3FF, v35;
	v40 =	vshll.u32 v63, $0xA;
	v33 =	vsel vm3, v32, v39  }
0x2f: {  	v42 =	vor.u32 v41, v40;
	v32 =	vsel vm2, v33, v32  }
0x30: {  	vm2 =	vgt.s32 v32, v42  }
0x31: {  	v33 =	vsel vm2, v32, v42  }
0x32: {  	v32 =	vsel vm1, v33, v32  }
0x33: {  	v32 =	vxor.u32 $0x80000000, v32  }
0x34: {  	(xrf0) =	vmax.scan.msk.u32 $0xffff, v32;
	_ =	sdelay $0x5  }
0x35: {  	v32, _, _ =	vpop (xrf0)  }
0x36: {  	(v2sf) =	vpush v32, $0xF;
	_ =	sdelay $0xe  }
0x37: {  	s11 =	spop (v2sf)  }
0x38: {  	s22 =	sxor.u32 $0xFFFFFFFF, s11  }
0x39: {  	p0 =	sgt.u32 s11, $0x800003FF;
	s11 =	sand.u32 $0x3FF, s22  }
0x3a: {  	s11 =	simm.s32 @!p0 $0x1  }
0x3b: {  	[tilespmem:v35+s7+$0x0] =	vst.idx.msk vm1, v0;
	v43 =	vmov s11  }
0x3c: {  	[tilespmem:v0+s8+$0x0] =	vst.idx.msk $0x1, v43  }
0x3d: {  	v32 =	vld [tilespmem:$0x80]  }
0x3e: {  	v44 =	vld [tilespmem:$0x90]  }
0x3f: {  	v45 =	vld [tilespmem:$0xA0]  }
0x40: {  	v35 =	vld [tilespmem:$0xA2];
	_ =	sdelay $0x2  }
0x41: {  	vm3 =	vgt.s32 v32, $0x1  }
0x42: {  	vm10 =	vgt.s32 v44, $0x1  }
0x43: {  	vm2 =	vgt.s32 v45, $0x1;
	vm1 =	vgt.s32 v35, $0x1  }
0x44: {  	vm1 =	vmand vm1, vm0;
	_ =	sdelay $0x2  }
0x45: {  	[tilespmem:v32+s7+$0x0] =	vst.idx.add.s32.msk vm3, v1  }
0x46: {  	[tilespmem:v44+s7+$0x0] =	vst.idx.add.s32.msk vm10, v1  }
0x47: {  	[tilespmem:v45+s7+$0x0] =	vst.idx.add.s32.msk vm2, v1  }
0x48: {  	[tilespmem:v35+s7+$0x0] =	vst.idx.add.s32.msk vm1, v1  }
0x49: {  	v46 =	vld.idx.msk [tilespmem:v32+s7+$0x0], $0xffff;
	_ =	sdelay $0x1  }
0x4a: {  	[tilespmem:v32+s7+$0x0] =	vst.idx.msk vm3, v0  }
0x4b: {  	v47 =	vld.idx.msk [tilespmem:v44+s7+$0x0], $0xffff;
	_ =	sdelay $0x1  }
0x4c: {  	v32 =	vsub.s32 $0x3FF, v32;
	[tilespmem:v44+s7+$0x0] =	vst.idx.msk vm10, v0;
	v36 =	vshll.u32 v46, $0xA  }
0x4d: {  	v48 =	vld.idx.msk [tilespmem:v45+s7+$0x0], $0xffff;
	v32 =	vor.u32 v32, v36  }
0x4e: {  	vm11 =	vgt.s32 v32, $0x0  }
0x4f: {  	v33 =	vsub.s32 $0x3FF, v44;
	[tilespmem:v45+s7+$0x0] =	vst.idx.msk vm2, v0;
	v37 =	vshll.u32 v47, $0xA;
	v32 =	vnsel vm11, $0x0, v32  }
0x50: {  	v49 =	vld.idx.msk [tilespmem:v35+s7+$0x0], $0xffff;
	v33 =	vor.u32 v33, v37;
	v32 =	vnsel vm3, $0x0, v32  }
0x51: {  	vm3 =	vgt.s32 v32, v33  }
0x52: {  	v34 =	vsub.s32 $0x3FF, v45;
	v36 =	vshll.u32 v48, $0xA;
	v33 =	vsel vm3, v32, v33  }
0x53: {  	v50 =	vor.u32 v34, v36;
	v32 =	vsel vm10, v33, v32  }
0x54: {  	vm3 =	vgt.s32 v32, v50  }
0x55: {  	v52 =	vsub.s32 $0x3FF, v35;
	v51 =	vshll.u32 v49, $0xA;
	v33 =	vsel vm3, v32, v50  }
0x56: {  	v53 =	vor.u32 v52, v51;
	v32 =	vsel vm2, v33, v32  }
0x57: {  	vm2 =	vgt.s32 v32, v53  }
0x58: {  	v33 =	vsel vm2, v32, v53  }
0x59: {  	v32 =	vsel vm1, v33, v32  }
0x5a: {  	v32 =	vxor.u32 $0x80000000, v32  }
0x5b: {  	(xrf0) =	vmax.scan.msk.u32 $0xffff, v32;
	_ =	sdelay $0x5  }
0x5c: {  	v32, _, _ =	vpop (xrf0)  }
0x5d: {  	(v2sf) =	vpush v32, $0xF;
	_ =	sdelay $0xe  }
0x5e: {  	s23 =	spop (v2sf)  }
0x5f: {  	s24 =	sxor.u32 $0xFFFFFFFF, s23  }
0x60: {  	p0 =	sgt.u32 s23, $0x800003FF;
	s11 =	sand.u32 $0x3FF, s24  }
0x61: {  	s11 =	simm.s32 @!p0 $0x1  }
0x62: {  	[tilespmem:v35+s7+$0x0] =	vst.idx.msk vm1, v0;
	v54 =	vmov s11  }
0x63: {  	[tilespmem:v1+s8+$0x0] =	vst.idx.msk $0x1, v54  }
0x64: {  	v32 =	vld [tilespmem:$0x100]  }
0x65: {  	v55 =	vld [tilespmem:$0x110]  }
0x66: {  	v56 =	vld [tilespmem:$0x120]  }
0x67: {  	v35 =	vld [tilespmem:$0x122];
	_ =	sdelay $0x2  }
0x68: {  	vm3 =	vgt.s32 v32, $0x1  }
0x69: {  	vm12 =	vgt.s32 v55, $0x1  }
0x6a: {  	vm2 =	vgt.s32 v56, $0x1;
	vm1 =	vgt.s32 v35, $0x1  }
0x6b: {  	vm1 =	vmand vm1, vm0;
	_ =	sdelay $0x2  }
0x6c: {  	[tilespmem:v32+s7+$0x0] =	vst.idx.add.s32.msk vm3, v1  }
0x6d: {  	[tilespmem:v55+s7+$0x0] =	vst.idx.add.s32.msk vm12, v1  }
0x6e: {  	[tilespmem:v56+s7+$0x0] =	vst.idx.add.s32.msk vm2, v1  }
0x6f: {  	[tilespmem:v35+s7+$0x0] =	vst.idx.add.s32.msk vm1, v1  }
0x70: {  	v57 =	vld.idx.msk [tilespmem:v32+s7+$0x0], $0xffff;
	_ =	sdelay $0x1  }
0x71: {  	[tilespmem:v32+s7+$0x0] =	vst.idx.msk vm3, v0  }
0x72: {  	v58 =	vld.idx.msk [tilespmem:v55+s7+$0x0], $0xffff;
	_ =	sdelay $0x1  }
0x73: {  	v32 =	vsub.s32 $0x3FF, v32;
	[tilespmem:v55+s7+$0x0] =	vst.idx.msk vm12, v0;
	v36 =	vshll.u32 v57, $0xA  }
0x74: {  	v59 =	vld.idx.msk [tilespmem:v56+s7+$0x0], $0xffff;
	v32 =	vor.u32 v32, v36  }
0x75: {  	vm13 =	vgt.s32 v32, $0x0  }
0x76: {  	v33 =	vsub.s32 $0x3FF, v55;
	[tilespmem:v56+s7+$0x0] =	vst.idx.msk vm2, v0;
	v37 =	vshll.u32 v58, $0xA;
	v32 =	vnsel vm13, $0x0, v32  }
0x77: {  	v60 =	vld.idx.msk [tilespmem:v35+s7+$0x0], $0xffff;
	v33 =	vor.u32 v33, v37;
	v32 =	vnsel vm3, $0x0, v32  }
0x78: {  	vm3 =	vgt.s32 v32, v33  }
0x79: {  	v34 =	vsub.s32 $0x3FF, v56;
	v36 =	vshll.u32 v59, $0xA;
	v33 =	vsel vm3, v32, v33  }
0x7a: {  	v61 =	vor.u32 v34, v36;
	v32 =	vsel vm12, v33, v32  }
0x7b: {  	vm3 =	vgt.s32 v32, v61  }
0x7c: {  	v63 =	vsub.s32 $0x3FF, v35;
	v62 =	vshll.u32 v60, $0xA;
	v33 =	vsel vm3, v32, v61  }
0x7d: {  	v38 =	vor.u32 v63, v62;
	v32 =	vsel vm2, v33, v32  }
0x7e: {  	vm2 =	vgt.s32 v32, v38  }
0x7f: {  	v33 =	vsel vm2, v32, v38  }
0x80: {  	v32 =	vsel vm1, v33, v32  }
0x81: {  	v32 =	vxor.u32 $0x80000000, v32  }
0x82: {  	(xrf0) =	vmax.scan.msk.u32 $0xffff, v32;
	_ =	sdelay $0x5  }
0x83: {  	v32, _, _ =	vpop (xrf0)  }
0x84: {  	(v2sf) =	vpush v32, $0xF;
	_ =	sdelay $0xe  }
0x85: {  	s25 =	spop (v2sf)  }
0x86: {  	s26 =	sxor.u32 $0xFFFFFFFF, s25  }
0x87: {  	p0 =	sgt.u32 s25, $0x800003FF;
	s11 =	sand.u32 $0x3FF, s26  }
0x88: {  	s11 =	simm.s32 @!p0 $0x1  }
0x89: {  	[tilespmem:v35+s7+$0x0] =	vst.idx.msk vm1, v0;
	v39 =	vmov s11  }
0x8a: {  	[tilespmem:v3+s8+$0x0] =	vst.idx.msk $0x1, v39  }
0x8b: {  	v32 =	vld [tilespmem:$0x180]  }
0x8c: {  	v40 =	vld [tilespmem:$0x190]  }
0x8d: {  	v41 =	vld [tilespmem:$0x1A0]  }
0x8e: {  	v35 =	vld [tilespmem:$0x1A2];
	_ =	sdelay $0x2  }
0x8f: {  	vm3 =	vgt.s32 v32, $0x1  }
0x90: {  	vm14 =	vgt.s32 v40, $0x1  }
0x91: {  	vm2 =	vgt.s32 v41, $0x1;
	vm1 =	vgt.s32 v35, $0x1  }
0x92: {  	vm1 =	vmand vm1, vm0;
	_ =	sdelay $0x2  }
0x93: {  	[tilespmem:v32+s7+$0x0] =	vst.idx.add.s32.msk vm3, v1  }
0x94: {  	[tilespmem:v40+s7+$0x0] =	vst.idx.add.s32.msk vm14, v1  }
0x95: {  	[tilespmem:v41+s7+$0x0] =	vst.idx.add.s32.msk vm2, v1  }
0x96: {  	[tilespmem:v35+s7+$0x0] =	vst.idx.add.s32.msk vm1, v1  }
0x97: {  	v42 =	vld.idx.msk [tilespmem:v32+s7+$0x0], $0xffff;
	_ =	sdelay $0x1  }
0x98: {  	[tilespmem:v32+s7+$0x0] =	vst.idx.msk vm3, v0  }
0x99: {  	v43 =	vld.idx.msk [tilespmem:v40+s7+$0x0], $0xffff;
	_ =	sdelay $0x1  }
0x9a: {  	v32 =	vsub.s32 $0x3FF, v32;
	[tilespmem:v40+s7+$0x0] =	vst.idx.msk vm14, v0;
	v36 =	vshll.u32 v42, $0xA  }
0x9b: {  	v44 =	vld.idx.msk [tilespmem:v41+s7+$0x0], $0xffff;
	v32 =	vor.u32 v32, v36  }
0x9c: {  	vm15 =	vgt.s32 v32, $0x0  }
0x9d: {  	v33 =	vsub.s32 $0x3FF, v40;
	[tilespmem:v41+s7+$0x0] =	vst.idx.msk vm2, v0;
	v37 =	vshll.u32 v43, $0xA;
	v32 =	vnsel vm15, $0x0, v32  }
0x9e: {  	v45 =	vld.idx.msk [tilespmem:v35+s7+$0x0], $0xffff;
	v33 =	vor.u32 v33, v37;
	v32 =	vnsel vm3, $0x0, v32  }
0x9f: {  	vm3 =	vgt.s32 v32, v33  }
0xa0: {  	v34 =	vsub.s32 $0x3FF, v41;
	v36 =	vshll.u32 v44, $0xA;
	v33 =	vsel vm3, v32, v33  }
0xa1: {  	v46 =	vor.u32 v34, v36;
	v32 =	vsel vm14, v33, v32  }
0xa2: {  	vm3 =	vgt.s32 v32, v46  }
0xa3: {  	v48 =	vsub.s32 $0x3FF, v35;
	v47 =	vshll.u32 v45, $0xA;
	v33 =	vsel vm3, v32, v46  }
0xa4: {  	v49 =	vor.u32 v48, v47;
	v32 =	vsel vm2, v33, v32  }
0xa5: {  	vm2 =	vgt.s32 v32, v49  }
0xa6: {  	v33 =	vsel vm2, v32, v49  }
0xa7: {  	v32 =	vsel vm1, v33, v32  }
0xa8: {  	v32 =	vxor.u32 $0x80000000, v32  }
0xa9: {  	(xrf0) =	vmax.scan.msk.u32 $0xffff, v32;
	_ =	sdelay $0x5  }
0xaa: {  	v32, _, _ =	vpop (xrf0)  }
0xab: {  	(v2sf) =	vpush v32, $0xF;
	_ =	sdelay $0xe  }
0xac: {  	s28 =	spop (v2sf)  }
0xad: {  	s29 =	sxor.u32 $0xFFFFFFFF, s28  }
0xae: {  	p0 =	sgt.u32 s28, $0x800003FF;
	s11 =	sand.u32 $0x3FF, s29  }
0xaf: {  	s11 =	simm.s32 @!p0 $0x1  }
0xb0: {  	[tilespmem:v35+s7+$0x0] =	vst.idx.msk vm1, v0;
	v50 =	vmov s11  }
0xb1: {  	[tilespmem:v4+s8+$0x0] =	vst.idx.msk $0x1, v50  }
0xb2: {  	v32 =	vld [tilespmem:$0x200]  }
0xb3: {  	v51 =	vld [tilespmem:$0x210]  }
0xb4: {  	v52 =	vld [tilespmem:$0x220]  }
0xb5: {  	v35 =	vld [tilespmem:$0x222];
	_ =	sdelay $0x2  }
0xb6: {  	vm3 =	vgt.s32 v32, $0x1  }
0xb7: {  	vm8 =	vgt.s32 v51, $0x1  }
0xb8: {  	vm2 =	vgt.s32 v52, $0x1;
	vm1 =	vgt.s32 v35, $0x1  }
0xb9: {  	vm1 =	vmand vm1, vm0;
	_ =	sdelay $0x2  }
0xba: {  	[tilespmem:v32+s7+$0x0] =	vst.idx.add.s32.msk vm3, v1  }
0xbb: {  	[tilespmem:v51+s7+$0x0] =	vst.idx.add.s32.msk vm8, v1  }
0xbc: {  	[tilespmem:v52+s7+$0x0] =	vst.idx.add.s32.msk vm2, v1  }
0xbd: {  	[tilespmem:v35+s7+$0x0] =	vst.idx.add.s32.msk vm1, v1  }
0xbe: {  	v53 =	vld.idx.msk [tilespmem:v32+s7+$0x0], $0xffff;
	_ =	sdelay $0x1  }
0xbf: {  	[tilespmem:v32+s7+$0x0] =	vst.idx.msk vm3, v0  }
0xc0: {  	v54 =	vld.idx.msk [tilespmem:v51+s7+$0x0], $0xffff;
	_ =	sdelay $0x1  }
0xc1: {  	v32 =	vsub.s32 $0x3FF, v32;
	[tilespmem:v51+s7+$0x0] =	vst.idx.msk vm8, v0;
	v36 =	vshll.u32 v53, $0xA  }
0xc2: {  	v55 =	vld.idx.msk [tilespmem:v52+s7+$0x0], $0xffff;
	v32 =	vor.u32 v32, v36  }
0xc3: {  	vm9 =	vgt.s32 v32, $0x0  }
0xc4: {  	v33 =	vsub.s32 $0x3FF, v51;
	[tilespmem:v52+s7+$0x0] =	vst.idx.msk vm2, v0;
	v37 =	vshll.u32 v54, $0xA;
	v32 =	vnsel vm9, $0x0, v32  }
0xc5: {  	v56 =	vld.idx.msk [tilespmem:v35+s7+$0x0], $0xffff;
	v33 =	vor.u32 v33, v37;
	v32 =	vnsel vm3, $0x0, v32  }
0xc6: {  	vm3 =	vgt.s32 v32, v33  }
0xc7: {  	v34 =	vsub.s32 $0x3FF, v52;
	v36 =	vshll.u32 v55, $0xA;
	v33 =	vsel vm3, v32, v33  }
0xc8: {  	v57 =	vor.u32 v34, v36;
	v32 =	vsel vm8, v33, v32  }
0xc9: {  	vm3 =	vgt.s32 v32, v57  }
0xca: {  	v59 =	vsub.s32 $0x3FF, v35;
	v58 =	vshll.u32 v56, $0xA;
	v33 =	vsel vm3, v32, v57  }
0xcb: {  	v60 =	vor.u32 v59, v58;
	v32 =	vsel vm2, v33, v32  }
0xcc: {  	vm2 =	vgt.s32 v32, v60  }
0xcd: {  	v33 =	vsel vm2, v32, v60  }
0xce: {  	v32 =	vsel vm1, v33, v32  }
0xcf: {  	v32 =	vxor.u32 $0x80000000, v32  }
0xd0: {  	(xrf0) =	vmax.scan.msk.u32 $0xffff, v32;
	_ =	sdelay $0x5  }
0xd1: {  	v32, _, _ =	vpop (xrf0)  }
0xd2: {  	(v2sf) =	vpush v32, $0xF;
	_ =	sdelay $0xe  }
0xd3: {  	s30 =	spop (v2sf)  }
0xd4: {  	s31 =	sxor.u32 $0xFFFFFFFF, s30  }
0xd5: {  	p0 =	sgt.u32 s30, $0x800003FF;
	s11 =	sand.u32 $0x3FF, s31  }
0xd6: {  	s11 =	simm.s32 @!p0 $0x1  }
0xd7: {  	[tilespmem:v35+s7+$0x0] =	vst.idx.msk vm1, v0;
	v61 =	vmov s11  }
0xd8: {  	[tilespmem:v5+s8+$0x0] =	vst.idx.msk $0x1, v61  }
0xd9: {  	v32 =	vld [tilespmem:$0x280]  }
0xda: {  	v62 =	vld [tilespmem:$0x290]  }
0xdb: {  	v63 =	vld [tilespmem:$0x2A0]  }
0xdc: {  	v35 =	vld [tilespmem:$0x2A2];
	_ =	sdelay $0x2  }
0xdd: {  	vm3 =	vgt.s32 v32, $0x1  }
0xde: {  	vm10 =	vgt.s32 v62, $0x1  }
0xdf: {  	vm2 =	vgt.s32 v63, $0x1;
	vm1 =	vgt.s32 v35, $0x1  }
0xe0: {  	vm1 =	vmand vm1, vm0;
	_ =	sdelay $0x2  }
0xe1: {  	[tilespmem:v32+s7+$0x0] =	vst.idx.add.s32.msk vm3, v1  }
0xe2: {  	[tilespmem:v62+s7+$0x0] =	vst.idx.add.s32.msk vm10, v1  }
0xe3: {  	[tilespmem:v63+s7+$0x0] =	vst.idx.add.s32.msk vm2, v1  }
0xe4: {  	[tilespmem:v35+s7+$0x0] =	vst.idx.add.s32.msk vm1, v1  }
0xe5: {  	v40 =	vld.idx.msk [tilespmem:v32+s7+$0x0], $0xffff;
	_ =	sdelay $0x1  }
0xe6: {  	[tilespmem:v32+s7+$0x0] =	vst.idx.msk vm3, v0  }
0xe7: {  	v41 =	vld.idx.msk [tilespmem:v62+s7+$0x0], $0xffff;
	_ =	sdelay $0x1  }
0xe8: {  	v32 =	vsub.s32 $0x3FF, v32;
	[tilespmem:v62+s7+$0x0] =	vst.idx.msk vm10, v0;
	v36 =	vshll.u32 v40, $0xA  }
0xe9: {  	v42 =	vld.idx.msk [tilespmem:v63+s7+$0x0], $0xffff;
	v32 =	vor.u32 v32, v36  }
0xea: {  	vm11 =	vgt.s32 v32, $0x0  }
0xeb: {  	v33 =	vsub.s32 $0x3FF, v62;
	[tilespmem:v63+s7+$0x0] =	vst.idx.msk vm2, v0;
	v37 =	vshll.u32 v41, $0xA;
	v32 =	vnsel vm11, $0x0, v32  }
0xec: {  	v43 =	vld.idx.msk [tilespmem:v35+s7+$0x0], $0xffff;
	v33 =	vor.u32 v33, v37;
	v32 =	vnsel vm3, $0x0, v32  }
0xed: {  	vm3 =	vgt.s32 v32, v33  }
0xee: {  	v34 =	vsub.s32 $0x3FF, v63;
	v36 =	vshll.u32 v42, $0xA;
	v33 =	vsel vm3, v32, v33  }
0xef: {  	v44 =	vor.u32 v34, v36;
	v32 =	vsel vm10, v33, v32  }
0xf0: {  	vm3 =	vgt.s32 v32, v44  }
0xf1: {  	v46 =	vsub.s32 $0x3FF, v35;
	v45 =	vshll.u32 v43, $0xA;
	v33 =	vsel vm3, v32, v44  }
0xf2: {  	v47 =	vor.u32 v46, v45;
	v32 =	vsel vm2, v33, v32  }
0xf3: {  	vm2 =	vgt.s32 v32, v47  }
0xf4: {  	v33 =	vsel vm2, v32, v47  }
0xf5: {  	v32 =	vsel vm1, v33, v32  }
0xf6: {  	v32 =	vxor.u32 $0x80000000, v32  }
0xf7: {  	(xrf0) =	vmax.scan.msk.u32 $0xffff, v32;
	_ =	sdelay $0x5  }
0xf8: {  	v32, _, _ =	vpop (xrf0)  }
0xf9: {  	(v2sf) =	vpush v32, $0xF;
	_ =	sdelay $0xe  }
0xfa: {  	s13 =	spop (v2sf)  }
0xfb: {  	s14 =	sxor.u32 $0xFFFFFFFF, s13  }
0xfc: {  	p0 =	sgt.u32 s13, $0x800003FF;
	s11 =	sand.u32 $0x3FF, s14  }
0xfd: {  	s11 =	simm.s32 @!p0 $0x1  }
0xfe: {  	[tilespmem:v35+s7+$0x0] =	vst.idx.msk vm1, v0;
	v48 =	vmov s11  }
0xff: {  	[tilespmem:v6+s8+$0x0] =	vst.idx.msk $0x1, v48  }
0x100: {  	v32 =	vld [tilespmem:$0x300]  }
0x101: {  	v49 =	vld [tilespmem:$0x310]  }
0x102: {  	v50 =	vld [tilespmem:$0x320]  }
0x103: {  	v35 =	vld [tilespmem:$0x322];
	_ =	sdelay $0x2  }
0x104: {  	vm3 =	vgt.s32 v32, $0x1  }
0x105: {  	vm12 =	vgt.s32 v49, $0x1  }
0x106: {  	vm2 =	vgt.s32 v50, $0x1;
	vm1 =	vgt.s32 v35, $0x1  }
0x107: {  	vm1 =	vmand vm1, vm0;
	_ =	sdelay $0x2  }
0x108: {  	[tilespmem:v32+s7+$0x0] =	vst.idx.add.s32.msk vm3, v1  }
0x109: {  	[tilespmem:v49+s7+$0x0] =	vst.idx.add.s32.msk vm12, v1  }
0x10a: {  	[tilespmem:v50+s7+$0x0] =	vst.idx.add.s32.msk vm2, v1  }
0x10b: {  	[tilespmem:v35+s7+$0x0] =	vst.idx.add.s32.msk vm1, v1  }
0x10c: {  	v51 =	vld.idx.msk [tilespmem:v32+s7+$0x0], $0xffff;
	_ =	sdelay $0x1  }
0x10d: {  	[tilespmem:v32+s7+$0x0] =	vst.idx.msk vm3, v0  }
0x10e: {  	v52 =	vld.idx.msk [tilespmem:v49+s7+$0x0], $0xffff;
	_ =	sdelay $0x1  }
0x10f: {  	v32 =	vsub.s32 $0x3FF, v32;
	[tilespmem:v49+s7+$0x0] =	vst.idx.msk vm12, v0;
	v36 =	vshll.u32 v51, $0xA  }
0x110: {  	v53 =	vld.idx.msk [tilespmem:v50+s7+$0x0], $0xffff;
	v32 =	vor.u32 v32, v36  }
0x111: {  	vm13 =	vgt.s32 v32, $0x0  }
0x112: {  	v33 =	vsub.s32 $0x3FF, v49;
	[tilespmem:v50+s7+$0x0] =	vst.idx.msk vm2, v0;
	v37 =	vshll.u32 v52, $0xA;
	v32 =	vnsel vm13, $0x0, v32  }
0x113: {  	v54 =	vld.idx.msk [tilespmem:v35+s7+$0x0], $0xffff;
	v33 =	vor.u32 v33, v37;
	v32 =	vnsel vm3, $0x0, v32  }
0x114: {  	vm3 =	vgt.s32 v32, v33  }
0x115: {  	v34 =	vsub.s32 $0x3FF, v50;
	v36 =	vshll.u32 v53, $0xA;
	v33 =	vsel vm3, v32, v33  }
0x116: {  	v55 =	vor.u32 v34, v36;
	v32 =	vsel vm12, v33, v32  }
0x117: {  	vm3 =	vgt.s32 v32, v55  }
0x118: {  	v57 =	vsub.s32 $0x3FF, v35;
	v56 =	vshll.u32 v54, $0xA;
	v33 =	vsel vm3, v32, v55  }
0x119: {  	v58 =	vor.u32 v57, v56;
	v32 =	vsel vm2, v33, v32  }
0x11a: {  	vm2 =	vgt.s32 v32, v58  }
0x11b: {  	v33 =	vsel vm2, v32, v58  }
0x11c: {  	v32 =	vsel vm1, v33, v32  }
0x11d: {  	v32 =	vxor.u32 $0x80000000, v32  }
0x11e: {  	(xrf0) =	vmax.scan.msk.u32 $0xffff, v32;
	_ =	sdelay $0x5  }
0x11f: {  	v32, _, _ =	vpop (xrf0)  }
0x120: {  	(v2sf) =	vpush v32, $0xF;
	_ =	sdelay $0xe  }
0x121: {  	s15 =	spop (v2sf)  }
0x122: {  	s16 =	sxor.u32 $0xFFFFFFFF, s15  }
0x123: {  	p0 =	sgt.u32 s15, $0x800003FF;
	s11 =	sand.u32 $0x3FF, s16  }
0x124: {  	s11 =	simm.s32 @!p0 $0x1  }
0x125: {  	[tilespmem:v35+s7+$0x0] =	vst.idx.msk vm1, v0;
	v59 =	vmov s11  }
0x126: {  	[tilespmem:v7+s8+$0x0] =	vst.idx.msk $0x1, v59  }
0x127: {  	v32 =	vld [tilespmem:$0x380]  }
0x128: {  	v60 =	vld [tilespmem:$0x390]  }
0x129: {  	v61 =	vld [tilespmem:$0x3A0]  }
0x12a: {  	v35 =	vld [tilespmem:$0x3A2];
	_ =	sdelay $0x2  }
0x12b: {  	vm3 =	vgt.s32 v32, $0x1  }
0x12c: {  	vm14 =	vgt.s32 v60, $0x1  }
0x12d: {  	vm2 =	vgt.s32 v61, $0x1;
	vm1 =	vgt.s32 v35, $0x1  }
0x12e: {  	vm1 =	vmand vm1, vm0;
	_ =	sdelay $0x2  }
0x12f: {  	[tilespmem:v32+s7+$0x0] =	vst.idx.add.s32.msk vm3, v1  }
0x130: {  	[tilespmem:v60+s7+$0x0] =	vst.idx.add.s32.msk vm14, v1  }
0x131: {  	[tilespmem:v61+s7+$0x0] =	vst.idx.add.s32.msk vm2, v1  }
0x132: {  	[tilespmem:v35+s7+$0x0] =	vst.idx.add.s32.msk vm1, v1  }
0x133: {  	v62 =	vld.idx.msk [tilespmem:v32+s7+$0x0], $0xffff;
	_ =	sdelay $0x1  }
0x134: {  	[tilespmem:v32+s7+$0x0] =	vst.idx.msk vm3, v0  }
0x135: {  	v63 =	vld.idx.msk [tilespmem:v60+s7+$0x0], $0xffff;
	_ =	sdelay $0x1  }
0x136: {  	v32 =	vsub.s32 $0x3FF, v32;
	[tilespmem:v60+s7+$0x0] =	vst.idx.msk vm14, v0;
	v36 =	vshll.u32 v62, $0xA  }
0x137: {  	v40 =	vld.idx.msk [tilespmem:v61+s7+$0x0], $0xffff;
	v32 =	vor.u32 v32, v36  }
0x138: {  	vm15 =	vgt.s32 v32, $0x0  }
0x139: {  	v33 =	vsub.s32 $0x3FF, v60;
	[tilespmem:v61+s7+$0x0] =	vst.idx.msk vm2, v0;
	v37 =	vshll.u32 v63, $0xA;
	v32 =	vnsel vm15, $0x0, v32  }
0x13a: {  	v41 =	vld.idx.msk [tilespmem:v35+s7+$0x0], $0xffff;
	v33 =	vor.u32 v33, v37;
	v32 =	vnsel vm3, $0x0, v32  }
0x13b: {  	vm3 =	vgt.s32 v32, v33  }
0x13c: {  	v34 =	vsub.s32 $0x3FF, v61;
	v36 =	vshll.u32 v40, $0xA;
	v33 =	vsel vm3, v32, v33  }
0x13d: {  	v42 =	vor.u32 v34, v36;
	v32 =	vsel vm14, v33, v32  }
0x13e: {  	vm3 =	vgt.s32 v32, v42  }
0x13f: {  	v44 =	vsub.s32 $0x3FF, v35;
	v43 =	vshll.u32 v41, $0xA;
	v33 =	vsel vm3, v32, v42  }
0x140: {  	v45 =	vor.u32 v44, v43;
	v32 =	vsel vm2, v33, v32  }
0x141: {  	vm2 =	vgt.s32 v32, v45  }
0x142: {  	v33 =	vsel vm2, v32, v45  }
0x143: {  	v32 =	vsel vm1, v33, v32  }
0x144: {  	v32 =	vxor.u32 $0x80000000, v32  }
0x145: {  	(xrf0) =	vmax.scan.msk.u32 $0xffff, v32;
	_ =	sdelay $0x5  }
0x146: {  	v32, _, _ =	vpop (xrf0)  }
0x147: {  	(v2sf) =	vpush v32, $0xF;
	_ =	sdelay $0xe  }
0x148: {  	s17 =	spop (v2sf)  }
0x149: {  	s18 =	sxor.u32 $0xFFFFFFFF, s17  }
0x14a: {  	p0 =	sgt.u32 s17, $0x800003FF;
	s11 =	sand.u32 $0x3FF, s18  }
0x14b: {  	s11 =	simm.s32 @!p0 $0x1  }
0x14c: {  	[tilespmem:v35+s7+$0x0] =	vst.idx.msk vm1, v0;
	v46 =	vmov s11  }
0x14d: {  	[tilespmem:v8+s8+$0x0] =	vst.idx.msk $0x1, v46  }
0x14e: {  	v32 =	vld [tilespmem:$0x400]  }
0x14f: {  	v47 =	vld [tilespmem:$0x410]  }
0x150: {  	v48 =	vld [tilespmem:$0x420]  }
0x151: {  	v35 =	vld [tilespmem:$0x422];
	_ =	sdelay $0x2  }
0x152: {  	vm3 =	vgt.s32 v32, $0x1  }
0x153: {  	vm8 =	vgt.s32 v47, $0x1  }
0x154: {  	vm2 =	vgt.s32 v48, $0x1;
	vm1 =	vgt.s32 v35, $0x1  }
0x155: {  	vm1 =	vmand vm1, vm0;
	_ =	sdelay $0x2  }
0x156: {  	[tilespmem:v32+s7+$0x0] =	vst.idx.add.s32.msk vm3, v1  }
0x157: {  	[tilespmem:v47+s7+$0x0] =	vst.idx.add.s32.msk vm8, v1  }
0x158: {  	[tilespmem:v48+s7+$0x0] =	vst.idx.add.s32.msk vm2, v1  }
0x159: {  	[tilespmem:v35+s7+$0x0] =	vst.idx.add.s32.msk vm1, v1  }
0x15a: {  	v49 =	vld.idx.msk [tilespmem:v32+s7+$0x0], $0xffff;
	_ =	sdelay $0x1  }
0x15b: {  	[tilespmem:v32+s7+$0x0] =	vst.idx.msk vm3, v0  }
0x15c: {  	v50 =	vld.idx.msk [tilespmem:v47+s7+$0x0], $0xffff;
	_ =	sdelay $0x1  }
0x15d: {  	v32 =	vsub.s32 $0x3FF, v32;
	[tilespmem:v47+s7+$0x0] =	vst.idx.msk vm8, v0;
	v36 =	vshll.u32 v49, $0xA  }
0x15e: {  	v51 =	vld.idx.msk [tilespmem:v48+s7+$0x0], $0xffff;
	v32 =	vor.u32 v32, v36  }
0x15f: {  	vm9 =	vgt.s32 v32, $0x0  }
0x160: {  	v33 =	vsub.s32 $0x3FF, v47;
	[tilespmem:v48+s7+$0x0] =	vst.idx.msk vm2, v0;
	v37 =	vshll.u32 v50, $0xA;
	v32 =	vnsel vm9, $0x0, v32  }
0x161: {  	v52 =	vld.idx.msk [tilespmem:v35+s7+$0x0], $0xffff;
	v33 =	vor.u32 v33, v37;
	v32 =	vnsel vm3, $0x0, v32  }
0x162: {  	vm3 =	vgt.s32 v32, v33  }
0x163: {  	v34 =	vsub.s32 $0x3FF, v48;
	v36 =	vshll.u32 v51, $0xA;
	v33 =	vsel vm3, v32, v33  }
0x164: {  	v53 =	vor.u32 v34, v36;
	v32 =	vsel vm8, v33, v32  }
0x165: {  	vm3 =	vgt.s32 v32, v53  }
0x166: {  	v55 =	vsub.s32 $0x3FF, v35;
	v54 =	vshll.u32 v52, $0xA;
	v33 =	vsel vm3, v32, v53  }
0x167: {  	v56 =	vor.u32 v55, v54;
	v32 =	vsel vm2, v33, v32  }
0x168: {  	vm2 =	vgt.s32 v32, v56  }
0x169: {  	v33 =	vsel vm2, v32, v56  }
0x16a: {  	v32 =	vsel vm1, v33, v32  }
0x16b: {  	v32 =	vxor.u32 $0x80000000, v32  }
0x16c: {  	(xrf0) =	vmax.scan.msk.u32 $0xffff, v32;
	_ =	sdelay $0x5  }
0x16d: {  	v32, _, _ =	vpop (xrf0)  }
0x16e: {  	(v2sf) =	vpush v32, $0xF;
	_ =	sdelay $0xe  }
0x16f: {  	s19 =	spop (v2sf)  }
0x170: {  	s20 =	sxor.u32 $0xFFFFFFFF, s19  }
0x171: {  	p0 =	sgt.u32 s19, $0x800003FF;
	s11 =	sand.u32 $0x3FF, s20  }
0x172: {  	s11 =	simm.s32 @!p0 $0x1  }
0x173: {  	[tilespmem:v35+s7+$0x0] =	vst.idx.msk vm1, v0;
	v57 =	vmov s11  }
0x174: {  	[tilespmem:v9+s8+$0x0] =	vst.idx.msk $0x1, v57  }
0x175: {  	v32 =	vld [tilespmem:$0x480]  }
0x176: {  	v58 =	vld [tilespmem:$0x490]  }
0x177: {  	v59 =	vld [tilespmem:$0x4A0]  }
0x178: {  	v35 =	vld [tilespmem:$0x4A2];
	_ =	sdelay $0x2  }
0x179: {  	vm3 =	vgt.s32 v32, $0x1  }
0x17a: {  	vm10 =	vgt.s32 v58, $0x1  }
0x17b: {  	vm2 =	vgt.s32 v59, $0x1;
	vm1 =	vgt.s32 v35, $0x1  }
0x17c: {  	vm1 =	vmand vm1, vm0;
	_ =	sdelay $0x2  }
0x17d: {  	[tilespmem:v32+s7+$0x0] =	vst.idx.add.s32.msk vm3, v1  }
0x17e: {  	[tilespmem:v58+s7+$0x0] =	vst.idx.add.s32.msk vm10, v1  }
0x17f: {  	[tilespmem:v59+s7+$0x0] =	vst.idx.add.s32.msk vm2, v1  }
0x180: {  	[tilespmem:v35+s7+$0x0] =	vst.idx.add.s32.msk vm1, v1  }
0x181: {  	v60 =	vld.idx.msk [tilespmem:v32+s7+$0x0], $0xffff;
	_ =	sdelay $0x1  }
0x182: {  	[tilespmem:v32+s7+$0x0] =	vst.idx.msk vm3, v0  }
0x183: {  	v61 =	vld.idx.msk [tilespmem:v58+s7+$0x0], $0xffff;
	_ =	sdelay $0x1  }
0x184: {  	v32 =	vsub.s32 $0x3FF, v32;
	[tilespmem:v58+s7+$0x0] =	vst.idx.msk vm10, v0;
	v36 =	vshll.u32 v60, $0xA  }
0x185: {  	v62 =	vld.idx.msk [tilespmem:v59+s7+$0x0], $0xffff;
	v32 =	vor.u32 v32, v36  }
0x186: {  	vm11 =	vgt.s32 v32, $0x0  }
0x187: {  	v33 =	vsub.s32 $0x3FF, v58;
	[tilespmem:v59+s7+$0x0] =	vst.idx.msk vm2, v0;
	v37 =	vshll.u32 v61, $0xA;
	v32 =	vnsel vm11, $0x0, v32  }
0x188: {  	v63 =	vld.idx.msk [tilespmem:v35+s7+$0x0], $0xffff;
	v33 =	vor.u32 v33, v37;
	v32 =	vnsel vm3, $0x0, v32  }
0x189: {  	vm3 =	vgt.s32 v32, v33  }
0x18a: {  	v34 =	vsub.s32 $0x3FF, v59;
	v36 =	vshll.u32 v62, $0xA;
	v33 =	vsel vm3, v32, v33  }
0x18b: {  	v39 =	vor.u32 v34, v36;
	v32 =	vsel vm10, v33, v32  }
0x18c: {  	vm3 =	vgt.s32 v32, v39  }
0x18d: {  	v41 =	vsub.s32 $0x3FF, v35;
	v40 =	vshll.u32 v63, $0xA;
	v33 =	vsel vm3, v32, v39  }
0x18e: {  	v42 =	vor.u32 v41, v40;
	v32 =	vsel vm2, v33, v32  }
0x18f: {  	vm2 =	vgt.s32 v32, v42  }
0x190: {  	v33 =	vsel vm2, v32, v42  }
0x191: {  	v32 =	vsel vm1, v33, v32  }
0x192: {  	v32 =	vxor.u32 $0x80000000, v32  }
0x193: {  	(xrf0) =	vmax.scan.msk.u32 $0xffff, v32;
	_ =	sdelay $0x5  }
0x194: {  	v32, _, _ =	vpop (xrf0)  }
0x195: {  	(v2sf) =	vpush v32, $0xF;
	_ =	sdelay $0xe  }
0x196: {  	s21 =	spop (v2sf)  }
0x197: {  	s22 =	sxor.u32 $0xFFFFFFFF, s21  }
0x198: {  	p0 =	sgt.u32 s21, $0x800003FF;
	s11 =	sand.u32 $0x3FF, s22  }
0x199: {  	s11 =	simm.s32 @!p0 $0x1  }
0x19a: {  	[tilespmem:v35+s7+$0x0] =	vst.idx.msk vm1, v0;
	v43 =	vmov s11  }
0x19b: {  	[tilespmem:v10+s8+$0x0] =	vst.idx.msk $0x1, v43  }
0x19c: {  	v32 =	vld [tilespmem:$0x500]  }
0x19d: {  	v44 =	vld [tilespmem:$0x510]  }
0x19e: {  	v45 =	vld [tilespmem:$0x520]  }
0x19f: {  	v35 =	vld [tilespmem:$0x522];
	_ =	sdelay $0x2  }
0x1a0: {  	vm3 =	vgt.s32 v32, $0x1  }
0x1a1: {  	vm12 =	vgt.s32 v44, $0x1  }
0x1a2: {  	vm2 =	vgt.s32 v45, $0x1;
	vm1 =	vgt.s32 v35, $0x1  }
0x1a3: {  	vm1 =	vmand vm1, vm0;
	_ =	sdelay $0x2  }
0x1a4: {  	[tilespmem:v32+s7+$0x0] =	vst.idx.add.s32.msk vm3, v1  }
0x1a5: {  	[tilespmem:v44+s7+$0x0] =	vst.idx.add.s32.msk vm12, v1  }
0x1a6: {  	[tilespmem:v45+s7+$0x0] =	vst.idx.add.s32.msk vm2, v1  }
0x1a7: {  	[tilespmem:v35+s7+$0x0] =	vst.idx.add.s32.msk vm1, v1  }
0x1a8: {  	v46 =	vld.idx.msk [tilespmem:v32+s7+$0x0], $0xffff;
	_ =	sdelay $0x1  }
0x1a9: {  	[tilespmem:v32+s7+$0x0] =	vst.idx.msk vm3, v0  }
0x1aa: {  	v47 =	vld.idx.msk [tilespmem:v44+s7+$0x0], $0xffff;
	_ =	sdelay $0x1  }
0x1ab: {  	v32 =	vsub.s32 $0x3FF, v32;
	[tilespmem:v44+s7+$0x0] =	vst.idx.msk vm12, v0;
	v36 =	vshll.u32 v46, $0xA  }
0x1ac: {  	v48 =	vld.idx.msk [tilespmem:v45+s7+$0x0], $0xffff;
	v32 =	vor.u32 v32, v36  }
0x1ad: {  	vm13 =	vgt.s32 v32, $0x0  }
0x1ae: {  	v33 =	vsub.s32 $0x3FF, v44;
	[tilespmem:v45+s7+$0x0] =	vst.idx.msk vm2, v0;
	v37 =	vshll.u32 v47, $0xA;
	v32 =	vnsel vm13, $0x0, v32  }
0x1af: {  	v49 =	vld.idx.msk [tilespmem:v35+s7+$0x0], $0xffff;
	v33 =	vor.u32 v33, v37;
	v32 =	vnsel vm3, $0x0, v32  }
0x1b0: {  	vm3 =	vgt.s32 v32, v33  }
0x1b1: {  	v34 =	vsub.s32 $0x3FF, v45;
	v36 =	vshll.u32 v48, $0xA;
	v33 =	vsel vm3, v32, v33  }
0x1b2: {  	v50 =	vor.u32 v34, v36;
	v32 =	vsel vm12, v33, v32  }
0x1b3: {  	vm3 =	vgt.s32 v32, v50  }
0x1b4: {  	v52 =	vsub.s32 $0x3FF, v35;
	v51 =	vshll.u32 v49, $0xA;
	v33 =	vsel vm3, v32, v50  }
0x1b5: {  	v53 =	vor.u32 v52, v51;
	v32 =	vsel vm2, v33, v32  }
0x1b6: {  	vm2 =	vgt.s32 v32, v53  }
0x1b7: {  	v33 =	vsel vm2, v32, v53  }
0x1b8: {  	v32 =	vsel vm1, v33, v32  }
0x1b9: {  	v32 =	vxor.u32 $0x80000000, v32  }
0x1ba: {  	(xrf0) =	vmax.scan.msk.u32 $0xffff, v32;
	_ =	sdelay $0x5  }
0x1bb: {  	v32, _, _ =	vpop (xrf0)  }
0x1bc: {  	(v2sf) =	vpush v32, $0xF;
	_ =	sdelay $0xe  }
0x1bd: {  	s23 =	spop (v2sf)  }
0x1be: {  	s24 =	sxor.u32 $0xFFFFFFFF, s23  }
0x1bf: {  	p0 =	sgt.u32 s23, $0x800003FF;
	s11 =	sand.u32 $0x3FF, s24  }
0x1c0: {  	s11 =	simm.s32 @!p0 $0x1  }
0x1c1: {  	[tilespmem:v35+s7+$0x0] =	vst.idx.msk vm1, v0;
	v54 =	vmov s11  }
0x1c2: {  	[tilespmem:v2+s8+$0x0] =	vst.idx.msk $0x1, v54  }
0x1c3: {  	v32 =	vld [tilespmem:$0x580]  }
0x1c4: {  	v55 =	vld [tilespmem:$0x590]  }
0x1c5: {  	v56 =	vld [tilespmem:$0x5A0]  }
0x1c6: {  	v35 =	vld [tilespmem:$0x5A2];
	_ =	sdelay $0x2  }
0x1c7: {  	vm3 =	vgt.s32 v32, $0x1  }
0x1c8: {  	vm14 =	vgt.s32 v55, $0x1  }
0x1c9: {  	vm2 =	vgt.s32 v56, $0x1;
	vm1 =	vgt.s32 v35, $0x1  }
0x1ca: {  	vm1 =	vmand vm1, vm0;
	_ =	sdelay $0x2  }
0x1cb: {  	[tilespmem:v32+s7+$0x0] =	vst.idx.add.s32.msk vm3, v1  }
0x1cc: {  	[tilespmem:v55+s7+$0x0] =	vst.idx.add.s32.msk vm14, v1  }
0x1cd: {  	[tilespmem:v56+s7+$0x0] =	vst.idx.add.s32.msk vm2, v1  }
0x1ce: {  	[tilespmem:v35+s7+$0x0] =	vst.idx.add.s32.msk vm1, v1  }
0x1cf: {  	v57 =	vld.idx.msk [tilespmem:v32+s7+$0x0], $0xffff;
	_ =	sdelay $0x1  }
0x1d0: {  	[tilespmem:v32+s7+$0x0] =	vst.idx.msk vm3, v0  }
0x1d1: {  	v58 =	vld.idx.msk [tilespmem:v55+s7+$0x0], $0xffff;
	_ =	sdelay $0x1  }
0x1d2: {  	v32 =	vsub.s32 $0x3FF, v32;
	[tilespmem:v55+s7+$0x0] =	vst.idx.msk vm14, v0;
	v36 =	vshll.u32 v57, $0xA  }
0x1d3: {  	v59 =	vld.idx.msk [tilespmem:v56+s7+$0x0], $0xffff;
	v32 =	vor.u32 v32, v36  }
0x1d4: {  	vm15 =	vgt.s32 v32, $0x0  }
0x1d5: {  	v33 =	vsub.s32 $0x3FF, v55;
	[tilespmem:v56+s7+$0x0] =	vst.idx.msk vm2, v0;
	v37 =	vshll.u32 v58, $0xA;
	v32 =	vnsel vm15, $0x0, v32  }
0x1d6: {  	v60 =	vld.idx.msk [tilespmem:v35+s7+$0x0], $0xffff;
	v33 =	vor.u32 v33, v37;
	v32 =	vnsel vm3, $0x0, v32  }
0x1d7: {  	vm3 =	vgt.s32 v32, v33  }
0x1d8: {  	v34 =	vsub.s32 $0x3FF, v56;
	v36 =	vshll.u32 v59, $0xA;
	v33 =	vsel vm3, v32, v33  }
0x1d9: {  	v61 =	vor.u32 v34, v36;
	v32 =	vsel vm14, v33, v32  }
0x1da: {  	vm3 =	vgt.s32 v32, v61  }
0x1db: {  	v63 =	vsub.s32 $0x3FF, v35;
	v62 =	vshll.u32 v60, $0xA;
	v33 =	vsel vm3, v32, v61  }
0x1dc: {  	v38 =	vor.u32 v63, v62;
	v32 =	vsel vm2, v33, v32  }
0x1dd: {  	vm2 =	vgt.s32 v32, v38  }
0x1de: {  	v33 =	vsel vm2, v32, v38  }
0x1df: {  	v32 =	vsel vm1, v33, v32  }
0x1e0: {  	v32 =	vxor.u32 $0x80000000, v32  }
0x1e1: {  	(xrf0) =	vmax.scan.msk.u32 $0xffff, v32;
	_ =	sdelay $0x5  }
0x1e2: {  	v32, _, _ =	vpop (xrf0)  }
0x1e3: {  	(v2sf) =	vpush v32, $0xF;
	_ =	sdelay $0xe  }
0x1e4: {  	s25 =	spop (v2sf)  }
0x1e5: {  	s26 =	sxor.u32 $0xFFFFFFFF, s25  }
0x1e6: {  	p0 =	sgt.u32 s25, $0x800003FF;
	s11 =	sand.u32 $0x3FF, s26  }
0x1e7: {  	s11 =	simm.s32 @!p0 $0x1  }
0x1e8: {  	[tilespmem:v35+s7+$0x0] =	vst.idx.msk vm1, v0;
	v39 =	vmov s11  }
0x1e9: {  	[tilespmem:v11+s8+$0x0] =	vst.idx.msk $0x1, v39  }
0x1ea: {  	v32 =	vld [tilespmem:$0x600]  }
0x1eb: {  	v40 =	vld [tilespmem:$0x610]  }
0x1ec: {  	v41 =	vld [tilespmem:$0x620]  }
0x1ed: {  	v35 =	vld [tilespmem:$0x622];
	_ =	sdelay $0x2  }
0x1ee: {  	vm3 =	vgt.s32 v32, $0x1  }
0x1ef: {  	vm8 =	vgt.s32 v40, $0x1  }
0x1f0: {  	vm2 =	vgt.s32 v41, $0x1;
	vm1 =	vgt.s32 v35, $0x1  }
0x1f1: {  	vm1 =	vmand vm1, vm0;
	_ =	sdelay $0x2  }
0x1f2: {  	[tilespmem:v32+s7+$0x0] =	vst.idx.add.s32.msk vm3, v1  }
0x1f3: {  	[tilespmem:v40+s7+$0x0] =	vst.idx.add.s32.msk vm8, v1  }
0x1f4: {  	[tilespmem:v41+s7+$0x0] =	vst.idx.add.s32.msk vm2, v1  }
0x1f5: {  	[tilespmem:v35+s7+$0x0] =	vst.idx.add.s32.msk vm1, v1  }
0x1f6: {  	v42 =	vld.idx.msk [tilespmem:v32+s7+$0x0], $0xffff;
	_ =	sdelay $0x1  }
0x1f7: {  	[tilespmem:v32+s7+$0x0] =	vst.idx.msk vm3, v0  }
0x1f8: {  	v43 =	vld.idx.msk [tilespmem:v40+s7+$0x0], $0xffff;
	_ =	sdelay $0x1  }
0x1f9: {  	v32 =	vsub.s32 $0x3FF, v32;
	[tilespmem:v40+s7+$0x0] =	vst.idx.msk vm8, v0;
	v36 =	vshll.u32 v42, $0xA  }
0x1fa: {  	v44 =	vld.idx.msk [tilespmem:v41+s7+$0x0], $0xffff;
	v32 =	vor.u32 v32, v36  }
0x1fb: {  	vm9 =	vgt.s32 v32, $0x0  }
0x1fc: {  	v33 =	vsub.s32 $0x3FF, v40;
	[tilespmem:v41+s7+$0x0] =	vst.idx.msk vm2, v0;
	v37 =	vshll.u32 v43, $0xA;
	v32 =	vnsel vm9, $0x0, v32  }
0x1fd: {  	v45 =	vld.idx.msk [tilespmem:v35+s7+$0x0], $0xffff;
	v33 =	vor.u32 v33, v37;
	v32 =	vnsel vm3, $0x0, v32  }
0x1fe: {  	vm3 =	vgt.s32 v32, v33  }
0x1ff: {  	v34 =	vsub.s32 $0x3FF, v41;
	v36 =	vshll.u32 v44, $0xA;
	v33 =	vsel vm3, v32, v33  }
0x200: {  	v46 =	vor.u32 v34, v36;
	v32 =	vsel vm8, v33, v32  }
0x201: {  	vm3 =	vgt.s32 v32, v46  }
0x202: {  	v48 =	vsub.s32 $0x3FF, v35;
	v47 =	vshll.u32 v45, $0xA;
	v33 =	vsel vm3, v32, v46  }
0x203: {  	v49 =	vor.u32 v48, v47;
	v32 =	vsel vm2, v33, v32  }
0x204: {  	vm2 =	vgt.s32 v32, v49  }
0x205: {  	v33 =	vsel vm2, v32, v49  }
0x206: {  	v32 =	vsel vm1, v33, v32  }
0x207: {  	v32 =	vxor.u32 $0x80000000, v32  }
0x208: {  	(xrf0) =	vmax.scan.msk.u32 $0xffff, v32;
	_ =	sdelay $0x5  }
0x209: {  	v32, _, _ =	vpop (xrf0)  }
0x20a: {  	(v2sf) =	vpush v32, $0xF;
	_ =	sdelay $0xe  }
0x20b: {  	s28 =	spop (v2sf)  }
0x20c: {  	s29 =	sxor.u32 $0xFFFFFFFF, s28  }
0x20d: {  	p0 =	sgt.u32 s28, $0x800003FF;
	s11 =	sand.u32 $0x3FF, s29  }
0x20e: {  	s11 =	simm.s32 @!p0 $0x1  }
0x20f: {  	[tilespmem:v35+s7+$0x0] =	vst.idx.msk vm1, v0;
	v50 =	vmov s11  }
0x210: {  	[tilespmem:v12+s8+$0x0] =	vst.idx.msk $0x1, v50  }
0x211: {  	v32 =	vld [tilespmem:$0x680]  }
0x212: {  	v51 =	vld [tilespmem:$0x690]  }
0x213: {  	v52 =	vld [tilespmem:$0x6A0]  }
0x214: {  	v35 =	vld [tilespmem:$0x6A2];
	_ =	sdelay $0x2  }
0x215: {  	vm3 =	vgt.s32 v32, $0x1  }
0x216: {  	vm10 =	vgt.s32 v51, $0x1  }
0x217: {  	vm2 =	vgt.s32 v52, $0x1;
	vm1 =	vgt.s32 v35, $0x1  }
0x218: {  	vm1 =	vmand vm1, vm0;
	_ =	sdelay $0x2  }
0x219: {  	[tilespmem:v32+s7+$0x0] =	vst.idx.add.s32.msk vm3, v1  }
0x21a: {  	[tilespmem:v51+s7+$0x0] =	vst.idx.add.s32.msk vm10, v1  }
0x21b: {  	[tilespmem:v52+s7+$0x0] =	vst.idx.add.s32.msk vm2, v1  }
0x21c: {  	[tilespmem:v35+s7+$0x0] =	vst.idx.add.s32.msk vm1, v1  }
0x21d: {  	v53 =	vld.idx.msk [tilespmem:v32+s7+$0x0], $0xffff;
	_ =	sdelay $0x1  }
0x21e: {  	[tilespmem:v32+s7+$0x0] =	vst.idx.msk vm3, v0  }
0x21f: {  	v54 =	vld.idx.msk [tilespmem:v51+s7+$0x0], $0xffff;
	_ =	sdelay $0x1  }
0x220: {  	v32 =	vsub.s32 $0x3FF, v32;
	[tilespmem:v51+s7+$0x0] =	vst.idx.msk vm10, v0;
	v36 =	vshll.u32 v53, $0xA  }
0x221: {  	v55 =	vld.idx.msk [tilespmem:v52+s7+$0x0], $0xffff;
	v32 =	vor.u32 v32, v36  }
0x222: {  	vm11 =	vgt.s32 v32, $0x0  }
0x223: {  	v33 =	vsub.s32 $0x3FF, v51;
	[tilespmem:v52+s7+$0x0] =	vst.idx.msk vm2, v0;
	v37 =	vshll.u32 v54, $0xA;
	v32 =	vnsel vm11, $0x0, v32  }
0x224: {  	v56 =	vld.idx.msk [tilespmem:v35+s7+$0x0], $0xffff;
	v33 =	vor.u32 v33, v37;
	v32 =	vnsel vm3, $0x0, v32  }
0x225: {  	vm3 =	vgt.s32 v32, v33  }
0x226: {  	v34 =	vsub.s32 $0x3FF, v52;
	v36 =	vshll.u32 v55, $0xA;
	v33 =	vsel vm3, v32, v33  }
0x227: {  	v57 =	vor.u32 v34, v36;
	v32 =	vsel vm10, v33, v32  }
0x228: {  	vm3 =	vgt.s32 v32, v57  }
0x229: {  	v59 =	vsub.s32 $0x3FF, v35;
	v58 =	vshll.u32 v56, $0xA;
	v33 =	vsel vm3, v32, v57  }
0x22a: {  	v60 =	vor.u32 v59, v58;
	v32 =	vsel vm2, v33, v32  }
0x22b: {  	vm2 =	vgt.s32 v32, v60  }
0x22c: {  	v33 =	vsel vm2, v32, v60  }
0x22d: {  	v32 =	vsel vm1, v33, v32  }
0x22e: {  	v32 =	vxor.u32 $0x80000000, v32  }
0x22f: {  	(xrf0) =	vmax.scan.msk.u32 $0xffff, v32;
	_ =	sdelay $0x5  }
0x230: {  	v32, _, _ =	vpop (xrf0)  }
0x231: {  	(v2sf) =	vpush v32, $0xF;
	_ =	sdelay $0xe  }
0x232: {  	s30 =	spop (v2sf)  }
0x233: {  	s31 =	sxor.u32 $0xFFFFFFFF, s30  }
0x234: {  	p0 =	sgt.u32 s30, $0x800003FF;
	s11 =	sand.u32 $0x3FF, s31  }
0x235: {  	s11 =	simm.s32 @!p0 $0x1  }
0x236: {  	[tilespmem:v35+s7+$0x0] =	vst.idx.msk vm1, v0;
	v61 =	vmov s11  }
0x237: {  	[tilespmem:v13+s8+$0x0] =	vst.idx.msk $0x1, v61  }
0x238: {  	v32 =	vld [tilespmem:$0x700]  }
0x239: {  	v62 =	vld [tilespmem:$0x710]  }
0x23a: {  	v63 =	vld [tilespmem:$0x720]  }
0x23b: {  	v35 =	vld [tilespmem:$0x722];
	_ =	sdelay $0x2  }
0x23c: {  	vm3 =	vgt.s32 v32, $0x1  }
0x23d: {  	vm12 =	vgt.s32 v62, $0x1  }
0x23e: {  	vm2 =	vgt.s32 v63, $0x1;
	vm1 =	vgt.s32 v35, $0x1  }
0x23f: {  	vm1 =	vmand vm1, vm0;
	_ =	sdelay $0x2  }
0x240: {  	[tilespmem:v32+s7+$0x0] =	vst.idx.add.s32.msk vm3, v1  }
0x241: {  	[tilespmem:v62+s7+$0x0] =	vst.idx.add.s32.msk vm12, v1  }
0x242: {  	[tilespmem:v63+s7+$0x0] =	vst.idx.add.s32.msk vm2, v1  }
0x243: {  	[tilespmem:v35+s7+$0x0] =	vst.idx.add.s32.msk vm1, v1  }
0x244: {  	v40 =	vld.idx.msk [tilespmem:v32+s7+$0x0], $0xffff;
	_ =	sdelay $0x1  }
0x245: {  	[tilespmem:v32+s7+$0x0] =	vst.idx.msk vm3, v0  }
0x246: {  	v41 =	vld.idx.msk [tilespmem:v62+s7+$0x0], $0xffff;
	_ =	sdelay $0x1  }
0x247: {  	v32 =	vsub.s32 $0x3FF, v32;
	[tilespmem:v62+s7+$0x0] =	vst.idx.msk vm12, v0;
	v36 =	vshll.u32 v40, $0xA  }
0x248: {  	v42 =	vld.idx.msk [tilespmem:v63+s7+$0x0], $0xffff;
	v32 =	vor.u32 v32, v36  }
0x249: {  	vm13 =	vgt.s32 v32, $0x0  }
0x24a: {  	v33 =	vsub.s32 $0x3FF, v62;
	[tilespmem:v63+s7+$0x0] =	vst.idx.msk vm2, v0;
	v37 =	vshll.u32 v41, $0xA;
	v32 =	vnsel vm13, $0x0, v32  }
0x24b: {  	v43 =	vld.idx.msk [tilespmem:v35+s7+$0x0], $0xffff;
	v33 =	vor.u32 v33, v37;
	v32 =	vnsel vm3, $0x0, v32  }
0x24c: {  	vm3 =	vgt.s32 v32, v33  }
0x24d: {  	v34 =	vsub.s32 $0x3FF, v63;
	v36 =	vshll.u32 v42, $0xA;
	v33 =	vsel vm3, v32, v33  }
0x24e: {  	v44 =	vor.u32 v34, v36;
	v32 =	vsel vm12, v33, v32  }
0x24f: {  	vm3 =	vgt.s32 v32, v44  }
0x250: {  	v46 =	vsub.s32 $0x3FF, v35;
	v45 =	vshll.u32 v43, $0xA;
	v33 =	vsel vm3, v32, v44  }
0x251: {  	v47 =	vor.u32 v46, v45;
	v32 =	vsel vm2, v33, v32  }
0x252: {  	vm2 =	vgt.s32 v32, v47  }
0x253: {  	v33 =	vsel vm2, v32, v47  }
0x254: {  	v32 =	vsel vm1, v33, v32  }
0x255: {  	v32 =	vxor.u32 $0x80000000, v32  }
0x256: {  	(xrf0) =	vmax.scan.msk.u32 $0xffff, v32;
	_ =	sdelay $0x5  }
0x257: {  	v32, _, _ =	vpop (xrf0)  }
0x258: {  	(v2sf) =	vpush v32, $0xF;
	_ =	sdelay $0xe  }
0x259: {  	s13 =	spop (v2sf)  }
0x25a: {  	s14 =	sxor.u32 $0xFFFFFFFF, s13  }
0x25b: {  	p0 =	sgt.u32 s13, $0x800003FF;
	s11 =	sand.u32 $0x3FF, s14  }
0x25c: {  	s11 =	simm.s32 @!p0 $0x1  }
0x25d: {  	[tilespmem:v35+s7+$0x0] =	vst.idx.msk vm1, v0;
	v48 =	vmov s11  }
0x25e: {  	[tilespmem:v14+s8+$0x0] =	vst.idx.msk $0x1, v48  }
0x25f: {  	v32 =	vld [tilespmem:$0x780]  }
0x260: {  	v49 =	vld [tilespmem:$0x790]  }
0x261: {  	v50 =	vld [tilespmem:$0x7A0]  }
0x262: {  	v35 =	vld [tilespmem:$0x7A2];
	_ =	sdelay $0x2  }
0x263: {  	vm3 =	vgt.s32 v32, $0x1  }
0x264: {  	vm14 =	vgt.s32 v49, $0x1  }
0x265: {  	vm2 =	vgt.s32 v50, $0x1;
	vm1 =	vgt.s32 v35, $0x1  }
0x266: {  	vm1 =	vmand vm1, vm0;
	_ =	sdelay $0x2  }
0x267: {  	[tilespmem:v32+s7+$0x0] =	vst.idx.add.s32.msk vm3, v1  }
0x268: {  	[tilespmem:v49+s7+$0x0] =	vst.idx.add.s32.msk vm14, v1  }
0x269: {  	[tilespmem:v50+s7+$0x0] =	vst.idx.add.s32.msk vm2, v1  }
0x26a: {  	[tilespmem:v35+s7+$0x0] =	vst.idx.add.s32.msk vm1, v1  }
0x26b: {  	v51 =	vld.idx.msk [tilespmem:v32+s7+$0x0], $0xffff;
	_ =	sdelay $0x1  }
0x26c: {  	[tilespmem:v32+s7+$0x0] =	vst.idx.msk vm3, v0  }
0x26d: {  	v52 =	vld.idx.msk [tilespmem:v49+s7+$0x0], $0xffff;
	_ =	sdelay $0x1  }
0x26e: {  	v32 =	vsub.s32 $0x3FF, v32;
	[tilespmem:v49+s7+$0x0] =	vst.idx.msk vm14, v0;
	v36 =	vshll.u32 v51, $0xA  }
0x26f: {  	v53 =	vld.idx.msk [tilespmem:v50+s7+$0x0], $0xffff;
	v32 =	vor.u32 v32, v36  }
0x270: {  	vm15 =	vgt.s32 v32, $0x0  }
0x271: {  	v33 =	vsub.s32 $0x3FF, v49;
	[tilespmem:v50+s7+$0x0] =	vst.idx.msk vm2, v0;
	v37 =	vshll.u32 v52, $0xA;
	v32 =	vnsel vm15, $0x0, v32  }
0x272: {  	v54 =	vld.idx.msk [tilespmem:v35+s7+$0x0], $0xffff;
	v33 =	vor.u32 v33, v37;
	v32 =	vnsel vm3, $0x0, v32  }
0x273: {  	vm3 =	vgt.s32 v32, v33  }
0x274: {  	v34 =	vsub.s32 $0x3FF, v50;
	v36 =	vshll.u32 v53, $0xA;
	v33 =	vsel vm3, v32, v33  }
0x275: {  	v55 =	vor.u32 v34, v36;
	v32 =	vsel vm14, v33, v32  }
0x276: {  	vm3 =	vgt.s32 v32, v55  }
0x277: {  	v57 =	vsub.s32 $0x3FF, v35;
	v56 =	vshll.u32 v54, $0xA;
	v33 =	vsel vm3, v32, v55  }
0x278: {  	v58 =	vor.u32 v57, v56;
	v32 =	vsel vm2, v33, v32  }
0x279: {  	vm2 =	vgt.s32 v32, v58  }
0x27a: {  	v33 =	vsel vm2, v32, v58  }
0x27b: {  	v32 =	vsel vm1, v33, v32  }
0x27c: {  	v32 =	vxor.u32 $0x80000000, v32  }
0x27d: {  	(xrf0) =	vmax.scan.msk.u32 $0xffff, v32;
	_ =	sdelay $0x5  }
0x27e: {  	v32, _, _ =	vpop (xrf0)  }
0x27f: {  	(v2sf) =	vpush v32, $0xF;
	_ =	sdelay $0xe  }
0x280: {  	s15 =	spop (v2sf)  }
0x281: {  	s16 =	sxor.u32 $0xFFFFFFFF, s15  }
0x282: {  	p0 =	sgt.u32 s15, $0x800003FF;
	s11 =	sand.u32 $0x3FF, s16  }
0x283: {  	s11 =	simm.s32 @!p0 $0x1  }
0x284: {  	[tilespmem:v35+s7+$0x0] =	vst.idx.msk vm1, v0;
	v59 =	vmov s11  }
0x285: {  	[tilespmem:v15+s8+$0x0] =	vst.idx.msk $0x1, v59  }
0x286: {  	v32 =	vld [tilespmem:$0x800]  }
0x287: {  	v60 =	vld [tilespmem:$0x810]  }
0x288: {  	v61 =	vld [tilespmem:$0x820]  }
0x289: {  	v35 =	vld [tilespmem:$0x822];
	_ =	sdelay $0x2  }
0x28a: {  	vm3 =	vgt.s32 v32, $0x1  }
0x28b: {  	vm8 =	vgt.s32 v60, $0x1  }
0x28c: {  	vm2 =	vgt.s32 v61, $0x1;
	vm1 =	vgt.s32 v35, $0x1  }
0x28d: {  	vm1 =	vmand vm1, vm0;
	_ =	sdelay $0x2  }
0x28e: {  	[tilespmem:v32+s7+$0x0] =	vst.idx.add.s32.msk vm3, v1  }
0x28f: {  	[tilespmem:v60+s7+$0x0] =	vst.idx.add.s32.msk vm8, v1  }
0x290: {  	[tilespmem:v61+s7+$0x0] =	vst.idx.add.s32.msk vm2, v1  }
0x291: {  	[tilespmem:v35+s7+$0x0] =	vst.idx.add.s32.msk vm1, v1  }
0x292: {  	v62 =	vld.idx.msk [tilespmem:v32+s7+$0x0], $0xffff;
	_ =	sdelay $0x1  }
0x293: {  	[tilespmem:v32+s7+$0x0] =	vst.idx.msk vm3, v0  }
0x294: {  	v63 =	vld.idx.msk [tilespmem:v60+s7+$0x0], $0xffff;
	_ =	sdelay $0x1  }
0x295: {  	v32 =	vsub.s32 $0x3FF, v32;
	[tilespmem:v60+s7+$0x0] =	vst.idx.msk vm8, v0;
	v36 =	vshll.u32 v62, $0xA  }
0x296: {  	v40 =	vld.idx.msk [tilespmem:v61+s7+$0x0], $0xffff;
	v32 =	vor.u32 v32, v36  }
0x297: {  	vm9 =	vgt.s32 v32, $0x0  }
0x298: {  	v33 =	vsub.s32 $0x3FF, v60;
	[tilespmem:v61+s7+$0x0] =	vst.idx.msk vm2, v0;
	v37 =	vshll.u32 v63, $0xA;
	v32 =	vnsel vm9, $0x0, v32  }
0x299: {  	v41 =	vld.idx.msk [tilespmem:v35+s7+$0x0], $0xffff;
	v33 =	vor.u32 v33, v37;
	v32 =	vnsel vm3, $0x0, v32  }
0x29a: {  	vm3 =	vgt.s32 v32, v33  }
0x29b: {  	v34 =	vsub.s32 $0x3FF, v61;
	v36 =	vshll.u32 v40, $0xA;
	v33 =	vsel vm3, v32, v33  }
0x29c: {  	v42 =	vor.u32 v34, v36;
	v32 =	vsel vm8, v33, v32  }
0x29d: {  	vm3 =	vgt.s32 v32, v42  }
0x29e: {  	v44 =	vsub.s32 $0x3FF, v35;
	v43 =	vshll.u32 v41, $0xA;
	v33 =	vsel vm3, v32, v42  }
0x29f: {  	v45 =	vor.u32 v44, v43;
	v32 =	vsel vm2, v33, v32  }
0x2a0: {  	vm2 =	vgt.s32 v32, v45  }
0x2a1: {  	v33 =	vsel vm2, v32, v45  }
0x2a2: {  	v32 =	vsel vm1, v33, v32  }
0x2a3: {  	v32 =	vxor.u32 $0x80000000, v32  }
0x2a4: {  	(xrf0) =	vmax.scan.msk.u32 $0xffff, v32;
	_ =	sdelay $0x5  }
0x2a5: {  	v32, _, _ =	vpop (xrf0)  }
0x2a6: {  	(v2sf) =	vpush v32, $0xF;
	_ =	sdelay $0xe  }
0x2a7: {  	s17 =	spop (v2sf)  }
0x2a8: {  	s18 =	sxor.u32 $0xFFFFFFFF, s17  }
0x2a9: {  	p0 =	sgt.u32 s17, $0x800003FF;
	s11 =	sand.u32 $0x3FF, s18  }
0x2aa: {  	s11 =	simm.s32 @!p0 $0x1  }
0x2ab: {  	[tilespmem:v35+s7+$0x0] =	vst.idx.msk vm1, v0;
	v46 =	vmov s11  }
0x2ac: {  	[tilespmem:v16+s8+$0x0] =	vst.idx.msk $0x1, v46  }
0x2ad: {  	v32 =	vld [tilespmem:$0x880]  }
0x2ae: {  	v47 =	vld [tilespmem:$0x890]  }
0x2af: {  	v48 =	vld [tilespmem:$0x8A0]  }
0x2b0: {  	v35 =	vld [tilespmem:$0x8A2];
	_ =	sdelay $0x2  }
0x2b1: {  	vm3 =	vgt.s32 v32, $0x1  }
0x2b2: {  	vm10 =	vgt.s32 v47, $0x1  }
0x2b3: {  	vm2 =	vgt.s32 v48, $0x1;
	vm1 =	vgt.s32 v35, $0x1  }
0x2b4: {  	vm1 =	vmand vm1, vm0;
	_ =	sdelay $0x2  }
0x2b5: {  	[tilespmem:v32+s7+$0x0] =	vst.idx.add.s32.msk vm3, v1  }
0x2b6: {  	[tilespmem:v47+s7+$0x0] =	vst.idx.add.s32.msk vm10, v1  }
0x2b7: {  	[tilespmem:v48+s7+$0x0] =	vst.idx.add.s32.msk vm2, v1  }
0x2b8: {  	[tilespmem:v35+s7+$0x0] =	vst.idx.add.s32.msk vm1, v1  }
0x2b9: {  	v49 =	vld.idx.msk [tilespmem:v32+s7+$0x0], $0xffff;
	_ =	sdelay $0x1  }
0x2ba: {  	[tilespmem:v32+s7+$0x0] =	vst.idx.msk vm3, v0  }
0x2bb: {  	v50 =	vld.idx.msk [tilespmem:v47+s7+$0x0], $0xffff;
	_ =	sdelay $0x1  }
0x2bc: {  	v32 =	vsub.s32 $0x3FF, v32;
	[tilespmem:v47+s7+$0x0] =	vst.idx.msk vm10, v0;
	v36 =	vshll.u32 v49, $0xA  }
0x2bd: {  	v51 =	vld.idx.msk [tilespmem:v48+s7+$0x0], $0xffff;
	v32 =	vor.u32 v32, v36  }
0x2be: {  	vm11 =	vgt.s32 v32, $0x0  }
0x2bf: {  	v33 =	vsub.s32 $0x3FF, v47;
	[tilespmem:v48+s7+$0x0] =	vst.idx.msk vm2, v0;
	v37 =	vshll.u32 v50, $0xA;
	v32 =	vnsel vm11, $0x0, v32  }
0x2c0: {  	v52 =	vld.idx.msk [tilespmem:v35+s7+$0x0], $0xffff;
	v33 =	vor.u32 v33, v37;
	v32 =	vnsel vm3, $0x0, v32  }
0x2c1: {  	vm3 =	vgt.s32 v32, v33  }
0x2c2: {  	v34 =	vsub.s32 $0x3FF, v48;
	v36 =	vshll.u32 v51, $0xA;
	v33 =	vsel vm3, v32, v33  }
0x2c3: {  	v53 =	vor.u32 v34, v36;
	v32 =	vsel vm10, v33, v32  }
0x2c4: {  	vm3 =	vgt.s32 v32, v53  }
0x2c5: {  	v55 =	vsub.s32 $0x3FF, v35;
	v54 =	vshll.u32 v52, $0xA;
	v33 =	vsel vm3, v32, v53  }
0x2c6: {  	v56 =	vor.u32 v55, v54;
	v32 =	vsel vm2, v33, v32  }
0x2c7: {  	vm2 =	vgt.s32 v32, v56  }
0x2c8: {  	v33 =	vsel vm2, v32, v56  }
0x2c9: {  	v32 =	vsel vm1, v33, v32  }
0x2ca: {  	v32 =	vxor.u32 $0x80000000, v32  }
0x2cb: {  	(xrf0) =	vmax.scan.msk.u32 $0xffff, v32;
	_ =	sdelay $0x5  }
0x2cc: {  	v32, _, _ =	vpop (xrf0)  }
0x2cd: {  	(v2sf) =	vpush v32, $0xF;
	_ =	sdelay $0xe  }
0x2ce: {  	s19 =	spop (v2sf)  }
0x2cf: {  	s20 =	sxor.u32 $0xFFFFFFFF, s19  }
0x2d0: {  	p0 =	sgt.u32 s19, $0x800003FF;
	s11 =	sand.u32 $0x3FF, s20  }
0x2d1: {  	s11 =	simm.s32 @!p0 $0x1  }
0x2d2: {  	[tilespmem:v35+s7+$0x0] =	vst.idx.msk vm1, v0;
	v57 =	vmov s11  }
0x2d3: {  	[tilespmem:v17+s8+$0x0] =	vst.idx.msk $0x1, v57  }
0x2d4: {  	v32 =	vld [tilespmem:$0x900]  }
0x2d5: {  	v58 =	vld [tilespmem:$0x910]  }
0x2d6: {  	v59 =	vld [tilespmem:$0x920]  }
0x2d7: {  	v35 =	vld [tilespmem:$0x922];
	_ =	sdelay $0x2  }
0x2d8: {  	vm3 =	vgt.s32 v32, $0x1  }
0x2d9: {  	vm12 =	vgt.s32 v58, $0x1  }
0x2da: {  	vm2 =	vgt.s32 v59, $0x1;
	vm1 =	vgt.s32 v35, $0x1  }
0x2db: {  	vm1 =	vmand vm1, vm0;
	_ =	sdelay $0x2  }
0x2dc: {  	[tilespmem:v32+s7+$0x0] =	vst.idx.add.s32.msk vm3, v1  }
0x2dd: {  	[tilespmem:v58+s7+$0x0] =	vst.idx.add.s32.msk vm12, v1  }
0x2de: {  	[tilespmem:v59+s7+$0x0] =	vst.idx.add.s32.msk vm2, v1  }
0x2df: {  	[tilespmem:v35+s7+$0x0] =	vst.idx.add.s32.msk vm1, v1  }
0x2e0: {  	v60 =	vld.idx.msk [tilespmem:v32+s7+$0x0], $0xffff;
	_ =	sdelay $0x1  }
0x2e1: {  	[tilespmem:v32+s7+$0x0] =	vst.idx.msk vm3, v0  }
0x2e2: {  	v61 =	vld.idx.msk [tilespmem:v58+s7+$0x0], $0xffff;
	_ =	sdelay $0x1  }
0x2e3: {  	v32 =	vsub.s32 $0x3FF, v32;
	[tilespmem:v58+s7+$0x0] =	vst.idx.msk vm12, v0;
	v36 =	vshll.u32 v60, $0xA  }
0x2e4: {  	v62 =	vld.idx.msk [tilespmem:v59+s7+$0x0], $0xffff;
	v32 =	vor.u32 v32, v36  }
0x2e5: {  	vm13 =	vgt.s32 v32, $0x0  }
0x2e6: {  	v33 =	vsub.s32 $0x3FF, v58;
	[tilespmem:v59+s7+$0x0] =	vst.idx.msk vm2, v0;
	v37 =	vshll.u32 v61, $0xA;
	v32 =	vnsel vm13, $0x0, v32  }
0x2e7: {  	v63 =	vld.idx.msk [tilespmem:v35+s7+$0x0], $0xffff;
	v33 =	vor.u32 v33, v37;
	v32 =	vnsel vm3, $0x0, v32  }
0x2e8: {  	vm3 =	vgt.s32 v32, v33  }
0x2e9: {  	v34 =	vsub.s32 $0x3FF, v59;
	v36 =	vshll.u32 v62, $0xA;
	v33 =	vsel vm3, v32, v33  }
0x2ea: {  	v39 =	vor.u32 v34, v36;
	v32 =	vsel vm12, v33, v32  }
0x2eb: {  	vm3 =	vgt.s32 v32, v39  }
0x2ec: {  	v41 =	vsub.s32 $0x3FF, v35;
	v40 =	vshll.u32 v63, $0xA;
	v33 =	vsel vm3, v32, v39  }
0x2ed: {  	v42 =	vor.u32 v41, v40;
	v32 =	vsel vm2, v33, v32  }
0x2ee: {  	vm2 =	vgt.s32 v32, v42  }
0x2ef: {  	v33 =	vsel vm2, v32, v42  }
0x2f0: {  	v32 =	vsel vm1, v33, v32  }
0x2f1: {  	v32 =	vxor.u32 $0x80000000, v32  }
0x2f2: {  	(xrf0) =	vmax.scan.msk.u32 $0xffff, v32;
	_ =	sdelay $0x5  }
0x2f3: {  	v32, _, _ =	vpop (xrf0)  }
0x2f4: {  	(v2sf) =	vpush v32, $0xF;
	_ =	sdelay $0xe  }
0x2f5: {  	s21 =	spop (v2sf)  }
0x2f6: {  	s22 =	sxor.u32 $0xFFFFFFFF, s21  }
0x2f7: {  	p0 =	sgt.u32 s21, $0x800003FF;
	s11 =	sand.u32 $0x3FF, s22  }
0x2f8: {  	s11 =	simm.s32 @!p0 $0x1  }
0x2f9: {  	[tilespmem:v35+s7+$0x0] =	vst.idx.msk vm1, v0;
	v43 =	vmov s11  }
0x2fa: {  	[tilespmem:v18+s8+$0x0] =	vst.idx.msk $0x1, v43  }
0x2fb: {  	v32 =	vld [tilespmem:$0x980]  }
0x2fc: {  	v44 =	vld [tilespmem:$0x990]  }
0x2fd: {  	v45 =	vld [tilespmem:$0x9A0]  }
0x2fe: {  	v35 =	vld [tilespmem:$0x9A2];
	_ =	sdelay $0x2  }
0x2ff: {  	vm3 =	vgt.s32 v32, $0x1  }
0x300: {  	vm14 =	vgt.s32 v44, $0x1  }
0x301: {  	vm2 =	vgt.s32 v45, $0x1;
	vm1 =	vgt.s32 v35, $0x1  }
0x302: {  	vm1 =	vmand vm1, vm0;
	_ =	sdelay $0x2  }
0x303: {  	[tilespmem:v32+s7+$0x0] =	vst.idx.add.s32.msk vm3, v1  }
0x304: {  	[tilespmem:v44+s7+$0x0] =	vst.idx.add.s32.msk vm14, v1  }
0x305: {  	[tilespmem:v45+s7+$0x0] =	vst.idx.add.s32.msk vm2, v1  }
0x306: {  	[tilespmem:v35+s7+$0x0] =	vst.idx.add.s32.msk vm1, v1  }
0x307: {  	v46 =	vld.idx.msk [tilespmem:v32+s7+$0x0], $0xffff;
	_ =	sdelay $0x1  }
0x308: {  	[tilespmem:v32+s7+$0x0] =	vst.idx.msk vm3, v0  }
0x309: {  	v47 =	vld.idx.msk [tilespmem:v44+s7+$0x0], $0xffff;
	_ =	sdelay $0x1  }
0x30a: {  	v32 =	vsub.s32 $0x3FF, v32;
	[tilespmem:v44+s7+$0x0] =	vst.idx.msk vm14, v0;
	v36 =	vshll.u32 v46, $0xA  }
0x30b: {  	v48 =	vld.idx.msk [tilespmem:v45+s7+$0x0], $0xffff;
	v32 =	vor.u32 v32, v36  }
0x30c: {  	vm15 =	vgt.s32 v32, $0x0  }
0x30d: {  	v33 =	vsub.s32 $0x3FF, v44;
	[tilespmem:v45+s7+$0x0] =	vst.idx.msk vm2, v0;
	v37 =	vshll.u32 v47, $0xA;
	v32 =	vnsel vm15, $0x0, v32  }
0x30e: {  	v49 =	vld.idx.msk [tilespmem:v35+s7+$0x0], $0xffff;
	v33 =	vor.u32 v33, v37;
	v32 =	vnsel vm3, $0x0, v32  }
0x30f: {  	vm3 =	vgt.s32 v32, v33  }
0x310: {  	v34 =	vsub.s32 $0x3FF, v45;
	v36 =	vshll.u32 v48, $0xA;
	v33 =	vsel vm3, v32, v33  }
0x311: {  	v50 =	vor.u32 v34, v36;
	v32 =	vsel vm14, v33, v32  }
0x312: {  	vm3 =	vgt.s32 v32, v50  }
0x313: {  	v52 =	vsub.s32 $0x3FF, v35;
	v51 =	vshll.u32 v49, $0xA;
	v33 =	vsel vm3, v32, v50  }
0x314: {  	v53 =	vor.u32 v52, v51;
	v32 =	vsel vm2, v33, v32  }
0x315: {  	vm2 =	vgt.s32 v32, v53  }
0x316: {  	v33 =	vsel vm2, v32, v53  }
0x317: {  	v32 =	vsel vm1, v33, v32  }
0x318: {  	v32 =	vxor.u32 $0x80000000, v32  }
0x319: {  	(xrf0) =	vmax.scan.msk.u32 $0xffff, v32;
	_ =	sdelay $0x5  }
0x31a: {  	v32, _, _ =	vpop (xrf0)  }
0x31b: {  	(v2sf) =	vpush v32, $0xF;
	_ =	sdelay $0xe  }
0x31c: {  	s23 =	spop (v2sf)  }
0x31d: {  	s24 =	sxor.u32 $0xFFFFFFFF, s23  }
0x31e: {  	p0 =	sgt.u32 s23, $0x800003FF;
	s11 =	sand.u32 $0x3FF, s24  }
0x31f: {  	s11 =	simm.s32 @!p0 $0x1  }
0x320: {  	[tilespmem:v35+s7+$0x0] =	vst.idx.msk vm1, v0;
	v54 =	vmov s11  }
0x321: {  	[tilespmem:v19+s8+$0x0] =	vst.idx.msk $0x1, v54  }
0x322: {  	v32 =	vld [tilespmem:$0xA00]  }
0x323: {  	v55 =	vld [tilespmem:$0xA10]  }
0x324: {  	v56 =	vld [tilespmem:$0xA20]  }
0x325: {  	v35 =	vld [tilespmem:$0xA22];
	_ =	sdelay $0x2  }
0x326: {  	vm3 =	vgt.s32 v32, $0x1  }
0x327: {  	vm8 =	vgt.s32 v55, $0x1  }
0x328: {  	vm2 =	vgt.s32 v56, $0x1;
	vm1 =	vgt.s32 v35, $0x1  }
0x329: {  	vm1 =	vmand vm1, vm0;
	_ =	sdelay $0x2  }
0x32a: {  	[tilespmem:v32+s7+$0x0] =	vst.idx.add.s32.msk vm3, v1  }
0x32b: {  	[tilespmem:v55+s7+$0x0] =	vst.idx.add.s32.msk vm8, v1  }
0x32c: {  	[tilespmem:v56+s7+$0x0] =	vst.idx.add.s32.msk vm2, v1  }
0x32d: {  	[tilespmem:v35+s7+$0x0] =	vst.idx.add.s32.msk vm1, v1  }
0x32e: {  	v57 =	vld.idx.msk [tilespmem:v32+s7+$0x0], $0xffff;
	_ =	sdelay $0x1  }
0x32f: {  	[tilespmem:v32+s7+$0x0] =	vst.idx.msk vm3, v0  }
0x330: {  	v58 =	vld.idx.msk [tilespmem:v55+s7+$0x0], $0xffff;
	_ =	sdelay $0x1  }
0x331: {  	v32 =	vsub.s32 $0x3FF, v32;
	[tilespmem:v55+s7+$0x0] =	vst.idx.msk vm8, v0;
	v36 =	vshll.u32 v57, $0xA  }
0x332: {  	v59 =	vld.idx.msk [tilespmem:v56+s7+$0x0], $0xffff;
	v32 =	vor.u32 v32, v36  }
0x333: {  	vm9 =	vgt.s32 v32, $0x0  }
0x334: {  	v33 =	vsub.s32 $0x3FF, v55;
	[tilespmem:v56+s7+$0x0] =	vst.idx.msk vm2, v0;
	v37 =	vshll.u32 v58, $0xA;
	v32 =	vnsel vm9, $0x0, v32  }
0x335: {  	v60 =	vld.idx.msk [tilespmem:v35+s7+$0x0], $0xffff;
	v33 =	vor.u32 v33, v37;
	v32 =	vnsel vm3, $0x0, v32  }
0x336: {  	vm3 =	vgt.s32 v32, v33  }
0x337: {  	v34 =	vsub.s32 $0x3FF, v56;
	v36 =	vshll.u32 v59, $0xA;
	v33 =	vsel vm3, v32, v33  }
0x338: {  	v61 =	vor.u32 v34, v36;
	v32 =	vsel vm8, v33, v32  }
0x339: {  	vm3 =	vgt.s32 v32, v61  }
0x33a: {  	v63 =	vsub.s32 $0x3FF, v35;
	v62 =	vshll.u32 v60, $0xA;
	v33 =	vsel vm3, v32, v61  }
0x33b: {  	v38 =	vor.u32 v63, v62;
	v32 =	vsel vm2, v33, v32  }
0x33c: {  	vm2 =	vgt.s32 v32, v38  }
0x33d: {  	v33 =	vsel vm2, v32, v38  }
0x33e: {  	v32 =	vsel vm1, v33, v32  }
0x33f: {  	v32 =	vxor.u32 $0x80000000, v32  }
0x340: {  	(xrf0) =	vmax.scan.msk.u32 $0xffff, v32;
	_ =	sdelay $0x5  }
0x341: {  	v32, _, _ =	vpop (xrf0)  }
0x342: {  	(v2sf) =	vpush v32, $0xF;
	_ =	sdelay $0xe  }
0x343: {  	s25 =	spop (v2sf)  }
0x344: {  	s26 =	sxor.u32 $0xFFFFFFFF, s25  }
0x345: {  	p0 =	sgt.u32 s25, $0x800003FF;
	s11 =	sand.u32 $0x3FF, s26  }
0x346: {  	s11 =	simm.s32 @!p0 $0x1  }
0x347: {  	[tilespmem:v35+s7+$0x0] =	vst.idx.msk vm1, v0;
	v39 =	vmov s11  }
0x348: {  	[tilespmem:v20+s8+$0x0] =	vst.idx.msk $0x1, v39  }
0x349: {  	v32 =	vld [tilespmem:$0xA80]  }
0x34a: {  	v40 =	vld [tilespmem:$0xA90]  }
0x34b: {  	v41 =	vld [tilespmem:$0xAA0]  }
0x34c: {  	v35 =	vld [tilespmem:$0xAA2];
	_ =	sdelay $0x2  }
0x34d: {  	vm3 =	vgt.s32 v32, $0x1  }
0x34e: {  	vm10 =	vgt.s32 v40, $0x1  }
0x34f: {  	vm2 =	vgt.s32 v41, $0x1;
	vm1 =	vgt.s32 v35, $0x1  }
0x350: {  	vm1 =	vmand vm1, vm0;
	_ =	sdelay $0x2  }
0x351: {  	[tilespmem:v32+s7+$0x0] =	vst.idx.add.s32.msk vm3, v1  }
0x352: {  	[tilespmem:v40+s7+$0x0] =	vst.idx.add.s32.msk vm10, v1  }
0x353: {  	[tilespmem:v41+s7+$0x0] =	vst.idx.add.s32.msk vm2, v1  }
0x354: {  	[tilespmem:v35+s7+$0x0] =	vst.idx.add.s32.msk vm1, v1  }
0x355: {  	v42 =	vld.idx.msk [tilespmem:v32+s7+$0x0], $0xffff;
	_ =	sdelay $0x1  }
0x356: {  	[tilespmem:v32+s7+$0x0] =	vst.idx.msk vm3, v0  }
0x357: {  	v43 =	vld.idx.msk [tilespmem:v40+s7+$0x0], $0xffff;
	_ =	sdelay $0x1  }
0x358: {  	v32 =	vsub.s32 $0x3FF, v32;
	[tilespmem:v40+s7+$0x0] =	vst.idx.msk vm10, v0;
	v36 =	vshll.u32 v42, $0xA  }
0x359: {  	v44 =	vld.idx.msk [tilespmem:v41+s7+$0x0], $0xffff;
	v32 =	vor.u32 v32, v36  }
0x35a: {  	vm11 =	vgt.s32 v32, $0x0  }
0x35b: {  	v33 =	vsub.s32 $0x3FF, v40;
	[tilespmem:v41+s7+$0x0] =	vst.idx.msk vm2, v0;
	v37 =	vshll.u32 v43, $0xA;
	v32 =	vnsel vm11, $0x0, v32  }
0x35c: {  	v45 =	vld.idx.msk [tilespmem:v35+s7+$0x0], $0xffff;
	v33 =	vor.u32 v33, v37;
	v32 =	vnsel vm3, $0x0, v32  }
0x35d: {  	vm3 =	vgt.s32 v32, v33  }
0x35e: {  	v34 =	vsub.s32 $0x3FF, v41;
	v36 =	vshll.u32 v44, $0xA;
	v33 =	vsel vm3, v32, v33  }
0x35f: {  	v46 =	vor.u32 v34, v36;
	v32 =	vsel vm10, v33, v32  }
0x360: {  	vm3 =	vgt.s32 v32, v46  }
0x361: {  	v48 =	vsub.s32 $0x3FF, v35;
	v47 =	vshll.u32 v45, $0xA;
	v33 =	vsel vm3, v32, v46  }
0x362: {  	v49 =	vor.u32 v48, v47;
	v32 =	vsel vm2, v33, v32  }
0x363: {  	vm2 =	vgt.s32 v32, v49  }
0x364: {  	v33 =	vsel vm2, v32, v49  }
0x365: {  	v32 =	vsel vm1, v33, v32  }
0x366: {  	v32 =	vxor.u32 $0x80000000, v32  }
0x367: {  	(xrf0) =	vmax.scan.msk.u32 $0xffff, v32;
	_ =	sdelay $0x5  }
0x368: {  	v32, _, _ =	vpop (xrf0)  }
0x369: {  	(v2sf) =	vpush v32, $0xF;
	_ =	sdelay $0xe  }
0x36a: {  	s28 =	spop (v2sf)  }
0x36b: {  	s29 =	sxor.u32 $0xFFFFFFFF, s28  }
0x36c: {  	p0 =	sgt.u32 s28, $0x800003FF;
	s11 =	sand.u32 $0x3FF, s29  }
0x36d: {  	s11 =	simm.s32 @!p0 $0x1  }
0x36e: {  	[tilespmem:v35+s7+$0x0] =	vst.idx.msk vm1, v0;
	v50 =	vmov s11  }
0x36f: {  	[tilespmem:v21+s8+$0x0] =	vst.idx.msk $0x1, v50  }
0x370: {  	v32 =	vld [tilespmem:$0xB00]  }
0x371: {  	v51 =	vld [tilespmem:$0xB10]  }
0x372: {  	v52 =	vld [tilespmem:$0xB20]  }
0x373: {  	v35 =	vld [tilespmem:$0xB22];
	_ =	sdelay $0x2  }
0x374: {  	vm3 =	vgt.s32 v32, $0x1  }
0x375: {  	vm12 =	vgt.s32 v51, $0x1  }
0x376: {  	vm2 =	vgt.s32 v52, $0x1;
	vm1 =	vgt.s32 v35, $0x1  }
0x377: {  	vm1 =	vmand vm1, vm0;
	_ =	sdelay $0x2  }
0x378: {  	[tilespmem:v32+s7+$0x0] =	vst.idx.add.s32.msk vm3, v1  }
0x379: {  	[tilespmem:v51+s7+$0x0] =	vst.idx.add.s32.msk vm12, v1  }
0x37a: {  	[tilespmem:v52+s7+$0x0] =	vst.idx.add.s32.msk vm2, v1  }
0x37b: {  	[tilespmem:v35+s7+$0x0] =	vst.idx.add.s32.msk vm1, v1  }
0x37c: {  	v53 =	vld.idx.msk [tilespmem:v32+s7+$0x0], $0xffff;
	_ =	sdelay $0x1  }
0x37d: {  	[tilespmem:v32+s7+$0x0] =	vst.idx.msk vm3, v0  }
0x37e: {  	v54 =	vld.idx.msk [tilespmem:v51+s7+$0x0], $0xffff;
	_ =	sdelay $0x1  }
0x37f: {  	v32 =	vsub.s32 $0x3FF, v32;
	[tilespmem:v51+s7+$0x0] =	vst.idx.msk vm12, v0;
	v36 =	vshll.u32 v53, $0xA  }
0x380: {  	v55 =	vld.idx.msk [tilespmem:v52+s7+$0x0], $0xffff;
	v32 =	vor.u32 v32, v36  }
0x381: {  	vm13 =	vgt.s32 v32, $0x0  }
0x382: {  	v33 =	vsub.s32 $0x3FF, v51;
	[tilespmem:v52+s7+$0x0] =	vst.idx.msk vm2, v0;
	v37 =	vshll.u32 v54, $0xA;
	v32 =	vnsel vm13, $0x0, v32  }
0x383: {  	v56 =	vld.idx.msk [tilespmem:v35+s7+$0x0], $0xffff;
	v33 =	vor.u32 v33, v37;
	v32 =	vnsel vm3, $0x0, v32  }
0x384: {  	vm3 =	vgt.s32 v32, v33  }
0x385: {  	v34 =	vsub.s32 $0x3FF, v52;
	v36 =	vshll.u32 v55, $0xA;
	v33 =	vsel vm3, v32, v33  }
0x386: {  	v57 =	vor.u32 v34, v36;
	v32 =	vsel vm12, v33, v32  }
0x387: {  	vm3 =	vgt.s32 v32, v57  }
0x388: {  	v59 =	vsub.s32 $0x3FF, v35;
	v58 =	vshll.u32 v56, $0xA;
	v33 =	vsel vm3, v32, v57  }
0x389: {  	v60 =	vor.u32 v59, v58;
	v32 =	vsel vm2, v33, v32  }
0x38a: {  	vm2 =	vgt.s32 v32, v60  }
0x38b: {  	v33 =	vsel vm2, v32, v60  }
0x38c: {  	v32 =	vsel vm1, v33, v32  }
0x38d: {  	v32 =	vxor.u32 $0x80000000, v32  }
0x38e: {  	(xrf0) =	vmax.scan.msk.u32 $0xffff, v32;
	_ =	sdelay $0x5  }
0x38f: {  	v32, _, _ =	vpop (xrf0)  }
0x390: {  	(v2sf) =	vpush v32, $0xF;
	_ =	sdelay $0xe  }
0x391: {  	s30 =	spop (v2sf)  }
0x392: {  	s31 =	sxor.u32 $0xFFFFFFFF, s30  }
0x393: {  	p0 =	sgt.u32 s30, $0x800003FF;
	s11 =	sand.u32 $0x3FF, s31  }
0x394: {  	s11 =	simm.s32 @!p0 $0x1  }
0x395: {  	[tilespmem:v35+s7+$0x0] =	vst.idx.msk vm1, v0;
	v61 =	vmov s11  }
0x396: {  	[tilespmem:v22+s8+$0x0] =	vst.idx.msk $0x1, v61  }
0x397: {  	v32 =	vld [tilespmem:$0xB80]  }
0x398: {  	v62 =	vld [tilespmem:$0xB90]  }
0x399: {  	v63 =	vld [tilespmem:$0xBA0]  }
0x39a: {  	v35 =	vld [tilespmem:$0xBA2];
	_ =	sdelay $0x2  }
0x39b: {  	vm3 =	vgt.s32 v32, $0x1  }
0x39c: {  	vm14 =	vgt.s32 v62, $0x1  }
0x39d: {  	vm2 =	vgt.s32 v63, $0x1;
	vm1 =	vgt.s32 v35, $0x1  }
0x39e: {  	vm1 =	vmand vm1, vm0;
	_ =	sdelay $0x2  }
0x39f: {  	[tilespmem:v32+s7+$0x0] =	vst.idx.add.s32.msk vm3, v1  }
0x3a0: {  	[tilespmem:v62+s7+$0x0] =	vst.idx.add.s32.msk vm14, v1  }
0x3a1: {  	[tilespmem:v63+s7+$0x0] =	vst.idx.add.s32.msk vm2, v1  }
0x3a2: {  	[tilespmem:v35+s7+$0x0] =	vst.idx.add.s32.msk vm1, v1  }
0x3a3: {  	v40 =	vld.idx.msk [tilespmem:v32+s7+$0x0], $0xffff;
	_ =	sdelay $0x1  }
0x3a4: {  	[tilespmem:v32+s7+$0x0] =	vst.idx.msk vm3, v0  }
0x3a5: {  	v41 =	vld.idx.msk [tilespmem:v62+s7+$0x0], $0xffff;
	_ =	sdelay $0x1  }
0x3a6: {  	v32 =	vsub.s32 $0x3FF, v32;
	[tilespmem:v62+s7+$0x0] =	vst.idx.msk vm14, v0;
	v36 =	vshll.u32 v40, $0xA  }
0x3a7: {  	v42 =	vld.idx.msk [tilespmem:v63+s7+$0x0], $0xffff;
	v32 =	vor.u32 v32, v36  }
0x3a8: {  	vm15 =	vgt.s32 v32, $0x0  }
0x3a9: {  	v33 =	vsub.s32 $0x3FF, v62;
	[tilespmem:v63+s7+$0x0] =	vst.idx.msk vm2, v0;
	v37 =	vshll.u32 v41, $0xA;
	v32 =	vnsel vm15, $0x0, v32  }
0x3aa: {  	v43 =	vld.idx.msk [tilespmem:v35+s7+$0x0], $0xffff;
	v33 =	vor.u32 v33, v37;
	v32 =	vnsel vm3, $0x0, v32  }
0x3ab: {  	vm3 =	vgt.s32 v32, v33  }
0x3ac: {  	v34 =	vsub.s32 $0x3FF, v63;
	v36 =	vshll.u32 v42, $0xA;
	v33 =	vsel vm3, v32, v33  }
0x3ad: {  	v44 =	vor.u32 v34, v36;
	v32 =	vsel vm14, v33, v32  }
0x3ae: {  	vm3 =	vgt.s32 v32, v44  }
0x3af: {  	v46 =	vsub.s32 $0x3FF, v35;
	v45 =	vshll.u32 v43, $0xA;
	v33 =	vsel vm3, v32, v44  }
0x3b0: {  	v47 =	vor.u32 v46, v45;
	v32 =	vsel vm2, v33, v32  }
0x3b1: {  	vm2 =	vgt.s32 v32, v47  }
0x3b2: {  	v33 =	vsel vm2, v32, v47  }
0x3b3: {  	v32 =	vsel vm1, v33, v32  }
0x3b4: {  	v32 =	vxor.u32 $0x80000000, v32  }
0x3b5: {  	(xrf0) =	vmax.scan.msk.u32 $0xffff, v32;
	_ =	sdelay $0x5  }
0x3b6: {  	v32, _, _ =	vpop (xrf0)  }
0x3b7: {  	(v2sf) =	vpush v32, $0xF;
	_ =	sdelay $0xe  }
0x3b8: {  	s13 =	spop (v2sf)  }
0x3b9: {  	s14 =	sxor.u32 $0xFFFFFFFF, s13  }
0x3ba: {  	p0 =	sgt.u32 s13, $0x800003FF;
	s11 =	sand.u32 $0x3FF, s14  }
0x3bb: {  	s11 =	simm.s32 @!p0 $0x1  }
0x3bc: {  	[tilespmem:v35+s7+$0x0] =	vst.idx.msk vm1, v0;
	v48 =	vmov s11  }
0x3bd: {  	[tilespmem:v23+s8+$0x0] =	vst.idx.msk $0x1, v48  }
0x3be: {  	v32 =	vld [tilespmem:$0xC00]  }
0x3bf: {  	v49 =	vld [tilespmem:$0xC10]  }
0x3c0: {  	v50 =	vld [tilespmem:$0xC20]  }
0x3c1: {  	v35 =	vld [tilespmem:$0xC22];
	_ =	sdelay $0x2  }
0x3c2: {  	vm3 =	vgt.s32 v32, $0x1  }
0x3c3: {  	vm8 =	vgt.s32 v49, $0x1  }
0x3c4: {  	vm2 =	vgt.s32 v50, $0x1;
	vm1 =	vgt.s32 v35, $0x1  }
0x3c5: {  	vm1 =	vmand vm1, vm0;
	_ =	sdelay $0x2  }
0x3c6: {  	[tilespmem:v32+s7+$0x0] =	vst.idx.add.s32.msk vm3, v1  }
0x3c7: {  	[tilespmem:v49+s7+$0x0] =	vst.idx.add.s32.msk vm8, v1  }
0x3c8: {  	[tilespmem:v50+s7+$0x0] =	vst.idx.add.s32.msk vm2, v1  }
0x3c9: {  	[tilespmem:v35+s7+$0x0] =	vst.idx.add.s32.msk vm1, v1  }
0x3ca: {  	v51 =	vld.idx.msk [tilespmem:v32+s7+$0x0], $0xffff;
	_ =	sdelay $0x1  }
0x3cb: {  	[tilespmem:v32+s7+$0x0] =	vst.idx.msk vm3, v0  }
0x3cc: {  	v52 =	vld.idx.msk [tilespmem:v49+s7+$0x0], $0xffff;
	_ =	sdelay $0x1  }
0x3cd: {  	v32 =	vsub.s32 $0x3FF, v32;
	[tilespmem:v49+s7+$0x0] =	vst.idx.msk vm8, v0;
	v36 =	vshll.u32 v51, $0xA  }
0x3ce: {  	v53 =	vld.idx.msk [tilespmem:v50+s7+$0x0], $0xffff;
	v32 =	vor.u32 v32, v36  }
0x3cf: {  	vm9 =	vgt.s32 v32, $0x0  }
0x3d0: {  	v33 =	vsub.s32 $0x3FF, v49;
	[tilespmem:v50+s7+$0x0] =	vst.idx.msk vm2, v0;
	v37 =	vshll.u32 v52, $0xA;
	v32 =	vnsel vm9, $0x0, v32  }
0x3d1: {  	v54 =	vld.idx.msk [tilespmem:v35+s7+$0x0], $0xffff;
	v33 =	vor.u32 v33, v37;
	v32 =	vnsel vm3, $0x0, v32  }
0x3d2: {  	vm3 =	vgt.s32 v32, v33  }
0x3d3: {  	v34 =	vsub.s32 $0x3FF, v50;
	v36 =	vshll.u32 v53, $0xA;
	v33 =	vsel vm3, v32, v33  }
0x3d4: {  	v55 =	vor.u32 v34, v36;
	v32 =	vsel vm8, v33, v32  }
0x3d5: {  	vm3 =	vgt.s32 v32, v55  }
0x3d6: {  	v57 =	vsub.s32 $0x3FF, v35;
	v56 =	vshll.u32 v54, $0xA;
	v33 =	vsel vm3, v32, v55  }
0x3d7: {  	v58 =	vor.u32 v57, v56;
	v32 =	vsel vm2, v33, v32  }
0x3d8: {  	vm2 =	vgt.s32 v32, v58  }
0x3d9: {  	v33 =	vsel vm2, v32, v58  }
0x3da: {  	v32 =	vsel vm1, v33, v32  }
0x3db: {  	v32 =	vxor.u32 $0x80000000, v32  }
0x3dc: {  	(xrf0) =	vmax.scan.msk.u32 $0xffff, v32;
	_ =	sdelay $0x5  }
0x3dd: {  	v32, _, _ =	vpop (xrf0)  }
0x3de: {  	(v2sf) =	vpush v32, $0xF;
	_ =	sdelay $0xe  }
0x3df: {  	s15 =	spop (v2sf)  }
0x3e0: {  	s16 =	sxor.u32 $0xFFFFFFFF, s15  }
0x3e1: {  	p0 =	sgt.u32 s15, $0x800003FF;
	s11 =	sand.u32 $0x3FF, s16  }
0x3e2: {  	s11 =	simm.s32 @!p0 $0x1  }
0x3e3: {  	[tilespmem:v35+s7+$0x0] =	vst.idx.msk vm1, v0;
	v59 =	vmov s11  }
0x3e4: {  	[tilespmem:v24+s8+$0x0] =	vst.idx.msk $0x1, v59  }
0x3e5: {  	v32 =	vld [tilespmem:$0xC80]  }
0x3e6: {  	v60 =	vld [tilespmem:$0xC90]  }
0x3e7: {  	v61 =	vld [tilespmem:$0xCA0]  }
0x3e8: {  	v35 =	vld [tilespmem:$0xCA2];
	_ =	sdelay $0x2  }
0x3e9: {  	vm3 =	vgt.s32 v32, $0x1  }
0x3ea: {  	vm10 =	vgt.s32 v60, $0x1  }
0x3eb: {  	vm2 =	vgt.s32 v61, $0x1;
	vm1 =	vgt.s32 v35, $0x1  }
0x3ec: {  	vm1 =	vmand vm1, vm0;
	_ =	sdelay $0x2  }
0x3ed: {  	[tilespmem:v32+s7+$0x0] =	vst.idx.add.s32.msk vm3, v1  }
0x3ee: {  	[tilespmem:v60+s7+$0x0] =	vst.idx.add.s32.msk vm10, v1  }
0x3ef: {  	[tilespmem:v61+s7+$0x0] =	vst.idx.add.s32.msk vm2, v1  }
0x3f0: {  	[tilespmem:v35+s7+$0x0] =	vst.idx.add.s32.msk vm1, v1  }
0x3f1: {  	v62 =	vld.idx.msk [tilespmem:v32+s7+$0x0], $0xffff;
	_ =	sdelay $0x1  }
0x3f2: {  	[tilespmem:v32+s7+$0x0] =	vst.idx.msk vm3, v0  }
0x3f3: {  	v63 =	vld.idx.msk [tilespmem:v60+s7+$0x0], $0xffff;
	_ =	sdelay $0x1  }
0x3f4: {  	v32 =	vsub.s32 $0x3FF, v32;
	[tilespmem:v60+s7+$0x0] =	vst.idx.msk vm10, v0;
	v36 =	vshll.u32 v62, $0xA  }
0x3f5: {  	v40 =	vld.idx.msk [tilespmem:v61+s7+$0x0], $0xffff;
	v32 =	vor.u32 v32, v36  }
0x3f6: {  	vm11 =	vgt.s32 v32, $0x0  }
0x3f7: {  	v33 =	vsub.s32 $0x3FF, v60;
	[tilespmem:v61+s7+$0x0] =	vst.idx.msk vm2, v0;
	v37 =	vshll.u32 v63, $0xA;
	v32 =	vnsel vm11, $0x0, v32  }
0x3f8: {  	v41 =	vld.idx.msk [tilespmem:v35+s7+$0x0], $0xffff;
	v33 =	vor.u32 v33, v37;
	v32 =	vnsel vm3, $0x0, v32  }
0x3f9: {  	vm3 =	vgt.s32 v32, v33  }
0x3fa: {  	v34 =	vsub.s32 $0x3FF, v61;
	v36 =	vshll.u32 v40, $0xA;
	v33 =	vsel vm3, v32, v33  }
0x3fb: {  	v42 =	vor.u32 v34, v36;
	v32 =	vsel vm10, v33, v32  }
0x3fc: {  	vm3 =	vgt.s32 v32, v42  }
0x3fd: {  	v44 =	vsub.s32 $0x3FF, v35;
	v43 =	vshll.u32 v41, $0xA;
	v33 =	vsel vm3, v32, v42  }
0x3fe: {  	v45 =	vor.u32 v44, v43;
	v32 =	vsel vm2, v33, v32  }
0x3ff: {  	vm2 =	vgt.s32 v32, v45  }
0x400: {  	v33 =	vsel vm2, v32, v45  }
0x401: {  	v32 =	vsel vm1, v33, v32  }
0x402: {  	v32 =	vxor.u32 $0x80000000, v32  }
0x403: {  	(xrf0) =	vmax.scan.msk.u32 $0xffff, v32;
	_ =	sdelay $0x5  }
0x404: {  	v32, _, _ =	vpop (xrf0)  }
0x405: {  	(v2sf) =	vpush v32, $0xF;
	_ =	sdelay $0xe  }
0x406: {  	s17 =	spop (v2sf)  }
0x407: {  	s18 =	sxor.u32 $0xFFFFFFFF, s17  }
0x408: {  	p0 =	sgt.u32 s17, $0x800003FF;
	s11 =	sand.u32 $0x3FF, s18  }
0x409: {  	s11 =	simm.s32 @!p0 $0x1  }
0x40a: {  	[tilespmem:v35+s7+$0x0] =	vst.idx.msk vm1, v0;
	v46 =	vmov s11  }
0x40b: {  	[tilespmem:v25+s8+$0x0] =	vst.idx.msk $0x1, v46  }
0x40c: {  	v32 =	vld [tilespmem:$0xD00]  }
0x40d: {  	v47 =	vld [tilespmem:$0xD10]  }
0x40e: {  	v48 =	vld [tilespmem:$0xD20]  }
0x40f: {  	v35 =	vld [tilespmem:$0xD22];
	_ =	sdelay $0x2  }
0x410: {  	vm3 =	vgt.s32 v32, $0x1  }
0x411: {  	vm12 =	vgt.s32 v47, $0x1  }
0x412: {  	vm2 =	vgt.s32 v48, $0x1;
	vm1 =	vgt.s32 v35, $0x1  }
0x413: {  	vm1 =	vmand vm1, vm0;
	_ =	sdelay $0x2  }
0x414: {  	[tilespmem:v32+s7+$0x0] =	vst.idx.add.s32.msk vm3, v1  }
0x415: {  	[tilespmem:v47+s7+$0x0] =	vst.idx.add.s32.msk vm12, v1  }
0x416: {  	[tilespmem:v48+s7+$0x0] =	vst.idx.add.s32.msk vm2, v1  }
0x417: {  	[tilespmem:v35+s7+$0x0] =	vst.idx.add.s32.msk vm1, v1  }
0x418: {  	v49 =	vld.idx.msk [tilespmem:v32+s7+$0x0], $0xffff;
	_ =	sdelay $0x1  }
0x419: {  	[tilespmem:v32+s7+$0x0] =	vst.idx.msk vm3, v0  }
0x41a: {  	v50 =	vld.idx.msk [tilespmem:v47+s7+$0x0], $0xffff;
	_ =	sdelay $0x1  }
0x41b: {  	v32 =	vsub.s32 $0x3FF, v32;
	[tilespmem:v47+s7+$0x0] =	vst.idx.msk vm12, v0;
	v36 =	vshll.u32 v49, $0xA  }
0x41c: {  	v51 =	vld.idx.msk [tilespmem:v48+s7+$0x0], $0xffff;
	v32 =	vor.u32 v32, v36  }
0x41d: {  	vm13 =	vgt.s32 v32, $0x0  }
0x41e: {  	v33 =	vsub.s32 $0x3FF, v47;
	[tilespmem:v48+s7+$0x0] =	vst.idx.msk vm2, v0;
	v37 =	vshll.u32 v50, $0xA;
	v32 =	vnsel vm13, $0x0, v32  }
0x41f: {  	v52 =	vld.idx.msk [tilespmem:v35+s7+$0x0], $0xffff;
	v33 =	vor.u32 v33, v37;
	v32 =	vnsel vm3, $0x0, v32  }
0x420: {  	vm3 =	vgt.s32 v32, v33  }
0x421: {  	v34 =	vsub.s32 $0x3FF, v48;
	v36 =	vshll.u32 v51, $0xA;
	v33 =	vsel vm3, v32, v33  }
0x422: {  	v53 =	vor.u32 v34, v36;
	v32 =	vsel vm12, v33, v32  }
0x423: {  	vm3 =	vgt.s32 v32, v53  }
0x424: {  	v55 =	vsub.s32 $0x3FF, v35;
	v54 =	vshll.u32 v52, $0xA;
	v33 =	vsel vm3, v32, v53  }
0x425: {  	v56 =	vor.u32 v55, v54;
	v32 =	vsel vm2, v33, v32  }
0x426: {  	vm2 =	vgt.s32 v32, v56  }
0x427: {  	v33 =	vsel vm2, v32, v56  }
0x428: {  	v32 =	vsel vm1, v33, v32  }
0x429: {  	v32 =	vxor.u32 $0x80000000, v32  }
0x42a: {  	(xrf0) =	vmax.scan.msk.u32 $0xffff, v32;
	_ =	sdelay $0x5  }
0x42b: {  	v32, _, _ =	vpop (xrf0)  }
0x42c: {  	(v2sf) =	vpush v32, $0xF;
	_ =	sdelay $0xe  }
0x42d: {  	s19 =	spop (v2sf)  }
0x42e: {  	s20 =	sxor.u32 $0xFFFFFFFF, s19  }
0x42f: {  	p0 =	sgt.u32 s19, $0x800003FF;
	s11 =	sand.u32 $0x3FF, s20  }
0x430: {  	s11 =	simm.s32 @!p0 $0x1  }
0x431: {  	[tilespmem:v35+s7+$0x0] =	vst.idx.msk vm1, v0;
	v57 =	vmov s11  }
0x432: {  	[tilespmem:v26+s8+$0x0] =	vst.idx.msk $0x1, v57  }
0x433: {  	v32 =	vld [tilespmem:$0xD80]  }
0x434: {  	v58 =	vld [tilespmem:$0xD90]  }
0x435: {  	v59 =	vld [tilespmem:$0xDA0]  }
0x436: {  	v35 =	vld [tilespmem:$0xDA2];
	_ =	sdelay $0x2  }
0x437: {  	vm3 =	vgt.s32 v32, $0x1  }
0x438: {  	vm14 =	vgt.s32 v58, $0x1  }
0x439: {  	vm2 =	vgt.s32 v59, $0x1;
	vm1 =	vgt.s32 v35, $0x1  }
0x43a: {  	vm1 =	vmand vm1, vm0;
	_ =	sdelay $0x2  }
0x43b: {  	[tilespmem:v32+s7+$0x0] =	vst.idx.add.s32.msk vm3, v1  }
0x43c: {  	[tilespmem:v58+s7+$0x0] =	vst.idx.add.s32.msk vm14, v1  }
0x43d: {  	[tilespmem:v59+s7+$0x0] =	vst.idx.add.s32.msk vm2, v1  }
0x43e: {  	[tilespmem:v35+s7+$0x0] =	vst.idx.add.s32.msk vm1, v1  }
0x43f: {  	v60 =	vld.idx.msk [tilespmem:v32+s7+$0x0], $0xffff;
	_ =	sdelay $0x1  }
0x440: {  	[tilespmem:v32+s7+$0x0] =	vst.idx.msk vm3, v0  }
0x441: {  	v61 =	vld.idx.msk [tilespmem:v58+s7+$0x0], $0xffff;
	_ =	sdelay $0x1  }
0x442: {  	v32 =	vsub.s32 $0x3FF, v32;
	[tilespmem:v58+s7+$0x0] =	vst.idx.msk vm14, v0;
	v36 =	vshll.u32 v60, $0xA  }
0x443: {  	v62 =	vld.idx.msk [tilespmem:v59+s7+$0x0], $0xffff;
	v32 =	vor.u32 v32, v36  }
0x444: {  	vm15 =	vgt.s32 v32, $0x0  }
0x445: {  	v33 =	vsub.s32 $0x3FF, v58;
	[tilespmem:v59+s7+$0x0] =	vst.idx.msk vm2, v0;
	v37 =	vshll.u32 v61, $0xA;
	v32 =	vnsel vm15, $0x0, v32  }
0x446: {  	v63 =	vld.idx.msk [tilespmem:v35+s7+$0x0], $0xffff;
	v33 =	vor.u32 v33, v37;
	v32 =	vnsel vm3, $0x0, v32  }
0x447: {  	vm3 =	vgt.s32 v32, v33  }
0x448: {  	v34 =	vsub.s32 $0x3FF, v59;
	v36 =	vshll.u32 v62, $0xA;
	v33 =	vsel vm3, v32, v33  }
0x449: {  	v39 =	vor.u32 v34, v36;
	v32 =	vsel vm14, v33, v32  }
0x44a: {  	vm3 =	vgt.s32 v32, v39  }
0x44b: {  	v41 =	vsub.s32 $0x3FF, v35;
	v40 =	vshll.u32 v63, $0xA;
	v33 =	vsel vm3, v32, v39  }
0x44c: {  	v42 =	vor.u32 v41, v40;
	v32 =	vsel vm2, v33, v32  }
0x44d: {  	vm2 =	vgt.s32 v32, v42  }
0x44e: {  	v33 =	vsel vm2, v32, v42  }
0x44f: {  	v32 =	vsel vm1, v33, v32  }
0x450: {  	v32 =	vxor.u32 $0x80000000, v32  }
0x451: {  	(xrf0) =	vmax.scan.msk.u32 $0xffff, v32;
	_ =	sdelay $0x5  }
0x452: {  	v32, _, _ =	vpop (xrf0)  }
0x453: {  	(v2sf) =	vpush v32, $0xF;
	_ =	sdelay $0xe  }
0x454: {  	s21 =	spop (v2sf)  }
0x455: {  	s22 =	sxor.u32 $0xFFFFFFFF, s21  }
0x456: {  	p0 =	sgt.u32 s21, $0x800003FF;
	s11 =	sand.u32 $0x3FF, s22  }
0x457: {  	s11 =	simm.s32 @!p0 $0x1  }
0x458: {  	[tilespmem:v35+s7+$0x0] =	vst.idx.msk vm1, v0;
	v43 =	vmov s11  }
0x459: {  	[tilespmem:v27+s8+$0x0] =	vst.idx.msk $0x1, v43  }
0x45a: {  	v32 =	vld [tilespmem:$0xE00]  }
0x45b: {  	v44 =	vld [tilespmem:$0xE10]  }
0x45c: {  	v45 =	vld [tilespmem:$0xE20]  }
0x45d: {  	v35 =	vld [tilespmem:$0xE22];
	_ =	sdelay $0x2  }
0x45e: {  	vm3 =	vgt.s32 v32, $0x1  }
0x45f: {  	vm8 =	vgt.s32 v44, $0x1  }
0x460: {  	vm2 =	vgt.s32 v45, $0x1;
	vm1 =	vgt.s32 v35, $0x1  }
0x461: {  	vm1 =	vmand vm1, vm0;
	_ =	sdelay $0x2  }
0x462: {  	[tilespmem:v32+s7+$0x0] =	vst.idx.add.s32.msk vm3, v1  }
0x463: {  	[tilespmem:v44+s7+$0x0] =	vst.idx.add.s32.msk vm8, v1  }
0x464: {  	[tilespmem:v45+s7+$0x0] =	vst.idx.add.s32.msk vm2, v1  }
0x465: {  	[tilespmem:v35+s7+$0x0] =	vst.idx.add.s32.msk vm1, v1  }
0x466: {  	v46 =	vld.idx.msk [tilespmem:v32+s7+$0x0], $0xffff;
	_ =	sdelay $0x1  }
0x467: {  	[tilespmem:v32+s7+$0x0] =	vst.idx.msk vm3, v0  }
0x468: {  	v47 =	vld.idx.msk [tilespmem:v44+s7+$0x0], $0xffff;
	_ =	sdelay $0x1  }
0x469: {  	v32 =	vsub.s32 $0x3FF, v32;
	[tilespmem:v44+s7+$0x0] =	vst.idx.msk vm8, v0;
	v36 =	vshll.u32 v46, $0xA  }
0x46a: {  	v48 =	vld.idx.msk [tilespmem:v45+s7+$0x0], $0xffff;
	v32 =	vor.u32 v32, v36  }
0x46b: {  	vm9 =	vgt.s32 v32, $0x0  }
0x46c: {  	v33 =	vsub.s32 $0x3FF, v44;
	[tilespmem:v45+s7+$0x0] =	vst.idx.msk vm2, v0;
	v37 =	vshll.u32 v47, $0xA;
	v32 =	vnsel vm9, $0x0, v32  }
0x46d: {  	v49 =	vld.idx.msk [tilespmem:v35+s7+$0x0], $0xffff;
	v33 =	vor.u32 v33, v37;
	v32 =	vnsel vm3, $0x0, v32  }
0x46e: {  	vm3 =	vgt.s32 v32, v33  }
0x46f: {  	v34 =	vsub.s32 $0x3FF, v45;
	v36 =	vshll.u32 v48, $0xA;
	v33 =	vsel vm3, v32, v33  }
0x470: {  	v50 =	vor.u32 v34, v36;
	v32 =	vsel vm8, v33, v32  }
0x471: {  	vm3 =	vgt.s32 v32, v50  }
0x472: {  	v52 =	vsub.s32 $0x3FF, v35;
	v51 =	vshll.u32 v49, $0xA;
	v33 =	vsel vm3, v32, v50  }
0x473: {  	v53 =	vor.u32 v52, v51;
	v32 =	vsel vm2, v33, v32  }
0x474: {  	vm2 =	vgt.s32 v32, v53  }
0x475: {  	v33 =	vsel vm2, v32, v53  }
0x476: {  	v32 =	vsel vm1, v33, v32  }
0x477: {  	v32 =	vxor.u32 $0x80000000, v32  }
0x478: {  	(xrf0) =	vmax.scan.msk.u32 $0xffff, v32;
	_ =	sdelay $0x5  }
0x479: {  	v32, _, _ =	vpop (xrf0)  }
0x47a: {  	(v2sf) =	vpush v32, $0xF;
	_ =	sdelay $0xe  }
0x47b: {  	s23 =	spop (v2sf)  }
0x47c: {  	s24 =	sxor.u32 $0xFFFFFFFF, s23  }
0x47d: {  	p0 =	sgt.u32 s23, $0x800003FF;
	s11 =	sand.u32 $0x3FF, s24  }
0x47e: {  	s11 =	simm.s32 @!p0 $0x1  }
0x47f: {  	[tilespmem:v35+s7+$0x0] =	vst.idx.msk vm1, v0;
	v54 =	vmov s11  }
0x480: {  	[tilespmem:v28+s8+$0x0] =	vst.idx.msk $0x1, v54  }
0x481: {  	v32 =	vld [tilespmem:$0xE80]  }
0x482: {  	v55 =	vld [tilespmem:$0xE90]  }
0x483: {  	v56 =	vld [tilespmem:$0xEA0]  }
0x484: {  	v35 =	vld [tilespmem:$0xEA2];
	_ =	sdelay $0x2  }
0x485: {  	vm3 =	vgt.s32 v32, $0x1  }
0x486: {  	vm10 =	vgt.s32 v55, $0x1  }
0x487: {  	vm2 =	vgt.s32 v56, $0x1;
	vm1 =	vgt.s32 v35, $0x1  }
0x488: {  	vm1 =	vmand vm1, vm0;
	_ =	sdelay $0x2  }
0x489: {  	[tilespmem:v32+s7+$0x0] =	vst.idx.add.s32.msk vm3, v1  }
0x48a: {  	[tilespmem:v55+s7+$0x0] =	vst.idx.add.s32.msk vm10, v1  }
0x48b: {  	[tilespmem:v56+s7+$0x0] =	vst.idx.add.s32.msk vm2, v1  }
0x48c: {  	[tilespmem:v35+s7+$0x0] =	vst.idx.add.s32.msk vm1, v1  }
0x48d: {  	v57 =	vld.idx.msk [tilespmem:v32+s7+$0x0], $0xffff;
	_ =	sdelay $0x1  }
0x48e: {  	[tilespmem:v32+s7+$0x0] =	vst.idx.msk vm3, v0  }
0x48f: {  	v58 =	vld.idx.msk [tilespmem:v55+s7+$0x0], $0xffff;
	_ =	sdelay $0x1  }
0x490: {  	v32 =	vsub.s32 $0x3FF, v32;
	[tilespmem:v55+s7+$0x0] =	vst.idx.msk vm10, v0;
	v36 =	vshll.u32 v57, $0xA  }
0x491: {  	v59 =	vld.idx.msk [tilespmem:v56+s7+$0x0], $0xffff;
	v32 =	vor.u32 v32, v36  }
0x492: {  	vm11 =	vgt.s32 v32, $0x0  }
0x493: {  	v33 =	vsub.s32 $0x3FF, v55;
	[tilespmem:v56+s7+$0x0] =	vst.idx.msk vm2, v0;
	v37 =	vshll.u32 v58, $0xA;
	v32 =	vnsel vm11, $0x0, v32  }
0x494: {  	v60 =	vld.idx.msk [tilespmem:v35+s7+$0x0], $0xffff;
	v33 =	vor.u32 v33, v37;
	v32 =	vnsel vm3, $0x0, v32  }
0x495: {  	vm3 =	vgt.s32 v32, v33  }
0x496: {  	v34 =	vsub.s32 $0x3FF, v56;
	v36 =	vshll.u32 v59, $0xA;
	v33 =	vsel vm3, v32, v33  }
0x497: {  	v61 =	vor.u32 v34, v36;
	v32 =	vsel vm10, v33, v32  }
0x498: {  	vm3 =	vgt.s32 v32, v61  }
0x499: {  	v63 =	vsub.s32 $0x3FF, v35;
	v62 =	vshll.u32 v60, $0xA;
	v33 =	vsel vm3, v32, v61  }
0x49a: {  	v40 =	vor.u32 v63, v62;
	v32 =	vsel vm2, v33, v32  }
0x49b: {  	vm2 =	vgt.s32 v32, v40  }
0x49c: {  	v33 =	vsel vm2, v32, v40  }
0x49d: {  	v32 =	vsel vm1, v33, v32  }
0x49e: {  	v32 =	vxor.u32 $0x80000000, v32  }
0x49f: {  	(xrf0) =	vmax.scan.msk.u32 $0xffff, v32;
	_ =	sdelay $0x5  }
0x4a0: {  	v32, _, _ =	vpop (xrf0)  }
0x4a1: {  	(v2sf) =	vpush v32, $0xF;
	_ =	sdelay $0xe  }
0x4a2: {  	s25 =	spop (v2sf)  }
0x4a3: {  	s26 =	sxor.u32 $0xFFFFFFFF, s25  }
0x4a4: {  	p0 =	sgt.u32 s25, $0x800003FF;
	s11 =	sand.u32 $0x3FF, s26  }
0x4a5: {  	s11 =	simm.s32 @!p0 $0x1  }
0x4a6: {  	[tilespmem:v35+s7+$0x0] =	vst.idx.msk vm1, v0;
	v41 =	vmov s11  }
0x4a7: {  	[tilespmem:v29+s8+$0x0] =	vst.idx.msk $0x1, v41  }
0x4a8: {  	v32 =	vld [tilespmem:$0xF00]  }
0x4a9: {  	v42 =	vld [tilespmem:$0xF10]  }
0x4aa: {  	v43 =	vld [tilespmem:$0xF20]  }
0x4ab: {  	v35 =	vld [tilespmem:$0xF22];
	_ =	sdelay $0x2  }
0x4ac: {  	vm3 =	vgt.s32 v32, $0x1  }
0x4ad: {  	vm12 =	vgt.s32 v42, $0x1  }
0x4ae: {  	vm2 =	vgt.s32 v43, $0x1;
	vm1 =	vgt.s32 v35, $0x1  }
0x4af: {  	vm1 =	vmand vm1, vm0;
	_ =	sdelay $0x2  }
0x4b0: {  	[tilespmem:v32+s7+$0x0] =	vst.idx.add.s32.msk vm3, v1  }
0x4b1: {  	[tilespmem:v42+s7+$0x0] =	vst.idx.add.s32.msk vm12, v1  }
0x4b2: {  	[tilespmem:v43+s7+$0x0] =	vst.idx.add.s32.msk vm2, v1  }
0x4b3: {  	[tilespmem:v35+s7+$0x0] =	vst.idx.add.s32.msk vm1, v1  }
0x4b4: {  	v44 =	vld.idx.msk [tilespmem:v32+s7+$0x0], $0xffff;
	_ =	sdelay $0x1  }
0x4b5: {  	[tilespmem:v32+s7+$0x0] =	vst.idx.msk vm3, v0  }
0x4b6: {  	v45 =	vld.idx.msk [tilespmem:v42+s7+$0x0], $0xffff;
	_ =	sdelay $0x1  }
0x4b7: {  	v32 =	vsub.s32 $0x3FF, v32;
	[tilespmem:v42+s7+$0x0] =	vst.idx.msk vm12, v0;
	v36 =	vshll.u32 v44, $0xA  }
0x4b8: {  	v46 =	vld.idx.msk [tilespmem:v43+s7+$0x0], $0xffff;
	v32 =	vor.u32 v32, v36  }
0x4b9: {  	vm13 =	vgt.s32 v32, $0x0  }
0x4ba: {  	v33 =	vsub.s32 $0x3FF, v42;
	[tilespmem:v43+s7+$0x0] =	vst.idx.msk vm2, v0;
	v37 =	vshll.u32 v45, $0xA;
	v32 =	vnsel vm13, $0x0, v32  }
0x4bb: {  	v47 =	vld.idx.msk [tilespmem:v35+s7+$0x0], $0xffff;
	v33 =	vor.u32 v33, v37;
	v32 =	vnsel vm3, $0x0, v32  }
0x4bc: {  	vm3 =	vgt.s32 v32, v33  }
0x4bd: {  	v34 =	vsub.s32 $0x3FF, v43;
	v36 =	vshll.u32 v46, $0xA;
	v33 =	vsel vm3, v32, v33  }
0x4be: {  	v48 =	vor.u32 v34, v36;
	v32 =	vsel vm12, v33, v32  }
0x4bf: {  	vm3 =	vgt.s32 v32, v48  }
0x4c0: {  	v50 =	vsub.s32 $0x3FF, v35;
	v49 =	vshll.u32 v47, $0xA;
	v33 =	vsel vm3, v32, v48  }
0x4c1: {  	v51 =	vor.u32 v50, v49;
	v32 =	vsel vm2, v33, v32  }
0x4c2: {  	vm2 =	vgt.s32 v32, v51  }
0x4c3: {  	v33 =	vsel vm2, v32, v51  }
0x4c4: {  	v32 =	vsel vm1, v33, v32  }
0x4c5: {  	v32 =	vxor.u32 $0x80000000, v32  }
0x4c6: {  	(xrf0) =	vmax.scan.msk.u32 $0xffff, v32;
	_ =	sdelay $0x5  }
0x4c7: {  	v32, _, _ =	vpop (xrf0)  }
0x4c8: {  	(v2sf) =	vpush v32, $0xF;
	_ =	sdelay $0xe  }
0x4c9: {  	s28 =	spop (v2sf)  }
0x4ca: {  	s29 =	sxor.u32 $0xFFFFFFFF, s28  }
0x4cb: {  	p0 =	sgt.u32 s28, $0x800003FF;
	s11 =	sand.u32 $0x3FF, s29  }
0x4cc: {  	s11 =	simm.s32 @!p0 $0x1  }
0x4cd: {  	[tilespmem:v35+s7+$0x0] =	vst.idx.msk vm1, v0;
	v52 =	vmov s11  }
0x4ce: {  	[tilespmem:v30+s8+$0x0] =	vst.idx.msk $0x1, v52  }
0x4cf: {  	v32 =	vld [tilespmem:$0xF80]  }
0x4d0: {  	v53 =	vld [tilespmem:$0xF90]  }
0x4d1: {  	v54 =	vld [tilespmem:$0xFA0]  }
0x4d2: {  	v35 =	vld [tilespmem:$0xFA2];
	_ =	sdelay $0x2  }
0x4d3: {  	vm3 =	vgt.s32 v32, $0x1  }
0x4d4: {  	vm14 =	vgt.s32 v53, $0x1  }
0x4d5: {  	vm2 =	vgt.s32 v54, $0x1;
	vm1 =	vgt.s32 v35, $0x1  }
0x4d6: {  	vm1 =	vmand vm1, vm0;
	_ =	sdelay $0x2  }
0x4d7: {  	[tilespmem:v32+s7+$0x0] =	vst.idx.add.s32.msk vm3, v1  }
0x4d8: {  	[tilespmem:v53+s7+$0x0] =	vst.idx.add.s32.msk vm14, v1  }
0x4d9: {  	[tilespmem:v54+s7+$0x0] =	vst.idx.add.s32.msk vm2, v1  }
0x4da: {  	[tilespmem:v35+s7+$0x0] =	vst.idx.add.s32.msk vm1, v1  }
0x4db: {  	v55 =	vld.idx.msk [tilespmem:v32+s7+$0x0], $0xffff;
	_ =	sdelay $0x1  }
0x4dc: {  	[tilespmem:v32+s7+$0x0] =	vst.idx.msk vm3, v0  }
0x4dd: {  	v56 =	vld.idx.msk [tilespmem:v53+s7+$0x0], $0xffff;
	_ =	sdelay $0x1  }
0x4de: {  	v32 =	vsub.s32 $0x3FF, v32;
	[tilespmem:v53+s7+$0x0] =	vst.idx.msk vm14, v0;
	v36 =	vshll.u32 v55, $0xA  }
0x4df: {  	v57 =	vld.idx.msk [tilespmem:v54+s7+$0x0], $0xffff;
	v32 =	vor.u32 v32, v36  }
0x4e0: {  	vm15 =	vgt.s32 v32, $0x0  }
0x4e1: {  	v33 =	vsub.s32 $0x3FF, v53;
	[tilespmem:v54+s7+$0x0] =	vst.idx.msk vm2, v0;
	v37 =	vshll.u32 v56, $0xA;
	v32 =	vnsel vm15, $0x0, v32  }
0x4e2: {  	v58 =	vld.idx.msk [tilespmem:v35+s7+$0x0], $0xffff;
	v33 =	vor.u32 v33, v37;
	v32 =	vnsel vm3, $0x0, v32  }
0x4e3: {  	vm3 =	vgt.s32 v32, v33  }
0x4e4: {  	v34 =	vsub.s32 $0x3FF, v54;
	v36 =	vshll.u32 v57, $0xA;
	v33 =	vsel vm3, v32, v33  }
0x4e5: {  	v59 =	vor.u32 v34, v36;
	v32 =	vsel vm14, v33, v32  }
0x4e6: {  	vm3 =	vgt.s32 v32, v59  }
0x4e7: {  	v61 =	vsub.s32 $0x3FF, v35;
	v60 =	vshll.u32 v58, $0xA;
	v33 =	vsel vm3, v32, v59  }
0x4e8: {  	v62 =	vor.u32 v61, v60;
	v32 =	vsel vm2, v33, v32  }
0x4e9: {  	vm2 =	vgt.s32 v32, v62  }
0x4ea: {  	v33 =	vsel vm2, v32, v62  }
0x4eb: {  	v32 =	vsel vm1, v33, v32  }
0x4ec: {  	v32 =	vxor.u32 $0x80000000, v32  }
0x4ed: {  	(xrf0) =	vmax.scan.msk.u32 $0xffff, v32;
	_ =	sdelay $0x5  }
0x4ee: {  	v32, _, _ =	vpop (xrf0)  }
0x4ef: {  	(v2sf) =	vpush v32, $0xF;
	_ =	sdelay $0xe  }
0x4f0: {  	s30 =	spop (v2sf)  }
0x4f1: {  	s31 =	sxor.u32 $0xFFFFFFFF, s30  }
0x4f2: {  	p0 =	sgt.u32 s30, $0x800003FF;
	s11 =	sand.u32 $0x3FF, s31  }
0x4f3: {  	s10 =	sadd.s32 $0x1, s10;
	s11 =	simm.s32 @!p0 $0x1  }
0x4f4: {  	[tilespmem:v35+s7+$0x0] =	vst.idx.msk vm1, v0;
	p0 =	sne.s32 s10, s5;
	v63 =	vmov s11  }
.Ltmp1:
0x4f5: {  	[tilespmem:v31+s8+$0x0] =	vst.idx.msk $0x1, v63;
	(pc) =	sbr.rel @p0 .LBB2_1-.Ltmp1, $4  }
0x4f6: {  	[hbm4b:s4+s2] =	stream.linear.scatter [tilespmem:s8], [sflag:$0x2], $0x20, $0x38;
	[tilespmem:$0x1480] =	vst v63  }
0x4f7: {  	_ =	swait.ge [sflag:s9], $0x20  }
0x4f8: {  	[sflag:s9] =	ssyncset.done $0x0  }
0x4f9: {  	[sflag:s9] =	ssyncadd.s32 $0xFFFFFFE0  }
0x4fa: {  	_ =	sfence.sel $0x180000  }
0x4fb: {  	[bflag:$0x0] =	sbarrier.arrive $0xFFFF  }
0x4fc: {  	p0 =	sne.s32 s1, $0x0;
	_ =	strace $0x90000047  }
0x4fd: {  	s0 =	sadd.s32 @!p0 $0x100000, s0;
	[bflag:$0x2] =	sbarrier.arrive $0xFFFF  }
0x4fe: {  	[sflag:s0] =	ssyncadd.tile.s32 @!p0 $0x1;
	_ =	shalt  }
.Lfunc_end2:
_tile_overlayer_lowered:
.L_overlay_start_2:
0x4ff: {  	(tag) =	ssettag $0x2  }
0x500: {  	s0 =	rddreg [dreg:$0x0];
	s2 =	stileid.u32  }
0x501: {  	s1 =	rddreg [dreg:$0x1];
	p0 =	sne.s32 s2, $0x0  }
0x502: {  	s3 =	rddreg [dreg:$0x2];
	[bflag:$0x3] =	sbarrier.arrive $0xFFFF;
	s2 =	simm.s32 @!p0 $0x1C02  }
0x503: {  	[timem:s3], [sflag:s2] =	dma.local @!p0 [hbm:s0], s1  }
0x504: {  	s0 =	simm.s32 @!p0 $0x2  }
0x505: {  	_ =	swait.ge @!p0 [sflag:s0], s1  }
0x506: {  	s1 =	ssub.s32 @!p0 $0x0, s1;
	[sflag:s0] =	ssyncset.done @!p0 $0x0  }
0x507: {  	[sflag:s0] =	ssyncadd.s32 @!p0 s1  }
0x508: {  	[bflag:$0x3] =	sbarrier.arrive $0xFFFF  }
0x509: {  	_ =	shalt  }

</sc_bundles>
